<compile_context>
chip_gen: v7x
topology: tpu7x:2x2x1
jax: 0.10.2.dev20260603
libtpu: 0.0.44.dev20260713+nightly
codegen_flags: <defaults>
</compile_context>

<pallas_src>
import functools

import numpy as np
import jax
import jax.numpy as jnp
from jax import lax
from jax.experimental import pallas as pl
from jax.experimental.pallas import tpu as pltpu
from jax.experimental.pallas import tpu_sc as plsc

_NC = 2
_NS = 16
_NW = _NC * _NS
_LANES = 16
_BLK = 128
_NBUF = 8


def _pos_encoding_np(length: int, d_model: int) -> np.ndarray:
    pos = np.arange(length)[:, np.newaxis].astype(np.float32)
    i = np.arange(d_model)[np.newaxis, :].astype(np.float32)
    angle_rates = 1.0 / np.power(
        10000.0, 2.0 * np.floor(i / 2.0) / np.float32(d_model))
    a = pos * angle_rates
    a[:, 0::2] = np.sin(a[:, 0::2])
    a[:, 1::2] = np.cos(a[:, 1::2])
    return a.astype(np.float32)


@functools.cache
def _make_sc_kernel(B: int, D: int):
    assert B % _NW == 0 and D % _LANES == 0
    b_per_w = B // _NW
    assert b_per_w % _LANES == 0
    n_groups = b_per_w // _LANES
    mesh = plsc.VectorSubcoreMesh(
        core_axis_name="c", subcore_axis_name="s",
        num_cores=_NC, num_subcores=_NS)
    @functools.partial(
        pl.kernel,
        out_type=jax.ShapeDtypeStruct((D, B), jnp.float32),
        mesh=mesh,
        scratch_types=[
            pltpu.VMEM((b_per_w,), jnp.int32),
            pltpu.VMEM((D, b_per_w), jnp.float32),
            pltpu.VMEM((_NBUF, D, _BLK), jnp.float32),
            pltpu.SemaphoreType.DMA((_NBUF,)),
            pltpu.SemaphoreType.DMA,
        ],
        compiler_params=pltpu.CompilerParams(needs_layout_passes=False),
    )
    def emb_kernel(tab_t, idx_hbm, pos_t, out_t,
                   idx_v, acc_v, bufs, gsem, psem):
        wid = lax.axis_index("s") * _NC + lax.axis_index("c")
        base = wid * b_per_w
        pltpu.sync_copy(idx_hbm.at[pl.ds(base, b_per_w)], idx_v)
        pos_cp = pltpu.async_copy(
            pos_t.at[:, pl.ds(base, b_per_w)], acc_v, psem)

        def fire(ids16, l, slot):
            blk = ids16[l] >> 7
            off = pl.multiple_of(blk * _BLK, _BLK)
            pltpu.make_async_copy(
                tab_t.at[:, pl.ds(off, _BLK)],
                bufs.at[slot], gsem.at[slot]).start()

        def extract(m16, l, slot, col):
            pltpu.make_async_copy(
                tab_t.at[:, pl.ds(0, _BLK)],
                bufs.at[slot], gsem.at[slot]).wait()
            m = jnp.full((_LANES,), m16[l], dtype=jnp.int32)
            s = jnp.full((_LANES,), slot, dtype=jnp.int32)
            c = jnp.full((_LANES,), col, dtype=jnp.int32)
            lanes = lax.iota(jnp.int32, _LANES)
            for jc in range(D // _LANES):
                rows = lanes + jc * _LANES
                vals = plsc.load_gather(bufs, [s, rows, m])
                plsc.addupdate_scatter(acc_v, [rows, c], vals)

        ids0 = idx_v[pl.ds(0, _LANES)]
        for l in range(_NBUF):
            fire(ids0, l, l)

        pos_cp.wait()

        def ring_slot(s0, l):
            if _LANES % _NBUF == 0:
                return l % _NBUF
            s = s0 + l
            s = jnp.where(s >= _NBUF, s - _NBUF, s)
            return jnp.where(s >= _NBUF, s - _NBUF, s)

        def group(g, s0):
            ids16 = idx_v[pl.ds(g * _LANES, _LANES)]
            m16 = ids16 & (_BLK - 1)
            ids_n = idx_v[pl.ds((g + 1) * _LANES, _LANES)]
            for l in range(_LANES):
                slot = ring_slot(s0, l)
                extract(m16, l, slot, g * _LANES + l)
                if l < _LANES - _NBUF:
                    fire(ids16, l + _NBUF, slot)
                else:
                    fire(ids_n, l - (_LANES - _NBUF), slot)
            s0 = s0 + (_LANES % _NBUF)
            return jnp.where(s0 >= _NBUF, s0 - _NBUF, s0)

        s_last = lax.fori_loop(0, n_groups - 1, group, jnp.int32(0))

        gl = n_groups - 1
        ids_l = idx_v[pl.ds(gl * _LANES, _LANES)]
        m_l = ids_l & (_BLK - 1)
        for l in range(_LANES):
            slot = ring_slot(s_last, l)
            extract(m_l, l, slot, gl * _LANES + l)
            if l < _LANES - _NBUF:
                fire(ids_l, l + _NBUF, slot)

        pltpu.sync_copy(acc_v, out_t.at[:, pl.ds(base, b_per_w)])

    return emb_kernel


def kernel(x, table):
    length = x.shape[0]
    d_model = table.shape[1]
    pos_t = jnp.asarray(
        np.ascontiguousarray(_pos_encoding_np(length, d_model).T))
    out_t = _make_sc_kernel(length, d_model)(
        table.T, x.astype(jnp.int32), pos_t)
    return jnp.reshape(out_t.T, (1, length, d_model))

# --- scband reference (transcript-rebuilt; emitter-appended) ---
"""Pipeline reference for scband-embeddings-layer-15187004359234 (READ-ONLY COPY).

The authoritative reference and input builder live on the scoring server;
editing this copy changes nothing except your own understanding.
"""

import jax, jax.numpy as jnp
import numpy as np

VOCAB_SIZE = 1000000
EMBED_DIM = 64
SEQ_LEN = 4096


def positional_encoding(position, d_model):
    pos = np.arange(position)[:, np.newaxis].astype(np.float32)
    i = np.arange(d_model)[np.newaxis, :].astype(np.float32)
    angle_rates = 1.0 / np.power(10000.0, 2.0 * (np.floor(i / 2.0)) / np.float32(d_model))
    angle_rads = pos * angle_rates
    angle_rads[:, 0::2] = np.sin(angle_rads[:, 0::2])
    angle_rads[:, 1::2] = np.cos(angle_rads[:, 1::2])
    pos_encoding = angle_rads[np.newaxis, ...]
    return jnp.asarray(pos_encoding, dtype=jnp.float32)


def setup_inputs(seed: int = 0) -> dict:
    key = jax.random.key(seed)
    k_x, k_tab = jax.random.split(key)
    x = jax.random.randint(k_x, (SEQ_LEN,), 0, VOCAB_SIZE, dtype=jnp.int32)
    # Keras Embedding(input_dim=vocab_size+1, output_dim=embed_dim) -> table [vocab_size+1, embed_dim]
    table = jax.random.uniform(k_tab, (VOCAB_SIZE + 1, EMBED_DIM), dtype=jnp.float32, minval=-0.05, maxval=0.05)
    return {"x": x, "table": table}


def reference(x, table):
    length = x.shape[0]
    d_model = table.shape[1]
    pos = positional_encoding(length, d_model)  # [1, L, D]
    emb = jnp.take(table, x.astype(jnp.int32), axis=0)  # [L, D] gather
    r = jnp.reshape(emb, (1, length, d_model)) + pos
    return r

if __name__ == "__main__":
    import jax
    _d = setup_inputs()
    print(jax.jit(kernel)(*tuple(_d.values())))

</pallas_src>

<mosaic_0001>
#map = affine_map<(d0, d1) -> (0, 0)>
#map1 = affine_map<(d0, d1) -> (0)>
module attributes {stable_mosaic.version = 14 : i64} {
  func.func @emb_kernel(%arg0: i32, %arg1: i32, %arg2: memref<64x1000001xf32, #tpu.memory_space<hbm>>, %arg3: memref<4096xi32, #tpu.memory_space<hbm>>, %arg4: memref<64x4096xf32, #tpu.memory_space<hbm>>, %arg5: memref<64x4096xf32, #tpu.memory_space<hbm>>, %arg6: memref<128xi32, #tpu.memory_space<vmem>>, %arg7: memref<64x128xf32, #tpu.memory_space<vmem>>, %arg8: memref<8x64x128xf32, #tpu.memory_space<vmem>>, %arg9: memref<8x!tpu.dma_semaphore, #tpu.memory_space<semaphore_mem>>, %arg10: memref<!tpu.dma_semaphore, #tpu.memory_space<semaphore_mem>>) attributes {dimension_semantics = [#tpu.dimension_semantics<core_parallel>, #tpu.dimension_semantics<subcore_parallel>], iteration_bounds = array<i64: 2, 16>, scalar_prefetch = 0 : i64, scratch_operands = 5 : i64, tpu.core_type = #tpu.core_type<sc_vector_subcore>, window_params = [{transform_indices = #map}, {transform_indices = #map1}, {transform_indices = #map}, {transform_indices = #map}]} {
    %mul3A = arith.constant 2 : i32
    %mul3A_0 = arith.muli %arg1, %mul3A : i32
    %add3A = arith.addi %mul3A_0, %arg0 : i32
    %mul3A_1 = arith.constant 128 : i32
    %mul3A_2 = arith.muli %add3A, %mul3A_1 : i32
    "tpu.region"() ({
      %run_scoped3A = tpu.sem_alloc : memref<!tpu.dma_semaphore, #tpu.memory_space<semaphore_mem>>
      %dma_start3A_1053 = tpu.memref_slice %arg3[%mul3A_2] : memref<4096xi32, #tpu.memory_space<hbm>> -> memref<128xi32, #tpu.memory_space<hbm>>
      %dma_start3A_1054 = tpu.memref_slice %arg3[%mul3A_2] : memref<4096xi32, #tpu.memory_space<hbm>> -> memref<128xi32, #tpu.memory_space<hbm>>
      tpu.enqueue_dma source(%dma_start3A_1054 : memref<128xi32, #tpu.memory_space<hbm>>) target(%arg6 : memref<128xi32, #tpu.memory_space<vmem>>) target_semaphore(%run_scoped3A : memref<!tpu.dma_semaphore, #tpu.memory_space<semaphore_mem>>)
      %dma_wait3A_1055 = tpu.memref_slice %arg3[%mul3A_2] : memref<4096xi32, #tpu.memory_space<hbm>> -> memref<128xi32, #tpu.memory_space<hbm>>
      %dma_wait3A_1056 = tpu.memref_slice %arg3[%mul3A_2] : memref<4096xi32, #tpu.memory_space<hbm>> -> memref<128xi32, #tpu.memory_space<hbm>>
      tpu.wait_dma2 semaphore(%run_scoped3A : memref<!tpu.dma_semaphore, #tpu.memory_space<semaphore_mem>>) src(%dma_wait3A_1056 : memref<128xi32, #tpu.memory_space<hbm>>) dst(%arg6 : memref<128xi32, #tpu.memory_space<vmem>>)
      tpu.yield
    }) : () -> ()
    %dma_start3A = arith.constant 0 : i32
    %dma_start3A_3 = tpu.memref_slice %arg4[%dma_start3A, %mul3A_2] : memref<64x4096xf32, #tpu.memory_space<hbm>> -> memref<64x128xf32, #tpu.memory_space<hbm>>
    %dma_start3A_4 = arith.constant 0 : i32
    %dma_start3A_5 = tpu.memref_slice %arg4[%dma_start3A_4, %mul3A_2] : memref<64x4096xf32, #tpu.memory_space<hbm>> -> memref<64x128xf32, #tpu.memory_space<hbm>>
    tpu.enqueue_dma source(%dma_start3A_5 : memref<64x128xf32, #tpu.memory_space<hbm>>) target(%arg7 : memref<64x128xf32, #tpu.memory_space<vmem>>) target_semaphore(%arg10 : memref<!tpu.dma_semaphore, #tpu.memory_space<semaphore_mem>>)
    %get3A = arith.constant 0 : index
    %get3A_6 = tpu.vector_load %arg6[%get3A] {strides = array<i32>} : memref<128xi32, #tpu.memory_space<vmem>>, vector<16xi32>,
    %slice3A = vector.extract_strided_slice %get3A_6 {offsets = [0], sizes = [1], strides = [1]} : vector<16xi32> to vector<1xi32>
    %squeeze3A = vector.extract %slice3A[0] : i32 from vector<1xi32>
    %shift_right_arithmetic3A = arith.constant 7 : i32
    %shift_right_arithmetic3A_7 = arith.shrsi %squeeze3A, %shift_right_arithmetic3A : i32
    %mul3A_8 = arith.constant 128 : i32
    %mul3A_9 = arith.muli %shift_right_arithmetic3A_7, %mul3A_8 : i32
    %multiple_of3A = tpu.assume_multiple %mul3A_9, 128 : i32
    %dma_start3A_10 = arith.constant 0 : i32
    %dma_start3A_11 = arith.constant 0 : i32
    %dma_start3A_12 = arith.constant 0 : i32
    %dma_start3A_13 = arith.constant 0 : i32
    %dma_start3A_14 = tpu.memref_slice %arg8[%dma_start3A_10, %dma_start3A_12, %dma_start3A_13] : memref<8x64x128xf32, #tpu.memory_space<vmem>> -> memref<1x64x128xf32, #tpu.memory_space<vmem>>
    %dma_start3A_15 = tpu.memref_squeeze %dma_start3A_14 : memref<1x64x128xf32, #tpu.memory_space<vmem>> -> memref<64x128xf32, #tpu.memory_space<vmem>>
    %dma_start3A_16 = arith.constant 0 : i32
    %dma_start3A_17 = tpu.memref_slice %arg2[%dma_start3A_16, %multiple_of3A] : memref<64x1000001xf32, #tpu.memory_space<hbm>> -> memref<64x128xf32, #tpu.memory_space<hbm>>
    %dma_start3A_18 = tpu.memref_slice %arg9[%dma_start3A_11] : memref<8x!tpu.dma_semaphore, #tpu.memory_space<semaphore_mem>> -> memref<1x!tpu.dma_semaphore, #tpu.memory_space<semaphore_mem>>
    %dma_start3A_19 = tpu.memref_squeeze %dma_start3A_18 : memref<1x!tpu.dma_semaphore, #tpu.memory_space<semaphore_mem>> -> memref<!tpu.dma_semaphore, #tpu.memory_space<semaphore_mem>>
    %dma_start3A_20 = arith.constant 0 : i32
    %dma_start3A_21 = arith.constant 0 : i32
    %dma_start3A_22 = tpu.memref_slice %arg8[%dma_start3A_10, %dma_start3A_20, %dma_start3A_21] : memref<8x64x128xf32, #tpu.memory_space<vmem>> -> memref<1x64x128xf32, #tpu.memory_space<vmem>>
    %dma_start3A_23 = tpu.memref_squeeze %dma_start3A_22 : memref<1x64x128xf32, #tpu.memory_space<vmem>> -> memref<64x128xf32, #tpu.memory_space<vmem>>
    %dma_start3A_24 = arith.constant 0 : i32
    %dma_start3A_25 = tpu.memref_slice %arg2[%dma_start3A_24, %multiple_of3A] : memref<64x1000001xf32, #tpu.memory_space<hbm>> -> memref<64x128xf32, #tpu.memory_space<hbm>>
    tpu.enqueue_dma source(%dma_start3A_25 : memref<64x128xf32, #tpu.memory_space<hbm>>) target(%dma_start3A_23 : memref<64x128xf32, #tpu.memory_space<vmem>>) target_semaphore(%dma_start3A_19 : memref<!tpu.dma_semaphore, #tpu.memory_space<semaphore_mem>>)
    %slice3A_26 = vector.extract_strided_slice %get3A_6 {offsets = [1], sizes = [1], strides = [1]} : vector<16xi32> to vector<1xi32>
    %squeeze3A_27 = vector.extract %slice3A_26[0] : i32 from vector<1xi32>
    %shift_right_arithmetic3A_28 = arith.constant 7 : i32
    %shift_right_arithmetic3A_29 = arith.shrsi %squeeze3A_27, %shift_right_arithmetic3A_28 : i32
    %mul3A_30 = arith.constant 128 : i32
    %mul3A_31 = arith.muli %shift_right_arithmetic3A_29, %mul3A_30 : i32
    %multiple_of3A_32 = tpu.assume_multiple %mul3A_31, 128 : i32
    %dma_start3A_33 = arith.constant 1 : i32
    %dma_start3A_34 = arith.constant 1 : i32
    %dma_start3A_35 = arith.constant 0 : i32
    %dma_start3A_36 = arith.constant 0 : i32
    %dma_start3A_37 = tpu.memref_slice %arg8[%dma_start3A_33, %dma_start3A_35, %dma_start3A_36] : memref<8x64x128xf32, #tpu.memory_space<vmem>> -> memref<1x64x128xf32, #tpu.memory_space<vmem>>
    %dma_start3A_38 = tpu.memref_squeeze %dma_start3A_37 : memref<1x64x128xf32, #tpu.memory_space<vmem>> -> memref<64x128xf32, #tpu.memory_space<vmem>>
    %dma_start3A_39 = arith.constant 0 : i32
    %dma_start3A_40 = tpu.memref_slice %arg2[%dma_start3A_39, %multiple_of3A_32] : memref<64x1000001xf32, #tpu.memory_space<hbm>> -> memref<64x128xf32, #tpu.memory_space<hbm>>
    %dma_start3A_41 = tpu.memref_slice %arg9[%dma_start3A_34] : memref<8x!tpu.dma_semaphore, #tpu.memory_space<semaphore_mem>> -> memref<1x!tpu.dma_semaphore, #tpu.memory_space<semaphore_mem>>
    %dma_start3A_42 = tpu.memref_squeeze %dma_start3A_41 : memref<1x!tpu.dma_semaphore, #tpu.memory_space<semaphore_mem>> -> memref<!tpu.dma_semaphore, #tpu.memory_space<semaphore_mem>>
    %dma_start3A_43 = arith.constant 0 : i32
    %dma_start3A_44 = arith.constant 0 : i32
    %dma_start3A_45 = tpu.memref_slice %arg8[%dma_start3A_33, %dma_start3A_43, %dma_start3A_44] : memref<8x64x128xf32, #tpu.memory_space<vmem>> -> memref<1x64x128xf32, #tpu.memory_space<vmem>>
    %dma_start3A_46 = tpu.memref_squeeze %dma_start3A_45 : memref<1x64x128xf32, #tpu.memory_space<vmem>> -> memref<64x128xf32, #tpu.memory_space<vmem>>
    %dma_start3A_47 = arith.constant 0 : i32
    %dma_start3A_48 = tpu.memref_slice %arg2[%dma_start3A_47, %multiple_of3A_32] : memref<64x1000001xf32, #tpu.memory_space<hbm>> -> memref<64x128xf32, #tpu.memory_space<hbm>>
    tpu.enqueue_dma source(%dma_start3A_48 : memref<64x128xf32, #tpu.memory_space<hbm>>) target(%dma_start3A_46 : memref<64x128xf32, #tpu.memory_space<vmem>>) target_semaphore(%dma_start3A_42 : memref<!tpu.dma_semaphore, #tpu.memory_space<semaphore_mem>>)
    %slice3A_49 = vector.extract_strided_slice %get3A_6 {offsets = [2], sizes = [1], strides = [1]} : vector<16xi32> to vector<1xi32>
    %squeeze3A_50 = vector.extract %slice3A_49[0] : i32 from vector<1xi32>
    %shift_right_arithmetic3A_51 = arith.constant 7 : i32
    %shift_right_arithmetic3A_52 = arith.shrsi %squeeze3A_50, %shift_right_arithmetic3A_51 : i32
    %mul3A_53 = arith.constant 128 : i32
    %mul3A_54 = arith.muli %shift_right_arithmetic3A_52, %mul3A_53 : i32
    %multiple_of3A_55 = tpu.assume_multiple %mul3A_54, 128 : i32
    %dma_start3A_56 = arith.constant 2 : i32
    %dma_start3A_57 = arith.constant 2 : i32
    %dma_start3A_58 = arith.constant 0 : i32
    %dma_start3A_59 = arith.constant 0 : i32
    %dma_start3A_60 = tpu.memref_slice %arg8[%dma_start3A_56, %dma_start3A_58, %dma_start3A_59] : memref<8x64x128xf32, #tpu.memory_space<vmem>> -> memref<1x64x128xf32, #tpu.memory_space<vmem>>
    %dma_start3A_61 = tpu.memref_squeeze %dma_start3A_60 : memref<1x64x128xf32, #tpu.memory_space<vmem>> -> memref<64x128xf32, #tpu.memory_space<vmem>>
    %dma_start3A_62 = arith.constant 0 : i32
    %dma_start3A_63 = tpu.memref_slice %arg2[%dma_start3A_62, %multiple_of3A_55] : memref<64x1000001xf32, #tpu.memory_space<hbm>> -> memref<64x128xf32, #tpu.memory_space<hbm>>
    %dma_start3A_64 = tpu.memref_slice %arg9[%dma_start3A_57] : memref<8x!tpu.dma_semaphore, #tpu.memory_space<semaphore_mem>> -> memref<1x!tpu.dma_semaphore, #tpu.memory_space<semaphore_mem>>
    %dma_start3A_65 = tpu.memref_squeeze %dma_start3A_64 : memref<1x!tpu.dma_semaphore, #tpu.memory_space<semaphore_mem>> -> memref<!tpu.dma_semaphore, #tpu.memory_space<semaphore_mem>>
    %dma_start3A_66 = arith.constant 0 : i32
    %dma_start3A_67 = arith.constant 0 : i32
    %dma_start3A_68 = tpu.memref_slice %arg8[%dma_start3A_56, %dma_start3A_66, %dma_start3A_67] : memref<8x64x128xf32, #tpu.memory_space<vmem>> -> memref<1x64x128xf32, #tpu.memory_space<vmem>>
    %dma_start3A_69 = tpu.memref_squeeze %dma_start3A_68 : memref<1x64x128xf32, #tpu.memory_space<vmem>> -> memref<64x128xf32, #tpu.memory_space<vmem>>
    %dma_start3A_70 = arith.constant 0 : i32
    %dma_start3A_71 = tpu.memref_slice %arg2[%dma_start3A_70, %multiple_of3A_55] : memref<64x1000001xf32, #tpu.memory_space<hbm>> -> memref<64x128xf32, #tpu.memory_space<hbm>>
    tpu.enqueue_dma source(%dma_start3A_71 : memref<64x128xf32, #tpu.memory_space<hbm>>) target(%dma_start3A_69 : memref<64x128xf32, #tpu.memory_space<vmem>>) target_semaphore(%dma_start3A_65 : memref<!tpu.dma_semaphore, #tpu.memory_space<semaphore_mem>>)
    %slice3A_72 = vector.extract_strided_slice %get3A_6 {offsets = [3], sizes = [1], strides = [1]} : vector<16xi32> to vector<1xi32>
    %squeeze3A_73 = vector.extract %slice3A_72[0] : i32 from vector<1xi32>
    %shift_right_arithmetic3A_74 = arith.constant 7 : i32
    %shift_right_arithmetic3A_75 = arith.shrsi %squeeze3A_73, %shift_right_arithmetic3A_74 : i32
    %mul3A_76 = arith.constant 128 : i32
    %mul3A_77 = arith.muli %shift_right_arithmetic3A_75, %mul3A_76 : i32
    %multiple_of3A_78 = tpu.assume_multiple %mul3A_77, 128 : i32
    %dma_start3A_79 = arith.constant 3 : i32
    %dma_start3A_80 = arith.constant 3 : i32
    %dma_start3A_81 = arith.constant 0 : i32
    %dma_start3A_82 = arith.constant 0 : i32
    %dma_start3A_83 = tpu.memref_slice %arg8[%dma_start3A_79, %dma_start3A_81, %dma_start3A_82] : memref<8x64x128xf32, #tpu.memory_space<vmem>> -> memref<1x64x128xf32, #tpu.memory_space<vmem>>
    %dma_start3A_84 = tpu.memref_squeeze %dma_start3A_83 : memref<1x64x128xf32, #tpu.memory_space<vmem>> -> memref<64x128xf32, #tpu.memory_space<vmem>>
    %dma_start3A_85 = arith.constant 0 : i32
    %dma_start3A_86 = tpu.memref_slice %arg2[%dma_start3A_85, %multiple_of3A_78] : memref<64x1000001xf32, #tpu.memory_space<hbm>> -> memref<64x128xf32, #tpu.memory_space<hbm>>
    %dma_start3A_87 = tpu.memref_slice %arg9[%dma_start3A_80] : memref<8x!tpu.dma_semaphore, #tpu.memory_space<semaphore_mem>> -> memref<1x!tpu.dma_semaphore, #tpu.memory_space<semaphore_mem>>
    %dma_start3A_88 = tpu.memref_squeeze %dma_start3A_87 : memref<1x!tpu.dma_semaphore, #tpu.memory_space<semaphore_mem>> -> memref<!tpu.dma_semaphore, #tpu.memory_space<semaphore_mem>>
    %dma_start3A_89 = arith.constant 0 : i32
    %dma_start3A_90 = arith.constant 0 : i32
    %dma_start3A_91 = tpu.memref_slice %arg8[%dma_start3A_79, %dma_start3A_89, %dma_start3A_90] : memref<8x64x128xf32, #tpu.memory_space<vmem>> -> memref<1x64x128xf32, #tpu.memory_space<vmem>>
    %dma_start3A_92 = tpu.memref_squeeze %dma_start3A_91 : memref<1x64x128xf32, #tpu.memory_space<vmem>> -> memref<64x128xf32, #tpu.memory_space<vmem>>
    %dma_start3A_93 = arith.constant 0 : i32
    %dma_start3A_94 = tpu.memref_slice %arg2[%dma_start3A_93, %multiple_of3A_78] : memref<64x1000001xf32, #tpu.memory_space<hbm>> -> memref<64x128xf32, #tpu.memory_space<hbm>>
    tpu.enqueue_dma source(%dma_start3A_94 : memref<64x128xf32, #tpu.memory_space<hbm>>) target(%dma_start3A_92 : memref<64x128xf32, #tpu.memory_space<vmem>>) target_semaphore(%dma_start3A_88 : memref<!tpu.dma_semaphore, #tpu.memory_space<semaphore_mem>>)
    %slice3A_95 = vector.extract_strided_slice %get3A_6 {offsets = [4], sizes = [1], strides = [1]} : vector<16xi32> to vector<1xi32>
    %squeeze3A_96 = vector.extract %slice3A_95[0] : i32 from vector<1xi32>
    %shift_right_arithmetic3A_97 = arith.constant 7 : i32
    %shift_right_arithmetic3A_98 = arith.shrsi %squeeze3A_96, %shift_right_arithmetic3A_97 : i32
    %mul3A_99 = arith.constant 128 : i32
    %mul3A_100 = arith.muli %shift_right_arithmetic3A_98, %mul3A_99 : i32
    %multiple_of3A_101 = tpu.assume_multiple %mul3A_100, 128 : i32
    %dma_start3A_102 = arith.constant 4 : i32
    %dma_start3A_103 = arith.constant 4 : i32
    %dma_start3A_104 = arith.constant 0 : i32
    %dma_start3A_105 = arith.constant 0 : i32
    %dma_start3A_106 = tpu.memref_slice %arg8[%dma_start3A_102, %dma_start3A_104, %dma_start3A_105] : memref<8x64x128xf32, #tpu.memory_space<vmem>> -> memref<1x64x128xf32, #tpu.memory_space<vmem>>
    %dma_start3A_107 = tpu.memref_squeeze %dma_start3A_106 : memref<1x64x128xf32, #tpu.memory_space<vmem>> -> memref<64x128xf32, #tpu.memory_space<vmem>>
    %dma_start3A_108 = arith.constant 0 : i32
    %dma_start3A_109 = tpu.memref_slice %arg2[%dma_start3A_108, %multiple_of3A_101] : memref<64x1000001xf32, #tpu.memory_space<hbm>> -> memref<64x128xf32, #tpu.memory_space<hbm>>
    %dma_start3A_110 = tpu.memref_slice %arg9[%dma_start3A_103] : memref<8x!tpu.dma_semaphore, #tpu.memory_space<semaphore_mem>> -> memref<1x!tpu.dma_semaphore, #tpu.memory_space<semaphore_mem>>
    %dma_start3A_111 = tpu.memref_squeeze %dma_start3A_110 : memref<1x!tpu.dma_semaphore, #tpu.memory_space<semaphore_mem>> -> memref<!tpu.dma_semaphore, #tpu.memory_space<semaphore_mem>>
    %dma_start3A_112 = arith.constant 0 : i32
    %dma_start3A_113 = arith.constant 0 : i32
    %dma_start3A_114 = tpu.memref_slice %arg8[%dma_start3A_102, %dma_start3A_112, %dma_start3A_113] : memref<8x64x128xf32, #tpu.memory_space<vmem>> -> memref<1x64x128xf32, #tpu.memory_space<vmem>>
    %dma_start3A_115 = tpu.memref_squeeze %dma_start3A_114 : memref<1x64x128xf32, #tpu.memory_space<vmem>> -> memref<64x128xf32, #tpu.memory_space<vmem>>
    %dma_start3A_116 = arith.constant 0 : i32
    %dma_start3A_117 = tpu.memref_slice %arg2[%dma_start3A_116, %multiple_of3A_101] : memref<64x1000001xf32, #tpu.memory_space<hbm>> -> memref<64x128xf32, #tpu.memory_space<hbm>>
    tpu.enqueue_dma source(%dma_start3A_117 : memref<64x128xf32, #tpu.memory_space<hbm>>) target(%dma_start3A_115 : memref<64x128xf32, #tpu.memory_space<vmem>>) target_semaphore(%dma_start3A_111 : memref<!tpu.dma_semaphore, #tpu.memory_space<semaphore_mem>>)
    %slice3A_118 = vector.extract_strided_slice %get3A_6 {offsets = [5], sizes = [1], strides = [1]} : vector<16xi32> to vector<1xi32>
    %squeeze3A_119 = vector.extract %slice3A_118[0] : i32 from vector<1xi32>
    %shift_right_arithmetic3A_120 = arith.constant 7 : i32
    %shift_right_arithmetic3A_121 = arith.shrsi %squeeze3A_119, %shift_right_arithmetic3A_120 : i32
    %mul3A_122 = arith.constant 128 : i32
    %mul3A_123 = arith.muli %shift_right_arithmetic3A_121, %mul3A_122 : i32
    %multiple_of3A_124 = tpu.assume_multiple %mul3A_123, 128 : i32
    %dma_start3A_125 = arith.constant 5 : i32
    %dma_start3A_126 = arith.constant 5 : i32
    %dma_start3A_127 = arith.constant 0 : i32
    %dma_start3A_128 = arith.constant 0 : i32
    %dma_start3A_129 = tpu.memref_slice %arg8[%dma_start3A_125, %dma_start3A_127, %dma_start3A_128] : memref<8x64x128xf32, #tpu.memory_space<vmem>> -> memref<1x64x128xf32, #tpu.memory_space<vmem>>
    %dma_start3A_130 = tpu.memref_squeeze %dma_start3A_129 : memref<1x64x128xf32, #tpu.memory_space<vmem>> -> memref<64x128xf32, #tpu.memory_space<vmem>>
    %dma_start3A_131 = arith.constant 0 : i32
    %dma_start3A_132 = tpu.memref_slice %arg2[%dma_start3A_131, %multiple_of3A_124] : memref<64x1000001xf32, #tpu.memory_space<hbm>> -> memref<64x128xf32, #tpu.memory_space<hbm>>
    %dma_start3A_133 = tpu.memref_slice %arg9[%dma_start3A_126] : memref<8x!tpu.dma_semaphore, #tpu.memory_space<semaphore_mem>> -> memref<1x!tpu.dma_semaphore, #tpu.memory_space<semaphore_mem>>
    %dma_start3A_134 = tpu.memref_squeeze %dma_start3A_133 : memref<1x!tpu.dma_semaphore, #tpu.memory_space<semaphore_mem>> -> memref<!tpu.dma_semaphore, #tpu.memory_space<semaphore_mem>>
    %dma_start3A_135 = arith.constant 0 : i32
    %dma_start3A_136 = arith.constant 0 : i32
    %dma_start3A_137 = tpu.memref_slice %arg8[%dma_start3A_125, %dma_start3A_135, %dma_start3A_136] : memref<8x64x128xf32, #tpu.memory_space<vmem>> -> memref<1x64x128xf32, #tpu.memory_space<vmem>>
    %dma_start3A_138 = tpu.memref_squeeze %dma_start3A_137 : memref<1x64x128xf32, #tpu.memory_space<vmem>> -> memref<64x128xf32, #tpu.memory_space<vmem>>
    %dma_start3A_139 = arith.constant 0 : i32
    %dma_start3A_140 = tpu.memref_slice %arg2[%dma_start3A_139, %multiple_of3A_124] : memref<64x1000001xf32, #tpu.memory_space<hbm>> -> memref<64x128xf32, #tpu.memory_space<hbm>>
    tpu.enqueue_dma source(%dma_start3A_140 : memref<64x128xf32, #tpu.memory_space<hbm>>) target(%dma_start3A_138 : memref<64x128xf32, #tpu.memory_space<vmem>>) target_semaphore(%dma_start3A_134 : memref<!tpu.dma_semaphore, #tpu.memory_space<semaphore_mem>>)
    %slice3A_141 = vector.extract_strided_slice %get3A_6 {offsets = [6], sizes = [1], strides = [1]} : vector<16xi32> to vector<1xi32>
    %squeeze3A_142 = vector.extract %slice3A_141[0] : i32 from vector<1xi32>
    %shift_right_arithmetic3A_143 = arith.constant 7 : i32
    %shift_right_arithmetic3A_144 = arith.shrsi %squeeze3A_142, %shift_right_arithmetic3A_143 : i32
    %mul3A_145 = arith.constant 128 : i32
    %mul3A_146 = arith.muli %shift_right_arithmetic3A_144, %mul3A_145 : i32
    %multiple_of3A_147 = tpu.assume_multiple %mul3A_146, 128 : i32
    %dma_start3A_148 = arith.constant 6 : i32
    %dma_start3A_149 = arith.constant 6 : i32
    %dma_start3A_150 = arith.constant 0 : i32
    %dma_start3A_151 = arith.constant 0 : i32
    %dma_start3A_152 = tpu.memref_slice %arg8[%dma_start3A_148, %dma_start3A_150, %dma_start3A_151] : memref<8x64x128xf32, #tpu.memory_space<vmem>> -> memref<1x64x128xf32, #tpu.memory_space<vmem>>
    %dma_start3A_153 = tpu.memref_squeeze %dma_start3A_152 : memref<1x64x128xf32, #tpu.memory_space<vmem>> -> memref<64x128xf32, #tpu.memory_space<vmem>>
    %dma_start3A_154 = arith.constant 0 : i32
    %dma_start3A_155 = tpu.memref_slice %arg2[%dma_start3A_154, %multiple_of3A_147] : memref<64x1000001xf32, #tpu.memory_space<hbm>> -> memref<64x128xf32, #tpu.memory_space<hbm>>
    %dma_start3A_156 = tpu.memref_slice %arg9[%dma_start3A_149] : memref<8x!tpu.dma_semaphore, #tpu.memory_space<semaphore_mem>> -> memref<1x!tpu.dma_semaphore, #tpu.memory_space<semaphore_mem>>
    %dma_start3A_157 = tpu.memref_squeeze %dma_start3A_156 : memref<1x!tpu.dma_semaphore, #tpu.memory_space<semaphore_mem>> -> memref<!tpu.dma_semaphore, #tpu.memory_space<semaphore_mem>>
    %dma_start3A_158 = arith.constant 0 : i32
    %dma_start3A_159 = arith.constant 0 : i32
    %dma_start3A_160 = tpu.memref_slice %arg8[%dma_start3A_148, %dma_start3A_158, %dma_start3A_159] : memref<8x64x128xf32, #tpu.memory_space<vmem>> -> memref<1x64x128xf32, #tpu.memory_space<vmem>>
    %dma_start3A_161 = tpu.memref_squeeze %dma_start3A_160 : memref<1x64x128xf32, #tpu.memory_space<vmem>> -> memref<64x128xf32, #tpu.memory_space<vmem>>
    %dma_start3A_162 = arith.constant 0 : i32
    %dma_start3A_163 = tpu.memref_slice %arg2[%dma_start3A_162, %multiple_of3A_147] : memref<64x1000001xf32, #tpu.memory_space<hbm>> -> memref<64x128xf32, #tpu.memory_space<hbm>>
    tpu.enqueue_dma source(%dma_start3A_163 : memref<64x128xf32, #tpu.memory_space<hbm>>) target(%dma_start3A_161 : memref<64x128xf32, #tpu.memory_space<vmem>>) target_semaphore(%dma_start3A_157 : memref<!tpu.dma_semaphore, #tpu.memory_space<semaphore_mem>>)
    %slice3A_164 = vector.extract_strided_slice %get3A_6 {offsets = [7], sizes = [1], strides = [1]} : vector<16xi32> to vector<1xi32>
    %squeeze3A_165 = vector.extract %slice3A_164[0] : i32 from vector<1xi32>
    %shift_right_arithmetic3A_166 = arith.constant 7 : i32
    %shift_right_arithmetic3A_167 = arith.shrsi %squeeze3A_165, %shift_right_arithmetic3A_166 : i32
    %mul3A_168 = arith.constant 128 : i32
    %mul3A_169 = arith.muli %shift_right_arithmetic3A_167, %mul3A_168 : i32
    %multiple_of3A_170 = tpu.assume_multiple %mul3A_169, 128 : i32
    %dma_start3A_171 = arith.constant 7 : i32
    %dma_start3A_172 = arith.constant 7 : i32
    %dma_start3A_173 = arith.constant 0 : i32
    %dma_start3A_174 = arith.constant 0 : i32
    %dma_start3A_175 = tpu.memref_slice %arg8[%dma_start3A_171, %dma_start3A_173, %dma_start3A_174] : memref<8x64x128xf32, #tpu.memory_space<vmem>> -> memref<1x64x128xf32, #tpu.memory_space<vmem>>
    %dma_start3A_176 = tpu.memref_squeeze %dma_start3A_175 : memref<1x64x128xf32, #tpu.memory_space<vmem>> -> memref<64x128xf32, #tpu.memory_space<vmem>>
    %dma_start3A_177 = arith.constant 0 : i32
    %dma_start3A_178 = tpu.memref_slice %arg2[%dma_start3A_177, %multiple_of3A_170] : memref<64x1000001xf32, #tpu.memory_space<hbm>> -> memref<64x128xf32, #tpu.memory_space<hbm>>
    %dma_start3A_179 = tpu.memref_slice %arg9[%dma_start3A_172] : memref<8x!tpu.dma_semaphore, #tpu.memory_space<semaphore_mem>> -> memref<1x!tpu.dma_semaphore, #tpu.memory_space<semaphore_mem>>
    %dma_start3A_180 = tpu.memref_squeeze %dma_start3A_179 : memref<1x!tpu.dma_semaphore, #tpu.memory_space<semaphore_mem>> -> memref<!tpu.dma_semaphore, #tpu.memory_space<semaphore_mem>>
    %dma_start3A_181 = arith.constant 0 : i32
    %dma_start3A_182 = arith.constant 0 : i32
    %dma_start3A_183 = tpu.memref_slice %arg8[%dma_start3A_171, %dma_start3A_181, %dma_start3A_182] : memref<8x64x128xf32, #tpu.memory_space<vmem>> -> memref<1x64x128xf32, #tpu.memory_space<vmem>>
    %dma_start3A_184 = tpu.memref_squeeze %dma_start3A_183 : memref<1x64x128xf32, #tpu.memory_space<vmem>> -> memref<64x128xf32, #tpu.memory_space<vmem>>
    %dma_start3A_185 = arith.constant 0 : i32
    %dma_start3A_186 = tpu.memref_slice %arg2[%dma_start3A_185, %multiple_of3A_170] : memref<64x1000001xf32, #tpu.memory_space<hbm>> -> memref<64x128xf32, #tpu.memory_space<hbm>>
    tpu.enqueue_dma source(%dma_start3A_186 : memref<64x128xf32, #tpu.memory_space<hbm>>) target(%dma_start3A_184 : memref<64x128xf32, #tpu.memory_space<vmem>>) target_semaphore(%dma_start3A_180 : memref<!tpu.dma_semaphore, #tpu.memory_space<semaphore_mem>>)
    %dma_wait3A = arith.constant 0 : i32
    %dma_wait3A_187 = tpu.memref_slice %arg4[%dma_wait3A, %mul3A_2] : memref<64x4096xf32, #tpu.memory_space<hbm>> -> memref<64x128xf32, #tpu.memory_space<hbm>>
    %dma_wait3A_188 = arith.constant 0 : i32
    %dma_wait3A_189 = tpu.memref_slice %arg4[%dma_wait3A_188, %mul3A_2] : memref<64x4096xf32, #tpu.memory_space<hbm>> -> memref<64x128xf32, #tpu.memory_space<hbm>>
    tpu.wait_dma2 semaphore(%arg10 : memref<!tpu.dma_semaphore, #tpu.memory_space<semaphore_mem>>) src(%dma_wait3A_189 : memref<64x128xf32, #tpu.memory_space<hbm>>) dst(%arg7 : memref<64x128xf32, #tpu.memory_space<vmem>>)
    %scan3A = arith.constant 0 : i32
    %scan3A_190 = arith.constant 0 : i32
    %scan3A_191 = arith.constant 7 : i32
    %scan3A_192 = arith.addi %scan3A_190, %scan3A_191 : i32
    %scan3A_193 = arith.constant 1 : i32
    %scan3A_194 = scf.for %scan3A_1053 = %scan3A_190 to %scan3A_192 step %scan3A_193 iter_args(%scan3A_1054 = %scan3A) -> (i32)  : i32 {
      %mul3A_1055 = arith.constant 16 : i32
      %mul3A_1056 = arith.muli %scan3A_1053, %mul3A_1055 : i32
      %get3A_1057 = arith.index_cast %mul3A_1056 : i32 to index
      %get3A_1058 = tpu.vector_load %arg6[%get3A_1057] {strides = array<i32>} : memref<128xi32, #tpu.memory_space<vmem>>, vector<16xi32>,
      %and3A_1059 = arith.constant 127 : i32
      %and3A_1060 = vector.broadcast %and3A_1059 : i32 to vector<16xi32>
      %and3A_1061 = arith.andi %get3A_1058, %and3A_1060 : vector<16xi32>
      %add3A_1062 = arith.constant 1 : i32
      %add3A_1063 = arith.addi %scan3A_1053, %add3A_1062 : i32
      %mul3A_1064 = arith.constant 16 : i32
      %mul3A_1065 = arith.muli %add3A_1063, %mul3A_1064 : i32
      %get3A_1066 = arith.index_cast %mul3A_1065 : i32 to index
      %get3A_1067 = tpu.vector_load %arg6[%get3A_1066] {strides = array<i32>} : memref<128xi32, #tpu.memory_space<vmem>>, vector<16xi32>,
      %mul3A_1068 = arith.constant 16 : i32
      %mul3A_1069 = arith.muli %scan3A_1053, %mul3A_1068 : i32
      %add3A_1070 = arith.constant 0 : i32
      %add3A_1071 = arith.addi %mul3A_1069, %add3A_1070 : i32
      %dma_wait3A_1072 = arith.constant 0 : i32
      %dma_wait3A_1073 = arith.constant 0 : i32
      %dma_wait3A_1074 = arith.constant 0 : i32
      %dma_wait3A_1075 = arith.constant 0 : i32
      %dma_wait3A_1076 = tpu.memref_slice %arg8[%dma_wait3A_1072, %dma_wait3A_1074, %dma_wait3A_1075] : memref<8x64x128xf32, #tpu.memory_space<vmem>> -> memref<1x64x128xf32, #tpu.memory_space<vmem>>
      %dma_wait3A_1077 = tpu.memref_squeeze %dma_wait3A_1076 : memref<1x64x128xf32, #tpu.memory_space<vmem>> -> memref<64x128xf32, #tpu.memory_space<vmem>>
      %dma_wait3A_1078 = arith.constant 0 : i32
      %dma_wait3A_1079 = arith.constant 0 : i32
      %dma_wait3A_1080 = tpu.memref_slice %arg2[%dma_wait3A_1078, %dma_wait3A_1079] : memref<64x1000001xf32, #tpu.memory_space<hbm>> -> memref<64x128xf32, #tpu.memory_space<hbm>>
      %dma_wait3A_1081 = tpu.memref_slice %arg9[%dma_wait3A_1073] : memref<8x!tpu.dma_semaphore, #tpu.memory_space<semaphore_mem>> -> memref<1x!tpu.dma_semaphore, #tpu.memory_space<semaphore_mem>>
      %dma_wait3A_1082 = tpu.memref_squeeze %dma_wait3A_1081 : memref<1x!tpu.dma_semaphore, #tpu.memory_space<semaphore_mem>> -> memref<!tpu.dma_semaphore, #tpu.memory_space<semaphore_mem>>
      %dma_wait3A_1083 = arith.constant 0 : i32
      %dma_wait3A_1084 = arith.constant 0 : i32
      %dma_wait3A_1085 = tpu.memref_slice %arg8[%dma_wait3A_1072, %dma_wait3A_1083, %dma_wait3A_1084] : memref<8x64x128xf32, #tpu.memory_space<vmem>> -> memref<1x64x128xf32, #tpu.memory_space<vmem>>
      %dma_wait3A_1086 = tpu.memref_squeeze %dma_wait3A_1085 : memref<1x64x128xf32, #tpu.memory_space<vmem>> -> memref<64x128xf32, #tpu.memory_space<vmem>>
      %dma_wait3A_1087 = arith.constant 0 : i32
      %dma_wait3A_1088 = arith.constant 0 : i32
      %dma_wait3A_1089 = tpu.memref_slice %arg2[%dma_wait3A_1087, %dma_wait3A_1088] : memref<64x1000001xf32, #tpu.memory_space<hbm>> -> memref<64x128xf32, #tpu.memory_space<hbm>>
      tpu.wait_dma2 semaphore(%dma_wait3A_1082 : memref<!tpu.dma_semaphore, #tpu.memory_space<semaphore_mem>>) src(%dma_wait3A_1089 : memref<64x128xf32, #tpu.memory_space<hbm>>) dst(%dma_wait3A_1086 : memref<64x128xf32, #tpu.memory_space<vmem>>)
      %slice3A_1090 = vector.extract_strided_slice %and3A_1061 {offsets = [0], sizes = [1], strides = [1]} : vector<16xi32> to vector<1xi32>
      %squeeze3A_1091 = vector.extract %slice3A_1090[0] : i32 from vector<1xi32>
      %broadcast_in_dim3A_1092 = vector.broadcast %squeeze3A_1091 : i32 to vector<16xi32>
      %broadcast_in_dim3A_1093 = arith.constant 0 : i32
      %broadcast_in_dim3A_1094 = vector.broadcast %broadcast_in_dim3A_1093 : i32 to vector<16xi32>
      %broadcast_in_dim3A_1095 = vector.broadcast %add3A_1071 : i32 to vector<16xi32>
      %iota3A_1096 = tpu.iota {dimensions = array<i32: 0>} : vector<16xi32>
      %add3A_1097 = arith.constant 0 : i32
      %add3A_1098 = vector.broadcast %add3A_1097 : i32 to vector<16xi32>
      %add3A_1099 = arith.addi %iota3A_1096, %add3A_1098 : vector<16xi32>
      %gather3A_1100 = tpu.vector_load_idx %arg8[%broadcast_in_dim3A_1094, %add3A_1099, %broadcast_in_dim3A_1092] : memref<8x64x128xf32, #tpu.memory_space<vmem>>[vector<16xi32>, vector<16xi32>, vector<16xi32>], vector<16xf32>,
      tpu.vector_store_idx %arg7[%add3A_1099, %broadcast_in_dim3A_1095], %gather3A_1100 {add = true} : memref<64x128xf32, #tpu.memory_space<vmem>>[vector<16xi32>, vector<16xi32>], vector<16xf32>,
      %add3A_1101 = arith.constant 16 : i32
      %add3A_1102 = vector.broadcast %add3A_1101 : i32 to vector<16xi32>
      %add3A_1103 = arith.addi %iota3A_1096, %add3A_1102 : vector<16xi32>
      %gather3A_1104 = tpu.vector_load_idx %arg8[%broadcast_in_dim3A_1094, %add3A_1103, %broadcast_in_dim3A_1092] : memref<8x64x128xf32, #tpu.memory_space<vmem>>[vector<16xi32>, vector<16xi32>, vector<16xi32>], vector<16xf32>,
      tpu.vector_store_idx %arg7[%add3A_1103, %broadcast_in_dim3A_1095], %gather3A_1104 {add = true} : memref<64x128xf32, #tpu.memory_space<vmem>>[vector<16xi32>, vector<16xi32>], vector<16xf32>,
      %add3A_1105 = arith.constant 32 : i32
      %add3A_1106 = vector.broadcast %add3A_1105 : i32 to vector<16xi32>
      %add3A_1107 = arith.addi %iota3A_1096, %add3A_1106 : vector<16xi32>
      %gather3A_1108 = tpu.vector_load_idx %arg8[%broadcast_in_dim3A_1094, %add3A_1107, %broadcast_in_dim3A_1092] : memref<8x64x128xf32, #tpu.memory_space<vmem>>[vector<16xi32>, vector<16xi32>, vector<16xi32>], vector<16xf32>,
      tpu.vector_store_idx %arg7[%add3A_1107, %broadcast_in_dim3A_1095], %gather3A_1108 {add = true} : memref<64x128xf32, #tpu.memory_space<vmem>>[vector<16xi32>, vector<16xi32>], vector<16xf32>,
      %add3A_1109 = arith.constant 48 : i32
      %add3A_1110 = vector.broadcast %add3A_1109 : i32 to vector<16xi32>
      %add3A_1111 = arith.addi %iota3A_1096, %add3A_1110 : vector<16xi32>
      %gather3A_1112 = tpu.vector_load_idx %arg8[%broadcast_in_dim3A_1094, %add3A_1111, %broadcast_in_dim3A_1092] : memref<8x64x128xf32, #tpu.memory_space<vmem>>[vector<16xi32>, vector<16xi32>, vector<16xi32>], vector<16xf32>,
      tpu.vector_store_idx %arg7[%add3A_1111, %broadcast_in_dim3A_1095], %gather3A_1112 {add = true} : memref<64x128xf32, #tpu.memory_space<vmem>>[vector<16xi32>, vector<16xi32>], vector<16xf32>,
      %slice3A_1113 = vector.extract_strided_slice %get3A_1058 {offsets = [8], sizes = [1], strides = [1]} : vector<16xi32> to vector<1xi32>
      %squeeze3A_1114 = vector.extract %slice3A_1113[0] : i32 from vector<1xi32>
      %shift_right_arithmetic3A_1115 = arith.constant 7 : i32
      %shift_right_arithmetic3A_1116 = arith.shrsi %squeeze3A_1114, %shift_right_arithmetic3A_1115 : i32
      %mul3A_1117 = arith.constant 128 : i32
      %mul3A_1118 = arith.muli %shift_right_arithmetic3A_1116, %mul3A_1117 : i32
      %multiple_of3A_1119 = tpu.assume_multiple %mul3A_1118, 128 : i32
      %dma_start3A_1120 = arith.constant 0 : i32
      %dma_start3A_1121 = arith.constant 0 : i32
      %dma_start3A_1122 = arith.constant 0 : i32
      %dma_start3A_1123 = arith.constant 0 : i32
      %dma_start3A_1124 = tpu.memref_slice %arg8[%dma_start3A_1120, %dma_start3A_1122, %dma_start3A_1123] : memref<8x64x128xf32, #tpu.memory_space<vmem>> -> memref<1x64x128xf32, #tpu.memory_space<vmem>>
      %dma_start3A_1125 = tpu.memref_squeeze %dma_start3A_1124 : memref<1x64x128xf32, #tpu.memory_space<vmem>> -> memref<64x128xf32, #tpu.memory_space<vmem>>
      %dma_start3A_1126 = arith.constant 0 : i32
      %dma_start3A_1127 = tpu.memref_slice %arg2[%dma_start3A_1126, %multiple_of3A_1119] : memref<64x1000001xf32, #tpu.memory_space<hbm>> -> memref<64x128xf32, #tpu.memory_space<hbm>>
      %dma_start3A_1128 = tpu.memref_slice %arg9[%dma_start3A_1121] : memref<8x!tpu.dma_semaphore, #tpu.memory_space<semaphore_mem>> -> memref<1x!tpu.dma_semaphore, #tpu.memory_space<semaphore_mem>>
      %dma_start3A_1129 = tpu.memref_squeeze %dma_start3A_1128 : memref<1x!tpu.dma_semaphore, #tpu.memory_space<semaphore_mem>> -> memref<!tpu.dma_semaphore, #tpu.memory_space<semaphore_mem>>
      %dma_start3A_1130 = arith.constant 0 : i32
      %dma_start3A_1131 = arith.constant 0 : i32
      %dma_start3A_1132 = tpu.memref_slice %arg8[%dma_start3A_1120, %dma_start3A_1130, %dma_start3A_1131] : memref<8x64x128xf32, #tpu.memory_space<vmem>> -> memref<1x64x128xf32, #tpu.memory_space<vmem>>
      %dma_start3A_1133 = tpu.memref_squeeze %dma_start3A_1132 : memref<1x64x128xf32, #tpu.memory_space<vmem>> -> memref<64x128xf32, #tpu.memory_space<vmem>>
      %dma_start3A_1134 = arith.constant 0 : i32
      %dma_start3A_1135 = tpu.memref_slice %arg2[%dma_start3A_1134, %multiple_of3A_1119] : memref<64x1000001xf32, #tpu.memory_space<hbm>> -> memref<64x128xf32, #tpu.memory_space<hbm>>
      tpu.enqueue_dma source(%dma_start3A_1135 : memref<64x128xf32, #tpu.memory_space<hbm>>) target(%dma_start3A_1133 : memref<64x128xf32, #tpu.memory_space<vmem>>) target_semaphore(%dma_start3A_1129 : memref<!tpu.dma_semaphore, #tpu.memory_space<semaphore_mem>>)
      %mul3A_1136 = arith.constant 16 : i32
      %mul3A_1137 = arith.muli %scan3A_1053, %mul3A_1136 : i32
      %add3A_1138 = arith.constant 1 : i32
      %add3A_1139 = arith.addi %mul3A_1137, %add3A_1138 : i32
      %dma_wait3A_1140 = arith.constant 1 : i32
      %dma_wait3A_1141 = arith.constant 1 : i32
      %dma_wait3A_1142 = arith.constant 0 : i32
      %dma_wait3A_1143 = arith.constant 0 : i32
      %dma_wait3A_1144 = tpu.memref_slice %arg8[%dma_wait3A_1140, %dma_wait3A_1142, %dma_wait3A_1143] : memref<8x64x128xf32, #tpu.memory_space<vmem>> -> memref<1x64x128xf32, #tpu.memory_space<vmem>>
      %dma_wait3A_1145 = tpu.memref_squeeze %dma_wait3A_1144 : memref<1x64x128xf32, #tpu.memory_space<vmem>> -> memref<64x128xf32, #tpu.memory_space<vmem>>
      %dma_wait3A_1146 = arith.constant 0 : i32
      %dma_wait3A_1147 = arith.constant 0 : i32
      %dma_wait3A_1148 = tpu.memref_slice %arg2[%dma_wait3A_1146, %dma_wait3A_1147] : memref<64x1000001xf32, #tpu.memory_space<hbm>> -> memref<64x128xf32, #tpu.memory_space<hbm>>
      %dma_wait3A_1149 = tpu.memref_slice %arg9[%dma_wait3A_1141] : memref<8x!tpu.dma_semaphore, #tpu.memory_space<semaphore_mem>> -> memref<1x!tpu.dma_semaphore, #tpu.memory_space<semaphore_mem>>
      %dma_wait3A_1150 = tpu.memref_squeeze %dma_wait3A_1149 : memref<1x!tpu.dma_semaphore, #tpu.memory_space<semaphore_mem>> -> memref<!tpu.dma_semaphore, #tpu.memory_space<semaphore_mem>>
      %dma_wait3A_1151 = arith.constant 0 : i32
      %dma_wait3A_1152 = arith.constant 0 : i32
      %dma_wait3A_1153 = tpu.memref_slice %arg8[%dma_wait3A_1140, %dma_wait3A_1151, %dma_wait3A_1152] : memref<8x64x128xf32, #tpu.memory_space<vmem>> -> memref<1x64x128xf32, #tpu.memory_space<vmem>>
      %dma_wait3A_1154 = tpu.memref_squeeze %dma_wait3A_1153 : memref<1x64x128xf32, #tpu.memory_space<vmem>> -> memref<64x128xf32, #tpu.memory_space<vmem>>
      %dma_wait3A_1155 = arith.constant 0 : i32
      %dma_wait3A_1156 = arith.constant 0 : i32
      %dma_wait3A_1157 = tpu.memref_slice %arg2[%dma_wait3A_1155, %dma_wait3A_1156] : memref<64x1000001xf32, #tpu.memory_space<hbm>> -> memref<64x128xf32, #tpu.memory_space<hbm>>
      tpu.wait_dma2 semaphore(%dma_wait3A_1150 : memref<!tpu.dma_semaphore, #tpu.memory_space<semaphore_mem>>) src(%dma_wait3A_1157 : memref<64x128xf32, #tpu.memory_space<hbm>>) dst(%dma_wait3A_1154 : memref<64x128xf32, #tpu.memory_space<vmem>>)
      %slice3A_1158 = vector.extract_strided_slice %and3A_1061 {offsets = [1], sizes = [1], strides = [1]} : vector<16xi32> to vector<1xi32>
      %squeeze3A_1159 = vector.extract %slice3A_1158[0] : i32 from vector<1xi32>
      %broadcast_in_dim3A_1160 = vector.broadcast %squeeze3A_1159 : i32 to vector<16xi32>
      %broadcast_in_dim3A_1161 = arith.constant 1 : i32
      %broadcast_in_dim3A_1162 = vector.broadcast %broadcast_in_dim3A_1161 : i32 to vector<16xi32>
      %broadcast_in_dim3A_1163 = vector.broadcast %add3A_1139 : i32 to vector<16xi32>
      %iota3A_1164 = tpu.iota {dimensions = array<i32: 0>} : vector<16xi32>
      %add3A_1165 = arith.constant 0 : i32
      %add3A_1166 = vector.broadcast %add3A_1165 : i32 to vector<16xi32>
      %add3A_1167 = arith.addi %iota3A_1164, %add3A_1166 : vector<16xi32>
      %gather3A_1168 = tpu.vector_load_idx %arg8[%broadcast_in_dim3A_1162, %add3A_1167, %broadcast_in_dim3A_1160] : memref<8x64x128xf32, #tpu.memory_space<vmem>>[vector<16xi32>, vector<16xi32>, vector<16xi32>], vector<16xf32>,
      tpu.vector_store_idx %arg7[%add3A_1167, %broadcast_in_dim3A_1163], %gather3A_1168 {add = true} : memref<64x128xf32, #tpu.memory_space<vmem>>[vector<16xi32>, vector<16xi32>], vector<16xf32>,
      %add3A_1169 = arith.constant 16 : i32
      %add3A_1170 = vector.broadcast %add3A_1169 : i32 to vector<16xi32>
      %add3A_1171 = arith.addi %iota3A_1164, %add3A_1170 : vector<16xi32>
      %gather3A_1172 = tpu.vector_load_idx %arg8[%broadcast_in_dim3A_1162, %add3A_1171, %broadcast_in_dim3A_1160] : memref<8x64x128xf32, #tpu.memory_space<vmem>>[vector<16xi32>, vector<16xi32>, vector<16xi32>], vector<16xf32>,
      tpu.vector_store_idx %arg7[%add3A_1171, %broadcast_in_dim3A_1163], %gather3A_1172 {add = true} : memref<64x128xf32, #tpu.memory_space<vmem>>[vector<16xi32>, vector<16xi32>], vector<16xf32>,
      %add3A_1173 = arith.constant 32 : i32
      %add3A_1174 = vector.broadcast %add3A_1173 : i32 to vector<16xi32>
      %add3A_1175 = arith.addi %iota3A_1164, %add3A_1174 : vector<16xi32>
      %gather3A_1176 = tpu.vector_load_idx %arg8[%broadcast_in_dim3A_1162, %add3A_1175, %broadcast_in_dim3A_1160] : memref<8x64x128xf32, #tpu.memory_space<vmem>>[vector<16xi32>, vector<16xi32>, vector<16xi32>], vector<16xf32>,
      tpu.vector_store_idx %arg7[%add3A_1175, %broadcast_in_dim3A_1163], %gather3A_1176 {add = true} : memref<64x128xf32, #tpu.memory_space<vmem>>[vector<16xi32>, vector<16xi32>], vector<16xf32>,
      %add3A_1177 = arith.constant 48 : i32
      %add3A_1178 = vector.broadcast %add3A_1177 : i32 to vector<16xi32>
      %add3A_1179 = arith.addi %iota3A_1164, %add3A_1178 : vector<16xi32>
      %gather3A_1180 = tpu.vector_load_idx %arg8[%broadcast_in_dim3A_1162, %add3A_1179, %broadcast_in_dim3A_1160] : memref<8x64x128xf32, #tpu.memory_space<vmem>>[vector<16xi32>, vector<16xi32>, vector<16xi32>], vector<16xf32>,
      tpu.vector_store_idx %arg7[%add3A_1179, %broadcast_in_dim3A_1163], %gather3A_1180 {add = true} : memref<64x128xf32, #tpu.memory_space<vmem>>[vector<16xi32>, vector<16xi32>], vector<16xf32>,
      %slice3A_1181 = vector.extract_strided_slice %get3A_1058 {offsets = [9], sizes = [1], strides = [1]} : vector<16xi32> to vector<1xi32>
      %squeeze3A_1182 = vector.extract %slice3A_1181[0] : i32 from vector<1xi32>
      %shift_right_arithmetic3A_1183 = arith.constant 7 : i32
      %shift_right_arithmetic3A_1184 = arith.shrsi %squeeze3A_1182, %shift_right_arithmetic3A_1183 : i32
      %mul3A_1185 = arith.constant 128 : i32
      %mul3A_1186 = arith.muli %shift_right_arithmetic3A_1184, %mul3A_1185 : i32
      %multiple_of3A_1187 = tpu.assume_multiple %mul3A_1186, 128 : i32
      %dma_start3A_1188 = arith.constant 1 : i32
      %dma_start3A_1189 = arith.constant 1 : i32
      %dma_start3A_1190 = arith.constant 0 : i32
      %dma_start3A_1191 = arith.constant 0 : i32
      %dma_start3A_1192 = tpu.memref_slice %arg8[%dma_start3A_1188, %dma_start3A_1190, %dma_start3A_1191] : memref<8x64x128xf32, #tpu.memory_space<vmem>> -> memref<1x64x128xf32, #tpu.memory_space<vmem>>
      %dma_start3A_1193 = tpu.memref_squeeze %dma_start3A_1192 : memref<1x64x128xf32, #tpu.memory_space<vmem>> -> memref<64x128xf32, #tpu.memory_space<vmem>>
      %dma_start3A_1194 = arith.constant 0 : i32
      %dma_start3A_1195 = tpu.memref_slice %arg2[%dma_start3A_1194, %multiple_of3A_1187] : memref<64x1000001xf32, #tpu.memory_space<hbm>> -> memref<64x128xf32, #tpu.memory_space<hbm>>
      %dma_start3A_1196 = tpu.memref_slice %arg9[%dma_start3A_1189] : memref<8x!tpu.dma_semaphore, #tpu.memory_space<semaphore_mem>> -> memref<1x!tpu.dma_semaphore, #tpu.memory_space<semaphore_mem>>
      %dma_start3A_1197 = tpu.memref_squeeze %dma_start3A_1196 : memref<1x!tpu.dma_semaphore, #tpu.memory_space<semaphore_mem>> -> memref<!tpu.dma_semaphore, #tpu.memory_space<semaphore_mem>>
      %dma_start3A_1198 = arith.constant 0 : i32
      %dma_start3A_1199 = arith.constant 0 : i32
      %dma_start3A_1200 = tpu.memref_slice %arg8[%dma_start3A_1188, %dma_start3A_1198, %dma_start3A_1199] : memref<8x64x128xf32, #tpu.memory_space<vmem>> -> memref<1x64x128xf32, #tpu.memory_space<vmem>>
      %dma_start3A_1201 = tpu.memref_squeeze %dma_start3A_1200 : memref<1x64x128xf32, #tpu.memory_space<vmem>> -> memref<64x128xf32, #tpu.memory_space<vmem>>
      %dma_start3A_1202 = arith.constant 0 : i32
      %dma_start3A_1203 = tpu.memref_slice %arg2[%dma_start3A_1202, %multiple_of3A_1187] : memref<64x1000001xf32, #tpu.memory_space<hbm>> -> memref<64x128xf32, #tpu.memory_space<hbm>>
      tpu.enqueue_dma source(%dma_start3A_1203 : memref<64x128xf32, #tpu.memory_space<hbm>>) target(%dma_start3A_1201 : memref<64x128xf32, #tpu.memory_space<vmem>>) target_semaphore(%dma_start3A_1197 : memref<!tpu.dma_semaphore, #tpu.memory_space<semaphore_mem>>)
      %mul3A_1204 = arith.constant 16 : i32
      %mul3A_1205 = arith.muli %scan3A_1053, %mul3A_1204 : i32
      %add3A_1206 = arith.constant 2 : i32
      %add3A_1207 = arith.addi %mul3A_1205, %add3A_1206 : i32
      %dma_wait3A_1208 = arith.constant 2 : i32
      %dma_wait3A_1209 = arith.constant 2 : i32
      %dma_wait3A_1210 = arith.constant 0 : i32
      %dma_wait3A_1211 = arith.constant 0 : i32
      %dma_wait3A_1212 = tpu.memref_slice %arg8[%dma_wait3A_1208, %dma_wait3A_1210, %dma_wait3A_1211] : memref<8x64x128xf32, #tpu.memory_space<vmem>> -> memref<1x64x128xf32, #tpu.memory_space<vmem>>
      %dma_wait3A_1213 = tpu.memref_squeeze %dma_wait3A_1212 : memref<1x64x128xf32, #tpu.memory_space<vmem>> -> memref<64x128xf32, #tpu.memory_space<vmem>>
      %dma_wait3A_1214 = arith.constant 0 : i32
      %dma_wait3A_1215 = arith.constant 0 : i32
      %dma_wait3A_1216 = tpu.memref_slice %arg2[%dma_wait3A_1214, %dma_wait3A_1215] : memref<64x1000001xf32, #tpu.memory_space<hbm>> -> memref<64x128xf32, #tpu.memory_space<hbm>>
      %dma_wait3A_1217 = tpu.memref_slice %arg9[%dma_wait3A_1209] : memref<8x!tpu.dma_semaphore, #tpu.memory_space<semaphore_mem>> -> memref<1x!tpu.dma_semaphore, #tpu.memory_space<semaphore_mem>>
      %dma_wait3A_1218 = tpu.memref_squeeze %dma_wait3A_1217 : memref<1x!tpu.dma_semaphore, #tpu.memory_space<semaphore_mem>> -> memref<!tpu.dma_semaphore, #tpu.memory_space<semaphore_mem>>
      %dma_wait3A_1219 = arith.constant 0 : i32
      %dma_wait3A_1220 = arith.constant 0 : i32
      %dma_wait3A_1221 = tpu.memref_slice %arg8[%dma_wait3A_1208, %dma_wait3A_1219, %dma_wait3A_1220] : memref<8x64x128xf32, #tpu.memory_space<vmem>> -> memref<1x64x128xf32, #tpu.memory_space<vmem>>
      %dma_wait3A_1222 = tpu.memref_squeeze %dma_wait3A_1221 : memref<1x64x128xf32, #tpu.memory_space<vmem>> -> memref<64x128xf32, #tpu.memory_space<vmem>>
      %dma_wait3A_1223 = arith.constant 0 : i32
      %dma_wait3A_1224 = arith.constant 0 : i32
      %dma_wait3A_1225 = tpu.memref_slice %arg2[%dma_wait3A_1223, %dma_wait3A_1224] : memref<64x1000001xf32, #tpu.memory_space<hbm>> -> memref<64x128xf32, #tpu.memory_space<hbm>>
      tpu.wait_dma2 semaphore(%dma_wait3A_1218 : memref<!tpu.dma_semaphore, #tpu.memory_space<semaphore_mem>>) src(%dma_wait3A_1225 : memref<64x128xf32, #tpu.memory_space<hbm>>) dst(%dma_wait3A_1222 : memref<64x128xf32, #tpu.memory_space<vmem>>)
      %slice3A_1226 = vector.extract_strided_slice %and3A_1061 {offsets = [2], sizes = [1], strides = [1]} : vector<16xi32> to vector<1xi32>
      %squeeze3A_1227 = vector.extract %slice3A_1226[0] : i32 from vector<1xi32>
      %broadcast_in_dim3A_1228 = vector.broadcast %squeeze3A_1227 : i32 to vector<16xi32>
      %broadcast_in_dim3A_1229 = arith.constant 2 : i32
      %broadcast_in_dim3A_1230 = vector.broadcast %broadcast_in_dim3A_1229 : i32 to vector<16xi32>
      %broadcast_in_dim3A_1231 = vector.broadcast %add3A_1207 : i32 to vector<16xi32>
      %iota3A_1232 = tpu.iota {dimensions = array<i32: 0>} : vector<16xi32>
      %add3A_1233 = arith.constant 0 : i32
      %add3A_1234 = vector.broadcast %add3A_1233 : i32 to vector<16xi32>
      %add3A_1235 = arith.addi %iota3A_1232, %add3A_1234 : vector<16xi32>
      %gather3A_1236 = tpu.vector_load_idx %arg8[%broadcast_in_dim3A_1230, %add3A_1235, %broadcast_in_dim3A_1228] : memref<8x64x128xf32, #tpu.memory_space<vmem>>[vector<16xi32>, vector<16xi32>, vector<16xi32>], vector<16xf32>,
      tpu.vector_store_idx %arg7[%add3A_1235, %broadcast_in_dim3A_1231], %gather3A_1236 {add = true} : memref<64x128xf32, #tpu.memory_space<vmem>>[vector<16xi32>, vector<16xi32>], vector<16xf32>,
      %add3A_1237 = arith.constant 16 : i32
      %add3A_1238 = vector.broadcast %add3A_1237 : i32 to vector<16xi32>
      %add3A_1239 = arith.addi %iota3A_1232, %add3A_1238 : vector<16xi32>
      %gather3A_1240 = tpu.vector_load_idx %arg8[%broadcast_in_dim3A_1230, %add3A_1239, %broadcast_in_dim3A_1228] : memref<8x64x128xf32, #tpu.memory_space<vmem>>[vector<16xi32>, vector<16xi32>, vector<16xi32>], vector<16xf32>,
      tpu.vector_store_idx %arg7[%add3A_1239, %broadcast_in_dim3A_1231], %gather3A_1240 {add = true} : memref<64x128xf32, #tpu.memory_space<vmem>>[vector<16xi32>, vector<16xi32>], vector<16xf32>,
      %add3A_1241 = arith.constant 32 : i32
      %add3A_1242 = vector.broadcast %add3A_1241 : i32 to vector<16xi32>
      %add3A_1243 = arith.addi %iota3A_1232, %add3A_1242 : vector<16xi32>
      %gather3A_1244 = tpu.vector_load_idx %arg8[%broadcast_in_dim3A_1230, %add3A_1243, %broadcast_in_dim3A_1228] : memref<8x64x128xf32, #tpu.memory_space<vmem>>[vector<16xi32>, vector<16xi32>, vector<16xi32>], vector<16xf32>,
      tpu.vector_store_idx %arg7[%add3A_1243, %broadcast_in_dim3A_1231], %gather3A_1244 {add = true} : memref<64x128xf32, #tpu.memory_space<vmem>>[vector<16xi32>, vector<16xi32>], vector<16xf32>,
      %add3A_1245 = arith.constant 48 : i32
      %add3A_1246 = vector.broadcast %add3A_1245 : i32 to vector<16xi32>
      %add3A_1247 = arith.addi %iota3A_1232, %add3A_1246 : vector<16xi32>
      %gather3A_1248 = tpu.vector_load_idx %arg8[%broadcast_in_dim3A_1230, %add3A_1247, %broadcast_in_dim3A_1228] : memref<8x64x128xf32, #tpu.memory_space<vmem>>[vector<16xi32>, vector<16xi32>, vector<16xi32>], vector<16xf32>,
      tpu.vector_store_idx %arg7[%add3A_1247, %broadcast_in_dim3A_1231], %gather3A_1248 {add = true} : memref<64x128xf32, #tpu.memory_space<vmem>>[vector<16xi32>, vector<16xi32>], vector<16xf32>,
      %slice3A_1249 = vector.extract_strided_slice %get3A_1058 {offsets = [10], sizes = [1], strides = [1]} : vector<16xi32> to vector<1xi32>
      %squeeze3A_1250 = vector.extract %slice3A_1249[0] : i32 from vector<1xi32>
      %shift_right_arithmetic3A_1251 = arith.constant 7 : i32
      %shift_right_arithmetic3A_1252 = arith.shrsi %squeeze3A_1250, %shift_right_arithmetic3A_1251 : i32
      %mul3A_1253 = arith.constant 128 : i32
      %mul3A_1254 = arith.muli %shift_right_arithmetic3A_1252, %mul3A_1253 : i32
      %multiple_of3A_1255 = tpu.assume_multiple %mul3A_1254, 128 : i32
      %dma_start3A_1256 = arith.constant 2 : i32
      %dma_start3A_1257 = arith.constant 2 : i32
      %dma_start3A_1258 = arith.constant 0 : i32
      %dma_start3A_1259 = arith.constant 0 : i32
      %dma_start3A_1260 = tpu.memref_slice %arg8[%dma_start3A_1256, %dma_start3A_1258, %dma_start3A_1259] : memref<8x64x128xf32, #tpu.memory_space<vmem>> -> memref<1x64x128xf32, #tpu.memory_space<vmem>>
      %dma_start3A_1261 = tpu.memref_squeeze %dma_start3A_1260 : memref<1x64x128xf32, #tpu.memory_space<vmem>> -> memref<64x128xf32, #tpu.memory_space<vmem>>
      %dma_start3A_1262 = arith.constant 0 : i32
      %dma_start3A_1263 = tpu.memref_slice %arg2[%dma_start3A_1262, %multiple_of3A_1255] : memref<64x1000001xf32, #tpu.memory_space<hbm>> -> memref<64x128xf32, #tpu.memory_space<hbm>>
      %dma_start3A_1264 = tpu.memref_slice %arg9[%dma_start3A_1257] : memref<8x!tpu.dma_semaphore, #tpu.memory_space<semaphore_mem>> -> memref<1x!tpu.dma_semaphore, #tpu.memory_space<semaphore_mem>>
      %dma_start3A_1265 = tpu.memref_squeeze %dma_start3A_1264 : memref<1x!tpu.dma_semaphore, #tpu.memory_space<semaphore_mem>> -> memref<!tpu.dma_semaphore, #tpu.memory_space<semaphore_mem>>
      %dma_start3A_1266 = arith.constant 0 : i32
      %dma_start3A_1267 = arith.constant 0 : i32
      %dma_start3A_1268 = tpu.memref_slice %arg8[%dma_start3A_1256, %dma_start3A_1266, %dma_start3A_1267] : memref<8x64x128xf32, #tpu.memory_space<vmem>> -> memref<1x64x128xf32, #tpu.memory_space<vmem>>
      %dma_start3A_1269 = tpu.memref_squeeze %dma_start3A_1268 : memref<1x64x128xf32, #tpu.memory_space<vmem>> -> memref<64x128xf32, #tpu.memory_space<vmem>>
      %dma_start3A_1270 = arith.constant 0 : i32
      %dma_start3A_1271 = tpu.memref_slice %arg2[%dma_start3A_1270, %multiple_of3A_1255] : memref<64x1000001xf32, #tpu.memory_space<hbm>> -> memref<64x128xf32, #tpu.memory_space<hbm>>
      tpu.enqueue_dma source(%dma_start3A_1271 : memref<64x128xf32, #tpu.memory_space<hbm>>) target(%dma_start3A_1269 : memref<64x128xf32, #tpu.memory_space<vmem>>) target_semaphore(%dma_start3A_1265 : memref<!tpu.dma_semaphore, #tpu.memory_space<semaphore_mem>>)
      %mul3A_1272 = arith.constant 16 : i32
      %mul3A_1273 = arith.muli %scan3A_1053, %mul3A_1272 : i32
      %add3A_1274 = arith.constant 3 : i32
      %add3A_1275 = arith.addi %mul3A_1273, %add3A_1274 : i32
      %dma_wait3A_1276 = arith.constant 3 : i32
      %dma_wait3A_1277 = arith.constant 3 : i32
      %dma_wait3A_1278 = arith.constant 0 : i32
      %dma_wait3A_1279 = arith.constant 0 : i32
      %dma_wait3A_1280 = tpu.memref_slice %arg8[%dma_wait3A_1276, %dma_wait3A_1278, %dma_wait3A_1279] : memref<8x64x128xf32, #tpu.memory_space<vmem>> -> memref<1x64x128xf32, #tpu.memory_space<vmem>>
      %dma_wait3A_1281 = tpu.memref_squeeze %dma_wait3A_1280 : memref<1x64x128xf32, #tpu.memory_space<vmem>> -> memref<64x128xf32, #tpu.memory_space<vmem>>
      %dma_wait3A_1282 = arith.constant 0 : i32
      %dma_wait3A_1283 = arith.constant 0 : i32
      %dma_wait3A_1284 = tpu.memref_slice %arg2[%dma_wait3A_1282, %dma_wait3A_1283] : memref<64x1000001xf32, #tpu.memory_space<hbm>> -> memref<64x128xf32, #tpu.memory_space<hbm>>
      %dma_wait3A_1285 = tpu.memref_slice %arg9[%dma_wait3A_1277] : memref<8x!tpu.dma_semaphore, #tpu.memory_space<semaphore_mem>> -> memref<1x!tpu.dma_semaphore, #tpu.memory_space<semaphore_mem>>
      %dma_wait3A_1286 = tpu.memref_squeeze %dma_wait3A_1285 : memref<1x!tpu.dma_semaphore, #tpu.memory_space<semaphore_mem>> -> memref<!tpu.dma_semaphore, #tpu.memory_space<semaphore_mem>>
      %dma_wait3A_1287 = arith.constant 0 : i32
      %dma_wait3A_1288 = arith.constant 0 : i32
      %dma_wait3A_1289 = tpu.memref_slice %arg8[%dma_wait3A_1276, %dma_wait3A_1287, %dma_wait3A_1288] : memref<8x64x128xf32, #tpu.memory_space<vmem>> -> memref<1x64x128xf32, #tpu.memory_space<vmem>>
      %dma_wait3A_1290 = tpu.memref_squeeze %dma_wait3A_1289 : memref<1x64x128xf32, #tpu.memory_space<vmem>> -> memref<64x128xf32, #tpu.memory_space<vmem>>
      %dma_wait3A_1291 = arith.constant 0 : i32
      %dma_wait3A_1292 = arith.constant 0 : i32
      %dma_wait3A_1293 = tpu.memref_slice %arg2[%dma_wait3A_1291, %dma_wait3A_1292] : memref<64x1000001xf32, #tpu.memory_space<hbm>> -> memref<64x128xf32, #tpu.memory_space<hbm>>
      tpu.wait_dma2 semaphore(%dma_wait3A_1286 : memref<!tpu.dma_semaphore, #tpu.memory_space<semaphore_mem>>) src(%dma_wait3A_1293 : memref<64x128xf32, #tpu.memory_space<hbm>>) dst(%dma_wait3A_1290 : memref<64x128xf32, #tpu.memory_space<vmem>>)
      %slice3A_1294 = vector.extract_strided_slice %and3A_1061 {offsets = [3], sizes = [1], strides = [1]} : vector<16xi32> to vector<1xi32>
      %squeeze3A_1295 = vector.extract %slice3A_1294[0] : i32 from vector<1xi32>
      %broadcast_in_dim3A_1296 = vector.broadcast %squeeze3A_1295 : i32 to vector<16xi32>
      %broadcast_in_dim3A_1297 = arith.constant 3 : i32
      %broadcast_in_dim3A_1298 = vector.broadcast %broadcast_in_dim3A_1297 : i32 to vector<16xi32>
      %broadcast_in_dim3A_1299 = vector.broadcast %add3A_1275 : i32 to vector<16xi32>
      %iota3A_1300 = tpu.iota {dimensions = array<i32: 0>} : vector<16xi32>
      %add3A_1301 = arith.constant 0 : i32
      %add3A_1302 = vector.broadcast %add3A_1301 : i32 to vector<16xi32>
      %add3A_1303 = arith.addi %iota3A_1300, %add3A_1302 : vector<16xi32>
      %gather3A_1304 = tpu.vector_load_idx %arg8[%broadcast_in_dim3A_1298, %add3A_1303, %broadcast_in_dim3A_1296] : memref<8x64x128xf32, #tpu.memory_space<vmem>>[vector<16xi32>, vector<16xi32>, vector<16xi32>], vector<16xf32>,
      tpu.vector_store_idx %arg7[%add3A_1303, %broadcast_in_dim3A_1299], %gather3A_1304 {add = true} : memref<64x128xf32, #tpu.memory_space<vmem>>[vector<16xi32>, vector<16xi32>], vector<16xf32>,
      %add3A_1305 = arith.constant 16 : i32
      %add3A_1306 = vector.broadcast %add3A_1305 : i32 to vector<16xi32>
      %add3A_1307 = arith.addi %iota3A_1300, %add3A_1306 : vector<16xi32>
      %gather3A_1308 = tpu.vector_load_idx %arg8[%broadcast_in_dim3A_1298, %add3A_1307, %broadcast_in_dim3A_1296] : memref<8x64x128xf32, #tpu.memory_space<vmem>>[vector<16xi32>, vector<16xi32>, vector<16xi32>], vector<16xf32>,
      tpu.vector_store_idx %arg7[%add3A_1307, %broadcast_in_dim3A_1299], %gather3A_1308 {add = true} : memref<64x128xf32, #tpu.memory_space<vmem>>[vector<16xi32>, vector<16xi32>], vector<16xf32>,
      %add3A_1309 = arith.constant 32 : i32
      %add3A_1310 = vector.broadcast %add3A_1309 : i32 to vector<16xi32>
      %add3A_1311 = arith.addi %iota3A_1300, %add3A_1310 : vector<16xi32>
      %gather3A_1312 = tpu.vector_load_idx %arg8[%broadcast_in_dim3A_1298, %add3A_1311, %broadcast_in_dim3A_1296] : memref<8x64x128xf32, #tpu.memory_space<vmem>>[vector<16xi32>, vector<16xi32>, vector<16xi32>], vector<16xf32>,
      tpu.vector_store_idx %arg7[%add3A_1311, %broadcast_in_dim3A_1299], %gather3A_1312 {add = true} : memref<64x128xf32, #tpu.memory_space<vmem>>[vector<16xi32>, vector<16xi32>], vector<16xf32>,
      %add3A_1313 = arith.constant 48 : i32
      %add3A_1314 = vector.broadcast %add3A_1313 : i32 to vector<16xi32>
      %add3A_1315 = arith.addi %iota3A_1300, %add3A_1314 : vector<16xi32>
      %gather3A_1316 = tpu.vector_load_idx %arg8[%broadcast_in_dim3A_1298, %add3A_1315, %broadcast_in_dim3A_1296] : memref<8x64x128xf32, #tpu.memory_space<vmem>>[vector<16xi32>, vector<16xi32>, vector<16xi32>], vector<16xf32>,
      tpu.vector_store_idx %arg7[%add3A_1315, %broadcast_in_dim3A_1299], %gather3A_1316 {add = true} : memref<64x128xf32, #tpu.memory_space<vmem>>[vector<16xi32>, vector<16xi32>], vector<16xf32>,
      %slice3A_1317 = vector.extract_strided_slice %get3A_1058 {offsets = [11], sizes = [1], strides = [1]} : vector<16xi32> to vector<1xi32>
      %squeeze3A_1318 = vector.extract %slice3A_1317[0] : i32 from vector<1xi32>
      %shift_right_arithmetic3A_1319 = arith.constant 7 : i32
      %shift_right_arithmetic3A_1320 = arith.shrsi %squeeze3A_1318, %shift_right_arithmetic3A_1319 : i32
      %mul3A_1321 = arith.constant 128 : i32
      %mul3A_1322 = arith.muli %shift_right_arithmetic3A_1320, %mul3A_1321 : i32
      %multiple_of3A_1323 = tpu.assume_multiple %mul3A_1322, 128 : i32
      %dma_start3A_1324 = arith.constant 3 : i32
      %dma_start3A_1325 = arith.constant 3 : i32
      %dma_start3A_1326 = arith.constant 0 : i32
      %dma_start3A_1327 = arith.constant 0 : i32
      %dma_start3A_1328 = tpu.memref_slice %arg8[%dma_start3A_1324, %dma_start3A_1326, %dma_start3A_1327] : memref<8x64x128xf32, #tpu.memory_space<vmem>> -> memref<1x64x128xf32, #tpu.memory_space<vmem>>
      %dma_start3A_1329 = tpu.memref_squeeze %dma_start3A_1328 : memref<1x64x128xf32, #tpu.memory_space<vmem>> -> memref<64x128xf32, #tpu.memory_space<vmem>>
      %dma_start3A_1330 = arith.constant 0 : i32
      %dma_start3A_1331 = tpu.memref_slice %arg2[%dma_start3A_1330, %multiple_of3A_1323] : memref<64x1000001xf32, #tpu.memory_space<hbm>> -> memref<64x128xf32, #tpu.memory_space<hbm>>
      %dma_start3A_1332 = tpu.memref_slice %arg9[%dma_start3A_1325] : memref<8x!tpu.dma_semaphore, #tpu.memory_space<semaphore_mem>> -> memref<1x!tpu.dma_semaphore, #tpu.memory_space<semaphore_mem>>
      %dma_start3A_1333 = tpu.memref_squeeze %dma_start3A_1332 : memref<1x!tpu.dma_semaphore, #tpu.memory_space<semaphore_mem>> -> memref<!tpu.dma_semaphore, #tpu.memory_space<semaphore_mem>>
      %dma_start3A_1334 = arith.constant 0 : i32
      %dma_start3A_1335 = arith.constant 0 : i32
      %dma_start3A_1336 = tpu.memref_slice %arg8[%dma_start3A_1324, %dma_start3A_1334, %dma_start3A_1335] : memref<8x64x128xf32, #tpu.memory_space<vmem>> -> memref<1x64x128xf32, #tpu.memory_space<vmem>>
      %dma_start3A_1337 = tpu.memref_squeeze %dma_start3A_1336 : memref<1x64x128xf32, #tpu.memory_space<vmem>> -> memref<64x128xf32, #tpu.memory_space<vmem>>
      %dma_start3A_1338 = arith.constant 0 : i32
      %dma_start3A_1339 = tpu.memref_slice %arg2[%dma_start3A_1338, %multiple_of3A_1323] : memref<64x1000001xf32, #tpu.memory_space<hbm>> -> memref<64x128xf32, #tpu.memory_space<hbm>>
      tpu.enqueue_dma source(%dma_start3A_1339 : memref<64x128xf32, #tpu.memory_space<hbm>>) target(%dma_start3A_1337 : memref<64x128xf32, #tpu.memory_space<vmem>>) target_semaphore(%dma_start3A_1333 : memref<!tpu.dma_semaphore, #tpu.memory_space<semaphore_mem>>)
      %mul3A_1340 = arith.constant 16 : i32
      %mul3A_1341 = arith.muli %scan3A_1053, %mul3A_1340 : i32
      %add3A_1342 = arith.constant 4 : i32
      %add3A_1343 = arith.addi %mul3A_1341, %add3A_1342 : i32
      %dma_wait3A_1344 = arith.constant 4 : i32
      %dma_wait3A_1345 = arith.constant 4 : i32
      %dma_wait3A_1346 = arith.constant 0 : i32
      %dma_wait3A_1347 = arith.constant 0 : i32
      %dma_wait3A_1348 = tpu.memref_slice %arg8[%dma_wait3A_1344, %dma_wait3A_1346, %dma_wait3A_1347] : memref<8x64x128xf32, #tpu.memory_space<vmem>> -> memref<1x64x128xf32, #tpu.memory_space<vmem>>
      %dma_wait3A_1349 = tpu.memref_squeeze %dma_wait3A_1348 : memref<1x64x128xf32, #tpu.memory_space<vmem>> -> memref<64x128xf32, #tpu.memory_space<vmem>>
      %dma_wait3A_1350 = arith.constant 0 : i32
      %dma_wait3A_1351 = arith.constant 0 : i32
      %dma_wait3A_1352 = tpu.memref_slice %arg2[%dma_wait3A_1350, %dma_wait3A_1351] : memref<64x1000001xf32, #tpu.memory_space<hbm>> -> memref<64x128xf32, #tpu.memory_space<hbm>>
      %dma_wait3A_1353 = tpu.memref_slice %arg9[%dma_wait3A_1345] : memref<8x!tpu.dma_semaphore, #tpu.memory_space<semaphore_mem>> -> memref<1x!tpu.dma_semaphore, #tpu.memory_space<semaphore_mem>>
      %dma_wait3A_1354 = tpu.memref_squeeze %dma_wait3A_1353 : memref<1x!tpu.dma_semaphore, #tpu.memory_space<semaphore_mem>> -> memref<!tpu.dma_semaphore, #tpu.memory_space<semaphore_mem>>
      %dma_wait3A_1355 = arith.constant 0 : i32
      %dma_wait3A_1356 = arith.constant 0 : i32
      %dma_wait3A_1357 = tpu.memref_slice %arg8[%dma_wait3A_1344, %dma_wait3A_1355, %dma_wait3A_1356] : memref<8x64x128xf32, #tpu.memory_space<vmem>> -> memref<1x64x128xf32, #tpu.memory_space<vmem>>
      %dma_wait3A_1358 = tpu.memref_squeeze %dma_wait3A_1357 : memref<1x64x128xf32, #tpu.memory_space<vmem>> -> memref<64x128xf32, #tpu.memory_space<vmem>>
      %dma_wait3A_1359 = arith.constant 0 : i32
      %dma_wait3A_1360 = arith.constant 0 : i32
      %dma_wait3A_1361 = tpu.memref_slice %arg2[%dma_wait3A_1359, %dma_wait3A_1360] : memref<64x1000001xf32, #tpu.memory_space<hbm>> -> memref<64x128xf32, #tpu.memory_space<hbm>>
      tpu.wait_dma2 semaphore(%dma_wait3A_1354 : memref<!tpu.dma_semaphore, #tpu.memory_space<semaphore_mem>>) src(%dma_wait3A_1361 : memref<64x128xf32, #tpu.memory_space<hbm>>) dst(%dma_wait3A_1358 : memref<64x128xf32, #tpu.memory_space<vmem>>)
      %slice3A_1362 = vector.extract_strided_slice %and3A_1061 {offsets = [4], sizes = [1], strides = [1]} : vector<16xi32> to vector<1xi32>
      %squeeze3A_1363 = vector.extract %slice3A_1362[0] : i32 from vector<1xi32>
      %broadcast_in_dim3A_1364 = vector.broadcast %squeeze3A_1363 : i32 to vector<16xi32>
      %broadcast_in_dim3A_1365 = arith.constant 4 : i32
      %broadcast_in_dim3A_1366 = vector.broadcast %broadcast_in_dim3A_1365 : i32 to vector<16xi32>
      %broadcast_in_dim3A_1367 = vector.broadcast %add3A_1343 : i32 to vector<16xi32>
      %iota3A_1368 = tpu.iota {dimensions = array<i32: 0>} : vector<16xi32>
      %add3A_1369 = arith.constant 0 : i32
      %add3A_1370 = vector.broadcast %add3A_1369 : i32 to vector<16xi32>
      %add3A_1371 = arith.addi %iota3A_1368, %add3A_1370 : vector<16xi32>
      %gather3A_1372 = tpu.vector_load_idx %arg8[%broadcast_in_dim3A_1366, %add3A_1371, %broadcast_in_dim3A_1364] : memref<8x64x128xf32, #tpu.memory_space<vmem>>[vector<16xi32>, vector<16xi32>, vector<16xi32>], vector<16xf32>,
      tpu.vector_store_idx %arg7[%add3A_1371, %broadcast_in_dim3A_1367], %gather3A_1372 {add = true} : memref<64x128xf32, #tpu.memory_space<vmem>>[vector<16xi32>, vector<16xi32>], vector<16xf32>,
      %add3A_1373 = arith.constant 16 : i32
      %add3A_1374 = vector.broadcast %add3A_1373 : i32 to vector<16xi32>
      %add3A_1375 = arith.addi %iota3A_1368, %add3A_1374 : vector<16xi32>
      %gather3A_1376 = tpu.vector_load_idx %arg8[%broadcast_in_dim3A_1366, %add3A_1375, %broadcast_in_dim3A_1364] : memref<8x64x128xf32, #tpu.memory_space<vmem>>[vector<16xi32>, vector<16xi32>, vector<16xi32>], vector<16xf32>,
      tpu.vector_store_idx %arg7[%add3A_1375, %broadcast_in_dim3A_1367], %gather3A_1376 {add = true} : memref<64x128xf32, #tpu.memory_space<vmem>>[vector<16xi32>, vector<16xi32>], vector<16xf32>,
      %add3A_1377 = arith.constant 32 : i32
      %add3A_1378 = vector.broadcast %add3A_1377 : i32 to vector<16xi32>
      %add3A_1379 = arith.addi %iota3A_1368, %add3A_1378 : vector<16xi32>
      %gather3A_1380 = tpu.vector_load_idx %arg8[%broadcast_in_dim3A_1366, %add3A_1379, %broadcast_in_dim3A_1364] : memref<8x64x128xf32, #tpu.memory_space<vmem>>[vector<16xi32>, vector<16xi32>, vector<16xi32>], vector<16xf32>,
      tpu.vector_store_idx %arg7[%add3A_1379, %broadcast_in_dim3A_1367], %gather3A_1380 {add = true} : memref<64x128xf32, #tpu.memory_space<vmem>>[vector<16xi32>, vector<16xi32>], vector<16xf32>,
      %add3A_1381 = arith.constant 48 : i32
      %add3A_1382 = vector.broadcast %add3A_1381 : i32 to vector<16xi32>
      %add3A_1383 = arith.addi %iota3A_1368, %add3A_1382 : vector<16xi32>
      %gather3A_1384 = tpu.vector_load_idx %arg8[%broadcast_in_dim3A_1366, %add3A_1383, %broadcast_in_dim3A_1364] : memref<8x64x128xf32, #tpu.memory_space<vmem>>[vector<16xi32>, vector<16xi32>, vector<16xi32>], vector<16xf32>,
      tpu.vector_store_idx %arg7[%add3A_1383, %broadcast_in_dim3A_1367], %gather3A_1384 {add = true} : memref<64x128xf32, #tpu.memory_space<vmem>>[vector<16xi32>, vector<16xi32>], vector<16xf32>,
      %slice3A_1385 = vector.extract_strided_slice %get3A_1058 {offsets = [12], sizes = [1], strides = [1]} : vector<16xi32> to vector<1xi32>
      %squeeze3A_1386 = vector.extract %slice3A_1385[0] : i32 from vector<1xi32>
      %shift_right_arithmetic3A_1387 = arith.constant 7 : i32
      %shift_right_arithmetic3A_1388 = arith.shrsi %squeeze3A_1386, %shift_right_arithmetic3A_1387 : i32
      %mul3A_1389 = arith.constant 128 : i32
      %mul3A_1390 = arith.muli %shift_right_arithmetic3A_1388, %mul3A_1389 : i32
      %multiple_of3A_1391 = tpu.assume_multiple %mul3A_1390, 128 : i32
      %dma_start3A_1392 = arith.constant 4 : i32
      %dma_start3A_1393 = arith.constant 4 : i32
      %dma_start3A_1394 = arith.constant 0 : i32
      %dma_start3A_1395 = arith.constant 0 : i32
      %dma_start3A_1396 = tpu.memref_slice %arg8[%dma_start3A_1392, %dma_start3A_1394, %dma_start3A_1395] : memref<8x64x128xf32, #tpu.memory_space<vmem>> -> memref<1x64x128xf32, #tpu.memory_space<vmem>>
      %dma_start3A_1397 = tpu.memref_squeeze %dma_start3A_1396 : memref<1x64x128xf32, #tpu.memory_space<vmem>> -> memref<64x128xf32, #tpu.memory_space<vmem>>
      %dma_start3A_1398 = arith.constant 0 : i32
      %dma_start3A_1399 = tpu.memref_slice %arg2[%dma_start3A_1398, %multiple_of3A_1391] : memref<64x1000001xf32, #tpu.memory_space<hbm>> -> memref<64x128xf32, #tpu.memory_space<hbm>>
      %dma_start3A_1400 = tpu.memref_slice %arg9[%dma_start3A_1393] : memref<8x!tpu.dma_semaphore, #tpu.memory_space<semaphore_mem>> -> memref<1x!tpu.dma_semaphore, #tpu.memory_space<semaphore_mem>>
      %dma_start3A_1401 = tpu.memref_squeeze %dma_start3A_1400 : memref<1x!tpu.dma_semaphore, #tpu.memory_space<semaphore_mem>> -> memref<!tpu.dma_semaphore, #tpu.memory_space<semaphore_mem>>
      %dma_start3A_1402 = arith.constant 0 : i32
      %dma_start3A_1403 = arith.constant 0 : i32
      %dma_start3A_1404 = tpu.memref_slice %arg8[%dma_start3A_1392, %dma_start3A_1402, %dma_start3A_1403] : memref<8x64x128xf32, #tpu.memory_space<vmem>> -> memref<1x64x128xf32, #tpu.memory_space<vmem>>
      %dma_start3A_1405 = tpu.memref_squeeze %dma_start3A_1404 : memref<1x64x128xf32, #tpu.memory_space<vmem>> -> memref<64x128xf32, #tpu.memory_space<vmem>>
      %dma_start3A_1406 = arith.constant 0 : i32
      %dma_start3A_1407 = tpu.memref_slice %arg2[%dma_start3A_1406, %multiple_of3A_1391] : memref<64x1000001xf32, #tpu.memory_space<hbm>> -> memref<64x128xf32, #tpu.memory_space<hbm>>
      tpu.enqueue_dma source(%dma_start3A_1407 : memref<64x128xf32, #tpu.memory_space<hbm>>) target(%dma_start3A_1405 : memref<64x128xf32, #tpu.memory_space<vmem>>) target_semaphore(%dma_start3A_1401 : memref<!tpu.dma_semaphore, #tpu.memory_space<semaphore_mem>>)
      %mul3A_1408 = arith.constant 16 : i32
      %mul3A_1409 = arith.muli %scan3A_1053, %mul3A_1408 : i32
      %add3A_1410 = arith.constant 5 : i32
      %add3A_1411 = arith.addi %mul3A_1409, %add3A_1410 : i32
      %dma_wait3A_1412 = arith.constant 5 : i32
      %dma_wait3A_1413 = arith.constant 5 : i32
      %dma_wait3A_1414 = arith.constant 0 : i32
      %dma_wait3A_1415 = arith.constant 0 : i32
      %dma_wait3A_1416 = tpu.memref_slice %arg8[%dma_wait3A_1412, %dma_wait3A_1414, %dma_wait3A_1415] : memref<8x64x128xf32, #tpu.memory_space<vmem>> -> memref<1x64x128xf32, #tpu.memory_space<vmem>>
      %dma_wait3A_1417 = tpu.memref_squeeze %dma_wait3A_1416 : memref<1x64x128xf32, #tpu.memory_space<vmem>> -> memref<64x128xf32, #tpu.memory_space<vmem>>
      %dma_wait3A_1418 = arith.constant 0 : i32
      %dma_wait3A_1419 = arith.constant 0 : i32
      %dma_wait3A_1420 = tpu.memref_slice %arg2[%dma_wait3A_1418, %dma_wait3A_1419] : memref<64x1000001xf32, #tpu.memory_space<hbm>> -> memref<64x128xf32, #tpu.memory_space<hbm>>
      %dma_wait3A_1421 = tpu.memref_slice %arg9[%dma_wait3A_1413] : memref<8x!tpu.dma_semaphore, #tpu.memory_space<semaphore_mem>> -> memref<1x!tpu.dma_semaphore, #tpu.memory_space<semaphore_mem>>
      %dma_wait3A_1422 = tpu.memref_squeeze %dma_wait3A_1421 : memref<1x!tpu.dma_semaphore, #tpu.memory_space<semaphore_mem>> -> memref<!tpu.dma_semaphore, #tpu.memory_space<semaphore_mem>>
      %dma_wait3A_1423 = arith.constant 0 : i32
      %dma_wait3A_1424 = arith.constant 0 : i32
      %dma_wait3A_1425 = tpu.memref_slice %arg8[%dma_wait3A_1412, %dma_wait3A_1423, %dma_wait3A_1424] : memref<8x64x128xf32, #tpu.memory_space<vmem>> -> memref<1x64x128xf32, #tpu.memory_space<vmem>>
      %dma_wait3A_1426 = tpu.memref_squeeze %dma_wait3A_1425 : memref<1x64x128xf32, #tpu.memory_space<vmem>> -> memref<64x128xf32, #tpu.memory_space<vmem>>
      %dma_wait3A_1427 = arith.constant 0 : i32
      %dma_wait3A_1428 = arith.constant 0 : i32
      %dma_wait3A_1429 = tpu.memref_slice %arg2[%dma_wait3A_1427, %dma_wait3A_1428] : memref<64x1000001xf32, #tpu.memory_space<hbm>> -> memref<64x128xf32, #tpu.memory_space<hbm>>
      tpu.wait_dma2 semaphore(%dma_wait3A_1422 : memref<!tpu.dma_semaphore, #tpu.memory_space<semaphore_mem>>) src(%dma_wait3A_1429 : memref<64x128xf32, #tpu.memory_space<hbm>>) dst(%dma_wait3A_1426 : memref<64x128xf32, #tpu.memory_space<vmem>>)
      %slice3A_1430 = vector.extract_strided_slice %and3A_1061 {offsets = [5], sizes = [1], strides = [1]} : vector<16xi32> to vector<1xi32>
      %squeeze3A_1431 = vector.extract %slice3A_1430[0] : i32 from vector<1xi32>
      %broadcast_in_dim3A_1432 = vector.broadcast %squeeze3A_1431 : i32 to vector<16xi32>
      %broadcast_in_dim3A_1433 = arith.constant 5 : i32
      %broadcast_in_dim3A_1434 = vector.broadcast %broadcast_in_dim3A_1433 : i32 to vector<16xi32>
      %broadcast_in_dim3A_1435 = vector.broadcast %add3A_1411 : i32 to vector<16xi32>
      %iota3A_1436 = tpu.iota {dimensions = array<i32: 0>} : vector<16xi32>
      %add3A_1437 = arith.constant 0 : i32
      %add3A_1438 = vector.broadcast %add3A_1437 : i32 to vector<16xi32>
      %add3A_1439 = arith.addi %iota3A_1436, %add3A_1438 : vector<16xi32>
      %gather3A_1440 = tpu.vector_load_idx %arg8[%broadcast_in_dim3A_1434, %add3A_1439, %broadcast_in_dim3A_1432] : memref<8x64x128xf32, #tpu.memory_space<vmem>>[vector<16xi32>, vector<16xi32>, vector<16xi32>], vector<16xf32>,
      tpu.vector_store_idx %arg7[%add3A_1439, %broadcast_in_dim3A_1435], %gather3A_1440 {add = true} : memref<64x128xf32, #tpu.memory_space<vmem>>[vector<16xi32>, vector<16xi32>], vector<16xf32>,
      %add3A_1441 = arith.constant 16 : i32
      %add3A_1442 = vector.broadcast %add3A_1441 : i32 to vector<16xi32>
      %add3A_1443 = arith.addi %iota3A_1436, %add3A_1442 : vector<16xi32>
      %gather3A_1444 = tpu.vector_load_idx %arg8[%broadcast_in_dim3A_1434, %add3A_1443, %broadcast_in_dim3A_1432] : memref<8x64x128xf32, #tpu.memory_space<vmem>>[vector<16xi32>, vector<16xi32>, vector<16xi32>], vector<16xf32>,
      tpu.vector_store_idx %arg7[%add3A_1443, %broadcast_in_dim3A_1435], %gather3A_1444 {add = true} : memref<64x128xf32, #tpu.memory_space<vmem>>[vector<16xi32>, vector<16xi32>], vector<16xf32>,
      %add3A_1445 = arith.constant 32 : i32
      %add3A_1446 = vector.broadcast %add3A_1445 : i32 to vector<16xi32>
      %add3A_1447 = arith.addi %iota3A_1436, %add3A_1446 : vector<16xi32>
      %gather3A_1448 = tpu.vector_load_idx %arg8[%broadcast_in_dim3A_1434, %add3A_1447, %broadcast_in_dim3A_1432] : memref<8x64x128xf32, #tpu.memory_space<vmem>>[vector<16xi32>, vector<16xi32>, vector<16xi32>], vector<16xf32>,
      tpu.vector_store_idx %arg7[%add3A_1447, %broadcast_in_dim3A_1435], %gather3A_1448 {add = true} : memref<64x128xf32, #tpu.memory_space<vmem>>[vector<16xi32>, vector<16xi32>], vector<16xf32>,
      %add3A_1449 = arith.constant 48 : i32
      %add3A_1450 = vector.broadcast %add3A_1449 : i32 to vector<16xi32>
      %add3A_1451 = arith.addi %iota3A_1436, %add3A_1450 : vector<16xi32>
      %gather3A_1452 = tpu.vector_load_idx %arg8[%broadcast_in_dim3A_1434, %add3A_1451, %broadcast_in_dim3A_1432] : memref<8x64x128xf32, #tpu.memory_space<vmem>>[vector<16xi32>, vector<16xi32>, vector<16xi32>], vector<16xf32>,
      tpu.vector_store_idx %arg7[%add3A_1451, %broadcast_in_dim3A_1435], %gather3A_1452 {add = true} : memref<64x128xf32, #tpu.memory_space<vmem>>[vector<16xi32>, vector<16xi32>], vector<16xf32>,
      %slice3A_1453 = vector.extract_strided_slice %get3A_1058 {offsets = [13], sizes = [1], strides = [1]} : vector<16xi32> to vector<1xi32>
      %squeeze3A_1454 = vector.extract %slice3A_1453[0] : i32 from vector<1xi32>
      %shift_right_arithmetic3A_1455 = arith.constant 7 : i32
      %shift_right_arithmetic3A_1456 = arith.shrsi %squeeze3A_1454, %shift_right_arithmetic3A_1455 : i32
      %mul3A_1457 = arith.constant 128 : i32
      %mul3A_1458 = arith.muli %shift_right_arithmetic3A_1456, %mul3A_1457 : i32
      %multiple_of3A_1459 = tpu.assume_multiple %mul3A_1458, 128 : i32
      %dma_start3A_1460 = arith.constant 5 : i32
      %dma_start3A_1461 = arith.constant 5 : i32
      %dma_start3A_1462 = arith.constant 0 : i32
      %dma_start3A_1463 = arith.constant 0 : i32
      %dma_start3A_1464 = tpu.memref_slice %arg8[%dma_start3A_1460, %dma_start3A_1462, %dma_start3A_1463] : memref<8x64x128xf32, #tpu.memory_space<vmem>> -> memref<1x64x128xf32, #tpu.memory_space<vmem>>
      %dma_start3A_1465 = tpu.memref_squeeze %dma_start3A_1464 : memref<1x64x128xf32, #tpu.memory_space<vmem>> -> memref<64x128xf32, #tpu.memory_space<vmem>>
      %dma_start3A_1466 = arith.constant 0 : i32
      %dma_start3A_1467 = tpu.memref_slice %arg2[%dma_start3A_1466, %multiple_of3A_1459] : memref<64x1000001xf32, #tpu.memory_space<hbm>> -> memref<64x128xf32, #tpu.memory_space<hbm>>
      %dma_start3A_1468 = tpu.memref_slice %arg9[%dma_start3A_1461] : memref<8x!tpu.dma_semaphore, #tpu.memory_space<semaphore_mem>> -> memref<1x!tpu.dma_semaphore, #tpu.memory_space<semaphore_mem>>
      %dma_start3A_1469 = tpu.memref_squeeze %dma_start3A_1468 : memref<1x!tpu.dma_semaphore, #tpu.memory_space<semaphore_mem>> -> memref<!tpu.dma_semaphore, #tpu.memory_space<semaphore_mem>>
      %dma_start3A_1470 = arith.constant 0 : i32
      %dma_start3A_1471 = arith.constant 0 : i32
      %dma_start3A_1472 = tpu.memref_slice %arg8[%dma_start3A_1460, %dma_start3A_1470, %dma_start3A_1471] : memref<8x64x128xf32, #tpu.memory_space<vmem>> -> memref<1x64x128xf32, #tpu.memory_space<vmem>>
      %dma_start3A_1473 = tpu.memref_squeeze %dma_start3A_1472 : memref<1x64x128xf32, #tpu.memory_space<vmem>> -> memref<64x128xf32, #tpu.memory_space<vmem>>
      %dma_start3A_1474 = arith.constant 0 : i32
      %dma_start3A_1475 = tpu.memref_slice %arg2[%dma_start3A_1474, %multiple_of3A_1459] : memref<64x1000001xf32, #tpu.memory_space<hbm>> -> memref<64x128xf32, #tpu.memory_space<hbm>>
      tpu.enqueue_dma source(%dma_start3A_1475 : memref<64x128xf32, #tpu.memory_space<hbm>>) target(%dma_start3A_1473 : memref<64x128xf32, #tpu.memory_space<vmem>>) target_semaphore(%dma_start3A_1469 : memref<!tpu.dma_semaphore, #tpu.memory_space<semaphore_mem>>)
      %mul3A_1476 = arith.constant 16 : i32
      %mul3A_1477 = arith.muli %scan3A_1053, %mul3A_1476 : i32
      %add3A_1478 = arith.constant 6 : i32
      %add3A_1479 = arith.addi %mul3A_1477, %add3A_1478 : i32
      %dma_wait3A_1480 = arith.constant 6 : i32
      %dma_wait3A_1481 = arith.constant 6 : i32
      %dma_wait3A_1482 = arith.constant 0 : i32
      %dma_wait3A_1483 = arith.constant 0 : i32
      %dma_wait3A_1484 = tpu.memref_slice %arg8[%dma_wait3A_1480, %dma_wait3A_1482, %dma_wait3A_1483] : memref<8x64x128xf32, #tpu.memory_space<vmem>> -> memref<1x64x128xf32, #tpu.memory_space<vmem>>
      %dma_wait3A_1485 = tpu.memref_squeeze %dma_wait3A_1484 : memref<1x64x128xf32, #tpu.memory_space<vmem>> -> memref<64x128xf32, #tpu.memory_space<vmem>>
      %dma_wait3A_1486 = arith.constant 0 : i32
      %dma_wait3A_1487 = arith.constant 0 : i32
      %dma_wait3A_1488 = tpu.memref_slice %arg2[%dma_wait3A_1486, %dma_wait3A_1487] : memref<64x1000001xf32, #tpu.memory_space<hbm>> -> memref<64x128xf32, #tpu.memory_space<hbm>>
      %dma_wait3A_1489 = tpu.memref_slice %arg9[%dma_wait3A_1481] : memref<8x!tpu.dma_semaphore, #tpu.memory_space<semaphore_mem>> -> memref<1x!tpu.dma_semaphore, #tpu.memory_space<semaphore_mem>>
      %dma_wait3A_1490 = tpu.memref_squeeze %dma_wait3A_1489 : memref<1x!tpu.dma_semaphore, #tpu.memory_space<semaphore_mem>> -> memref<!tpu.dma_semaphore, #tpu.memory_space<semaphore_mem>>
      %dma_wait3A_1491 = arith.constant 0 : i32
      %dma_wait3A_1492 = arith.constant 0 : i32
      %dma_wait3A_1493 = tpu.memref_slice %arg8[%dma_wait3A_1480, %dma_wait3A_1491, %dma_wait3A_1492] : memref<8x64x128xf32, #tpu.memory_space<vmem>> -> memref<1x64x128xf32, #tpu.memory_space<vmem>>
      %dma_wait3A_1494 = tpu.memref_squeeze %dma_wait3A_1493 : memref<1x64x128xf32, #tpu.memory_space<vmem>> -> memref<64x128xf32, #tpu.memory_space<vmem>>
      %dma_wait3A_1495 = arith.constant 0 : i32
      %dma_wait3A_1496 = arith.constant 0 : i32
      %dma_wait3A_1497 = tpu.memref_slice %arg2[%dma_wait3A_1495, %dma_wait3A_1496] : memref<64x1000001xf32, #tpu.memory_space<hbm>> -> memref<64x128xf32, #tpu.memory_space<hbm>>
      tpu.wait_dma2 semaphore(%dma_wait3A_1490 : memref<!tpu.dma_semaphore, #tpu.memory_space<semaphore_mem>>) src(%dma_wait3A_1497 : memref<64x128xf32, #tpu.memory_space<hbm>>) dst(%dma_wait3A_1494 : memref<64x128xf32, #tpu.memory_space<vmem>>)
      %slice3A_1498 = vector.extract_strided_slice %and3A_1061 {offsets = [6], sizes = [1], strides = [1]} : vector<16xi32> to vector<1xi32>
      %squeeze3A_1499 = vector.extract %slice3A_1498[0] : i32 from vector<1xi32>
      %broadcast_in_dim3A_1500 = vector.broadcast %squeeze3A_1499 : i32 to vector<16xi32>
      %broadcast_in_dim3A_1501 = arith.constant 6 : i32
      %broadcast_in_dim3A_1502 = vector.broadcast %broadcast_in_dim3A_1501 : i32 to vector<16xi32>
      %broadcast_in_dim3A_1503 = vector.broadcast %add3A_1479 : i32 to vector<16xi32>
      %iota3A_1504 = tpu.iota {dimensions = array<i32: 0>} : vector<16xi32>
      %add3A_1505 = arith.constant 0 : i32
      %add3A_1506 = vector.broadcast %add3A_1505 : i32 to vector<16xi32>
      %add3A_1507 = arith.addi %iota3A_1504, %add3A_1506 : vector<16xi32>
      %gather3A_1508 = tpu.vector_load_idx %arg8[%broadcast_in_dim3A_1502, %add3A_1507, %broadcast_in_dim3A_1500] : memref<8x64x128xf32, #tpu.memory_space<vmem>>[vector<16xi32>, vector<16xi32>, vector<16xi32>], vector<16xf32>,
      tpu.vector_store_idx %arg7[%add3A_1507, %broadcast_in_dim3A_1503], %gather3A_1508 {add = true} : memref<64x128xf32, #tpu.memory_space<vmem>>[vector<16xi32>, vector<16xi32>], vector<16xf32>,
      %add3A_1509 = arith.constant 16 : i32
      %add3A_1510 = vector.broadcast %add3A_1509 : i32 to vector<16xi32>
      %add3A_1511 = arith.addi %iota3A_1504, %add3A_1510 : vector<16xi32>
      %gather3A_1512 = tpu.vector_load_idx %arg8[%broadcast_in_dim3A_1502, %add3A_1511, %broadcast_in_dim3A_1500] : memref<8x64x128xf32, #tpu.memory_space<vmem>>[vector<16xi32>, vector<16xi32>, vector<16xi32>], vector<16xf32>,
      tpu.vector_store_idx %arg7[%add3A_1511, %broadcast_in_dim3A_1503], %gather3A_1512 {add = true} : memref<64x128xf32, #tpu.memory_space<vmem>>[vector<16xi32>, vector<16xi32>], vector<16xf32>,
      %add3A_1513 = arith.constant 32 : i32
      %add3A_1514 = vector.broadcast %add3A_1513 : i32 to vector<16xi32>
      %add3A_1515 = arith.addi %iota3A_1504, %add3A_1514 : vector<16xi32>
      %gather3A_1516 = tpu.vector_load_idx %arg8[%broadcast_in_dim3A_1502, %add3A_1515, %broadcast_in_dim3A_1500] : memref<8x64x128xf32, #tpu.memory_space<vmem>>[vector<16xi32>, vector<16xi32>, vector<16xi32>], vector<16xf32>,
      tpu.vector_store_idx %arg7[%add3A_1515, %broadcast_in_dim3A_1503], %gather3A_1516 {add = true} : memref<64x128xf32, #tpu.memory_space<vmem>>[vector<16xi32>, vector<16xi32>], vector<16xf32>,
      %add3A_1517 = arith.constant 48 : i32
      %add3A_1518 = vector.broadcast %add3A_1517 : i32 to vector<16xi32>
      %add3A_1519 = arith.addi %iota3A_1504, %add3A_1518 : vector<16xi32>
      %gather3A_1520 = tpu.vector_load_idx %arg8[%broadcast_in_dim3A_1502, %add3A_1519, %broadcast_in_dim3A_1500] : memref<8x64x128xf32, #tpu.memory_space<vmem>>[vector<16xi32>, vector<16xi32>, vector<16xi32>], vector<16xf32>,
      tpu.vector_store_idx %arg7[%add3A_1519, %broadcast_in_dim3A_1503], %gather3A_1520 {add = true} : memref<64x128xf32, #tpu.memory_space<vmem>>[vector<16xi32>, vector<16xi32>], vector<16xf32>,
      %slice3A_1521 = vector.extract_strided_slice %get3A_1058 {offsets = [14], sizes = [1], strides = [1]} : vector<16xi32> to vector<1xi32>
      %squeeze3A_1522 = vector.extract %slice3A_1521[0] : i32 from vector<1xi32>
      %shift_right_arithmetic3A_1523 = arith.constant 7 : i32
      %shift_right_arithmetic3A_1524 = arith.shrsi %squeeze3A_1522, %shift_right_arithmetic3A_1523 : i32
      %mul3A_1525 = arith.constant 128 : i32
      %mul3A_1526 = arith.muli %shift_right_arithmetic3A_1524, %mul3A_1525 : i32
      %multiple_of3A_1527 = tpu.assume_multiple %mul3A_1526, 128 : i32
      %dma_start3A_1528 = arith.constant 6 : i32
      %dma_start3A_1529 = arith.constant 6 : i32
      %dma_start3A_1530 = arith.constant 0 : i32
      %dma_start3A_1531 = arith.constant 0 : i32
      %dma_start3A_1532 = tpu.memref_slice %arg8[%dma_start3A_1528, %dma_start3A_1530, %dma_start3A_1531] : memref<8x64x128xf32, #tpu.memory_space<vmem>> -> memref<1x64x128xf32, #tpu.memory_space<vmem>>
      %dma_start3A_1533 = tpu.memref_squeeze %dma_start3A_1532 : memref<1x64x128xf32, #tpu.memory_space<vmem>> -> memref<64x128xf32, #tpu.memory_space<vmem>>
      %dma_start3A_1534 = arith.constant 0 : i32
      %dma_start3A_1535 = tpu.memref_slice %arg2[%dma_start3A_1534, %multiple_of3A_1527] : memref<64x1000001xf32, #tpu.memory_space<hbm>> -> memref<64x128xf32, #tpu.memory_space<hbm>>
      %dma_start3A_1536 = tpu.memref_slice %arg9[%dma_start3A_1529] : memref<8x!tpu.dma_semaphore, #tpu.memory_space<semaphore_mem>> -> memref<1x!tpu.dma_semaphore, #tpu.memory_space<semaphore_mem>>
      %dma_start3A_1537 = tpu.memref_squeeze %dma_start3A_1536 : memref<1x!tpu.dma_semaphore, #tpu.memory_space<semaphore_mem>> -> memref<!tpu.dma_semaphore, #tpu.memory_space<semaphore_mem>>
      %dma_start3A_1538 = arith.constant 0 : i32
      %dma_start3A_1539 = arith.constant 0 : i32
      %dma_start3A_1540 = tpu.memref_slice %arg8[%dma_start3A_1528, %dma_start3A_1538, %dma_start3A_1539] : memref<8x64x128xf32, #tpu.memory_space<vmem>> -> memref<1x64x128xf32, #tpu.memory_space<vmem>>
      %dma_start3A_1541 = tpu.memref_squeeze %dma_start3A_1540 : memref<1x64x128xf32, #tpu.memory_space<vmem>> -> memref<64x128xf32, #tpu.memory_space<vmem>>
      %dma_start3A_1542 = arith.constant 0 : i32
      %dma_start3A_1543 = tpu.memref_slice %arg2[%dma_start3A_1542, %multiple_of3A_1527] : memref<64x1000001xf32, #tpu.memory_space<hbm>> -> memref<64x128xf32, #tpu.memory_space<hbm>>
      tpu.enqueue_dma source(%dma_start3A_1543 : memref<64x128xf32, #tpu.memory_space<hbm>>) target(%dma_start3A_1541 : memref<64x128xf32, #tpu.memory_space<vmem>>) target_semaphore(%dma_start3A_1537 : memref<!tpu.dma_semaphore, #tpu.memory_space<semaphore_mem>>)
      %mul3A_1544 = arith.constant 16 : i32
      %mul3A_1545 = arith.muli %scan3A_1053, %mul3A_1544 : i32
      %add3A_1546 = arith.constant 7 : i32
      %add3A_1547 = arith.addi %mul3A_1545, %add3A_1546 : i32
      %dma_wait3A_1548 = arith.constant 7 : i32
      %dma_wait3A_1549 = arith.constant 7 : i32
      %dma_wait3A_1550 = arith.constant 0 : i32
      %dma_wait3A_1551 = arith.constant 0 : i32
      %dma_wait3A_1552 = tpu.memref_slice %arg8[%dma_wait3A_1548, %dma_wait3A_1550, %dma_wait3A_1551] : memref<8x64x128xf32, #tpu.memory_space<vmem>> -> memref<1x64x128xf32, #tpu.memory_space<vmem>>
      %dma_wait3A_1553 = tpu.memref_squeeze %dma_wait3A_1552 : memref<1x64x128xf32, #tpu.memory_space<vmem>> -> memref<64x128xf32, #tpu.memory_space<vmem>>
      %dma_wait3A_1554 = arith.constant 0 : i32
      %dma_wait3A_1555 = arith.constant 0 : i32
      %dma_wait3A_1556 = tpu.memref_slice %arg2[%dma_wait3A_1554, %dma_wait3A_1555] : memref<64x1000001xf32, #tpu.memory_space<hbm>> -> memref<64x128xf32, #tpu.memory_space<hbm>>
      %dma_wait3A_1557 = tpu.memref_slice %arg9[%dma_wait3A_1549] : memref<8x!tpu.dma_semaphore, #tpu.memory_space<semaphore_mem>> -> memref<1x!tpu.dma_semaphore, #tpu.memory_space<semaphore_mem>>
      %dma_wait3A_1558 = tpu.memref_squeeze %dma_wait3A_1557 : memref<1x!tpu.dma_semaphore, #tpu.memory_space<semaphore_mem>> -> memref<!tpu.dma_semaphore, #tpu.memory_space<semaphore_mem>>
      %dma_wait3A_1559 = arith.constant 0 : i32
      %dma_wait3A_1560 = arith.constant 0 : i32
      %dma_wait3A_1561 = tpu.memref_slice %arg8[%dma_wait3A_1548, %dma_wait3A_1559, %dma_wait3A_1560] : memref<8x64x128xf32, #tpu.memory_space<vmem>> -> memref<1x64x128xf32, #tpu.memory_space<vmem>>
      %dma_wait3A_1562 = tpu.memref_squeeze %dma_wait3A_1561 : memref<1x64x128xf32, #tpu.memory_space<vmem>> -> memref<64x128xf32, #tpu.memory_space<vmem>>
      %dma_wait3A_1563 = arith.constant 0 : i32
      %dma_wait3A_1564 = arith.constant 0 : i32
      %dma_wait3A_1565 = tpu.memref_slice %arg2[%dma_wait3A_1563, %dma_wait3A_1564] : memref<64x1000001xf32, #tpu.memory_space<hbm>> -> memref<64x128xf32, #tpu.memory_space<hbm>>
      tpu.wait_dma2 semaphore(%dma_wait3A_1558 : memref<!tpu.dma_semaphore, #tpu.memory_space<semaphore_mem>>) src(%dma_wait3A_1565 : memref<64x128xf32, #tpu.memory_space<hbm>>) dst(%dma_wait3A_1562 : memref<64x128xf32, #tpu.memory_space<vmem>>)
      %slice3A_1566 = vector.extract_strided_slice %and3A_1061 {offsets = [7], sizes = [1], strides = [1]} : vector<16xi32> to vector<1xi32>
      %squeeze3A_1567 = vector.extract %slice3A_1566[0] : i32 from vector<1xi32>
      %broadcast_in_dim3A_1568 = vector.broadcast %squeeze3A_1567 : i32 to vector<16xi32>
      %broadcast_in_dim3A_1569 = arith.constant 7 : i32
      %broadcast_in_dim3A_1570 = vector.broadcast %broadcast_in_dim3A_1569 : i32 to vector<16xi32>
      %broadcast_in_dim3A_1571 = vector.broadcast %add3A_1547 : i32 to vector<16xi32>
      %iota3A_1572 = tpu.iota {dimensions = array<i32: 0>} : vector<16xi32>
      %add3A_1573 = arith.constant 0 : i32
      %add3A_1574 = vector.broadcast %add3A_1573 : i32 to vector<16xi32>
      %add3A_1575 = arith.addi %iota3A_1572, %add3A_1574 : vector<16xi32>
      %gather3A_1576 = tpu.vector_load_idx %arg8[%broadcast_in_dim3A_1570, %add3A_1575, %broadcast_in_dim3A_1568] : memref<8x64x128xf32, #tpu.memory_space<vmem>>[vector<16xi32>, vector<16xi32>, vector<16xi32>], vector<16xf32>,
      tpu.vector_store_idx %arg7[%add3A_1575, %broadcast_in_dim3A_1571], %gather3A_1576 {add = true} : memref<64x128xf32, #tpu.memory_space<vmem>>[vector<16xi32>, vector<16xi32>], vector<16xf32>,
      %add3A_1577 = arith.constant 16 : i32
      %add3A_1578 = vector.broadcast %add3A_1577 : i32 to vector<16xi32>
      %add3A_1579 = arith.addi %iota3A_1572, %add3A_1578 : vector<16xi32>
      %gather3A_1580 = tpu.vector_load_idx %arg8[%broadcast_in_dim3A_1570, %add3A_1579, %broadcast_in_dim3A_1568] : memref<8x64x128xf32, #tpu.memory_space<vmem>>[vector<16xi32>, vector<16xi32>, vector<16xi32>], vector<16xf32>,
      tpu.vector_store_idx %arg7[%add3A_1579, %broadcast_in_dim3A_1571], %gather3A_1580 {add = true} : memref<64x128xf32, #tpu.memory_space<vmem>>[vector<16xi32>, vector<16xi32>], vector<16xf32>,
      %add3A_1581 = arith.constant 32 : i32
      %add3A_1582 = vector.broadcast %add3A_1581 : i32 to vector<16xi32>
      %add3A_1583 = arith.addi %iota3A_1572, %add3A_1582 : vector<16xi32>
      %gather3A_1584 = tpu.vector_load_idx %arg8[%broadcast_in_dim3A_1570, %add3A_1583, %broadcast_in_dim3A_1568] : memref<8x64x128xf32, #tpu.memory_space<vmem>>[vector<16xi32>, vector<16xi32>, vector<16xi32>], vector<16xf32>,
      tpu.vector_store_idx %arg7[%add3A_1583, %broadcast_in_dim3A_1571], %gather3A_1584 {add = true} : memref<64x128xf32, #tpu.memory_space<vmem>>[vector<16xi32>, vector<16xi32>], vector<16xf32>,
      %add3A_1585 = arith.constant 48 : i32
      %add3A_1586 = vector.broadcast %add3A_1585 : i32 to vector<16xi32>
      %add3A_1587 = arith.addi %iota3A_1572, %add3A_1586 : vector<16xi32>
      %gather3A_1588 = tpu.vector_load_idx %arg8[%broadcast_in_dim3A_1570, %add3A_1587, %broadcast_in_dim3A_1568] : memref<8x64x128xf32, #tpu.memory_space<vmem>>[vector<16xi32>, vector<16xi32>, vector<16xi32>], vector<16xf32>,
      tpu.vector_store_idx %arg7[%add3A_1587, %broadcast_in_dim3A_1571], %gather3A_1588 {add = true} : memref<64x128xf32, #tpu.memory_space<vmem>>[vector<16xi32>, vector<16xi32>], vector<16xf32>,
      %slice3A_1589 = vector.extract_strided_slice %get3A_1058 {offsets = [15], sizes = [1], strides = [1]} : vector<16xi32> to vector<1xi32>
      %squeeze3A_1590 = vector.extract %slice3A_1589[0] : i32 from vector<1xi32>
      %shift_right_arithmetic3A_1591 = arith.constant 7 : i32
      %shift_right_arithmetic3A_1592 = arith.shrsi %squeeze3A_1590, %shift_right_arithmetic3A_1591 : i32
      %mul3A_1593 = arith.constant 128 : i32
      %mul3A_1594 = arith.muli %shift_right_arithmetic3A_1592, %mul3A_1593 : i32
      %multiple_of3A_1595 = tpu.assume_multiple %mul3A_1594, 128 : i32
      %dma_start3A_1596 = arith.constant 7 : i32
      %dma_start3A_1597 = arith.constant 7 : i32
      %dma_start3A_1598 = arith.constant 0 : i32
      %dma_start3A_1599 = arith.constant 0 : i32
      %dma_start3A_1600 = tpu.memref_slice %arg8[%dma_start3A_1596, %dma_start3A_1598, %dma_start3A_1599] : memref<8x64x128xf32, #tpu.memory_space<vmem>> -> memref<1x64x128xf32, #tpu.memory_space<vmem>>
      %dma_start3A_1601 = tpu.memref_squeeze %dma_start3A_1600 : memref<1x64x128xf32, #tpu.memory_space<vmem>> -> memref<64x128xf32, #tpu.memory_space<vmem>>
      %dma_start3A_1602 = arith.constant 0 : i32
      %dma_start3A_1603 = tpu.memref_slice %arg2[%dma_start3A_1602, %multiple_of3A_1595] : memref<64x1000001xf32, #tpu.memory_space<hbm>> -> memref<64x128xf32, #tpu.memory_space<hbm>>
      %dma_start3A_1604 = tpu.memref_slice %arg9[%dma_start3A_1597] : memref<8x!tpu.dma_semaphore, #tpu.memory_space<semaphore_mem>> -> memref<1x!tpu.dma_semaphore, #tpu.memory_space<semaphore_mem>>
      %dma_start3A_1605 = tpu.memref_squeeze %dma_start3A_1604 : memref<1x!tpu.dma_semaphore, #tpu.memory_space<semaphore_mem>> -> memref<!tpu.dma_semaphore, #tpu.memory_space<semaphore_mem>>
      %dma_start3A_1606 = arith.constant 0 : i32
      %dma_start3A_1607 = arith.constant 0 : i32
      %dma_start3A_1608 = tpu.memref_slice %arg8[%dma_start3A_1596, %dma_start3A_1606, %dma_start3A_1607] : memref<8x64x128xf32, #tpu.memory_space<vmem>> -> memref<1x64x128xf32, #tpu.memory_space<vmem>>
      %dma_start3A_1609 = tpu.memref_squeeze %dma_start3A_1608 : memref<1x64x128xf32, #tpu.memory_space<vmem>> -> memref<64x128xf32, #tpu.memory_space<vmem>>
      %dma_start3A_1610 = arith.constant 0 : i32
      %dma_start3A_1611 = tpu.memref_slice %arg2[%dma_start3A_1610, %multiple_of3A_1595] : memref<64x1000001xf32, #tpu.memory_space<hbm>> -> memref<64x128xf32, #tpu.memory_space<hbm>>
      tpu.enqueue_dma source(%dma_start3A_1611 : memref<64x128xf32, #tpu.memory_space<hbm>>) target(%dma_start3A_1609 : memref<64x128xf32, #tpu.memory_space<vmem>>) target_semaphore(%dma_start3A_1605 : memref<!tpu.dma_semaphore, #tpu.memory_space<semaphore_mem>>)
      %mul3A_1612 = arith.constant 16 : i32
      %mul3A_1613 = arith.muli %scan3A_1053, %mul3A_1612 : i32
      %add3A_1614 = arith.constant 8 : i32
      %add3A_1615 = arith.addi %mul3A_1613, %add3A_1614 : i32
      %dma_wait3A_1616 = arith.constant 0 : i32
      %dma_wait3A_1617 = arith.constant 0 : i32
      %dma_wait3A_1618 = arith.constant 0 : i32
      %dma_wait3A_1619 = arith.constant 0 : i32
      %dma_wait3A_1620 = tpu.memref_slice %arg8[%dma_wait3A_1616, %dma_wait3A_1618, %dma_wait3A_1619] : memref<8x64x128xf32, #tpu.memory_space<vmem>> -> memref<1x64x128xf32, #tpu.memory_space<vmem>>
      %dma_wait3A_1621 = tpu.memref_squeeze %dma_wait3A_1620 : memref<1x64x128xf32, #tpu.memory_space<vmem>> -> memref<64x128xf32, #tpu.memory_space<vmem>>
      %dma_wait3A_1622 = arith.constant 0 : i32
      %dma_wait3A_1623 = arith.constant 0 : i32
      %dma_wait3A_1624 = tpu.memref_slice %arg2[%dma_wait3A_1622, %dma_wait3A_1623] : memref<64x1000001xf32, #tpu.memory_space<hbm>> -> memref<64x128xf32, #tpu.memory_space<hbm>>
      %dma_wait3A_1625 = tpu.memref_slice %arg9[%dma_wait3A_1617] : memref<8x!tpu.dma_semaphore, #tpu.memory_space<semaphore_mem>> -> memref<1x!tpu.dma_semaphore, #tpu.memory_space<semaphore_mem>>
      %dma_wait3A_1626 = tpu.memref_squeeze %dma_wait3A_1625 : memref<1x!tpu.dma_semaphore, #tpu.memory_space<semaphore_mem>> -> memref<!tpu.dma_semaphore, #tpu.memory_space<semaphore_mem>>
      %dma_wait3A_1627 = arith.constant 0 : i32
      %dma_wait3A_1628 = arith.constant 0 : i32
      %dma_wait3A_1629 = tpu.memref_slice %arg8[%dma_wait3A_1616, %dma_wait3A_1627, %dma_wait3A_1628] : memref<8x64x128xf32, #tpu.memory_space<vmem>> -> memref<1x64x128xf32, #tpu.memory_space<vmem>>
      %dma_wait3A_1630 = tpu.memref_squeeze %dma_wait3A_1629 : memref<1x64x128xf32, #tpu.memory_space<vmem>> -> memref<64x128xf32, #tpu.memory_space<vmem>>
      %dma_wait3A_1631 = arith.constant 0 : i32
      %dma_wait3A_1632 = arith.constant 0 : i32
      %dma_wait3A_1633 = tpu.memref_slice %arg2[%dma_wait3A_1631, %dma_wait3A_1632] : memref<64x1000001xf32, #tpu.memory_space<hbm>> -> memref<64x128xf32, #tpu.memory_space<hbm>>
      tpu.wait_dma2 semaphore(%dma_wait3A_1626 : memref<!tpu.dma_semaphore, #tpu.memory_space<semaphore_mem>>) src(%dma_wait3A_1633 : memref<64x128xf32, #tpu.memory_space<hbm>>) dst(%dma_wait3A_1630 : memref<64x128xf32, #tpu.memory_space<vmem>>)
      %slice3A_1634 = vector.extract_strided_slice %and3A_1061 {offsets = [8], sizes = [1], strides = [1]} : vector<16xi32> to vector<1xi32>
      %squeeze3A_1635 = vector.extract %slice3A_1634[0] : i32 from vector<1xi32>
      %broadcast_in_dim3A_1636 = vector.broadcast %squeeze3A_1635 : i32 to vector<16xi32>
      %broadcast_in_dim3A_1637 = arith.constant 0 : i32
      %broadcast_in_dim3A_1638 = vector.broadcast %broadcast_in_dim3A_1637 : i32 to vector<16xi32>
      %broadcast_in_dim3A_1639 = vector.broadcast %add3A_1615 : i32 to vector<16xi32>
      %iota3A_1640 = tpu.iota {dimensions = array<i32: 0>} : vector<16xi32>
      %add3A_1641 = arith.constant 0 : i32
      %add3A_1642 = vector.broadcast %add3A_1641 : i32 to vector<16xi32>
      %add3A_1643 = arith.addi %iota3A_1640, %add3A_1642 : vector<16xi32>
      %gather3A_1644 = tpu.vector_load_idx %arg8[%broadcast_in_dim3A_1638, %add3A_1643, %broadcast_in_dim3A_1636] : memref<8x64x128xf32, #tpu.memory_space<vmem>>[vector<16xi32>, vector<16xi32>, vector<16xi32>], vector<16xf32>,
      tpu.vector_store_idx %arg7[%add3A_1643, %broadcast_in_dim3A_1639], %gather3A_1644 {add = true} : memref<64x128xf32, #tpu.memory_space<vmem>>[vector<16xi32>, vector<16xi32>], vector<16xf32>,
      %add3A_1645 = arith.constant 16 : i32
      %add3A_1646 = vector.broadcast %add3A_1645 : i32 to vector<16xi32>
      %add3A_1647 = arith.addi %iota3A_1640, %add3A_1646 : vector<16xi32>
      %gather3A_1648 = tpu.vector_load_idx %arg8[%broadcast_in_dim3A_1638, %add3A_1647, %broadcast_in_dim3A_1636] : memref<8x64x128xf32, #tpu.memory_space<vmem>>[vector<16xi32>, vector<16xi32>, vector<16xi32>], vector<16xf32>,
      tpu.vector_store_idx %arg7[%add3A_1647, %broadcast_in_dim3A_1639], %gather3A_1648 {add = true} : memref<64x128xf32, #tpu.memory_space<vmem>>[vector<16xi32>, vector<16xi32>], vector<16xf32>,
      %add3A_1649 = arith.constant 32 : i32
      %add3A_1650 = vector.broadcast %add3A_1649 : i32 to vector<16xi32>
      %add3A_1651 = arith.addi %iota3A_1640, %add3A_1650 : vector<16xi32>
      %gather3A_1652 = tpu.vector_load_idx %arg8[%broadcast_in_dim3A_1638, %add3A_1651, %broadcast_in_dim3A_1636] : memref<8x64x128xf32, #tpu.memory_space<vmem>>[vector<16xi32>, vector<16xi32>, vector<16xi32>], vector<16xf32>,
      tpu.vector_store_idx %arg7[%add3A_1651, %broadcast_in_dim3A_1639], %gather3A_1652 {add = true} : memref<64x128xf32, #tpu.memory_space<vmem>>[vector<16xi32>, vector<16xi32>], vector<16xf32>,
      %add3A_1653 = arith.constant 48 : i32
      %add3A_1654 = vector.broadcast %add3A_1653 : i32 to vector<16xi32>
      %add3A_1655 = arith.addi %iota3A_1640, %add3A_1654 : vector<16xi32>
      %gather3A_1656 = tpu.vector_load_idx %arg8[%broadcast_in_dim3A_1638, %add3A_1655, %broadcast_in_dim3A_1636] : memref<8x64x128xf32, #tpu.memory_space<vmem>>[vector<16xi32>, vector<16xi32>, vector<16xi32>], vector<16xf32>,
      tpu.vector_store_idx %arg7[%add3A_1655, %broadcast_in_dim3A_1639], %gather3A_1656 {add = true} : memref<64x128xf32, #tpu.memory_space<vmem>>[vector<16xi32>, vector<16xi32>], vector<16xf32>,
      %slice3A_1657 = vector.extract_strided_slice %get3A_1067 {offsets = [0], sizes = [1], strides = [1]} : vector<16xi32> to vector<1xi32>
      %squeeze3A_1658 = vector.extract %slice3A_1657[0] : i32 from vector<1xi32>
      %shift_right_arithmetic3A_1659 = arith.constant 7 : i32
      %shift_right_arithmetic3A_1660 = arith.shrsi %squeeze3A_1658, %shift_right_arithmetic3A_1659 : i32
      %mul3A_1661 = arith.constant 128 : i32
      %mul3A_1662 = arith.muli %shift_right_arithmetic3A_1660, %mul3A_1661 : i32
      %multiple_of3A_1663 = tpu.assume_multiple %mul3A_1662, 128 : i32
      %dma_start3A_1664 = arith.constant 0 : i32
      %dma_start3A_1665 = arith.constant 0 : i32
      %dma_start3A_1666 = arith.constant 0 : i32
      %dma_start3A_1667 = arith.constant 0 : i32
      %dma_start3A_1668 = tpu.memref_slice %arg8[%dma_start3A_1664, %dma_start3A_1666, %dma_start3A_1667] : memref<8x64x128xf32, #tpu.memory_space<vmem>> -> memref<1x64x128xf32, #tpu.memory_space<vmem>>
      %dma_start3A_1669 = tpu.memref_squeeze %dma_start3A_1668 : memref<1x64x128xf32, #tpu.memory_space<vmem>> -> memref<64x128xf32, #tpu.memory_space<vmem>>
      %dma_start3A_1670 = arith.constant 0 : i32
      %dma_start3A_1671 = tpu.memref_slice %arg2[%dma_start3A_1670, %multiple_of3A_1663] : memref<64x1000001xf32, #tpu.memory_space<hbm>> -> memref<64x128xf32, #tpu.memory_space<hbm>>
      %dma_start3A_1672 = tpu.memref_slice %arg9[%dma_start3A_1665] : memref<8x!tpu.dma_semaphore, #tpu.memory_space<semaphore_mem>> -> memref<1x!tpu.dma_semaphore, #tpu.memory_space<semaphore_mem>>
      %dma_start3A_1673 = tpu.memref_squeeze %dma_start3A_1672 : memref<1x!tpu.dma_semaphore, #tpu.memory_space<semaphore_mem>> -> memref<!tpu.dma_semaphore, #tpu.memory_space<semaphore_mem>>
      %dma_start3A_1674 = arith.constant 0 : i32
      %dma_start3A_1675 = arith.constant 0 : i32
      %dma_start3A_1676 = tpu.memref_slice %arg8[%dma_start3A_1664, %dma_start3A_1674, %dma_start3A_1675] : memref<8x64x128xf32, #tpu.memory_space<vmem>> -> memref<1x64x128xf32, #tpu.memory_space<vmem>>
      %dma_start3A_1677 = tpu.memref_squeeze %dma_start3A_1676 : memref<1x64x128xf32, #tpu.memory_space<vmem>> -> memref<64x128xf32, #tpu.memory_space<vmem>>
      %dma_start3A_1678 = arith.constant 0 : i32
      %dma_start3A_1679 = tpu.memref_slice %arg2[%dma_start3A_1678, %multiple_of3A_1663] : memref<64x1000001xf32, #tpu.memory_space<hbm>> -> memref<64x128xf32, #tpu.memory_space<hbm>>
      tpu.enqueue_dma source(%dma_start3A_1679 : memref<64x128xf32, #tpu.memory_space<hbm>>) target(%dma_start3A_1677 : memref<64x128xf32, #tpu.memory_space<vmem>>) target_semaphore(%dma_start3A_1673 : memref<!tpu.dma_semaphore, #tpu.memory_space<semaphore_mem>>)
      %mul3A_1680 = arith.constant 16 : i32
      %mul3A_1681 = arith.muli %scan3A_1053, %mul3A_1680 : i32
      %add3A_1682 = arith.constant 9 : i32
      %add3A_1683 = arith.addi %mul3A_1681, %add3A_1682 : i32
      %dma_wait3A_1684 = arith.constant 1 : i32
      %dma_wait3A_1685 = arith.constant 1 : i32
      %dma_wait3A_1686 = arith.constant 0 : i32
      %dma_wait3A_1687 = arith.constant 0 : i32
      %dma_wait3A_1688 = tpu.memref_slice %arg8[%dma_wait3A_1684, %dma_wait3A_1686, %dma_wait3A_1687] : memref<8x64x128xf32, #tpu.memory_space<vmem>> -> memref<1x64x128xf32, #tpu.memory_space<vmem>>
      %dma_wait3A_1689 = tpu.memref_squeeze %dma_wait3A_1688 : memref<1x64x128xf32, #tpu.memory_space<vmem>> -> memref<64x128xf32, #tpu.memory_space<vmem>>
      %dma_wait3A_1690 = arith.constant 0 : i32
      %dma_wait3A_1691 = arith.constant 0 : i32
      %dma_wait3A_1692 = tpu.memref_slice %arg2[%dma_wait3A_1690, %dma_wait3A_1691] : memref<64x1000001xf32, #tpu.memory_space<hbm>> -> memref<64x128xf32, #tpu.memory_space<hbm>>
      %dma_wait3A_1693 = tpu.memref_slice %arg9[%dma_wait3A_1685] : memref<8x!tpu.dma_semaphore, #tpu.memory_space<semaphore_mem>> -> memref<1x!tpu.dma_semaphore, #tpu.memory_space<semaphore_mem>>
      %dma_wait3A_1694 = tpu.memref_squeeze %dma_wait3A_1693 : memref<1x!tpu.dma_semaphore, #tpu.memory_space<semaphore_mem>> -> memref<!tpu.dma_semaphore, #tpu.memory_space<semaphore_mem>>
      %dma_wait3A_1695 = arith.constant 0 : i32
      %dma_wait3A_1696 = arith.constant 0 : i32
      %dma_wait3A_1697 = tpu.memref_slice %arg8[%dma_wait3A_1684, %dma_wait3A_1695, %dma_wait3A_1696] : memref<8x64x128xf32, #tpu.memory_space<vmem>> -> memref<1x64x128xf32, #tpu.memory_space<vmem>>
      %dma_wait3A_1698 = tpu.memref_squeeze %dma_wait3A_1697 : memref<1x64x128xf32, #tpu.memory_space<vmem>> -> memref<64x128xf32, #tpu.memory_space<vmem>>
      %dma_wait3A_1699 = arith.constant 0 : i32
      %dma_wait3A_1700 = arith.constant 0 : i32
      %dma_wait3A_1701 = tpu.memref_slice %arg2[%dma_wait3A_1699, %dma_wait3A_1700] : memref<64x1000001xf32, #tpu.memory_space<hbm>> -> memref<64x128xf32, #tpu.memory_space<hbm>>
      tpu.wait_dma2 semaphore(%dma_wait3A_1694 : memref<!tpu.dma_semaphore, #tpu.memory_space<semaphore_mem>>) src(%dma_wait3A_1701 : memref<64x128xf32, #tpu.memory_space<hbm>>) dst(%dma_wait3A_1698 : memref<64x128xf32, #tpu.memory_space<vmem>>)
      %slice3A_1702 = vector.extract_strided_slice %and3A_1061 {offsets = [9], sizes = [1], strides = [1]} : vector<16xi32> to vector<1xi32>
      %squeeze3A_1703 = vector.extract %slice3A_1702[0] : i32 from vector<1xi32>
      %broadcast_in_dim3A_1704 = vector.broadcast %squeeze3A_1703 : i32 to vector<16xi32>
      %broadcast_in_dim3A_1705 = arith.constant 1 : i32
      %broadcast_in_dim3A_1706 = vector.broadcast %broadcast_in_dim3A_1705 : i32 to vector<16xi32>
      %broadcast_in_dim3A_1707 = vector.broadcast %add3A_1683 : i32 to vector<16xi32>
      %iota3A_1708 = tpu.iota {dimensions = array<i32: 0>} : vector<16xi32>
      %add3A_1709 = arith.constant 0 : i32
      %add3A_1710 = vector.broadcast %add3A_1709 : i32 to vector<16xi32>
      %add3A_1711 = arith.addi %iota3A_1708, %add3A_1710 : vector<16xi32>
      %gather3A_1712 = tpu.vector_load_idx %arg8[%broadcast_in_dim3A_1706, %add3A_1711, %broadcast_in_dim3A_1704] : memref<8x64x128xf32, #tpu.memory_space<vmem>>[vector<16xi32>, vector<16xi32>, vector<16xi32>], vector<16xf32>,
      tpu.vector_store_idx %arg7[%add3A_1711, %broadcast_in_dim3A_1707], %gather3A_1712 {add = true} : memref<64x128xf32, #tpu.memory_space<vmem>>[vector<16xi32>, vector<16xi32>], vector<16xf32>,
      %add3A_1713 = arith.constant 16 : i32
      %add3A_1714 = vector.broadcast %add3A_1713 : i32 to vector<16xi32>
      %add3A_1715 = arith.addi %iota3A_1708, %add3A_1714 : vector<16xi32>
      %gather3A_1716 = tpu.vector_load_idx %arg8[%broadcast_in_dim3A_1706, %add3A_1715, %broadcast_in_dim3A_1704] : memref<8x64x128xf32, #tpu.memory_space<vmem>>[vector<16xi32>, vector<16xi32>, vector<16xi32>], vector<16xf32>,
      tpu.vector_store_idx %arg7[%add3A_1715, %broadcast_in_dim3A_1707], %gather3A_1716 {add = true} : memref<64x128xf32, #tpu.memory_space<vmem>>[vector<16xi32>, vector<16xi32>], vector<16xf32>,
      %add3A_1717 = arith.constant 32 : i32
      %add3A_1718 = vector.broadcast %add3A_1717 : i32 to vector<16xi32>
      %add3A_1719 = arith.addi %iota3A_1708, %add3A_1718 : vector<16xi32>
      %gather3A_1720 = tpu.vector_load_idx %arg8[%broadcast_in_dim3A_1706, %add3A_1719, %broadcast_in_dim3A_1704] : memref<8x64x128xf32, #tpu.memory_space<vmem>>[vector<16xi32>, vector<16xi32>, vector<16xi32>], vector<16xf32>,
      tpu.vector_store_idx %arg7[%add3A_1719, %broadcast_in_dim3A_1707], %gather3A_1720 {add = true} : memref<64x128xf32, #tpu.memory_space<vmem>>[vector<16xi32>, vector<16xi32>], vector<16xf32>,
      %add3A_1721 = arith.constant 48 : i32
      %add3A_1722 = vector.broadcast %add3A_1721 : i32 to vector<16xi32>
      %add3A_1723 = arith.addi %iota3A_1708, %add3A_1722 : vector<16xi32>
      %gather3A_1724 = tpu.vector_load_idx %arg8[%broadcast_in_dim3A_1706, %add3A_1723, %broadcast_in_dim3A_1704] : memref<8x64x128xf32, #tpu.memory_space<vmem>>[vector<16xi32>, vector<16xi32>, vector<16xi32>], vector<16xf32>,
      tpu.vector_store_idx %arg7[%add3A_1723, %broadcast_in_dim3A_1707], %gather3A_1724 {add = true} : memref<64x128xf32, #tpu.memory_space<vmem>>[vector<16xi32>, vector<16xi32>], vector<16xf32>,
      %slice3A_1725 = vector.extract_strided_slice %get3A_1067 {offsets = [1], sizes = [1], strides = [1]} : vector<16xi32> to vector<1xi32>
      %squeeze3A_1726 = vector.extract %slice3A_1725[0] : i32 from vector<1xi32>
      %shift_right_arithmetic3A_1727 = arith.constant 7 : i32
      %shift_right_arithmetic3A_1728 = arith.shrsi %squeeze3A_1726, %shift_right_arithmetic3A_1727 : i32
      %mul3A_1729 = arith.constant 128 : i32
      %mul3A_1730 = arith.muli %shift_right_arithmetic3A_1728, %mul3A_1729 : i32
      %multiple_of3A_1731 = tpu.assume_multiple %mul3A_1730, 128 : i32
      %dma_start3A_1732 = arith.constant 1 : i32
      %dma_start3A_1733 = arith.constant 1 : i32
      %dma_start3A_1734 = arith.constant 0 : i32
      %dma_start3A_1735 = arith.constant 0 : i32
      %dma_start3A_1736 = tpu.memref_slice %arg8[%dma_start3A_1732, %dma_start3A_1734, %dma_start3A_1735] : memref<8x64x128xf32, #tpu.memory_space<vmem>> -> memref<1x64x128xf32, #tpu.memory_space<vmem>>
      %dma_start3A_1737 = tpu.memref_squeeze %dma_start3A_1736 : memref<1x64x128xf32, #tpu.memory_space<vmem>> -> memref<64x128xf32, #tpu.memory_space<vmem>>
      %dma_start3A_1738 = arith.constant 0 : i32
      %dma_start3A_1739 = tpu.memref_slice %arg2[%dma_start3A_1738, %multiple_of3A_1731] : memref<64x1000001xf32, #tpu.memory_space<hbm>> -> memref<64x128xf32, #tpu.memory_space<hbm>>
      %dma_start3A_1740 = tpu.memref_slice %arg9[%dma_start3A_1733] : memref<8x!tpu.dma_semaphore, #tpu.memory_space<semaphore_mem>> -> memref<1x!tpu.dma_semaphore, #tpu.memory_space<semaphore_mem>>
      %dma_start3A_1741 = tpu.memref_squeeze %dma_start3A_1740 : memref<1x!tpu.dma_semaphore, #tpu.memory_space<semaphore_mem>> -> memref<!tpu.dma_semaphore, #tpu.memory_space<semaphore_mem>>
      %dma_start3A_1742 = arith.constant 0 : i32
      %dma_start3A_1743 = arith.constant 0 : i32
      %dma_start3A_1744 = tpu.memref_slice %arg8[%dma_start3A_1732, %dma_start3A_1742, %dma_start3A_1743] : memref<8x64x128xf32, #tpu.memory_space<vmem>> -> memref<1x64x128xf32, #tpu.memory_space<vmem>>
      %dma_start3A_1745 = tpu.memref_squeeze %dma_start3A_1744 : memref<1x64x128xf32, #tpu.memory_space<vmem>> -> memref<64x128xf32, #tpu.memory_space<vmem>>
      %dma_start3A_1746 = arith.constant 0 : i32
      %dma_start3A_1747 = tpu.memref_slice %arg2[%dma_start3A_1746, %multiple_of3A_1731] : memref<64x1000001xf32, #tpu.memory_space<hbm>> -> memref<64x128xf32, #tpu.memory_space<hbm>>
      tpu.enqueue_dma source(%dma_start3A_1747 : memref<64x128xf32, #tpu.memory_space<hbm>>) target(%dma_start3A_1745 : memref<64x128xf32, #tpu.memory_space<vmem>>) target_semaphore(%dma_start3A_1741 : memref<!tpu.dma_semaphore, #tpu.memory_space<semaphore_mem>>)
      %mul3A_1748 = arith.constant 16 : i32
      %mul3A_1749 = arith.muli %scan3A_1053, %mul3A_1748 : i32
      %add3A_1750 = arith.constant 10 : i32
      %add3A_1751 = arith.addi %mul3A_1749, %add3A_1750 : i32
      %dma_wait3A_1752 = arith.constant 2 : i32
      %dma_wait3A_1753 = arith.constant 2 : i32
      %dma_wait3A_1754 = arith.constant 0 : i32
      %dma_wait3A_1755 = arith.constant 0 : i32
      %dma_wait3A_1756 = tpu.memref_slice %arg8[%dma_wait3A_1752, %dma_wait3A_1754, %dma_wait3A_1755] : memref<8x64x128xf32, #tpu.memory_space<vmem>> -> memref<1x64x128xf32, #tpu.memory_space<vmem>>
      %dma_wait3A_1757 = tpu.memref_squeeze %dma_wait3A_1756 : memref<1x64x128xf32, #tpu.memory_space<vmem>> -> memref<64x128xf32, #tpu.memory_space<vmem>>
      %dma_wait3A_1758 = arith.constant 0 : i32
      %dma_wait3A_1759 = arith.constant 0 : i32
      %dma_wait3A_1760 = tpu.memref_slice %arg2[%dma_wait3A_1758, %dma_wait3A_1759] : memref<64x1000001xf32, #tpu.memory_space<hbm>> -> memref<64x128xf32, #tpu.memory_space<hbm>>
      %dma_wait3A_1761 = tpu.memref_slice %arg9[%dma_wait3A_1753] : memref<8x!tpu.dma_semaphore, #tpu.memory_space<semaphore_mem>> -> memref<1x!tpu.dma_semaphore, #tpu.memory_space<semaphore_mem>>
      %dma_wait3A_1762 = tpu.memref_squeeze %dma_wait3A_1761 : memref<1x!tpu.dma_semaphore, #tpu.memory_space<semaphore_mem>> -> memref<!tpu.dma_semaphore, #tpu.memory_space<semaphore_mem>>
      %dma_wait3A_1763 = arith.constant 0 : i32
      %dma_wait3A_1764 = arith.constant 0 : i32
      %dma_wait3A_1765 = tpu.memref_slice %arg8[%dma_wait3A_1752, %dma_wait3A_1763, %dma_wait3A_1764] : memref<8x64x128xf32, #tpu.memory_space<vmem>> -> memref<1x64x128xf32, #tpu.memory_space<vmem>>
      %dma_wait3A_1766 = tpu.memref_squeeze %dma_wait3A_1765 : memref<1x64x128xf32, #tpu.memory_space<vmem>> -> memref<64x128xf32, #tpu.memory_space<vmem>>
      %dma_wait3A_1767 = arith.constant 0 : i32
      %dma_wait3A_1768 = arith.constant 0 : i32
      %dma_wait3A_1769 = tpu.memref_slice %arg2[%dma_wait3A_1767, %dma_wait3A_1768] : memref<64x1000001xf32, #tpu.memory_space<hbm>> -> memref<64x128xf32, #tpu.memory_space<hbm>>
      tpu.wait_dma2 semaphore(%dma_wait3A_1762 : memref<!tpu.dma_semaphore, #tpu.memory_space<semaphore_mem>>) src(%dma_wait3A_1769 : memref<64x128xf32, #tpu.memory_space<hbm>>) dst(%dma_wait3A_1766 : memref<64x128xf32, #tpu.memory_space<vmem>>)
      %slice3A_1770 = vector.extract_strided_slice %and3A_1061 {offsets = [10], sizes = [1], strides = [1]} : vector<16xi32> to vector<1xi32>
      %squeeze3A_1771 = vector.extract %slice3A_1770[0] : i32 from vector<1xi32>
      %broadcast_in_dim3A_1772 = vector.broadcast %squeeze3A_1771 : i32 to vector<16xi32>
      %broadcast_in_dim3A_1773 = arith.constant 2 : i32
      %broadcast_in_dim3A_1774 = vector.broadcast %broadcast_in_dim3A_1773 : i32 to vector<16xi32>
      %broadcast_in_dim3A_1775 = vector.broadcast %add3A_1751 : i32 to vector<16xi32>
      %iota3A_1776 = tpu.iota {dimensions = array<i32: 0>} : vector<16xi32>
      %add3A_1777 = arith.constant 0 : i32
      %add3A_1778 = vector.broadcast %add3A_1777 : i32 to vector<16xi32>
      %add3A_1779 = arith.addi %iota3A_1776, %add3A_1778 : vector<16xi32>
      %gather3A_1780 = tpu.vector_load_idx %arg8[%broadcast_in_dim3A_1774, %add3A_1779, %broadcast_in_dim3A_1772] : memref<8x64x128xf32, #tpu.memory_space<vmem>>[vector<16xi32>, vector<16xi32>, vector<16xi32>], vector<16xf32>,
      tpu.vector_store_idx %arg7[%add3A_1779, %broadcast_in_dim3A_1775], %gather3A_1780 {add = true} : memref<64x128xf32, #tpu.memory_space<vmem>>[vector<16xi32>, vector<16xi32>], vector<16xf32>,
      %add3A_1781 = arith.constant 16 : i32
      %add3A_1782 = vector.broadcast %add3A_1781 : i32 to vector<16xi32>
      %add3A_1783 = arith.addi %iota3A_1776, %add3A_1782 : vector<16xi32>
      %gather3A_1784 = tpu.vector_load_idx %arg8[%broadcast_in_dim3A_1774, %add3A_1783, %broadcast_in_dim3A_1772] : memref<8x64x128xf32, #tpu.memory_space<vmem>>[vector<16xi32>, vector<16xi32>, vector<16xi32>], vector<16xf32>,
      tpu.vector_store_idx %arg7[%add3A_1783, %broadcast_in_dim3A_1775], %gather3A_1784 {add = true} : memref<64x128xf32, #tpu.memory_space<vmem>>[vector<16xi32>, vector<16xi32>], vector<16xf32>,
      %add3A_1785 = arith.constant 32 : i32
      %add3A_1786 = vector.broadcast %add3A_1785 : i32 to vector<16xi32>
      %add3A_1787 = arith.addi %iota3A_1776, %add3A_1786 : vector<16xi32>
      %gather3A_1788 = tpu.vector_load_idx %arg8[%broadcast_in_dim3A_1774, %add3A_1787, %broadcast_in_dim3A_1772] : memref<8x64x128xf32, #tpu.memory_space<vmem>>[vector<16xi32>, vector<16xi32>, vector<16xi32>], vector<16xf32>,
      tpu.vector_store_idx %arg7[%add3A_1787, %broadcast_in_dim3A_1775], %gather3A_1788 {add = true} : memref<64x128xf32, #tpu.memory_space<vmem>>[vector<16xi32>, vector<16xi32>], vector<16xf32>,
      %add3A_1789 = arith.constant 48 : i32
      %add3A_1790 = vector.broadcast %add3A_1789 : i32 to vector<16xi32>
      %add3A_1791 = arith.addi %iota3A_1776, %add3A_1790 : vector<16xi32>
      %gather3A_1792 = tpu.vector_load_idx %arg8[%broadcast_in_dim3A_1774, %add3A_1791, %broadcast_in_dim3A_1772] : memref<8x64x128xf32, #tpu.memory_space<vmem>>[vector<16xi32>, vector<16xi32>, vector<16xi32>], vector<16xf32>,
      tpu.vector_store_idx %arg7[%add3A_1791, %broadcast_in_dim3A_1775], %gather3A_1792 {add = true} : memref<64x128xf32, #tpu.memory_space<vmem>>[vector<16xi32>, vector<16xi32>], vector<16xf32>,
      %slice3A_1793 = vector.extract_strided_slice %get3A_1067 {offsets = [2], sizes = [1], strides = [1]} : vector<16xi32> to vector<1xi32>
      %squeeze3A_1794 = vector.extract %slice3A_1793[0] : i32 from vector<1xi32>
      %shift_right_arithmetic3A_1795 = arith.constant 7 : i32
      %shift_right_arithmetic3A_1796 = arith.shrsi %squeeze3A_1794, %shift_right_arithmetic3A_1795 : i32
      %mul3A_1797 = arith.constant 128 : i32
      %mul3A_1798 = arith.muli %shift_right_arithmetic3A_1796, %mul3A_1797 : i32
      %multiple_of3A_1799 = tpu.assume_multiple %mul3A_1798, 128 : i32
      %dma_start3A_1800 = arith.constant 2 : i32
      %dma_start3A_1801 = arith.constant 2 : i32
      %dma_start3A_1802 = arith.constant 0 : i32
      %dma_start3A_1803 = arith.constant 0 : i32
      %dma_start3A_1804 = tpu.memref_slice %arg8[%dma_start3A_1800, %dma_start3A_1802, %dma_start3A_1803] : memref<8x64x128xf32, #tpu.memory_space<vmem>> -> memref<1x64x128xf32, #tpu.memory_space<vmem>>
      %dma_start3A_1805 = tpu.memref_squeeze %dma_start3A_1804 : memref<1x64x128xf32, #tpu.memory_space<vmem>> -> memref<64x128xf32, #tpu.memory_space<vmem>>
      %dma_start3A_1806 = arith.constant 0 : i32
      %dma_start3A_1807 = tpu.memref_slice %arg2[%dma_start3A_1806, %multiple_of3A_1799] : memref<64x1000001xf32, #tpu.memory_space<hbm>> -> memref<64x128xf32, #tpu.memory_space<hbm>>
      %dma_start3A_1808 = tpu.memref_slice %arg9[%dma_start3A_1801] : memref<8x!tpu.dma_semaphore, #tpu.memory_space<semaphore_mem>> -> memref<1x!tpu.dma_semaphore, #tpu.memory_space<semaphore_mem>>
      %dma_start3A_1809 = tpu.memref_squeeze %dma_start3A_1808 : memref<1x!tpu.dma_semaphore, #tpu.memory_space<semaphore_mem>> -> memref<!tpu.dma_semaphore, #tpu.memory_space<semaphore_mem>>
      %dma_start3A_1810 = arith.constant 0 : i32
      %dma_start3A_1811 = arith.constant 0 : i32
      %dma_start3A_1812 = tpu.memref_slice %arg8[%dma_start3A_1800, %dma_start3A_1810, %dma_start3A_1811] : memref<8x64x128xf32, #tpu.memory_space<vmem>> -> memref<1x64x128xf32, #tpu.memory_space<vmem>>
      %dma_start3A_1813 = tpu.memref_squeeze %dma_start3A_1812 : memref<1x64x128xf32, #tpu.memory_space<vmem>> -> memref<64x128xf32, #tpu.memory_space<vmem>>
      %dma_start3A_1814 = arith.constant 0 : i32
      %dma_start3A_1815 = tpu.memref_slice %arg2[%dma_start3A_1814, %multiple_of3A_1799] : memref<64x1000001xf32, #tpu.memory_space<hbm>> -> memref<64x128xf32, #tpu.memory_space<hbm>>
      tpu.enqueue_dma source(%dma_start3A_1815 : memref<64x128xf32, #tpu.memory_space<hbm>>) target(%dma_start3A_1813 : memref<64x128xf32, #tpu.memory_space<vmem>>) target_semaphore(%dma_start3A_1809 : memref<!tpu.dma_semaphore, #tpu.memory_space<semaphore_mem>>)
      %mul3A_1816 = arith.constant 16 : i32
      %mul3A_1817 = arith.muli %scan3A_1053, %mul3A_1816 : i32
      %add3A_1818 = arith.constant 11 : i32
      %add3A_1819 = arith.addi %mul3A_1817, %add3A_1818 : i32
      %dma_wait3A_1820 = arith.constant 3 : i32
      %dma_wait3A_1821 = arith.constant 3 : i32
      %dma_wait3A_1822 = arith.constant 0 : i32
      %dma_wait3A_1823 = arith.constant 0 : i32
      %dma_wait3A_1824 = tpu.memref_slice %arg8[%dma_wait3A_1820, %dma_wait3A_1822, %dma_wait3A_1823] : memref<8x64x128xf32, #tpu.memory_space<vmem>> -> memref<1x64x128xf32, #tpu.memory_space<vmem>>
      %dma_wait3A_1825 = tpu.memref_squeeze %dma_wait3A_1824 : memref<1x64x128xf32, #tpu.memory_space<vmem>> -> memref<64x128xf32, #tpu.memory_space<vmem>>
      %dma_wait3A_1826 = arith.constant 0 : i32
      %dma_wait3A_1827 = arith.constant 0 : i32
      %dma_wait3A_1828 = tpu.memref_slice %arg2[%dma_wait3A_1826, %dma_wait3A_1827] : memref<64x1000001xf32, #tpu.memory_space<hbm>> -> memref<64x128xf32, #tpu.memory_space<hbm>>
      %dma_wait3A_1829 = tpu.memref_slice %arg9[%dma_wait3A_1821] : memref<8x!tpu.dma_semaphore, #tpu.memory_space<semaphore_mem>> -> memref<1x!tpu.dma_semaphore, #tpu.memory_space<semaphore_mem>>
      %dma_wait3A_1830 = tpu.memref_squeeze %dma_wait3A_1829 : memref<1x!tpu.dma_semaphore, #tpu.memory_space<semaphore_mem>> -> memref<!tpu.dma_semaphore, #tpu.memory_space<semaphore_mem>>
      %dma_wait3A_1831 = arith.constant 0 : i32
      %dma_wait3A_1832 = arith.constant 0 : i32
      %dma_wait3A_1833 = tpu.memref_slice %arg8[%dma_wait3A_1820, %dma_wait3A_1831, %dma_wait3A_1832] : memref<8x64x128xf32, #tpu.memory_space<vmem>> -> memref<1x64x128xf32, #tpu.memory_space<vmem>>
      %dma_wait3A_1834 = tpu.memref_squeeze %dma_wait3A_1833 : memref<1x64x128xf32, #tpu.memory_space<vmem>> -> memref<64x128xf32, #tpu.memory_space<vmem>>
      %dma_wait3A_1835 = arith.constant 0 : i32
      %dma_wait3A_1836 = arith.constant 0 : i32
      %dma_wait3A_1837 = tpu.memref_slice %arg2[%dma_wait3A_1835, %dma_wait3A_1836] : memref<64x1000001xf32, #tpu.memory_space<hbm>> -> memref<64x128xf32, #tpu.memory_space<hbm>>
      tpu.wait_dma2 semaphore(%dma_wait3A_1830 : memref<!tpu.dma_semaphore, #tpu.memory_space<semaphore_mem>>) src(%dma_wait3A_1837 : memref<64x128xf32, #tpu.memory_space<hbm>>) dst(%dma_wait3A_1834 : memref<64x128xf32, #tpu.memory_space<vmem>>)
      %slice3A_1838 = vector.extract_strided_slice %and3A_1061 {offsets = [11], sizes = [1], strides = [1]} : vector<16xi32> to vector<1xi32>
      %squeeze3A_1839 = vector.extract %slice3A_1838[0] : i32 from vector<1xi32>
      %broadcast_in_dim3A_1840 = vector.broadcast %squeeze3A_1839 : i32 to vector<16xi32>
      %broadcast_in_dim3A_1841 = arith.constant 3 : i32
      %broadcast_in_dim3A_1842 = vector.broadcast %broadcast_in_dim3A_1841 : i32 to vector<16xi32>
      %broadcast_in_dim3A_1843 = vector.broadcast %add3A_1819 : i32 to vector<16xi32>
      %iota3A_1844 = tpu.iota {dimensions = array<i32: 0>} : vector<16xi32>
      %add3A_1845 = arith.constant 0 : i32
      %add3A_1846 = vector.broadcast %add3A_1845 : i32 to vector<16xi32>
      %add3A_1847 = arith.addi %iota3A_1844, %add3A_1846 : vector<16xi32>
      %gather3A_1848 = tpu.vector_load_idx %arg8[%broadcast_in_dim3A_1842, %add3A_1847, %broadcast_in_dim3A_1840] : memref<8x64x128xf32, #tpu.memory_space<vmem>>[vector<16xi32>, vector<16xi32>, vector<16xi32>], vector<16xf32>,
      tpu.vector_store_idx %arg7[%add3A_1847, %broadcast_in_dim3A_1843], %gather3A_1848 {add = true} : memref<64x128xf32, #tpu.memory_space<vmem>>[vector<16xi32>, vector<16xi32>], vector<16xf32>,
      %add3A_1849 = arith.constant 16 : i32
      %add3A_1850 = vector.broadcast %add3A_1849 : i32 to vector<16xi32>
      %add3A_1851 = arith.addi %iota3A_1844, %add3A_1850 : vector<16xi32>
      %gather3A_1852 = tpu.vector_load_idx %arg8[%broadcast_in_dim3A_1842, %add3A_1851, %broadcast_in_dim3A_1840] : memref<8x64x128xf32, #tpu.memory_space<vmem>>[vector<16xi32>, vector<16xi32>, vector<16xi32>], vector<16xf32>,
      tpu.vector_store_idx %arg7[%add3A_1851, %broadcast_in_dim3A_1843], %gather3A_1852 {add = true} : memref<64x128xf32, #tpu.memory_space<vmem>>[vector<16xi32>, vector<16xi32>], vector<16xf32>,
      %add3A_1853 = arith.constant 32 : i32
      %add3A_1854 = vector.broadcast %add3A_1853 : i32 to vector<16xi32>
      %add3A_1855 = arith.addi %iota3A_1844, %add3A_1854 : vector<16xi32>
      %gather3A_1856 = tpu.vector_load_idx %arg8[%broadcast_in_dim3A_1842, %add3A_1855, %broadcast_in_dim3A_1840] : memref<8x64x128xf32, #tpu.memory_space<vmem>>[vector<16xi32>, vector<16xi32>, vector<16xi32>], vector<16xf32>,
      tpu.vector_store_idx %arg7[%add3A_1855, %broadcast_in_dim3A_1843], %gather3A_1856 {add = true} : memref<64x128xf32, #tpu.memory_space<vmem>>[vector<16xi32>, vector<16xi32>], vector<16xf32>,
      %add3A_1857 = arith.constant 48 : i32
      %add3A_1858 = vector.broadcast %add3A_1857 : i32 to vector<16xi32>
      %add3A_1859 = arith.addi %iota3A_1844, %add3A_1858 : vector<16xi32>
      %gather3A_1860 = tpu.vector_load_idx %arg8[%broadcast_in_dim3A_1842, %add3A_1859, %broadcast_in_dim3A_1840] : memref<8x64x128xf32, #tpu.memory_space<vmem>>[vector<16xi32>, vector<16xi32>, vector<16xi32>], vector<16xf32>,
      tpu.vector_store_idx %arg7[%add3A_1859, %broadcast_in_dim3A_1843], %gather3A_1860 {add = true} : memref<64x128xf32, #tpu.memory_space<vmem>>[vector<16xi32>, vector<16xi32>], vector<16xf32>,
      %slice3A_1861 = vector.extract_strided_slice %get3A_1067 {offsets = [3], sizes = [1], strides = [1]} : vector<16xi32> to vector<1xi32>
      %squeeze3A_1862 = vector.extract %slice3A_1861[0] : i32 from vector<1xi32>
      %shift_right_arithmetic3A_1863 = arith.constant 7 : i32
      %shift_right_arithmetic3A_1864 = arith.shrsi %squeeze3A_1862, %shift_right_arithmetic3A_1863 : i32
      %mul3A_1865 = arith.constant 128 : i32
      %mul3A_1866 = arith.muli %shift_right_arithmetic3A_1864, %mul3A_1865 : i32
      %multiple_of3A_1867 = tpu.assume_multiple %mul3A_1866, 128 : i32
      %dma_start3A_1868 = arith.constant 3 : i32
      %dma_start3A_1869 = arith.constant 3 : i32
      %dma_start3A_1870 = arith.constant 0 : i32
      %dma_start3A_1871 = arith.constant 0 : i32
      %dma_start3A_1872 = tpu.memref_slice %arg8[%dma_start3A_1868, %dma_start3A_1870, %dma_start3A_1871] : memref<8x64x128xf32, #tpu.memory_space<vmem>> -> memref<1x64x128xf32, #tpu.memory_space<vmem>>
      %dma_start3A_1873 = tpu.memref_squeeze %dma_start3A_1872 : memref<1x64x128xf32, #tpu.memory_space<vmem>> -> memref<64x128xf32, #tpu.memory_space<vmem>>
      %dma_start3A_1874 = arith.constant 0 : i32
      %dma_start3A_1875 = tpu.memref_slice %arg2[%dma_start3A_1874, %multiple_of3A_1867] : memref<64x1000001xf32, #tpu.memory_space<hbm>> -> memref<64x128xf32, #tpu.memory_space<hbm>>
      %dma_start3A_1876 = tpu.memref_slice %arg9[%dma_start3A_1869] : memref<8x!tpu.dma_semaphore, #tpu.memory_space<semaphore_mem>> -> memref<1x!tpu.dma_semaphore, #tpu.memory_space<semaphore_mem>>
      %dma_start3A_1877 = tpu.memref_squeeze %dma_start3A_1876 : memref<1x!tpu.dma_semaphore, #tpu.memory_space<semaphore_mem>> -> memref<!tpu.dma_semaphore, #tpu.memory_space<semaphore_mem>>
      %dma_start3A_1878 = arith.constant 0 : i32
      %dma_start3A_1879 = arith.constant 0 : i32
      %dma_start3A_1880 = tpu.memref_slice %arg8[%dma_start3A_1868, %dma_start3A_1878, %dma_start3A_1879] : memref<8x64x128xf32, #tpu.memory_space<vmem>> -> memref<1x64x128xf32, #tpu.memory_space<vmem>>
      %dma_start3A_1881 = tpu.memref_squeeze %dma_start3A_1880 : memref<1x64x128xf32, #tpu.memory_space<vmem>> -> memref<64x128xf32, #tpu.memory_space<vmem>>
      %dma_start3A_1882 = arith.constant 0 : i32
      %dma_start3A_1883 = tpu.memref_slice %arg2[%dma_start3A_1882, %multiple_of3A_1867] : memref<64x1000001xf32, #tpu.memory_space<hbm>> -> memref<64x128xf32, #tpu.memory_space<hbm>>
      tpu.enqueue_dma source(%dma_start3A_1883 : memref<64x128xf32, #tpu.memory_space<hbm>>) target(%dma_start3A_1881 : memref<64x128xf32, #tpu.memory_space<vmem>>) target_semaphore(%dma_start3A_1877 : memref<!tpu.dma_semaphore, #tpu.memory_space<semaphore_mem>>)
      %mul3A_1884 = arith.constant 16 : i32
      %mul3A_1885 = arith.muli %scan3A_1053, %mul3A_1884 : i32
      %add3A_1886 = arith.constant 12 : i32
      %add3A_1887 = arith.addi %mul3A_1885, %add3A_1886 : i32
      %dma_wait3A_1888 = arith.constant 4 : i32
      %dma_wait3A_1889 = arith.constant 4 : i32
      %dma_wait3A_1890 = arith.constant 0 : i32
      %dma_wait3A_1891 = arith.constant 0 : i32
      %dma_wait3A_1892 = tpu.memref_slice %arg8[%dma_wait3A_1888, %dma_wait3A_1890, %dma_wait3A_1891] : memref<8x64x128xf32, #tpu.memory_space<vmem>> -> memref<1x64x128xf32, #tpu.memory_space<vmem>>
      %dma_wait3A_1893 = tpu.memref_squeeze %dma_wait3A_1892 : memref<1x64x128xf32, #tpu.memory_space<vmem>> -> memref<64x128xf32, #tpu.memory_space<vmem>>
      %dma_wait3A_1894 = arith.constant 0 : i32
      %dma_wait3A_1895 = arith.constant 0 : i32
      %dma_wait3A_1896 = tpu.memref_slice %arg2[%dma_wait3A_1894, %dma_wait3A_1895] : memref<64x1000001xf32, #tpu.memory_space<hbm>> -> memref<64x128xf32, #tpu.memory_space<hbm>>
      %dma_wait3A_1897 = tpu.memref_slice %arg9[%dma_wait3A_1889] : memref<8x!tpu.dma_semaphore, #tpu.memory_space<semaphore_mem>> -> memref<1x!tpu.dma_semaphore, #tpu.memory_space<semaphore_mem>>
      %dma_wait3A_1898 = tpu.memref_squeeze %dma_wait3A_1897 : memref<1x!tpu.dma_semaphore, #tpu.memory_space<semaphore_mem>> -> memref<!tpu.dma_semaphore, #tpu.memory_space<semaphore_mem>>
      %dma_wait3A_1899 = arith.constant 0 : i32
      %dma_wait3A_1900 = arith.constant 0 : i32
      %dma_wait3A_1901 = tpu.memref_slice %arg8[%dma_wait3A_1888, %dma_wait3A_1899, %dma_wait3A_1900] : memref<8x64x128xf32, #tpu.memory_space<vmem>> -> memref<1x64x128xf32, #tpu.memory_space<vmem>>
      %dma_wait3A_1902 = tpu.memref_squeeze %dma_wait3A_1901 : memref<1x64x128xf32, #tpu.memory_space<vmem>> -> memref<64x128xf32, #tpu.memory_space<vmem>>
      %dma_wait3A_1903 = arith.constant 0 : i32
      %dma_wait3A_1904 = arith.constant 0 : i32
      %dma_wait3A_1905 = tpu.memref_slice %arg2[%dma_wait3A_1903, %dma_wait3A_1904] : memref<64x1000001xf32, #tpu.memory_space<hbm>> -> memref<64x128xf32, #tpu.memory_space<hbm>>
      tpu.wait_dma2 semaphore(%dma_wait3A_1898 : memref<!tpu.dma_semaphore, #tpu.memory_space<semaphore_mem>>) src(%dma_wait3A_1905 : memref<64x128xf32, #tpu.memory_space<hbm>>) dst(%dma_wait3A_1902 : memref<64x128xf32, #tpu.memory_space<vmem>>)
      %slice3A_1906 = vector.extract_strided_slice %and3A_1061 {offsets = [12], sizes = [1], strides = [1]} : vector<16xi32> to vector<1xi32>
      %squeeze3A_1907 = vector.extract %slice3A_1906[0] : i32 from vector<1xi32>
      %broadcast_in_dim3A_1908 = vector.broadcast %squeeze3A_1907 : i32 to vector<16xi32>
      %broadcast_in_dim3A_1909 = arith.constant 4 : i32
      %broadcast_in_dim3A_1910 = vector.broadcast %broadcast_in_dim3A_1909 : i32 to vector<16xi32>
      %broadcast_in_dim3A_1911 = vector.broadcast %add3A_1887 : i32 to vector<16xi32>
      %iota3A_1912 = tpu.iota {dimensions = array<i32: 0>} : vector<16xi32>
      %add3A_1913 = arith.constant 0 : i32
      %add3A_1914 = vector.broadcast %add3A_1913 : i32 to vector<16xi32>
      %add3A_1915 = arith.addi %iota3A_1912, %add3A_1914 : vector<16xi32>
      %gather3A_1916 = tpu.vector_load_idx %arg8[%broadcast_in_dim3A_1910, %add3A_1915, %broadcast_in_dim3A_1908] : memref<8x64x128xf32, #tpu.memory_space<vmem>>[vector<16xi32>, vector<16xi32>, vector<16xi32>], vector<16xf32>,
      tpu.vector_store_idx %arg7[%add3A_1915, %broadcast_in_dim3A_1911], %gather3A_1916 {add = true} : memref<64x128xf32, #tpu.memory_space<vmem>>[vector<16xi32>, vector<16xi32>], vector<16xf32>,
      %add3A_1917 = arith.constant 16 : i32
      %add3A_1918 = vector.broadcast %add3A_1917 : i32 to vector<16xi32>
      %add3A_1919 = arith.addi %iota3A_1912, %add3A_1918 : vector<16xi32>
      %gather3A_1920 = tpu.vector_load_idx %arg8[%broadcast_in_dim3A_1910, %add3A_1919, %broadcast_in_dim3A_1908] : memref<8x64x128xf32, #tpu.memory_space<vmem>>[vector<16xi32>, vector<16xi32>, vector<16xi32>], vector<16xf32>,
      tpu.vector_store_idx %arg7[%add3A_1919, %broadcast_in_dim3A_1911], %gather3A_1920 {add = true} : memref<64x128xf32, #tpu.memory_space<vmem>>[vector<16xi32>, vector<16xi32>], vector<16xf32>,
      %add3A_1921 = arith.constant 32 : i32
      %add3A_1922 = vector.broadcast %add3A_1921 : i32 to vector<16xi32>
      %add3A_1923 = arith.addi %iota3A_1912, %add3A_1922 : vector<16xi32>
      %gather3A_1924 = tpu.vector_load_idx %arg8[%broadcast_in_dim3A_1910, %add3A_1923, %broadcast_in_dim3A_1908] : memref<8x64x128xf32, #tpu.memory_space<vmem>>[vector<16xi32>, vector<16xi32>, vector<16xi32>], vector<16xf32>,
      tpu.vector_store_idx %arg7[%add3A_1923, %broadcast_in_dim3A_1911], %gather3A_1924 {add = true} : memref<64x128xf32, #tpu.memory_space<vmem>>[vector<16xi32>, vector<16xi32>], vector<16xf32>,
      %add3A_1925 = arith.constant 48 : i32
      %add3A_1926 = vector.broadcast %add3A_1925 : i32 to vector<16xi32>
      %add3A_1927 = arith.addi %iota3A_1912, %add3A_1926 : vector<16xi32>
      %gather3A_1928 = tpu.vector_load_idx %arg8[%broadcast_in_dim3A_1910, %add3A_1927, %broadcast_in_dim3A_1908] : memref<8x64x128xf32, #tpu.memory_space<vmem>>[vector<16xi32>, vector<16xi32>, vector<16xi32>], vector<16xf32>,
      tpu.vector_store_idx %arg7[%add3A_1927, %broadcast_in_dim3A_1911], %gather3A_1928 {add = true} : memref<64x128xf32, #tpu.memory_space<vmem>>[vector<16xi32>, vector<16xi32>], vector<16xf32>,
      %slice3A_1929 = vector.extract_strided_slice %get3A_1067 {offsets = [4], sizes = [1], strides = [1]} : vector<16xi32> to vector<1xi32>
      %squeeze3A_1930 = vector.extract %slice3A_1929[0] : i32 from vector<1xi32>
      %shift_right_arithmetic3A_1931 = arith.constant 7 : i32
      %shift_right_arithmetic3A_1932 = arith.shrsi %squeeze3A_1930, %shift_right_arithmetic3A_1931 : i32
      %mul3A_1933 = arith.constant 128 : i32
      %mul3A_1934 = arith.muli %shift_right_arithmetic3A_1932, %mul3A_1933 : i32
      %multiple_of3A_1935 = tpu.assume_multiple %mul3A_1934, 128 : i32
      %dma_start3A_1936 = arith.constant 4 : i32
      %dma_start3A_1937 = arith.constant 4 : i32
      %dma_start3A_1938 = arith.constant 0 : i32
      %dma_start3A_1939 = arith.constant 0 : i32
      %dma_start3A_1940 = tpu.memref_slice %arg8[%dma_start3A_1936, %dma_start3A_1938, %dma_start3A_1939] : memref<8x64x128xf32, #tpu.memory_space<vmem>> -> memref<1x64x128xf32, #tpu.memory_space<vmem>>
      %dma_start3A_1941 = tpu.memref_squeeze %dma_start3A_1940 : memref<1x64x128xf32, #tpu.memory_space<vmem>> -> memref<64x128xf32, #tpu.memory_space<vmem>>
      %dma_start3A_1942 = arith.constant 0 : i32
      %dma_start3A_1943 = tpu.memref_slice %arg2[%dma_start3A_1942, %multiple_of3A_1935] : memref<64x1000001xf32, #tpu.memory_space<hbm>> -> memref<64x128xf32, #tpu.memory_space<hbm>>
      %dma_start3A_1944 = tpu.memref_slice %arg9[%dma_start3A_1937] : memref<8x!tpu.dma_semaphore, #tpu.memory_space<semaphore_mem>> -> memref<1x!tpu.dma_semaphore, #tpu.memory_space<semaphore_mem>>
      %dma_start3A_1945 = tpu.memref_squeeze %dma_start3A_1944 : memref<1x!tpu.dma_semaphore, #tpu.memory_space<semaphore_mem>> -> memref<!tpu.dma_semaphore, #tpu.memory_space<semaphore_mem>>
      %dma_start3A_1946 = arith.constant 0 : i32
      %dma_start3A_1947 = arith.constant 0 : i32
      %dma_start3A_1948 = tpu.memref_slice %arg8[%dma_start3A_1936, %dma_start3A_1946, %dma_start3A_1947] : memref<8x64x128xf32, #tpu.memory_space<vmem>> -> memref<1x64x128xf32, #tpu.memory_space<vmem>>
      %dma_start3A_1949 = tpu.memref_squeeze %dma_start3A_1948 : memref<1x64x128xf32, #tpu.memory_space<vmem>> -> memref<64x128xf32, #tpu.memory_space<vmem>>
      %dma_start3A_1950 = arith.constant 0 : i32
      %dma_start3A_1951 = tpu.memref_slice %arg2[%dma_start3A_1950, %multiple_of3A_1935] : memref<64x1000001xf32, #tpu.memory_space<hbm>> -> memref<64x128xf32, #tpu.memory_space<hbm>>
      tpu.enqueue_dma source(%dma_start3A_1951 : memref<64x128xf32, #tpu.memory_space<hbm>>) target(%dma_start3A_1949 : memref<64x128xf32, #tpu.memory_space<vmem>>) target_semaphore(%dma_start3A_1945 : memref<!tpu.dma_semaphore, #tpu.memory_space<semaphore_mem>>)
      %mul3A_1952 = arith.constant 16 : i32
      %mul3A_1953 = arith.muli %scan3A_1053, %mul3A_1952 : i32
      %add3A_1954 = arith.constant 13 : i32
      %add3A_1955 = arith.addi %mul3A_1953, %add3A_1954 : i32
      %dma_wait3A_1956 = arith.constant 5 : i32
      %dma_wait3A_1957 = arith.constant 5 : i32
      %dma_wait3A_1958 = arith.constant 0 : i32
      %dma_wait3A_1959 = arith.constant 0 : i32
      %dma_wait3A_1960 = tpu.memref_slice %arg8[%dma_wait3A_1956, %dma_wait3A_1958, %dma_wait3A_1959] : memref<8x64x128xf32, #tpu.memory_space<vmem>> -> memref<1x64x128xf32, #tpu.memory_space<vmem>>
      %dma_wait3A_1961 = tpu.memref_squeeze %dma_wait3A_1960 : memref<1x64x128xf32, #tpu.memory_space<vmem>> -> memref<64x128xf32, #tpu.memory_space<vmem>>
      %dma_wait3A_1962 = arith.constant 0 : i32
      %dma_wait3A_1963 = arith.constant 0 : i32
      %dma_wait3A_1964 = tpu.memref_slice %arg2[%dma_wait3A_1962, %dma_wait3A_1963] : memref<64x1000001xf32, #tpu.memory_space<hbm>> -> memref<64x128xf32, #tpu.memory_space<hbm>>
      %dma_wait3A_1965 = tpu.memref_slice %arg9[%dma_wait3A_1957] : memref<8x!tpu.dma_semaphore, #tpu.memory_space<semaphore_mem>> -> memref<1x!tpu.dma_semaphore, #tpu.memory_space<semaphore_mem>>
      %dma_wait3A_1966 = tpu.memref_squeeze %dma_wait3A_1965 : memref<1x!tpu.dma_semaphore, #tpu.memory_space<semaphore_mem>> -> memref<!tpu.dma_semaphore, #tpu.memory_space<semaphore_mem>>
      %dma_wait3A_1967 = arith.constant 0 : i32
      %dma_wait3A_1968 = arith.constant 0 : i32
      %dma_wait3A_1969 = tpu.memref_slice %arg8[%dma_wait3A_1956, %dma_wait3A_1967, %dma_wait3A_1968] : memref<8x64x128xf32, #tpu.memory_space<vmem>> -> memref<1x64x128xf32, #tpu.memory_space<vmem>>
      %dma_wait3A_1970 = tpu.memref_squeeze %dma_wait3A_1969 : memref<1x64x128xf32, #tpu.memory_space<vmem>> -> memref<64x128xf32, #tpu.memory_space<vmem>>
      %dma_wait3A_1971 = arith.constant 0 : i32
      %dma_wait3A_1972 = arith.constant 0 : i32
      %dma_wait3A_1973 = tpu.memref_slice %arg2[%dma_wait3A_1971, %dma_wait3A_1972] : memref<64x1000001xf32, #tpu.memory_space<hbm>> -> memref<64x128xf32, #tpu.memory_space<hbm>>
      tpu.wait_dma2 semaphore(%dma_wait3A_1966 : memref<!tpu.dma_semaphore, #tpu.memory_space<semaphore_mem>>) src(%dma_wait3A_1973 : memref<64x128xf32, #tpu.memory_space<hbm>>) dst(%dma_wait3A_1970 : memref<64x128xf32, #tpu.memory_space<vmem>>)
      %slice3A_1974 = vector.extract_strided_slice %and3A_1061 {offsets = [13], sizes = [1], strides = [1]} : vector<16xi32> to vector<1xi32>
      %squeeze3A_1975 = vector.extract %slice3A_1974[0] : i32 from vector<1xi32>
      %broadcast_in_dim3A_1976 = vector.broadcast %squeeze3A_1975 : i32 to vector<16xi32>
      %broadcast_in_dim3A_1977 = arith.constant 5 : i32
      %broadcast_in_dim3A_1978 = vector.broadcast %broadcast_in_dim3A_1977 : i32 to vector<16xi32>
      %broadcast_in_dim3A_1979 = vector.broadcast %add3A_1955 : i32 to vector<16xi32>
      %iota3A_1980 = tpu.iota {dimensions = array<i32: 0>} : vector<16xi32>
      %add3A_1981 = arith.constant 0 : i32
      %add3A_1982 = vector.broadcast %add3A_1981 : i32 to vector<16xi32>
      %add3A_1983 = arith.addi %iota3A_1980, %add3A_1982 : vector<16xi32>
      %gather3A_1984 = tpu.vector_load_idx %arg8[%broadcast_in_dim3A_1978, %add3A_1983, %broadcast_in_dim3A_1976] : memref<8x64x128xf32, #tpu.memory_space<vmem>>[vector<16xi32>, vector<16xi32>, vector<16xi32>], vector<16xf32>,
      tpu.vector_store_idx %arg7[%add3A_1983, %broadcast_in_dim3A_1979], %gather3A_1984 {add = true} : memref<64x128xf32, #tpu.memory_space<vmem>>[vector<16xi32>, vector<16xi32>], vector<16xf32>,
      %add3A_1985 = arith.constant 16 : i32
      %add3A_1986 = vector.broadcast %add3A_1985 : i32 to vector<16xi32>
      %add3A_1987 = arith.addi %iota3A_1980, %add3A_1986 : vector<16xi32>
      %gather3A_1988 = tpu.vector_load_idx %arg8[%broadcast_in_dim3A_1978, %add3A_1987, %broadcast_in_dim3A_1976] : memref<8x64x128xf32, #tpu.memory_space<vmem>>[vector<16xi32>, vector<16xi32>, vector<16xi32>], vector<16xf32>,
      tpu.vector_store_idx %arg7[%add3A_1987, %broadcast_in_dim3A_1979], %gather3A_1988 {add = true} : memref<64x128xf32, #tpu.memory_space<vmem>>[vector<16xi32>, vector<16xi32>], vector<16xf32>,
      %add3A_1989 = arith.constant 32 : i32
      %add3A_1990 = vector.broadcast %add3A_1989 : i32 to vector<16xi32>
      %add3A_1991 = arith.addi %iota3A_1980, %add3A_1990 : vector<16xi32>
      %gather3A_1992 = tpu.vector_load_idx %arg8[%broadcast_in_dim3A_1978, %add3A_1991, %broadcast_in_dim3A_1976] : memref<8x64x128xf32, #tpu.memory_space<vmem>>[vector<16xi32>, vector<16xi32>, vector<16xi32>], vector<16xf32>,
      tpu.vector_store_idx %arg7[%add3A_1991, %broadcast_in_dim3A_1979], %gather3A_1992 {add = true} : memref<64x128xf32, #tpu.memory_space<vmem>>[vector<16xi32>, vector<16xi32>], vector<16xf32>,
      %add3A_1993 = arith.constant 48 : i32
      %add3A_1994 = vector.broadcast %add3A_1993 : i32 to vector<16xi32>
      %add3A_1995 = arith.addi %iota3A_1980, %add3A_1994 : vector<16xi32>
      %gather3A_1996 = tpu.vector_load_idx %arg8[%broadcast_in_dim3A_1978, %add3A_1995, %broadcast_in_dim3A_1976] : memref<8x64x128xf32, #tpu.memory_space<vmem>>[vector<16xi32>, vector<16xi32>, vector<16xi32>], vector<16xf32>,
      tpu.vector_store_idx %arg7[%add3A_1995, %broadcast_in_dim3A_1979], %gather3A_1996 {add = true} : memref<64x128xf32, #tpu.memory_space<vmem>>[vector<16xi32>, vector<16xi32>], vector<16xf32>,
      %slice3A_1997 = vector.extract_strided_slice %get3A_1067 {offsets = [5], sizes = [1], strides = [1]} : vector<16xi32> to vector<1xi32>
      %squeeze3A_1998 = vector.extract %slice3A_1997[0] : i32 from vector<1xi32>
      %shift_right_arithmetic3A_1999 = arith.constant 7 : i32
      %shift_right_arithmetic3A_2000 = arith.shrsi %squeeze3A_1998, %shift_right_arithmetic3A_1999 : i32
      %mul3A_2001 = arith.constant 128 : i32
      %mul3A_2002 = arith.muli %shift_right_arithmetic3A_2000, %mul3A_2001 : i32
      %multiple_of3A_2003 = tpu.assume_multiple %mul3A_2002, 128 : i32
      %dma_start3A_2004 = arith.constant 5 : i32
      %dma_start3A_2005 = arith.constant 5 : i32
      %dma_start3A_2006 = arith.constant 0 : i32
      %dma_start3A_2007 = arith.constant 0 : i32
      %dma_start3A_2008 = tpu.memref_slice %arg8[%dma_start3A_2004, %dma_start3A_2006, %dma_start3A_2007] : memref<8x64x128xf32, #tpu.memory_space<vmem>> -> memref<1x64x128xf32, #tpu.memory_space<vmem>>
      %dma_start3A_2009 = tpu.memref_squeeze %dma_start3A_2008 : memref<1x64x128xf32, #tpu.memory_space<vmem>> -> memref<64x128xf32, #tpu.memory_space<vmem>>
      %dma_start3A_2010 = arith.constant 0 : i32
      %dma_start3A_2011 = tpu.memref_slice %arg2[%dma_start3A_2010, %multiple_of3A_2003] : memref<64x1000001xf32, #tpu.memory_space<hbm>> -> memref<64x128xf32, #tpu.memory_space<hbm>>
      %dma_start3A_2012 = tpu.memref_slice %arg9[%dma_start3A_2005] : memref<8x!tpu.dma_semaphore, #tpu.memory_space<semaphore_mem>> -> memref<1x!tpu.dma_semaphore, #tpu.memory_space<semaphore_mem>>
      %dma_start3A_2013 = tpu.memref_squeeze %dma_start3A_2012 : memref<1x!tpu.dma_semaphore, #tpu.memory_space<semaphore_mem>> -> memref<!tpu.dma_semaphore, #tpu.memory_space<semaphore_mem>>
      %dma_start3A_2014 = arith.constant 0 : i32
      %dma_start3A_2015 = arith.constant 0 : i32
      %dma_start3A_2016 = tpu.memref_slice %arg8[%dma_start3A_2004, %dma_start3A_2014, %dma_start3A_2015] : memref<8x64x128xf32, #tpu.memory_space<vmem>> -> memref<1x64x128xf32, #tpu.memory_space<vmem>>
      %dma_start3A_2017 = tpu.memref_squeeze %dma_start3A_2016 : memref<1x64x128xf32, #tpu.memory_space<vmem>> -> memref<64x128xf32, #tpu.memory_space<vmem>>
      %dma_start3A_2018 = arith.constant 0 : i32
      %dma_start3A_2019 = tpu.memref_slice %arg2[%dma_start3A_2018, %multiple_of3A_2003] : memref<64x1000001xf32, #tpu.memory_space<hbm>> -> memref<64x128xf32, #tpu.memory_space<hbm>>
      tpu.enqueue_dma source(%dma_start3A_2019 : memref<64x128xf32, #tpu.memory_space<hbm>>) target(%dma_start3A_2017 : memref<64x128xf32, #tpu.memory_space<vmem>>) target_semaphore(%dma_start3A_2013 : memref<!tpu.dma_semaphore, #tpu.memory_space<semaphore_mem>>)
      %mul3A_2020 = arith.constant 16 : i32
      %mul3A_2021 = arith.muli %scan3A_1053, %mul3A_2020 : i32
      %add3A_2022 = arith.constant 14 : i32
      %add3A_2023 = arith.addi %mul3A_2021, %add3A_2022 : i32
      %dma_wait3A_2024 = arith.constant 6 : i32
      %dma_wait3A_2025 = arith.constant 6 : i32
      %dma_wait3A_2026 = arith.constant 0 : i32
      %dma_wait3A_2027 = arith.constant 0 : i32
      %dma_wait3A_2028 = tpu.memref_slice %arg8[%dma_wait3A_2024, %dma_wait3A_2026, %dma_wait3A_2027] : memref<8x64x128xf32, #tpu.memory_space<vmem>> -> memref<1x64x128xf32, #tpu.memory_space<vmem>>
      %dma_wait3A_2029 = tpu.memref_squeeze %dma_wait3A_2028 : memref<1x64x128xf32, #tpu.memory_space<vmem>> -> memref<64x128xf32, #tpu.memory_space<vmem>>
      %dma_wait3A_2030 = arith.constant 0 : i32
      %dma_wait3A_2031 = arith.constant 0 : i32
      %dma_wait3A_2032 = tpu.memref_slice %arg2[%dma_wait3A_2030, %dma_wait3A_2031] : memref<64x1000001xf32, #tpu.memory_space<hbm>> -> memref<64x128xf32, #tpu.memory_space<hbm>>
      %dma_wait3A_2033 = tpu.memref_slice %arg9[%dma_wait3A_2025] : memref<8x!tpu.dma_semaphore, #tpu.memory_space<semaphore_mem>> -> memref<1x!tpu.dma_semaphore, #tpu.memory_space<semaphore_mem>>
      %dma_wait3A_2034 = tpu.memref_squeeze %dma_wait3A_2033 : memref<1x!tpu.dma_semaphore, #tpu.memory_space<semaphore_mem>> -> memref<!tpu.dma_semaphore, #tpu.memory_space<semaphore_mem>>
      %dma_wait3A_2035 = arith.constant 0 : i32
      %dma_wait3A_2036 = arith.constant 0 : i32
      %dma_wait3A_2037 = tpu.memref_slice %arg8[%dma_wait3A_2024, %dma_wait3A_2035, %dma_wait3A_2036] : memref<8x64x128xf32, #tpu.memory_space<vmem>> -> memref<1x64x128xf32, #tpu.memory_space<vmem>>
      %dma_wait3A_2038 = tpu.memref_squeeze %dma_wait3A_2037 : memref<1x64x128xf32, #tpu.memory_space<vmem>> -> memref<64x128xf32, #tpu.memory_space<vmem>>
      %dma_wait3A_2039 = arith.constant 0 : i32
      %dma_wait3A_2040 = arith.constant 0 : i32
      %dma_wait3A_2041 = tpu.memref_slice %arg2[%dma_wait3A_2039, %dma_wait3A_2040] : memref<64x1000001xf32, #tpu.memory_space<hbm>> -> memref<64x128xf32, #tpu.memory_space<hbm>>
      tpu.wait_dma2 semaphore(%dma_wait3A_2034 : memref<!tpu.dma_semaphore, #tpu.memory_space<semaphore_mem>>) src(%dma_wait3A_2041 : memref<64x128xf32, #tpu.memory_space<hbm>>) dst(%dma_wait3A_2038 : memref<64x128xf32, #tpu.memory_space<vmem>>)
      %slice3A_2042 = vector.extract_strided_slice %and3A_1061 {offsets = [14], sizes = [1], strides = [1]} : vector<16xi32> to vector<1xi32>
      %squeeze3A_2043 = vector.extract %slice3A_2042[0] : i32 from vector<1xi32>
      %broadcast_in_dim3A_2044 = vector.broadcast %squeeze3A_2043 : i32 to vector<16xi32>
      %broadcast_in_dim3A_2045 = arith.constant 6 : i32
      %broadcast_in_dim3A_2046 = vector.broadcast %broadcast_in_dim3A_2045 : i32 to vector<16xi32>
      %broadcast_in_dim3A_2047 = vector.broadcast %add3A_2023 : i32 to vector<16xi32>
      %iota3A_2048 = tpu.iota {dimensions = array<i32: 0>} : vector<16xi32>
      %add3A_2049 = arith.constant 0 : i32
      %add3A_2050 = vector.broadcast %add3A_2049 : i32 to vector<16xi32>
      %add3A_2051 = arith.addi %iota3A_2048, %add3A_2050 : vector<16xi32>
      %gather3A_2052 = tpu.vector_load_idx %arg8[%broadcast_in_dim3A_2046, %add3A_2051, %broadcast_in_dim3A_2044] : memref<8x64x128xf32, #tpu.memory_space<vmem>>[vector<16xi32>, vector<16xi32>, vector<16xi32>], vector<16xf32>,
      tpu.vector_store_idx %arg7[%add3A_2051, %broadcast_in_dim3A_2047], %gather3A_2052 {add = true} : memref<64x128xf32, #tpu.memory_space<vmem>>[vector<16xi32>, vector<16xi32>], vector<16xf32>,
      %add3A_2053 = arith.constant 16 : i32
      %add3A_2054 = vector.broadcast %add3A_2053 : i32 to vector<16xi32>
      %add3A_2055 = arith.addi %iota3A_2048, %add3A_2054 : vector<16xi32>
      %gather3A_2056 = tpu.vector_load_idx %arg8[%broadcast_in_dim3A_2046, %add3A_2055, %broadcast_in_dim3A_2044] : memref<8x64x128xf32, #tpu.memory_space<vmem>>[vector<16xi32>, vector<16xi32>, vector<16xi32>], vector<16xf32>,
      tpu.vector_store_idx %arg7[%add3A_2055, %broadcast_in_dim3A_2047], %gather3A_2056 {add = true} : memref<64x128xf32, #tpu.memory_space<vmem>>[vector<16xi32>, vector<16xi32>], vector<16xf32>,
      %add3A_2057 = arith.constant 32 : i32
      %add3A_2058 = vector.broadcast %add3A_2057 : i32 to vector<16xi32>
      %add3A_2059 = arith.addi %iota3A_2048, %add3A_2058 : vector<16xi32>
      %gather3A_2060 = tpu.vector_load_idx %arg8[%broadcast_in_dim3A_2046, %add3A_2059, %broadcast_in_dim3A_2044] : memref<8x64x128xf32, #tpu.memory_space<vmem>>[vector<16xi32>, vector<16xi32>, vector<16xi32>], vector<16xf32>,
      tpu.vector_store_idx %arg7[%add3A_2059, %broadcast_in_dim3A_2047], %gather3A_2060 {add = true} : memref<64x128xf32, #tpu.memory_space<vmem>>[vector<16xi32>, vector<16xi32>], vector<16xf32>,
      %add3A_2061 = arith.constant 48 : i32
      %add3A_2062 = vector.broadcast %add3A_2061 : i32 to vector<16xi32>
      %add3A_2063 = arith.addi %iota3A_2048, %add3A_2062 : vector<16xi32>
      %gather3A_2064 = tpu.vector_load_idx %arg8[%broadcast_in_dim3A_2046, %add3A_2063, %broadcast_in_dim3A_2044] : memref<8x64x128xf32, #tpu.memory_space<vmem>>[vector<16xi32>, vector<16xi32>, vector<16xi32>], vector<16xf32>,
      tpu.vector_store_idx %arg7[%add3A_2063, %broadcast_in_dim3A_2047], %gather3A_2064 {add = true} : memref<64x128xf32, #tpu.memory_space<vmem>>[vector<16xi32>, vector<16xi32>], vector<16xf32>,
      %slice3A_2065 = vector.extract_strided_slice %get3A_1067 {offsets = [6], sizes = [1], strides = [1]} : vector<16xi32> to vector<1xi32>
      %squeeze3A_2066 = vector.extract %slice3A_2065[0] : i32 from vector<1xi32>
      %shift_right_arithmetic3A_2067 = arith.constant 7 : i32
      %shift_right_arithmetic3A_2068 = arith.shrsi %squeeze3A_2066, %shift_right_arithmetic3A_2067 : i32
      %mul3A_2069 = arith.constant 128 : i32
      %mul3A_2070 = arith.muli %shift_right_arithmetic3A_2068, %mul3A_2069 : i32
      %multiple_of3A_2071 = tpu.assume_multiple %mul3A_2070, 128 : i32
      %dma_start3A_2072 = arith.constant 6 : i32
      %dma_start3A_2073 = arith.constant 6 : i32
      %dma_start3A_2074 = arith.constant 0 : i32
      %dma_start3A_2075 = arith.constant 0 : i32
      %dma_start3A_2076 = tpu.memref_slice %arg8[%dma_start3A_2072, %dma_start3A_2074, %dma_start3A_2075] : memref<8x64x128xf32, #tpu.memory_space<vmem>> -> memref<1x64x128xf32, #tpu.memory_space<vmem>>
      %dma_start3A_2077 = tpu.memref_squeeze %dma_start3A_2076 : memref<1x64x128xf32, #tpu.memory_space<vmem>> -> memref<64x128xf32, #tpu.memory_space<vmem>>
      %dma_start3A_2078 = arith.constant 0 : i32
      %dma_start3A_2079 = tpu.memref_slice %arg2[%dma_start3A_2078, %multiple_of3A_2071] : memref<64x1000001xf32, #tpu.memory_space<hbm>> -> memref<64x128xf32, #tpu.memory_space<hbm>>
      %dma_start3A_2080 = tpu.memref_slice %arg9[%dma_start3A_2073] : memref<8x!tpu.dma_semaphore, #tpu.memory_space<semaphore_mem>> -> memref<1x!tpu.dma_semaphore, #tpu.memory_space<semaphore_mem>>
      %dma_start3A_2081 = tpu.memref_squeeze %dma_start3A_2080 : memref<1x!tpu.dma_semaphore, #tpu.memory_space<semaphore_mem>> -> memref<!tpu.dma_semaphore, #tpu.memory_space<semaphore_mem>>
      %dma_start3A_2082 = arith.constant 0 : i32
      %dma_start3A_2083 = arith.constant 0 : i32
      %dma_start3A_2084 = tpu.memref_slice %arg8[%dma_start3A_2072, %dma_start3A_2082, %dma_start3A_2083] : memref<8x64x128xf32, #tpu.memory_space<vmem>> -> memref<1x64x128xf32, #tpu.memory_space<vmem>>
      %dma_start3A_2085 = tpu.memref_squeeze %dma_start3A_2084 : memref<1x64x128xf32, #tpu.memory_space<vmem>> -> memref<64x128xf32, #tpu.memory_space<vmem>>
      %dma_start3A_2086 = arith.constant 0 : i32
      %dma_start3A_2087 = tpu.memref_slice %arg2[%dma_start3A_2086, %multiple_of3A_2071] : memref<64x1000001xf32, #tpu.memory_space<hbm>> -> memref<64x128xf32, #tpu.memory_space<hbm>>
      tpu.enqueue_dma source(%dma_start3A_2087 : memref<64x128xf32, #tpu.memory_space<hbm>>) target(%dma_start3A_2085 : memref<64x128xf32, #tpu.memory_space<vmem>>) target_semaphore(%dma_start3A_2081 : memref<!tpu.dma_semaphore, #tpu.memory_space<semaphore_mem>>)
      %mul3A_2088 = arith.constant 16 : i32
      %mul3A_2089 = arith.muli %scan3A_1053, %mul3A_2088 : i32
      %add3A_2090 = arith.constant 15 : i32
      %add3A_2091 = arith.addi %mul3A_2089, %add3A_2090 : i32
      %dma_wait3A_2092 = arith.constant 7 : i32
      %dma_wait3A_2093 = arith.constant 7 : i32
      %dma_wait3A_2094 = arith.constant 0 : i32
      %dma_wait3A_2095 = arith.constant 0 : i32
      %dma_wait3A_2096 = tpu.memref_slice %arg8[%dma_wait3A_2092, %dma_wait3A_2094, %dma_wait3A_2095] : memref<8x64x128xf32, #tpu.memory_space<vmem>> -> memref<1x64x128xf32, #tpu.memory_space<vmem>>
      %dma_wait3A_2097 = tpu.memref_squeeze %dma_wait3A_2096 : memref<1x64x128xf32, #tpu.memory_space<vmem>> -> memref<64x128xf32, #tpu.memory_space<vmem>>
      %dma_wait3A_2098 = arith.constant 0 : i32
      %dma_wait3A_2099 = arith.constant 0 : i32
      %dma_wait3A_2100 = tpu.memref_slice %arg2[%dma_wait3A_2098, %dma_wait3A_2099] : memref<64x1000001xf32, #tpu.memory_space<hbm>> -> memref<64x128xf32, #tpu.memory_space<hbm>>
      %dma_wait3A_2101 = tpu.memref_slice %arg9[%dma_wait3A_2093] : memref<8x!tpu.dma_semaphore, #tpu.memory_space<semaphore_mem>> -> memref<1x!tpu.dma_semaphore, #tpu.memory_space<semaphore_mem>>
      %dma_wait3A_2102 = tpu.memref_squeeze %dma_wait3A_2101 : memref<1x!tpu.dma_semaphore, #tpu.memory_space<semaphore_mem>> -> memref<!tpu.dma_semaphore, #tpu.memory_space<semaphore_mem>>
      %dma_wait3A_2103 = arith.constant 0 : i32
      %dma_wait3A_2104 = arith.constant 0 : i32
      %dma_wait3A_2105 = tpu.memref_slice %arg8[%dma_wait3A_2092, %dma_wait3A_2103, %dma_wait3A_2104] : memref<8x64x128xf32, #tpu.memory_space<vmem>> -> memref<1x64x128xf32, #tpu.memory_space<vmem>>
      %dma_wait3A_2106 = tpu.memref_squeeze %dma_wait3A_2105 : memref<1x64x128xf32, #tpu.memory_space<vmem>> -> memref<64x128xf32, #tpu.memory_space<vmem>>
      %dma_wait3A_2107 = arith.constant 0 : i32
      %dma_wait3A_2108 = arith.constant 0 : i32
      %dma_wait3A_2109 = tpu.memref_slice %arg2[%dma_wait3A_2107, %dma_wait3A_2108] : memref<64x1000001xf32, #tpu.memory_space<hbm>> -> memref<64x128xf32, #tpu.memory_space<hbm>>
      tpu.wait_dma2 semaphore(%dma_wait3A_2102 : memref<!tpu.dma_semaphore, #tpu.memory_space<semaphore_mem>>) src(%dma_wait3A_2109 : memref<64x128xf32, #tpu.memory_space<hbm>>) dst(%dma_wait3A_2106 : memref<64x128xf32, #tpu.memory_space<vmem>>)
      %slice3A_2110 = vector.extract_strided_slice %and3A_1061 {offsets = [15], sizes = [1], strides = [1]} : vector<16xi32> to vector<1xi32>
      %squeeze3A_2111 = vector.extract %slice3A_2110[0] : i32 from vector<1xi32>
      %broadcast_in_dim3A_2112 = vector.broadcast %squeeze3A_2111 : i32 to vector<16xi32>
      %broadcast_in_dim3A_2113 = arith.constant 7 : i32
      %broadcast_in_dim3A_2114 = vector.broadcast %broadcast_in_dim3A_2113 : i32 to vector<16xi32>
      %broadcast_in_dim3A_2115 = vector.broadcast %add3A_2091 : i32 to vector<16xi32>
      %iota3A_2116 = tpu.iota {dimensions = array<i32: 0>} : vector<16xi32>
      %add3A_2117 = arith.constant 0 : i32
      %add3A_2118 = vector.broadcast %add3A_2117 : i32 to vector<16xi32>
      %add3A_2119 = arith.addi %iota3A_2116, %add3A_2118 : vector<16xi32>
      %gather3A_2120 = tpu.vector_load_idx %arg8[%broadcast_in_dim3A_2114, %add3A_2119, %broadcast_in_dim3A_2112] : memref<8x64x128xf32, #tpu.memory_space<vmem>>[vector<16xi32>, vector<16xi32>, vector<16xi32>], vector<16xf32>,
      tpu.vector_store_idx %arg7[%add3A_2119, %broadcast_in_dim3A_2115], %gather3A_2120 {add = true} : memref<64x128xf32, #tpu.memory_space<vmem>>[vector<16xi32>, vector<16xi32>], vector<16xf32>,
      %add3A_2121 = arith.constant 16 : i32
      %add3A_2122 = vector.broadcast %add3A_2121 : i32 to vector<16xi32>
      %add3A_2123 = arith.addi %iota3A_2116, %add3A_2122 : vector<16xi32>
      %gather3A_2124 = tpu.vector_load_idx %arg8[%broadcast_in_dim3A_2114, %add3A_2123, %broadcast_in_dim3A_2112] : memref<8x64x128xf32, #tpu.memory_space<vmem>>[vector<16xi32>, vector<16xi32>, vector<16xi32>], vector<16xf32>,
      tpu.vector_store_idx %arg7[%add3A_2123, %broadcast_in_dim3A_2115], %gather3A_2124 {add = true} : memref<64x128xf32, #tpu.memory_space<vmem>>[vector<16xi32>, vector<16xi32>], vector<16xf32>,
      %add3A_2125 = arith.constant 32 : i32
      %add3A_2126 = vector.broadcast %add3A_2125 : i32 to vector<16xi32>
      %add3A_2127 = arith.addi %iota3A_2116, %add3A_2126 : vector<16xi32>
      %gather3A_2128 = tpu.vector_load_idx %arg8[%broadcast_in_dim3A_2114, %add3A_2127, %broadcast_in_dim3A_2112] : memref<8x64x128xf32, #tpu.memory_space<vmem>>[vector<16xi32>, vector<16xi32>, vector<16xi32>], vector<16xf32>,
      tpu.vector_store_idx %arg7[%add3A_2127, %broadcast_in_dim3A_2115], %gather3A_2128 {add = true} : memref<64x128xf32, #tpu.memory_space<vmem>>[vector<16xi32>, vector<16xi32>], vector<16xf32>,
      %add3A_2129 = arith.constant 48 : i32
      %add3A_2130 = vector.broadcast %add3A_2129 : i32 to vector<16xi32>
      %add3A_2131 = arith.addi %iota3A_2116, %add3A_2130 : vector<16xi32>
      %gather3A_2132 = tpu.vector_load_idx %arg8[%broadcast_in_dim3A_2114, %add3A_2131, %broadcast_in_dim3A_2112] : memref<8x64x128xf32, #tpu.memory_space<vmem>>[vector<16xi32>, vector<16xi32>, vector<16xi32>], vector<16xf32>,
      tpu.vector_store_idx %arg7[%add3A_2131, %broadcast_in_dim3A_2115], %gather3A_2132 {add = true} : memref<64x128xf32, #tpu.memory_space<vmem>>[vector<16xi32>, vector<16xi32>], vector<16xf32>,
      %slice3A_2133 = vector.extract_strided_slice %get3A_1067 {offsets = [7], sizes = [1], strides = [1]} : vector<16xi32> to vector<1xi32>
      %squeeze3A_2134 = vector.extract %slice3A_2133[0] : i32 from vector<1xi32>
      %shift_right_arithmetic3A_2135 = arith.constant 7 : i32
      %shift_right_arithmetic3A_2136 = arith.shrsi %squeeze3A_2134, %shift_right_arithmetic3A_2135 : i32
      %mul3A_2137 = arith.constant 128 : i32
      %mul3A_2138 = arith.muli %shift_right_arithmetic3A_2136, %mul3A_2137 : i32
      %multiple_of3A_2139 = tpu.assume_multiple %mul3A_2138, 128 : i32
      %dma_start3A_2140 = arith.constant 7 : i32
      %dma_start3A_2141 = arith.constant 7 : i32
      %dma_start3A_2142 = arith.constant 0 : i32
      %dma_start3A_2143 = arith.constant 0 : i32
      %dma_start3A_2144 = tpu.memref_slice %arg8[%dma_start3A_2140, %dma_start3A_2142, %dma_start3A_2143] : memref<8x64x128xf32, #tpu.memory_space<vmem>> -> memref<1x64x128xf32, #tpu.memory_space<vmem>>
      %dma_start3A_2145 = tpu.memref_squeeze %dma_start3A_2144 : memref<1x64x128xf32, #tpu.memory_space<vmem>> -> memref<64x128xf32, #tpu.memory_space<vmem>>
      %dma_start3A_2146 = arith.constant 0 : i32
      %dma_start3A_2147 = tpu.memref_slice %arg2[%dma_start3A_2146, %multiple_of3A_2139] : memref<64x1000001xf32, #tpu.memory_space<hbm>> -> memref<64x128xf32, #tpu.memory_space<hbm>>
      %dma_start3A_2148 = tpu.memref_slice %arg9[%dma_start3A_2141] : memref<8x!tpu.dma_semaphore, #tpu.memory_space<semaphore_mem>> -> memref<1x!tpu.dma_semaphore, #tpu.memory_space<semaphore_mem>>
      %dma_start3A_2149 = tpu.memref_squeeze %dma_start3A_2148 : memref<1x!tpu.dma_semaphore, #tpu.memory_space<semaphore_mem>> -> memref<!tpu.dma_semaphore, #tpu.memory_space<semaphore_mem>>
      %dma_start3A_2150 = arith.constant 0 : i32
      %dma_start3A_2151 = arith.constant 0 : i32
      %dma_start3A_2152 = tpu.memref_slice %arg8[%dma_start3A_2140, %dma_start3A_2150, %dma_start3A_2151] : memref<8x64x128xf32, #tpu.memory_space<vmem>> -> memref<1x64x128xf32, #tpu.memory_space<vmem>>
      %dma_start3A_2153 = tpu.memref_squeeze %dma_start3A_2152 : memref<1x64x128xf32, #tpu.memory_space<vmem>> -> memref<64x128xf32, #tpu.memory_space<vmem>>
      %dma_start3A_2154 = arith.constant 0 : i32
      %dma_start3A_2155 = tpu.memref_slice %arg2[%dma_start3A_2154, %multiple_of3A_2139] : memref<64x1000001xf32, #tpu.memory_space<hbm>> -> memref<64x128xf32, #tpu.memory_space<hbm>>
      tpu.enqueue_dma source(%dma_start3A_2155 : memref<64x128xf32, #tpu.memory_space<hbm>>) target(%dma_start3A_2153 : memref<64x128xf32, #tpu.memory_space<vmem>>) target_semaphore(%dma_start3A_2149 : memref<!tpu.dma_semaphore, #tpu.memory_space<semaphore_mem>>)
      %add3A_2156 = arith.constant 0 : i32
      %add3A_2157 = arith.addi %scan3A_1054, %add3A_2156 : i32
      %ge3A = arith.constant 8 : i32
      %ge3A_2158 = arith.cmpi sge, %add3A_2157, %ge3A : i32
      %sub3A = arith.constant 8 : i32
      %sub3A_2159 = arith.subi %add3A_2157, %sub3A : i32
      %select_n3A = arith.select %ge3A_2158, %sub3A_2159, %add3A_2157 : i32
      scf.yield %select_n3A : i32
    }
    %scan3A_195 = arith.constant 7 : i32
    %get3A_196 = arith.constant 112 : index
    %get3A_197 = tpu.vector_load %arg6[%get3A_196] {strides = array<i32>} : memref<128xi32, #tpu.memory_space<vmem>>, vector<16xi32>,
    %and3A = arith.constant 127 : i32
    %and3A_198 = vector.broadcast %and3A : i32 to vector<16xi32>
    %and3A_199 = arith.andi %get3A_197, %and3A_198 : vector<16xi32>
    %dma_wait3A_200 = arith.constant 0 : i32
    %dma_wait3A_201 = arith.constant 0 : i32
    %dma_wait3A_202 = arith.constant 0 : i32
    %dma_wait3A_203 = arith.constant 0 : i32
    %dma_wait3A_204 = tpu.memref_slice %arg8[%dma_wait3A_200, %dma_wait3A_202, %dma_wait3A_203] : memref<8x64x128xf32, #tpu.memory_space<vmem>> -> memref<1x64x128xf32, #tpu.memory_space<vmem>>
    %dma_wait3A_205 = tpu.memref_squeeze %dma_wait3A_204 : memref<1x64x128xf32, #tpu.memory_space<vmem>> -> memref<64x128xf32, #tpu.memory_space<vmem>>
    %dma_wait3A_206 = arith.constant 0 : i32
    %dma_wait3A_207 = arith.constant 0 : i32
    %dma_wait3A_208 = tpu.memref_slice %arg2[%dma_wait3A_206, %dma_wait3A_207] : memref<64x1000001xf32, #tpu.memory_space<hbm>> -> memref<64x128xf32, #tpu.memory_space<hbm>>
    %dma_wait3A_209 = tpu.memref_slice %arg9[%dma_wait3A_201] : memref<8x!tpu.dma_semaphore, #tpu.memory_space<semaphore_mem>> -> memref<1x!tpu.dma_semaphore, #tpu.memory_space<semaphore_mem>>
    %dma_wait3A_210 = tpu.memref_squeeze %dma_wait3A_209 : memref<1x!tpu.dma_semaphore, #tpu.memory_space<semaphore_mem>> -> memref<!tpu.dma_semaphore, #tpu.memory_space<semaphore_mem>>
    %dma_wait3A_211 = arith.constant 0 : i32
    %dma_wait3A_212 = arith.constant 0 : i32
    %dma_wait3A_213 = tpu.memref_slice %arg8[%dma_wait3A_200, %dma_wait3A_211, %dma_wait3A_212] : memref<8x64x128xf32, #tpu.memory_space<vmem>> -> memref<1x64x128xf32, #tpu.memory_space<vmem>>
    %dma_wait3A_214 = tpu.memref_squeeze %dma_wait3A_213 : memref<1x64x128xf32, #tpu.memory_space<vmem>> -> memref<64x128xf32, #tpu.memory_space<vmem>>
    %dma_wait3A_215 = arith.constant 0 : i32
    %dma_wait3A_216 = arith.constant 0 : i32
    %dma_wait3A_217 = tpu.memref_slice %arg2[%dma_wait3A_215, %dma_wait3A_216] : memref<64x1000001xf32, #tpu.memory_space<hbm>> -> memref<64x128xf32, #tpu.memory_space<hbm>>
    tpu.wait_dma2 semaphore(%dma_wait3A_210 : memref<!tpu.dma_semaphore, #tpu.memory_space<semaphore_mem>>) src(%dma_wait3A_217 : memref<64x128xf32, #tpu.memory_space<hbm>>) dst(%dma_wait3A_214 : memref<64x128xf32, #tpu.memory_space<vmem>>)
    %slice3A_218 = vector.extract_strided_slice %and3A_199 {offsets = [0], sizes = [1], strides = [1]} : vector<16xi32> to vector<1xi32>
    %squeeze3A_219 = vector.extract %slice3A_218[0] : i32 from vector<1xi32>
    %broadcast_in_dim3A = vector.broadcast %squeeze3A_219 : i32 to vector<16xi32>
    %broadcast_in_dim3A_220 = arith.constant 0 : i32
    %broadcast_in_dim3A_221 = vector.broadcast %broadcast_in_dim3A_220 : i32 to vector<16xi32>
    %broadcast_in_dim3A_222 = arith.constant 112 : i32
    %broadcast_in_dim3A_223 = vector.broadcast %broadcast_in_dim3A_222 : i32 to vector<16xi32>
    %iota3A = tpu.iota {dimensions = array<i32: 0>} : vector<16xi32>
    %add3A_224 = arith.constant 0 : i32
    %add3A_225 = vector.broadcast %add3A_224 : i32 to vector<16xi32>
    %add3A_226 = arith.addi %iota3A, %add3A_225 : vector<16xi32>
    %gather3A = tpu.vector_load_idx %arg8[%broadcast_in_dim3A_221, %add3A_226, %broadcast_in_dim3A] : memref<8x64x128xf32, #tpu.memory_space<vmem>>[vector<16xi32>, vector<16xi32>, vector<16xi32>], vector<16xf32>,
    tpu.vector_store_idx %arg7[%add3A_226, %broadcast_in_dim3A_223], %gather3A {add = true} : memref<64x128xf32, #tpu.memory_space<vmem>>[vector<16xi32>, vector<16xi32>], vector<16xf32>,
    %add3A_227 = arith.constant 16 : i32
    %add3A_228 = vector.broadcast %add3A_227 : i32 to vector<16xi32>
    %add3A_229 = arith.addi %iota3A, %add3A_228 : vector<16xi32>
    %gather3A_230 = tpu.vector_load_idx %arg8[%broadcast_in_dim3A_221, %add3A_229, %broadcast_in_dim3A] : memref<8x64x128xf32, #tpu.memory_space<vmem>>[vector<16xi32>, vector<16xi32>, vector<16xi32>], vector<16xf32>,
    tpu.vector_store_idx %arg7[%add3A_229, %broadcast_in_dim3A_223], %gather3A_230 {add = true} : memref<64x128xf32, #tpu.memory_space<vmem>>[vector<16xi32>, vector<16xi32>], vector<16xf32>,
    %add3A_231 = arith.constant 32 : i32
    %add3A_232 = vector.broadcast %add3A_231 : i32 to vector<16xi32>
    %add3A_233 = arith.addi %iota3A, %add3A_232 : vector<16xi32>
    %gather3A_234 = tpu.vector_load_idx %arg8[%broadcast_in_dim3A_221, %add3A_233, %broadcast_in_dim3A] : memref<8x64x128xf32, #tpu.memory_space<vmem>>[vector<16xi32>, vector<16xi32>, vector<16xi32>], vector<16xf32>,
    tpu.vector_store_idx %arg7[%add3A_233, %broadcast_in_dim3A_223], %gather3A_234 {add = true} : memref<64x128xf32, #tpu.memory_space<vmem>>[vector<16xi32>, vector<16xi32>], vector<16xf32>,
    %add3A_235 = arith.constant 48 : i32
    %add3A_236 = vector.broadcast %add3A_235 : i32 to vector<16xi32>
    %add3A_237 = arith.addi %iota3A, %add3A_236 : vector<16xi32>
    %gather3A_238 = tpu.vector_load_idx %arg8[%broadcast_in_dim3A_221, %add3A_237, %broadcast_in_dim3A] : memref<8x64x128xf32, #tpu.memory_space<vmem>>[vector<16xi32>, vector<16xi32>, vector<16xi32>], vector<16xf32>,
    tpu.vector_store_idx %arg7[%add3A_237, %broadcast_in_dim3A_223], %gather3A_238 {add = true} : memref<64x128xf32, #tpu.memory_space<vmem>>[vector<16xi32>, vector<16xi32>], vector<16xf32>,
    %slice3A_239 = vector.extract_strided_slice %get3A_197 {offsets = [8], sizes = [1], strides = [1]} : vector<16xi32> to vector<1xi32>
    %squeeze3A_240 = vector.extract %slice3A_239[0] : i32 from vector<1xi32>
    %shift_right_arithmetic3A_241 = arith.constant 7 : i32
    %shift_right_arithmetic3A_242 = arith.shrsi %squeeze3A_240, %shift_right_arithmetic3A_241 : i32
    %mul3A_243 = arith.constant 128 : i32
    %mul3A_244 = arith.muli %shift_right_arithmetic3A_242, %mul3A_243 : i32
    %multiple_of3A_245 = tpu.assume_multiple %mul3A_244, 128 : i32
    %dma_start3A_246 = arith.constant 0 : i32
    %dma_start3A_247 = arith.constant 0 : i32
    %dma_start3A_248 = arith.constant 0 : i32
    %dma_start3A_249 = arith.constant 0 : i32
    %dma_start3A_250 = tpu.memref_slice %arg8[%dma_start3A_246, %dma_start3A_248, %dma_start3A_249] : memref<8x64x128xf32, #tpu.memory_space<vmem>> -> memref<1x64x128xf32, #tpu.memory_space<vmem>>
    %dma_start3A_251 = tpu.memref_squeeze %dma_start3A_250 : memref<1x64x128xf32, #tpu.memory_space<vmem>> -> memref<64x128xf32, #tpu.memory_space<vmem>>
    %dma_start3A_252 = arith.constant 0 : i32
    %dma_start3A_253 = tpu.memref_slice %arg2[%dma_start3A_252, %multiple_of3A_245] : memref<64x1000001xf32, #tpu.memory_space<hbm>> -> memref<64x128xf32, #tpu.memory_space<hbm>>
    %dma_start3A_254 = tpu.memref_slice %arg9[%dma_start3A_247] : memref<8x!tpu.dma_semaphore, #tpu.memory_space<semaphore_mem>> -> memref<1x!tpu.dma_semaphore, #tpu.memory_space<semaphore_mem>>
    %dma_start3A_255 = tpu.memref_squeeze %dma_start3A_254 : memref<1x!tpu.dma_semaphore, #tpu.memory_space<semaphore_mem>> -> memref<!tpu.dma_semaphore, #tpu.memory_space<semaphore_mem>>
    %dma_start3A_256 = arith.constant 0 : i32
    %dma_start3A_257 = arith.constant 0 : i32
    %dma_start3A_258 = tpu.memref_slice %arg8[%dma_start3A_246, %dma_start3A_256, %dma_start3A_257] : memref<8x64x128xf32, #tpu.memory_space<vmem>> -> memref<1x64x128xf32, #tpu.memory_space<vmem>>
    %dma_start3A_259 = tpu.memref_squeeze %dma_start3A_258 : memref<1x64x128xf32, #tpu.memory_space<vmem>> -> memref<64x128xf32, #tpu.memory_space<vmem>>
    %dma_start3A_260 = arith.constant 0 : i32
    %dma_start3A_261 = tpu.memref_slice %arg2[%dma_start3A_260, %multiple_of3A_245] : memref<64x1000001xf32, #tpu.memory_space<hbm>> -> memref<64x128xf32, #tpu.memory_space<hbm>>
    tpu.enqueue_dma source(%dma_start3A_261 : memref<64x128xf32, #tpu.memory_space<hbm>>) target(%dma_start3A_259 : memref<64x128xf32, #tpu.memory_space<vmem>>) target_semaphore(%dma_start3A_255 : memref<!tpu.dma_semaphore, #tpu.memory_space<semaphore_mem>>)
    %dma_wait3A_262 = arith.constant 1 : i32
    %dma_wait3A_263 = arith.constant 1 : i32
    %dma_wait3A_264 = arith.constant 0 : i32
    %dma_wait3A_265 = arith.constant 0 : i32
    %dma_wait3A_266 = tpu.memref_slice %arg8[%dma_wait3A_262, %dma_wait3A_264, %dma_wait3A_265] : memref<8x64x128xf32, #tpu.memory_space<vmem>> -> memref<1x64x128xf32, #tpu.memory_space<vmem>>
    %dma_wait3A_267 = tpu.memref_squeeze %dma_wait3A_266 : memref<1x64x128xf32, #tpu.memory_space<vmem>> -> memref<64x128xf32, #tpu.memory_space<vmem>>
    %dma_wait3A_268 = arith.constant 0 : i32
    %dma_wait3A_269 = arith.constant 0 : i32
    %dma_wait3A_270 = tpu.memref_slice %arg2[%dma_wait3A_268, %dma_wait3A_269] : memref<64x1000001xf32, #tpu.memory_space<hbm>> -> memref<64x128xf32, #tpu.memory_space<hbm>>
    %dma_wait3A_271 = tpu.memref_slice %arg9[%dma_wait3A_263] : memref<8x!tpu.dma_semaphore, #tpu.memory_space<semaphore_mem>> -> memref<1x!tpu.dma_semaphore, #tpu.memory_space<semaphore_mem>>
    %dma_wait3A_272 = tpu.memref_squeeze %dma_wait3A_271 : memref<1x!tpu.dma_semaphore, #tpu.memory_space<semaphore_mem>> -> memref<!tpu.dma_semaphore, #tpu.memory_space<semaphore_mem>>
    %dma_wait3A_273 = arith.constant 0 : i32
    %dma_wait3A_274 = arith.constant 0 : i32
    %dma_wait3A_275 = tpu.memref_slice %arg8[%dma_wait3A_262, %dma_wait3A_273, %dma_wait3A_274] : memref<8x64x128xf32, #tpu.memory_space<vmem>> -> memref<1x64x128xf32, #tpu.memory_space<vmem>>
    %dma_wait3A_276 = tpu.memref_squeeze %dma_wait3A_275 : memref<1x64x128xf32, #tpu.memory_space<vmem>> -> memref<64x128xf32, #tpu.memory_space<vmem>>
    %dma_wait3A_277 = arith.constant 0 : i32
    %dma_wait3A_278 = arith.constant 0 : i32
    %dma_wait3A_279 = tpu.memref_slice %arg2[%dma_wait3A_277, %dma_wait3A_278] : memref<64x1000001xf32, #tpu.memory_space<hbm>> -> memref<64x128xf32, #tpu.memory_space<hbm>>
    tpu.wait_dma2 semaphore(%dma_wait3A_272 : memref<!tpu.dma_semaphore, #tpu.memory_space<semaphore_mem>>) src(%dma_wait3A_279 : memref<64x128xf32, #tpu.memory_space<hbm>>) dst(%dma_wait3A_276 : memref<64x128xf32, #tpu.memory_space<vmem>>)
    %slice3A_280 = vector.extract_strided_slice %and3A_199 {offsets = [1], sizes = [1], strides = [1]} : vector<16xi32> to vector<1xi32>
    %squeeze3A_281 = vector.extract %slice3A_280[0] : i32 from vector<1xi32>
    %broadcast_in_dim3A_282 = vector.broadcast %squeeze3A_281 : i32 to vector<16xi32>
    %broadcast_in_dim3A_283 = arith.constant 1 : i32
    %broadcast_in_dim3A_284 = vector.broadcast %broadcast_in_dim3A_283 : i32 to vector<16xi32>
    %broadcast_in_dim3A_285 = arith.constant 113 : i32
    %broadcast_in_dim3A_286 = vector.broadcast %broadcast_in_dim3A_285 : i32 to vector<16xi32>
    %iota3A_287 = tpu.iota {dimensions = array<i32: 0>} : vector<16xi32>
    %add3A_288 = arith.constant 0 : i32
    %add3A_289 = vector.broadcast %add3A_288 : i32 to vector<16xi32>
    %add3A_290 = arith.addi %iota3A_287, %add3A_289 : vector<16xi32>
    %gather3A_291 = tpu.vector_load_idx %arg8[%broadcast_in_dim3A_284, %add3A_290, %broadcast_in_dim3A_282] : memref<8x64x128xf32, #tpu.memory_space<vmem>>[vector<16xi32>, vector<16xi32>, vector<16xi32>], vector<16xf32>,
    tpu.vector_store_idx %arg7[%add3A_290, %broadcast_in_dim3A_286], %gather3A_291 {add = true} : memref<64x128xf32, #tpu.memory_space<vmem>>[vector<16xi32>, vector<16xi32>], vector<16xf32>,
    %add3A_292 = arith.constant 16 : i32
    %add3A_293 = vector.broadcast %add3A_292 : i32 to vector<16xi32>
    %add3A_294 = arith.addi %iota3A_287, %add3A_293 : vector<16xi32>
    %gather3A_295 = tpu.vector_load_idx %arg8[%broadcast_in_dim3A_284, %add3A_294, %broadcast_in_dim3A_282] : memref<8x64x128xf32, #tpu.memory_space<vmem>>[vector<16xi32>, vector<16xi32>, vector<16xi32>], vector<16xf32>,
    tpu.vector_store_idx %arg7[%add3A_294, %broadcast_in_dim3A_286], %gather3A_295 {add = true} : memref<64x128xf32, #tpu.memory_space<vmem>>[vector<16xi32>, vector<16xi32>], vector<16xf32>,
    %add3A_296 = arith.constant 32 : i32
    %add3A_297 = vector.broadcast %add3A_296 : i32 to vector<16xi32>
    %add3A_298 = arith.addi %iota3A_287, %add3A_297 : vector<16xi32>
    %gather3A_299 = tpu.vector_load_idx %arg8[%broadcast_in_dim3A_284, %add3A_298, %broadcast_in_dim3A_282] : memref<8x64x128xf32, #tpu.memory_space<vmem>>[vector<16xi32>, vector<16xi32>, vector<16xi32>], vector<16xf32>,
    tpu.vector_store_idx %arg7[%add3A_298, %broadcast_in_dim3A_286], %gather3A_299 {add = true} : memref<64x128xf32, #tpu.memory_space<vmem>>[vector<16xi32>, vector<16xi32>], vector<16xf32>,
    %add3A_300 = arith.constant 48 : i32
    %add3A_301 = vector.broadcast %add3A_300 : i32 to vector<16xi32>
    %add3A_302 = arith.addi %iota3A_287, %add3A_301 : vector<16xi32>
    %gather3A_303 = tpu.vector_load_idx %arg8[%broadcast_in_dim3A_284, %add3A_302, %broadcast_in_dim3A_282] : memref<8x64x128xf32, #tpu.memory_space<vmem>>[vector<16xi32>, vector<16xi32>, vector<16xi32>], vector<16xf32>,
    tpu.vector_store_idx %arg7[%add3A_302, %broadcast_in_dim3A_286], %gather3A_303 {add = true} : memref<64x128xf32, #tpu.memory_space<vmem>>[vector<16xi32>, vector<16xi32>], vector<16xf32>,
    %slice3A_304 = vector.extract_strided_slice %get3A_197 {offsets = [9], sizes = [1], strides = [1]} : vector<16xi32> to vector<1xi32>
    %squeeze3A_305 = vector.extract %slice3A_304[0] : i32 from vector<1xi32>
    %shift_right_arithmetic3A_306 = arith.constant 7 : i32
    %shift_right_arithmetic3A_307 = arith.shrsi %squeeze3A_305, %shift_right_arithmetic3A_306 : i32
    %mul3A_308 = arith.constant 128 : i32
    %mul3A_309 = arith.muli %shift_right_arithmetic3A_307, %mul3A_308 : i32
    %multiple_of3A_310 = tpu.assume_multiple %mul3A_309, 128 : i32
    %dma_start3A_311 = arith.constant 1 : i32
    %dma_start3A_312 = arith.constant 1 : i32
    %dma_start3A_313 = arith.constant 0 : i32
    %dma_start3A_314 = arith.constant 0 : i32
    %dma_start3A_315 = tpu.memref_slice %arg8[%dma_start3A_311, %dma_start3A_313, %dma_start3A_314] : memref<8x64x128xf32, #tpu.memory_space<vmem>> -> memref<1x64x128xf32, #tpu.memory_space<vmem>>
    %dma_start3A_316 = tpu.memref_squeeze %dma_start3A_315 : memref<1x64x128xf32, #tpu.memory_space<vmem>> -> memref<64x128xf32, #tpu.memory_space<vmem>>
    %dma_start3A_317 = arith.constant 0 : i32
    %dma_start3A_318 = tpu.memref_slice %arg2[%dma_start3A_317, %multiple_of3A_310] : memref<64x1000001xf32, #tpu.memory_space<hbm>> -> memref<64x128xf32, #tpu.memory_space<hbm>>
    %dma_start3A_319 = tpu.memref_slice %arg9[%dma_start3A_312] : memref<8x!tpu.dma_semaphore, #tpu.memory_space<semaphore_mem>> -> memref<1x!tpu.dma_semaphore, #tpu.memory_space<semaphore_mem>>
    %dma_start3A_320 = tpu.memref_squeeze %dma_start3A_319 : memref<1x!tpu.dma_semaphore, #tpu.memory_space<semaphore_mem>> -> memref<!tpu.dma_semaphore, #tpu.memory_space<semaphore_mem>>
    %dma_start3A_321 = arith.constant 0 : i32
    %dma_start3A_322 = arith.constant 0 : i32
    %dma_start3A_323 = tpu.memref_slice %arg8[%dma_start3A_311, %dma_start3A_321, %dma_start3A_322] : memref<8x64x128xf32, #tpu.memory_space<vmem>> -> memref<1x64x128xf32, #tpu.memory_space<vmem>>
    %dma_start3A_324 = tpu.memref_squeeze %dma_start3A_323 : memref<1x64x128xf32, #tpu.memory_space<vmem>> -> memref<64x128xf32, #tpu.memory_space<vmem>>
    %dma_start3A_325 = arith.constant 0 : i32
    %dma_start3A_326 = tpu.memref_slice %arg2[%dma_start3A_325, %multiple_of3A_310] : memref<64x1000001xf32, #tpu.memory_space<hbm>> -> memref<64x128xf32, #tpu.memory_space<hbm>>
    tpu.enqueue_dma source(%dma_start3A_326 : memref<64x128xf32, #tpu.memory_space<hbm>>) target(%dma_start3A_324 : memref<64x128xf32, #tpu.memory_space<vmem>>) target_semaphore(%dma_start3A_320 : memref<!tpu.dma_semaphore, #tpu.memory_space<semaphore_mem>>)
    %dma_wait3A_327 = arith.constant 2 : i32
    %dma_wait3A_328 = arith.constant 2 : i32
    %dma_wait3A_329 = arith.constant 0 : i32
    %dma_wait3A_330 = arith.constant 0 : i32
    %dma_wait3A_331 = tpu.memref_slice %arg8[%dma_wait3A_327, %dma_wait3A_329, %dma_wait3A_330] : memref<8x64x128xf32, #tpu.memory_space<vmem>> -> memref<1x64x128xf32, #tpu.memory_space<vmem>>
    %dma_wait3A_332 = tpu.memref_squeeze %dma_wait3A_331 : memref<1x64x128xf32, #tpu.memory_space<vmem>> -> memref<64x128xf32, #tpu.memory_space<vmem>>
    %dma_wait3A_333 = arith.constant 0 : i32
    %dma_wait3A_334 = arith.constant 0 : i32
    %dma_wait3A_335 = tpu.memref_slice %arg2[%dma_wait3A_333, %dma_wait3A_334] : memref<64x1000001xf32, #tpu.memory_space<hbm>> -> memref<64x128xf32, #tpu.memory_space<hbm>>
    %dma_wait3A_336 = tpu.memref_slice %arg9[%dma_wait3A_328] : memref<8x!tpu.dma_semaphore, #tpu.memory_space<semaphore_mem>> -> memref<1x!tpu.dma_semaphore, #tpu.memory_space<semaphore_mem>>
    %dma_wait3A_337 = tpu.memref_squeeze %dma_wait3A_336 : memref<1x!tpu.dma_semaphore, #tpu.memory_space<semaphore_mem>> -> memref<!tpu.dma_semaphore, #tpu.memory_space<semaphore_mem>>
    %dma_wait3A_338 = arith.constant 0 : i32
    %dma_wait3A_339 = arith.constant 0 : i32
    %dma_wait3A_340 = tpu.memref_slice %arg8[%dma_wait3A_327, %dma_wait3A_338, %dma_wait3A_339] : memref<8x64x128xf32, #tpu.memory_space<vmem>> -> memref<1x64x128xf32, #tpu.memory_space<vmem>>
    %dma_wait3A_341 = tpu.memref_squeeze %dma_wait3A_340 : memref<1x64x128xf32, #tpu.memory_space<vmem>> -> memref<64x128xf32, #tpu.memory_space<vmem>>
    %dma_wait3A_342 = arith.constant 0 : i32
    %dma_wait3A_343 = arith.constant 0 : i32
    %dma_wait3A_344 = tpu.memref_slice %arg2[%dma_wait3A_342, %dma_wait3A_343] : memref<64x1000001xf32, #tpu.memory_space<hbm>> -> memref<64x128xf32, #tpu.memory_space<hbm>>
    tpu.wait_dma2 semaphore(%dma_wait3A_337 : memref<!tpu.dma_semaphore, #tpu.memory_space<semaphore_mem>>) src(%dma_wait3A_344 : memref<64x128xf32, #tpu.memory_space<hbm>>) dst(%dma_wait3A_341 : memref<64x128xf32, #tpu.memory_space<vmem>>)
    %slice3A_345 = vector.extract_strided_slice %and3A_199 {offsets = [2], sizes = [1], strides = [1]} : vector<16xi32> to vector<1xi32>
    %squeeze3A_346 = vector.extract %slice3A_345[0] : i32 from vector<1xi32>
    %broadcast_in_dim3A_347 = vector.broadcast %squeeze3A_346 : i32 to vector<16xi32>
    %broadcast_in_dim3A_348 = arith.constant 2 : i32
    %broadcast_in_dim3A_349 = vector.broadcast %broadcast_in_dim3A_348 : i32 to vector<16xi32>
    %broadcast_in_dim3A_350 = arith.constant 114 : i32
    %broadcast_in_dim3A_351 = vector.broadcast %broadcast_in_dim3A_350 : i32 to vector<16xi32>
    %iota3A_352 = tpu.iota {dimensions = array<i32: 0>} : vector<16xi32>
    %add3A_353 = arith.constant 0 : i32
    %add3A_354 = vector.broadcast %add3A_353 : i32 to vector<16xi32>
    %add3A_355 = arith.addi %iota3A_352, %add3A_354 : vector<16xi32>
    %gather3A_356 = tpu.vector_load_idx %arg8[%broadcast_in_dim3A_349, %add3A_355, %broadcast_in_dim3A_347] : memref<8x64x128xf32, #tpu.memory_space<vmem>>[vector<16xi32>, vector<16xi32>, vector<16xi32>], vector<16xf32>,
    tpu.vector_store_idx %arg7[%add3A_355, %broadcast_in_dim3A_351], %gather3A_356 {add = true} : memref<64x128xf32, #tpu.memory_space<vmem>>[vector<16xi32>, vector<16xi32>], vector<16xf32>,
    %add3A_357 = arith.constant 16 : i32
    %add3A_358 = vector.broadcast %add3A_357 : i32 to vector<16xi32>
    %add3A_359 = arith.addi %iota3A_352, %add3A_358 : vector<16xi32>
    %gather3A_360 = tpu.vector_load_idx %arg8[%broadcast_in_dim3A_349, %add3A_359, %broadcast_in_dim3A_347] : memref<8x64x128xf32, #tpu.memory_space<vmem>>[vector<16xi32>, vector<16xi32>, vector<16xi32>], vector<16xf32>,
    tpu.vector_store_idx %arg7[%add3A_359, %broadcast_in_dim3A_351], %gather3A_360 {add = true} : memref<64x128xf32, #tpu.memory_space<vmem>>[vector<16xi32>, vector<16xi32>], vector<16xf32>,
    %add3A_361 = arith.constant 32 : i32
    %add3A_362 = vector.broadcast %add3A_361 : i32 to vector<16xi32>
    %add3A_363 = arith.addi %iota3A_352, %add3A_362 : vector<16xi32>
    %gather3A_364 = tpu.vector_load_idx %arg8[%broadcast_in_dim3A_349, %add3A_363, %broadcast_in_dim3A_347] : memref<8x64x128xf32, #tpu.memory_space<vmem>>[vector<16xi32>, vector<16xi32>, vector<16xi32>], vector<16xf32>,
    tpu.vector_store_idx %arg7[%add3A_363, %broadcast_in_dim3A_351], %gather3A_364 {add = true} : memref<64x128xf32, #tpu.memory_space<vmem>>[vector<16xi32>, vector<16xi32>], vector<16xf32>,
    %add3A_365 = arith.constant 48 : i32
    %add3A_366 = vector.broadcast %add3A_365 : i32 to vector<16xi32>
    %add3A_367 = arith.addi %iota3A_352, %add3A_366 : vector<16xi32>
    %gather3A_368 = tpu.vector_load_idx %arg8[%broadcast_in_dim3A_349, %add3A_367, %broadcast_in_dim3A_347] : memref<8x64x128xf32, #tpu.memory_space<vmem>>[vector<16xi32>, vector<16xi32>, vector<16xi32>], vector<16xf32>,
    tpu.vector_store_idx %arg7[%add3A_367, %broadcast_in_dim3A_351], %gather3A_368 {add = true} : memref<64x128xf32, #tpu.memory_space<vmem>>[vector<16xi32>, vector<16xi32>], vector<16xf32>,
    %slice3A_369 = vector.extract_strided_slice %get3A_197 {offsets = [10], sizes = [1], strides = [1]} : vector<16xi32> to vector<1xi32>
    %squeeze3A_370 = vector.extract %slice3A_369[0] : i32 from vector<1xi32>
    %shift_right_arithmetic3A_371 = arith.constant 7 : i32
    %shift_right_arithmetic3A_372 = arith.shrsi %squeeze3A_370, %shift_right_arithmetic3A_371 : i32
    %mul3A_373 = arith.constant 128 : i32
    %mul3A_374 = arith.muli %shift_right_arithmetic3A_372, %mul3A_373 : i32
    %multiple_of3A_375 = tpu.assume_multiple %mul3A_374, 128 : i32
    %dma_start3A_376 = arith.constant 2 : i32
    %dma_start3A_377 = arith.constant 2 : i32
    %dma_start3A_378 = arith.constant 0 : i32
    %dma_start3A_379 = arith.constant 0 : i32
    %dma_start3A_380 = tpu.memref_slice %arg8[%dma_start3A_376, %dma_start3A_378, %dma_start3A_379] : memref<8x64x128xf32, #tpu.memory_space<vmem>> -> memref<1x64x128xf32, #tpu.memory_space<vmem>>
    %dma_start3A_381 = tpu.memref_squeeze %dma_start3A_380 : memref<1x64x128xf32, #tpu.memory_space<vmem>> -> memref<64x128xf32, #tpu.memory_space<vmem>>
    %dma_start3A_382 = arith.constant 0 : i32
    %dma_start3A_383 = tpu.memref_slice %arg2[%dma_start3A_382, %multiple_of3A_375] : memref<64x1000001xf32, #tpu.memory_space<hbm>> -> memref<64x128xf32, #tpu.memory_space<hbm>>
    %dma_start3A_384 = tpu.memref_slice %arg9[%dma_start3A_377] : memref<8x!tpu.dma_semaphore, #tpu.memory_space<semaphore_mem>> -> memref<1x!tpu.dma_semaphore, #tpu.memory_space<semaphore_mem>>
    %dma_start3A_385 = tpu.memref_squeeze %dma_start3A_384 : memref<1x!tpu.dma_semaphore, #tpu.memory_space<semaphore_mem>> -> memref<!tpu.dma_semaphore, #tpu.memory_space<semaphore_mem>>
    %dma_start3A_386 = arith.constant 0 : i32
    %dma_start3A_387 = arith.constant 0 : i32
    %dma_start3A_388 = tpu.memref_slice %arg8[%dma_start3A_376, %dma_start3A_386, %dma_start3A_387] : memref<8x64x128xf32, #tpu.memory_space<vmem>> -> memref<1x64x128xf32, #tpu.memory_space<vmem>>
    %dma_start3A_389 = tpu.memref_squeeze %dma_start3A_388 : memref<1x64x128xf32, #tpu.memory_space<vmem>> -> memref<64x128xf32, #tpu.memory_space<vmem>>
    %dma_start3A_390 = arith.constant 0 : i32
    %dma_start3A_391 = tpu.memref_slice %arg2[%dma_start3A_390, %multiple_of3A_375] : memref<64x1000001xf32, #tpu.memory_space<hbm>> -> memref<64x128xf32, #tpu.memory_space<hbm>>
    tpu.enqueue_dma source(%dma_start3A_391 : memref<64x128xf32, #tpu.memory_space<hbm>>) target(%dma_start3A_389 : memref<64x128xf32, #tpu.memory_space<vmem>>) target_semaphore(%dma_start3A_385 : memref<!tpu.dma_semaphore, #tpu.memory_space<semaphore_mem>>)
    %dma_wait3A_392 = arith.constant 3 : i32
    %dma_wait3A_393 = arith.constant 3 : i32
    %dma_wait3A_394 = arith.constant 0 : i32
    %dma_wait3A_395 = arith.constant 0 : i32
    %dma_wait3A_396 = tpu.memref_slice %arg8[%dma_wait3A_392, %dma_wait3A_394, %dma_wait3A_395] : memref<8x64x128xf32, #tpu.memory_space<vmem>> -> memref<1x64x128xf32, #tpu.memory_space<vmem>>
    %dma_wait3A_397 = tpu.memref_squeeze %dma_wait3A_396 : memref<1x64x128xf32, #tpu.memory_space<vmem>> -> memref<64x128xf32, #tpu.memory_space<vmem>>
    %dma_wait3A_398 = arith.constant 0 : i32
    %dma_wait3A_399 = arith.constant 0 : i32
    %dma_wait3A_400 = tpu.memref_slice %arg2[%dma_wait3A_398, %dma_wait3A_399] : memref<64x1000001xf32, #tpu.memory_space<hbm>> -> memref<64x128xf32, #tpu.memory_space<hbm>>
    %dma_wait3A_401 = tpu.memref_slice %arg9[%dma_wait3A_393] : memref<8x!tpu.dma_semaphore, #tpu.memory_space<semaphore_mem>> -> memref<1x!tpu.dma_semaphore, #tpu.memory_space<semaphore_mem>>
    %dma_wait3A_402 = tpu.memref_squeeze %dma_wait3A_401 : memref<1x!tpu.dma_semaphore, #tpu.memory_space<semaphore_mem>> -> memref<!tpu.dma_semaphore, #tpu.memory_space<semaphore_mem>>
    %dma_wait3A_403 = arith.constant 0 : i32
    %dma_wait3A_404 = arith.constant 0 : i32
    %dma_wait3A_405 = tpu.memref_slice %arg8[%dma_wait3A_392, %dma_wait3A_403, %dma_wait3A_404] : memref<8x64x128xf32, #tpu.memory_space<vmem>> -> memref<1x64x128xf32, #tpu.memory_space<vmem>>
    %dma_wait3A_406 = tpu.memref_squeeze %dma_wait3A_405 : memref<1x64x128xf32, #tpu.memory_space<vmem>> -> memref<64x128xf32, #tpu.memory_space<vmem>>
    %dma_wait3A_407 = arith.constant 0 : i32
    %dma_wait3A_408 = arith.constant 0 : i32
    %dma_wait3A_409 = tpu.memref_slice %arg2[%dma_wait3A_407, %dma_wait3A_408] : memref<64x1000001xf32, #tpu.memory_space<hbm>> -> memref<64x128xf32, #tpu.memory_space<hbm>>
    tpu.wait_dma2 semaphore(%dma_wait3A_402 : memref<!tpu.dma_semaphore, #tpu.memory_space<semaphore_mem>>) src(%dma_wait3A_409 : memref<64x128xf32, #tpu.memory_space<hbm>>) dst(%dma_wait3A_406 : memref<64x128xf32, #tpu.memory_space<vmem>>)
    %slice3A_410 = vector.extract_strided_slice %and3A_199 {offsets = [3], sizes = [1], strides = [1]} : vector<16xi32> to vector<1xi32>
    %squeeze3A_411 = vector.extract %slice3A_410[0] : i32 from vector<1xi32>
    %broadcast_in_dim3A_412 = vector.broadcast %squeeze3A_411 : i32 to vector<16xi32>
    %broadcast_in_dim3A_413 = arith.constant 3 : i32
    %broadcast_in_dim3A_414 = vector.broadcast %broadcast_in_dim3A_413 : i32 to vector<16xi32>
    %broadcast_in_dim3A_415 = arith.constant 115 : i32
    %broadcast_in_dim3A_416 = vector.broadcast %broadcast_in_dim3A_415 : i32 to vector<16xi32>
    %iota3A_417 = tpu.iota {dimensions = array<i32: 0>} : vector<16xi32>
    %add3A_418 = arith.constant 0 : i32
    %add3A_419 = vector.broadcast %add3A_418 : i32 to vector<16xi32>
    %add3A_420 = arith.addi %iota3A_417, %add3A_419 : vector<16xi32>
    %gather3A_421 = tpu.vector_load_idx %arg8[%broadcast_in_dim3A_414, %add3A_420, %broadcast_in_dim3A_412] : memref<8x64x128xf32, #tpu.memory_space<vmem>>[vector<16xi32>, vector<16xi32>, vector<16xi32>], vector<16xf32>,
    tpu.vector_store_idx %arg7[%add3A_420, %broadcast_in_dim3A_416], %gather3A_421 {add = true} : memref<64x128xf32, #tpu.memory_space<vmem>>[vector<16xi32>, vector<16xi32>], vector<16xf32>,
    %add3A_422 = arith.constant 16 : i32
    %add3A_423 = vector.broadcast %add3A_422 : i32 to vector<16xi32>
    %add3A_424 = arith.addi %iota3A_417, %add3A_423 : vector<16xi32>
    %gather3A_425 = tpu.vector_load_idx %arg8[%broadcast_in_dim3A_414, %add3A_424, %broadcast_in_dim3A_412] : memref<8x64x128xf32, #tpu.memory_space<vmem>>[vector<16xi32>, vector<16xi32>, vector<16xi32>], vector<16xf32>,
    tpu.vector_store_idx %arg7[%add3A_424, %broadcast_in_dim3A_416], %gather3A_425 {add = true} : memref<64x128xf32, #tpu.memory_space<vmem>>[vector<16xi32>, vector<16xi32>], vector<16xf32>,
    %add3A_426 = arith.constant 32 : i32
    %add3A_427 = vector.broadcast %add3A_426 : i32 to vector<16xi32>
    %add3A_428 = arith.addi %iota3A_417, %add3A_427 : vector<16xi32>
    %gather3A_429 = tpu.vector_load_idx %arg8[%broadcast_in_dim3A_414, %add3A_428, %broadcast_in_dim3A_412] : memref<8x64x128xf32, #tpu.memory_space<vmem>>[vector<16xi32>, vector<16xi32>, vector<16xi32>], vector<16xf32>,
    tpu.vector_store_idx %arg7[%add3A_428, %broadcast_in_dim3A_416], %gather3A_429 {add = true} : memref<64x128xf32, #tpu.memory_space<vmem>>[vector<16xi32>, vector<16xi32>], vector<16xf32>,
    %add3A_430 = arith.constant 48 : i32
    %add3A_431 = vector.broadcast %add3A_430 : i32 to vector<16xi32>
    %add3A_432 = arith.addi %iota3A_417, %add3A_431 : vector<16xi32>
    %gather3A_433 = tpu.vector_load_idx %arg8[%broadcast_in_dim3A_414, %add3A_432, %broadcast_in_dim3A_412] : memref<8x64x128xf32, #tpu.memory_space<vmem>>[vector<16xi32>, vector<16xi32>, vector<16xi32>], vector<16xf32>,
    tpu.vector_store_idx %arg7[%add3A_432, %broadcast_in_dim3A_416], %gather3A_433 {add = true} : memref<64x128xf32, #tpu.memory_space<vmem>>[vector<16xi32>, vector<16xi32>], vector<16xf32>,
    %slice3A_434 = vector.extract_strided_slice %get3A_197 {offsets = [11], sizes = [1], strides = [1]} : vector<16xi32> to vector<1xi32>
    %squeeze3A_435 = vector.extract %slice3A_434[0] : i32 from vector<1xi32>
    %shift_right_arithmetic3A_436 = arith.constant 7 : i32
    %shift_right_arithmetic3A_437 = arith.shrsi %squeeze3A_435, %shift_right_arithmetic3A_436 : i32
    %mul3A_438 = arith.constant 128 : i32
    %mul3A_439 = arith.muli %shift_right_arithmetic3A_437, %mul3A_438 : i32
    %multiple_of3A_440 = tpu.assume_multiple %mul3A_439, 128 : i32
    %dma_start3A_441 = arith.constant 3 : i32
    %dma_start3A_442 = arith.constant 3 : i32
    %dma_start3A_443 = arith.constant 0 : i32
    %dma_start3A_444 = arith.constant 0 : i32
    %dma_start3A_445 = tpu.memref_slice %arg8[%dma_start3A_441, %dma_start3A_443, %dma_start3A_444] : memref<8x64x128xf32, #tpu.memory_space<vmem>> -> memref<1x64x128xf32, #tpu.memory_space<vmem>>
    %dma_start3A_446 = tpu.memref_squeeze %dma_start3A_445 : memref<1x64x128xf32, #tpu.memory_space<vmem>> -> memref<64x128xf32, #tpu.memory_space<vmem>>
    %dma_start3A_447 = arith.constant 0 : i32
    %dma_start3A_448 = tpu.memref_slice %arg2[%dma_start3A_447, %multiple_of3A_440] : memref<64x1000001xf32, #tpu.memory_space<hbm>> -> memref<64x128xf32, #tpu.memory_space<hbm>>
    %dma_start3A_449 = tpu.memref_slice %arg9[%dma_start3A_442] : memref<8x!tpu.dma_semaphore, #tpu.memory_space<semaphore_mem>> -> memref<1x!tpu.dma_semaphore, #tpu.memory_space<semaphore_mem>>
    %dma_start3A_450 = tpu.memref_squeeze %dma_start3A_449 : memref<1x!tpu.dma_semaphore, #tpu.memory_space<semaphore_mem>> -> memref<!tpu.dma_semaphore, #tpu.memory_space<semaphore_mem>>
    %dma_start3A_451 = arith.constant 0 : i32
    %dma_start3A_452 = arith.constant 0 : i32
    %dma_start3A_453 = tpu.memref_slice %arg8[%dma_start3A_441, %dma_start3A_451, %dma_start3A_452] : memref<8x64x128xf32, #tpu.memory_space<vmem>> -> memref<1x64x128xf32, #tpu.memory_space<vmem>>
    %dma_start3A_454 = tpu.memref_squeeze %dma_start3A_453 : memref<1x64x128xf32, #tpu.memory_space<vmem>> -> memref<64x128xf32, #tpu.memory_space<vmem>>
    %dma_start3A_455 = arith.constant 0 : i32
    %dma_start3A_456 = tpu.memref_slice %arg2[%dma_start3A_455, %multiple_of3A_440] : memref<64x1000001xf32, #tpu.memory_space<hbm>> -> memref<64x128xf32, #tpu.memory_space<hbm>>
    tpu.enqueue_dma source(%dma_start3A_456 : memref<64x128xf32, #tpu.memory_space<hbm>>) target(%dma_start3A_454 : memref<64x128xf32, #tpu.memory_space<vmem>>) target_semaphore(%dma_start3A_450 : memref<!tpu.dma_semaphore, #tpu.memory_space<semaphore_mem>>)
    %dma_wait3A_457 = arith.constant 4 : i32
    %dma_wait3A_458 = arith.constant 4 : i32
    %dma_wait3A_459 = arith.constant 0 : i32
    %dma_wait3A_460 = arith.constant 0 : i32
    %dma_wait3A_461 = tpu.memref_slice %arg8[%dma_wait3A_457, %dma_wait3A_459, %dma_wait3A_460] : memref<8x64x128xf32, #tpu.memory_space<vmem>> -> memref<1x64x128xf32, #tpu.memory_space<vmem>>
    %dma_wait3A_462 = tpu.memref_squeeze %dma_wait3A_461 : memref<1x64x128xf32, #tpu.memory_space<vmem>> -> memref<64x128xf32, #tpu.memory_space<vmem>>
    %dma_wait3A_463 = arith.constant 0 : i32
    %dma_wait3A_464 = arith.constant 0 : i32
    %dma_wait3A_465 = tpu.memref_slice %arg2[%dma_wait3A_463, %dma_wait3A_464] : memref<64x1000001xf32, #tpu.memory_space<hbm>> -> memref<64x128xf32, #tpu.memory_space<hbm>>
    %dma_wait3A_466 = tpu.memref_slice %arg9[%dma_wait3A_458] : memref<8x!tpu.dma_semaphore, #tpu.memory_space<semaphore_mem>> -> memref<1x!tpu.dma_semaphore, #tpu.memory_space<semaphore_mem>>
    %dma_wait3A_467 = tpu.memref_squeeze %dma_wait3A_466 : memref<1x!tpu.dma_semaphore, #tpu.memory_space<semaphore_mem>> -> memref<!tpu.dma_semaphore, #tpu.memory_space<semaphore_mem>>
    %dma_wait3A_468 = arith.constant 0 : i32
    %dma_wait3A_469 = arith.constant 0 : i32
    %dma_wait3A_470 = tpu.memref_slice %arg8[%dma_wait3A_457, %dma_wait3A_468, %dma_wait3A_469] : memref<8x64x128xf32, #tpu.memory_space<vmem>> -> memref<1x64x128xf32, #tpu.memory_space<vmem>>
    %dma_wait3A_471 = tpu.memref_squeeze %dma_wait3A_470 : memref<1x64x128xf32, #tpu.memory_space<vmem>> -> memref<64x128xf32, #tpu.memory_space<vmem>>
    %dma_wait3A_472 = arith.constant 0 : i32
    %dma_wait3A_473 = arith.constant 0 : i32
    %dma_wait3A_474 = tpu.memref_slice %arg2[%dma_wait3A_472, %dma_wait3A_473] : memref<64x1000001xf32, #tpu.memory_space<hbm>> -> memref<64x128xf32, #tpu.memory_space<hbm>>
    tpu.wait_dma2 semaphore(%dma_wait3A_467 : memref<!tpu.dma_semaphore, #tpu.memory_space<semaphore_mem>>) src(%dma_wait3A_474 : memref<64x128xf32, #tpu.memory_space<hbm>>) dst(%dma_wait3A_471 : memref<64x128xf32, #tpu.memory_space<vmem>>)
    %slice3A_475 = vector.extract_strided_slice %and3A_199 {offsets = [4], sizes = [1], strides = [1]} : vector<16xi32> to vector<1xi32>
    %squeeze3A_476 = vector.extract %slice3A_475[0] : i32 from vector<1xi32>
    %broadcast_in_dim3A_477 = vector.broadcast %squeeze3A_476 : i32 to vector<16xi32>
    %broadcast_in_dim3A_478 = arith.constant 4 : i32
    %broadcast_in_dim3A_479 = vector.broadcast %broadcast_in_dim3A_478 : i32 to vector<16xi32>
    %broadcast_in_dim3A_480 = arith.constant 116 : i32
    %broadcast_in_dim3A_481 = vector.broadcast %broadcast_in_dim3A_480 : i32 to vector<16xi32>
    %iota3A_482 = tpu.iota {dimensions = array<i32: 0>} : vector<16xi32>
    %add3A_483 = arith.constant 0 : i32
    %add3A_484 = vector.broadcast %add3A_483 : i32 to vector<16xi32>
    %add3A_485 = arith.addi %iota3A_482, %add3A_484 : vector<16xi32>
    %gather3A_486 = tpu.vector_load_idx %arg8[%broadcast_in_dim3A_479, %add3A_485, %broadcast_in_dim3A_477] : memref<8x64x128xf32, #tpu.memory_space<vmem>>[vector<16xi32>, vector<16xi32>, vector<16xi32>], vector<16xf32>,
    tpu.vector_store_idx %arg7[%add3A_485, %broadcast_in_dim3A_481], %gather3A_486 {add = true} : memref<64x128xf32, #tpu.memory_space<vmem>>[vector<16xi32>, vector<16xi32>], vector<16xf32>,
    %add3A_487 = arith.constant 16 : i32
    %add3A_488 = vector.broadcast %add3A_487 : i32 to vector<16xi32>
    %add3A_489 = arith.addi %iota3A_482, %add3A_488 : vector<16xi32>
    %gather3A_490 = tpu.vector_load_idx %arg8[%broadcast_in_dim3A_479, %add3A_489, %broadcast_in_dim3A_477] : memref<8x64x128xf32, #tpu.memory_space<vmem>>[vector<16xi32>, vector<16xi32>, vector<16xi32>], vector<16xf32>,
    tpu.vector_store_idx %arg7[%add3A_489, %broadcast_in_dim3A_481], %gather3A_490 {add = true} : memref<64x128xf32, #tpu.memory_space<vmem>>[vector<16xi32>, vector<16xi32>], vector<16xf32>,
    %add3A_491 = arith.constant 32 : i32
    %add3A_492 = vector.broadcast %add3A_491 : i32 to vector<16xi32>
    %add3A_493 = arith.addi %iota3A_482, %add3A_492 : vector<16xi32>
    %gather3A_494 = tpu.vector_load_idx %arg8[%broadcast_in_dim3A_479, %add3A_493, %broadcast_in_dim3A_477] : memref<8x64x128xf32, #tpu.memory_space<vmem>>[vector<16xi32>, vector<16xi32>, vector<16xi32>], vector<16xf32>,
    tpu.vector_store_idx %arg7[%add3A_493, %broadcast_in_dim3A_481], %gather3A_494 {add = true} : memref<64x128xf32, #tpu.memory_space<vmem>>[vector<16xi32>, vector<16xi32>], vector<16xf32>,
    %add3A_495 = arith.constant 48 : i32
    %add3A_496 = vector.broadcast %add3A_495 : i32 to vector<16xi32>
    %add3A_497 = arith.addi %iota3A_482, %add3A_496 : vector<16xi32>
    %gather3A_498 = tpu.vector_load_idx %arg8[%broadcast_in_dim3A_479, %add3A_497, %broadcast_in_dim3A_477] : memref<8x64x128xf32, #tpu.memory_space<vmem>>[vector<16xi32>, vector<16xi32>, vector<16xi32>], vector<16xf32>,
    tpu.vector_store_idx %arg7[%add3A_497, %broadcast_in_dim3A_481], %gather3A_498 {add = true} : memref<64x128xf32, #tpu.memory_space<vmem>>[vector<16xi32>, vector<16xi32>], vector<16xf32>,
    %slice3A_499 = vector.extract_strided_slice %get3A_197 {offsets = [12], sizes = [1], strides = [1]} : vector<16xi32> to vector<1xi32>
    %squeeze3A_500 = vector.extract %slice3A_499[0] : i32 from vector<1xi32>
    %shift_right_arithmetic3A_501 = arith.constant 7 : i32
    %shift_right_arithmetic3A_502 = arith.shrsi %squeeze3A_500, %shift_right_arithmetic3A_501 : i32
    %mul3A_503 = arith.constant 128 : i32
    %mul3A_504 = arith.muli %shift_right_arithmetic3A_502, %mul3A_503 : i32
    %multiple_of3A_505 = tpu.assume_multiple %mul3A_504, 128 : i32
    %dma_start3A_506 = arith.constant 4 : i32
    %dma_start3A_507 = arith.constant 4 : i32
    %dma_start3A_508 = arith.constant 0 : i32
    %dma_start3A_509 = arith.constant 0 : i32
    %dma_start3A_510 = tpu.memref_slice %arg8[%dma_start3A_506, %dma_start3A_508, %dma_start3A_509] : memref<8x64x128xf32, #tpu.memory_space<vmem>> -> memref<1x64x128xf32, #tpu.memory_space<vmem>>
    %dma_start3A_511 = tpu.memref_squeeze %dma_start3A_510 : memref<1x64x128xf32, #tpu.memory_space<vmem>> -> memref<64x128xf32, #tpu.memory_space<vmem>>
    %dma_start3A_512 = arith.constant 0 : i32
    %dma_start3A_513 = tpu.memref_slice %arg2[%dma_start3A_512, %multiple_of3A_505] : memref<64x1000001xf32, #tpu.memory_space<hbm>> -> memref<64x128xf32, #tpu.memory_space<hbm>>
    %dma_start3A_514 = tpu.memref_slice %arg9[%dma_start3A_507] : memref<8x!tpu.dma_semaphore, #tpu.memory_space<semaphore_mem>> -> memref<1x!tpu.dma_semaphore, #tpu.memory_space<semaphore_mem>>
    %dma_start3A_515 = tpu.memref_squeeze %dma_start3A_514 : memref<1x!tpu.dma_semaphore, #tpu.memory_space<semaphore_mem>> -> memref<!tpu.dma_semaphore, #tpu.memory_space<semaphore_mem>>
    %dma_start3A_516 = arith.constant 0 : i32
    %dma_start3A_517 = arith.constant 0 : i32
    %dma_start3A_518 = tpu.memref_slice %arg8[%dma_start3A_506, %dma_start3A_516, %dma_start3A_517] : memref<8x64x128xf32, #tpu.memory_space<vmem>> -> memref<1x64x128xf32, #tpu.memory_space<vmem>>
    %dma_start3A_519 = tpu.memref_squeeze %dma_start3A_518 : memref<1x64x128xf32, #tpu.memory_space<vmem>> -> memref<64x128xf32, #tpu.memory_space<vmem>>
    %dma_start3A_520 = arith.constant 0 : i32
    %dma_start3A_521 = tpu.memref_slice %arg2[%dma_start3A_520, %multiple_of3A_505] : memref<64x1000001xf32, #tpu.memory_space<hbm>> -> memref<64x128xf32, #tpu.memory_space<hbm>>
    tpu.enqueue_dma source(%dma_start3A_521 : memref<64x128xf32, #tpu.memory_space<hbm>>) target(%dma_start3A_519 : memref<64x128xf32, #tpu.memory_space<vmem>>) target_semaphore(%dma_start3A_515 : memref<!tpu.dma_semaphore, #tpu.memory_space<semaphore_mem>>)
    %dma_wait3A_522 = arith.constant 5 : i32
    %dma_wait3A_523 = arith.constant 5 : i32
    %dma_wait3A_524 = arith.constant 0 : i32
    %dma_wait3A_525 = arith.constant 0 : i32
    %dma_wait3A_526 = tpu.memref_slice %arg8[%dma_wait3A_522, %dma_wait3A_524, %dma_wait3A_525] : memref<8x64x128xf32, #tpu.memory_space<vmem>> -> memref<1x64x128xf32, #tpu.memory_space<vmem>>
    %dma_wait3A_527 = tpu.memref_squeeze %dma_wait3A_526 : memref<1x64x128xf32, #tpu.memory_space<vmem>> -> memref<64x128xf32, #tpu.memory_space<vmem>>
    %dma_wait3A_528 = arith.constant 0 : i32
    %dma_wait3A_529 = arith.constant 0 : i32
    %dma_wait3A_530 = tpu.memref_slice %arg2[%dma_wait3A_528, %dma_wait3A_529] : memref<64x1000001xf32, #tpu.memory_space<hbm>> -> memref<64x128xf32, #tpu.memory_space<hbm>>
    %dma_wait3A_531 = tpu.memref_slice %arg9[%dma_wait3A_523] : memref<8x!tpu.dma_semaphore, #tpu.memory_space<semaphore_mem>> -> memref<1x!tpu.dma_semaphore, #tpu.memory_space<semaphore_mem>>
    %dma_wait3A_532 = tpu.memref_squeeze %dma_wait3A_531 : memref<1x!tpu.dma_semaphore, #tpu.memory_space<semaphore_mem>> -> memref<!tpu.dma_semaphore, #tpu.memory_space<semaphore_mem>>
    %dma_wait3A_533 = arith.constant 0 : i32
    %dma_wait3A_534 = arith.constant 0 : i32
    %dma_wait3A_535 = tpu.memref_slice %arg8[%dma_wait3A_522, %dma_wait3A_533, %dma_wait3A_534] : memref<8x64x128xf32, #tpu.memory_space<vmem>> -> memref<1x64x128xf32, #tpu.memory_space<vmem>>
    %dma_wait3A_536 = tpu.memref_squeeze %dma_wait3A_535 : memref<1x64x128xf32, #tpu.memory_space<vmem>> -> memref<64x128xf32, #tpu.memory_space<vmem>>
    %dma_wait3A_537 = arith.constant 0 : i32
    %dma_wait3A_538 = arith.constant 0 : i32
    %dma_wait3A_539 = tpu.memref_slice %arg2[%dma_wait3A_537, %dma_wait3A_538] : memref<64x1000001xf32, #tpu.memory_space<hbm>> -> memref<64x128xf32, #tpu.memory_space<hbm>>
    tpu.wait_dma2 semaphore(%dma_wait3A_532 : memref<!tpu.dma_semaphore, #tpu.memory_space<semaphore_mem>>) src(%dma_wait3A_539 : memref<64x128xf32, #tpu.memory_space<hbm>>) dst(%dma_wait3A_536 : memref<64x128xf32, #tpu.memory_space<vmem>>)
    %slice3A_540 = vector.extract_strided_slice %and3A_199 {offsets = [5], sizes = [1], strides = [1]} : vector<16xi32> to vector<1xi32>
    %squeeze3A_541 = vector.extract %slice3A_540[0] : i32 from vector<1xi32>
    %broadcast_in_dim3A_542 = vector.broadcast %squeeze3A_541 : i32 to vector<16xi32>
    %broadcast_in_dim3A_543 = arith.constant 5 : i32
    %broadcast_in_dim3A_544 = vector.broadcast %broadcast_in_dim3A_543 : i32 to vector<16xi32>
    %broadcast_in_dim3A_545 = arith.constant 117 : i32
    %broadcast_in_dim3A_546 = vector.broadcast %broadcast_in_dim3A_545 : i32 to vector<16xi32>
    %iota3A_547 = tpu.iota {dimensions = array<i32: 0>} : vector<16xi32>
    %add3A_548 = arith.constant 0 : i32
    %add3A_549 = vector.broadcast %add3A_548 : i32 to vector<16xi32>
    %add3A_550 = arith.addi %iota3A_547, %add3A_549 : vector<16xi32>
    %gather3A_551 = tpu.vector_load_idx %arg8[%broadcast_in_dim3A_544, %add3A_550, %broadcast_in_dim3A_542] : memref<8x64x128xf32, #tpu.memory_space<vmem>>[vector<16xi32>, vector<16xi32>, vector<16xi32>], vector<16xf32>,
    tpu.vector_store_idx %arg7[%add3A_550, %broadcast_in_dim3A_546], %gather3A_551 {add = true} : memref<64x128xf32, #tpu.memory_space<vmem>>[vector<16xi32>, vector<16xi32>], vector<16xf32>,
    %add3A_552 = arith.constant 16 : i32
    %add3A_553 = vector.broadcast %add3A_552 : i32 to vector<16xi32>
    %add3A_554 = arith.addi %iota3A_547, %add3A_553 : vector<16xi32>
    %gather3A_555 = tpu.vector_load_idx %arg8[%broadcast_in_dim3A_544, %add3A_554, %broadcast_in_dim3A_542] : memref<8x64x128xf32, #tpu.memory_space<vmem>>[vector<16xi32>, vector<16xi32>, vector<16xi32>], vector<16xf32>,
    tpu.vector_store_idx %arg7[%add3A_554, %broadcast_in_dim3A_546], %gather3A_555 {add = true} : memref<64x128xf32, #tpu.memory_space<vmem>>[vector<16xi32>, vector<16xi32>], vector<16xf32>,
    %add3A_556 = arith.constant 32 : i32
    %add3A_557 = vector.broadcast %add3A_556 : i32 to vector<16xi32>
    %add3A_558 = arith.addi %iota3A_547, %add3A_557 : vector<16xi32>
    %gather3A_559 = tpu.vector_load_idx %arg8[%broadcast_in_dim3A_544, %add3A_558, %broadcast_in_dim3A_542] : memref<8x64x128xf32, #tpu.memory_space<vmem>>[vector<16xi32>, vector<16xi32>, vector<16xi32>], vector<16xf32>,
    tpu.vector_store_idx %arg7[%add3A_558, %broadcast_in_dim3A_546], %gather3A_559 {add = true} : memref<64x128xf32, #tpu.memory_space<vmem>>[vector<16xi32>, vector<16xi32>], vector<16xf32>,
    %add3A_560 = arith.constant 48 : i32
    %add3A_561 = vector.broadcast %add3A_560 : i32 to vector<16xi32>
    %add3A_562 = arith.addi %iota3A_547, %add3A_561 : vector<16xi32>
    %gather3A_563 = tpu.vector_load_idx %arg8[%broadcast_in_dim3A_544, %add3A_562, %broadcast_in_dim3A_542] : memref<8x64x128xf32, #tpu.memory_space<vmem>>[vector<16xi32>, vector<16xi32>, vector<16xi32>], vector<16xf32>,
    tpu.vector_store_idx %arg7[%add3A_562, %broadcast_in_dim3A_546], %gather3A_563 {add = true} : memref<64x128xf32, #tpu.memory_space<vmem>>[vector<16xi32>, vector<16xi32>], vector<16xf32>,
    %slice3A_564 = vector.extract_strided_slice %get3A_197 {offsets = [13], sizes = [1], strides = [1]} : vector<16xi32> to vector<1xi32>
    %squeeze3A_565 = vector.extract %slice3A_564[0] : i32 from vector<1xi32>
    %shift_right_arithmetic3A_566 = arith.constant 7 : i32
    %shift_right_arithmetic3A_567 = arith.shrsi %squeeze3A_565, %shift_right_arithmetic3A_566 : i32
    %mul3A_568 = arith.constant 128 : i32
    %mul3A_569 = arith.muli %shift_right_arithmetic3A_567, %mul3A_568 : i32
    %multiple_of3A_570 = tpu.assume_multiple %mul3A_569, 128 : i32
    %dma_start3A_571 = arith.constant 5 : i32
    %dma_start3A_572 = arith.constant 5 : i32
    %dma_start3A_573 = arith.constant 0 : i32
    %dma_start3A_574 = arith.constant 0 : i32
    %dma_start3A_575 = tpu.memref_slice %arg8[%dma_start3A_571, %dma_start3A_573, %dma_start3A_574] : memref<8x64x128xf32, #tpu.memory_space<vmem>> -> memref<1x64x128xf32, #tpu.memory_space<vmem>>
    %dma_start3A_576 = tpu.memref_squeeze %dma_start3A_575 : memref<1x64x128xf32, #tpu.memory_space<vmem>> -> memref<64x128xf32, #tpu.memory_space<vmem>>
    %dma_start3A_577 = arith.constant 0 : i32
    %dma_start3A_578 = tpu.memref_slice %arg2[%dma_start3A_577, %multiple_of3A_570] : memref<64x1000001xf32, #tpu.memory_space<hbm>> -> memref<64x128xf32, #tpu.memory_space<hbm>>
    %dma_start3A_579 = tpu.memref_slice %arg9[%dma_start3A_572] : memref<8x!tpu.dma_semaphore, #tpu.memory_space<semaphore_mem>> -> memref<1x!tpu.dma_semaphore, #tpu.memory_space<semaphore_mem>>
    %dma_start3A_580 = tpu.memref_squeeze %dma_start3A_579 : memref<1x!tpu.dma_semaphore, #tpu.memory_space<semaphore_mem>> -> memref<!tpu.dma_semaphore, #tpu.memory_space<semaphore_mem>>
    %dma_start3A_581 = arith.constant 0 : i32
    %dma_start3A_582 = arith.constant 0 : i32
    %dma_start3A_583 = tpu.memref_slice %arg8[%dma_start3A_571, %dma_start3A_581, %dma_start3A_582] : memref<8x64x128xf32, #tpu.memory_space<vmem>> -> memref<1x64x128xf32, #tpu.memory_space<vmem>>
    %dma_start3A_584 = tpu.memref_squeeze %dma_start3A_583 : memref<1x64x128xf32, #tpu.memory_space<vmem>> -> memref<64x128xf32, #tpu.memory_space<vmem>>
    %dma_start3A_585 = arith.constant 0 : i32
    %dma_start3A_586 = tpu.memref_slice %arg2[%dma_start3A_585, %multiple_of3A_570] : memref<64x1000001xf32, #tpu.memory_space<hbm>> -> memref<64x128xf32, #tpu.memory_space<hbm>>
    tpu.enqueue_dma source(%dma_start3A_586 : memref<64x128xf32, #tpu.memory_space<hbm>>) target(%dma_start3A_584 : memref<64x128xf32, #tpu.memory_space<vmem>>) target_semaphore(%dma_start3A_580 : memref<!tpu.dma_semaphore, #tpu.memory_space<semaphore_mem>>)
    %dma_wait3A_587 = arith.constant 6 : i32
    %dma_wait3A_588 = arith.constant 6 : i32
    %dma_wait3A_589 = arith.constant 0 : i32
    %dma_wait3A_590 = arith.constant 0 : i32
    %dma_wait3A_591 = tpu.memref_slice %arg8[%dma_wait3A_587, %dma_wait3A_589, %dma_wait3A_590] : memref<8x64x128xf32, #tpu.memory_space<vmem>> -> memref<1x64x128xf32, #tpu.memory_space<vmem>>
    %dma_wait3A_592 = tpu.memref_squeeze %dma_wait3A_591 : memref<1x64x128xf32, #tpu.memory_space<vmem>> -> memref<64x128xf32, #tpu.memory_space<vmem>>
    %dma_wait3A_593 = arith.constant 0 : i32
    %dma_wait3A_594 = arith.constant 0 : i32
    %dma_wait3A_595 = tpu.memref_slice %arg2[%dma_wait3A_593, %dma_wait3A_594] : memref<64x1000001xf32, #tpu.memory_space<hbm>> -> memref<64x128xf32, #tpu.memory_space<hbm>>
    %dma_wait3A_596 = tpu.memref_slice %arg9[%dma_wait3A_588] : memref<8x!tpu.dma_semaphore, #tpu.memory_space<semaphore_mem>> -> memref<1x!tpu.dma_semaphore, #tpu.memory_space<semaphore_mem>>
    %dma_wait3A_597 = tpu.memref_squeeze %dma_wait3A_596 : memref<1x!tpu.dma_semaphore, #tpu.memory_space<semaphore_mem>> -> memref<!tpu.dma_semaphore, #tpu.memory_space<semaphore_mem>>
    %dma_wait3A_598 = arith.constant 0 : i32
    %dma_wait3A_599 = arith.constant 0 : i32
    %dma_wait3A_600 = tpu.memref_slice %arg8[%dma_wait3A_587, %dma_wait3A_598, %dma_wait3A_599] : memref<8x64x128xf32, #tpu.memory_space<vmem>> -> memref<1x64x128xf32, #tpu.memory_space<vmem>>
    %dma_wait3A_601 = tpu.memref_squeeze %dma_wait3A_600 : memref<1x64x128xf32, #tpu.memory_space<vmem>> -> memref<64x128xf32, #tpu.memory_space<vmem>>
    %dma_wait3A_602 = arith.constant 0 : i32
    %dma_wait3A_603 = arith.constant 0 : i32
    %dma_wait3A_604 = tpu.memref_slice %arg2[%dma_wait3A_602, %dma_wait3A_603] : memref<64x1000001xf32, #tpu.memory_space<hbm>> -> memref<64x128xf32, #tpu.memory_space<hbm>>
    tpu.wait_dma2 semaphore(%dma_wait3A_597 : memref<!tpu.dma_semaphore, #tpu.memory_space<semaphore_mem>>) src(%dma_wait3A_604 : memref<64x128xf32, #tpu.memory_space<hbm>>) dst(%dma_wait3A_601 : memref<64x128xf32, #tpu.memory_space<vmem>>)
    %slice3A_605 = vector.extract_strided_slice %and3A_199 {offsets = [6], sizes = [1], strides = [1]} : vector<16xi32> to vector<1xi32>
    %squeeze3A_606 = vector.extract %slice3A_605[0] : i32 from vector<1xi32>
    %broadcast_in_dim3A_607 = vector.broadcast %squeeze3A_606 : i32 to vector<16xi32>
    %broadcast_in_dim3A_608 = arith.constant 6 : i32
    %broadcast_in_dim3A_609 = vector.broadcast %broadcast_in_dim3A_608 : i32 to vector<16xi32>
    %broadcast_in_dim3A_610 = arith.constant 118 : i32
    %broadcast_in_dim3A_611 = vector.broadcast %broadcast_in_dim3A_610 : i32 to vector<16xi32>
    %iota3A_612 = tpu.iota {dimensions = array<i32: 0>} : vector<16xi32>
    %add3A_613 = arith.constant 0 : i32
    %add3A_614 = vector.broadcast %add3A_613 : i32 to vector<16xi32>
    %add3A_615 = arith.addi %iota3A_612, %add3A_614 : vector<16xi32>
    %gather3A_616 = tpu.vector_load_idx %arg8[%broadcast_in_dim3A_609, %add3A_615, %broadcast_in_dim3A_607] : memref<8x64x128xf32, #tpu.memory_space<vmem>>[vector<16xi32>, vector<16xi32>, vector<16xi32>], vector<16xf32>,
    tpu.vector_store_idx %arg7[%add3A_615, %broadcast_in_dim3A_611], %gather3A_616 {add = true} : memref<64x128xf32, #tpu.memory_space<vmem>>[vector<16xi32>, vector<16xi32>], vector<16xf32>,
    %add3A_617 = arith.constant 16 : i32
    %add3A_618 = vector.broadcast %add3A_617 : i32 to vector<16xi32>
    %add3A_619 = arith.addi %iota3A_612, %add3A_618 : vector<16xi32>
    %gather3A_620 = tpu.vector_load_idx %arg8[%broadcast_in_dim3A_609, %add3A_619, %broadcast_in_dim3A_607] : memref<8x64x128xf32, #tpu.memory_space<vmem>>[vector<16xi32>, vector<16xi32>, vector<16xi32>], vector<16xf32>,
    tpu.vector_store_idx %arg7[%add3A_619, %broadcast_in_dim3A_611], %gather3A_620 {add = true} : memref<64x128xf32, #tpu.memory_space<vmem>>[vector<16xi32>, vector<16xi32>], vector<16xf32>,
    %add3A_621 = arith.constant 32 : i32
    %add3A_622 = vector.broadcast %add3A_621 : i32 to vector<16xi32>
    %add3A_623 = arith.addi %iota3A_612, %add3A_622 : vector<16xi32>
    %gather3A_624 = tpu.vector_load_idx %arg8[%broadcast_in_dim3A_609, %add3A_623, %broadcast_in_dim3A_607] : memref<8x64x128xf32, #tpu.memory_space<vmem>>[vector<16xi32>, vector<16xi32>, vector<16xi32>], vector<16xf32>,
    tpu.vector_store_idx %arg7[%add3A_623, %broadcast_in_dim3A_611], %gather3A_624 {add = true} : memref<64x128xf32, #tpu.memory_space<vmem>>[vector<16xi32>, vector<16xi32>], vector<16xf32>,
    %add3A_625 = arith.constant 48 : i32
    %add3A_626 = vector.broadcast %add3A_625 : i32 to vector<16xi32>
    %add3A_627 = arith.addi %iota3A_612, %add3A_626 : vector<16xi32>
    %gather3A_628 = tpu.vector_load_idx %arg8[%broadcast_in_dim3A_609, %add3A_627, %broadcast_in_dim3A_607] : memref<8x64x128xf32, #tpu.memory_space<vmem>>[vector<16xi32>, vector<16xi32>, vector<16xi32>], vector<16xf32>,
    tpu.vector_store_idx %arg7[%add3A_627, %broadcast_in_dim3A_611], %gather3A_628 {add = true} : memref<64x128xf32, #tpu.memory_space<vmem>>[vector<16xi32>, vector<16xi32>], vector<16xf32>,
    %slice3A_629 = vector.extract_strided_slice %get3A_197 {offsets = [14], sizes = [1], strides = [1]} : vector<16xi32> to vector<1xi32>
    %squeeze3A_630 = vector.extract %slice3A_629[0] : i32 from vector<1xi32>
    %shift_right_arithmetic3A_631 = arith.constant 7 : i32
    %shift_right_arithmetic3A_632 = arith.shrsi %squeeze3A_630, %shift_right_arithmetic3A_631 : i32
    %mul3A_633 = arith.constant 128 : i32
    %mul3A_634 = arith.muli %shift_right_arithmetic3A_632, %mul3A_633 : i32
    %multiple_of3A_635 = tpu.assume_multiple %mul3A_634, 128 : i32
    %dma_start3A_636 = arith.constant 6 : i32
    %dma_start3A_637 = arith.constant 6 : i32
    %dma_start3A_638 = arith.constant 0 : i32
    %dma_start3A_639 = arith.constant 0 : i32
    %dma_start3A_640 = tpu.memref_slice %arg8[%dma_start3A_636, %dma_start3A_638, %dma_start3A_639] : memref<8x64x128xf32, #tpu.memory_space<vmem>> -> memref<1x64x128xf32, #tpu.memory_space<vmem>>
    %dma_start3A_641 = tpu.memref_squeeze %dma_start3A_640 : memref<1x64x128xf32, #tpu.memory_space<vmem>> -> memref<64x128xf32, #tpu.memory_space<vmem>>
    %dma_start3A_642 = arith.constant 0 : i32
    %dma_start3A_643 = tpu.memref_slice %arg2[%dma_start3A_642, %multiple_of3A_635] : memref<64x1000001xf32, #tpu.memory_space<hbm>> -> memref<64x128xf32, #tpu.memory_space<hbm>>
    %dma_start3A_644 = tpu.memref_slice %arg9[%dma_start3A_637] : memref<8x!tpu.dma_semaphore, #tpu.memory_space<semaphore_mem>> -> memref<1x!tpu.dma_semaphore, #tpu.memory_space<semaphore_mem>>
    %dma_start3A_645 = tpu.memref_squeeze %dma_start3A_644 : memref<1x!tpu.dma_semaphore, #tpu.memory_space<semaphore_mem>> -> memref<!tpu.dma_semaphore, #tpu.memory_space<semaphore_mem>>
    %dma_start3A_646 = arith.constant 0 : i32
    %dma_start3A_647 = arith.constant 0 : i32
    %dma_start3A_648 = tpu.memref_slice %arg8[%dma_start3A_636, %dma_start3A_646, %dma_start3A_647] : memref<8x64x128xf32, #tpu.memory_space<vmem>> -> memref<1x64x128xf32, #tpu.memory_space<vmem>>
    %dma_start3A_649 = tpu.memref_squeeze %dma_start3A_648 : memref<1x64x128xf32, #tpu.memory_space<vmem>> -> memref<64x128xf32, #tpu.memory_space<vmem>>
    %dma_start3A_650 = arith.constant 0 : i32
    %dma_start3A_651 = tpu.memref_slice %arg2[%dma_start3A_650, %multiple_of3A_635] : memref<64x1000001xf32, #tpu.memory_space<hbm>> -> memref<64x128xf32, #tpu.memory_space<hbm>>
    tpu.enqueue_dma source(%dma_start3A_651 : memref<64x128xf32, #tpu.memory_space<hbm>>) target(%dma_start3A_649 : memref<64x128xf32, #tpu.memory_space<vmem>>) target_semaphore(%dma_start3A_645 : memref<!tpu.dma_semaphore, #tpu.memory_space<semaphore_mem>>)
    %dma_wait3A_652 = arith.constant 7 : i32
    %dma_wait3A_653 = arith.constant 7 : i32
    %dma_wait3A_654 = arith.constant 0 : i32
    %dma_wait3A_655 = arith.constant 0 : i32
    %dma_wait3A_656 = tpu.memref_slice %arg8[%dma_wait3A_652, %dma_wait3A_654, %dma_wait3A_655] : memref<8x64x128xf32, #tpu.memory_space<vmem>> -> memref<1x64x128xf32, #tpu.memory_space<vmem>>
    %dma_wait3A_657 = tpu.memref_squeeze %dma_wait3A_656 : memref<1x64x128xf32, #tpu.memory_space<vmem>> -> memref<64x128xf32, #tpu.memory_space<vmem>>
    %dma_wait3A_658 = arith.constant 0 : i32
    %dma_wait3A_659 = arith.constant 0 : i32
    %dma_wait3A_660 = tpu.memref_slice %arg2[%dma_wait3A_658, %dma_wait3A_659] : memref<64x1000001xf32, #tpu.memory_space<hbm>> -> memref<64x128xf32, #tpu.memory_space<hbm>>
    %dma_wait3A_661 = tpu.memref_slice %arg9[%dma_wait3A_653] : memref<8x!tpu.dma_semaphore, #tpu.memory_space<semaphore_mem>> -> memref<1x!tpu.dma_semaphore, #tpu.memory_space<semaphore_mem>>
    %dma_wait3A_662 = tpu.memref_squeeze %dma_wait3A_661 : memref<1x!tpu.dma_semaphore, #tpu.memory_space<semaphore_mem>> -> memref<!tpu.dma_semaphore, #tpu.memory_space<semaphore_mem>>
    %dma_wait3A_663 = arith.constant 0 : i32
    %dma_wait3A_664 = arith.constant 0 : i32
    %dma_wait3A_665 = tpu.memref_slice %arg8[%dma_wait3A_652, %dma_wait3A_663, %dma_wait3A_664] : memref<8x64x128xf32, #tpu.memory_space<vmem>> -> memref<1x64x128xf32, #tpu.memory_space<vmem>>
    %dma_wait3A_666 = tpu.memref_squeeze %dma_wait3A_665 : memref<1x64x128xf32, #tpu.memory_space<vmem>> -> memref<64x128xf32, #tpu.memory_space<vmem>>
    %dma_wait3A_667 = arith.constant 0 : i32
    %dma_wait3A_668 = arith.constant 0 : i32
    %dma_wait3A_669 = tpu.memref_slice %arg2[%dma_wait3A_667, %dma_wait3A_668] : memref<64x1000001xf32, #tpu.memory_space<hbm>> -> memref<64x128xf32, #tpu.memory_space<hbm>>
    tpu.wait_dma2 semaphore(%dma_wait3A_662 : memref<!tpu.dma_semaphore, #tpu.memory_space<semaphore_mem>>) src(%dma_wait3A_669 : memref<64x128xf32, #tpu.memory_space<hbm>>) dst(%dma_wait3A_666 : memref<64x128xf32, #tpu.memory_space<vmem>>)
    %slice3A_670 = vector.extract_strided_slice %and3A_199 {offsets = [7], sizes = [1], strides = [1]} : vector<16xi32> to vector<1xi32>
    %squeeze3A_671 = vector.extract %slice3A_670[0] : i32 from vector<1xi32>
    %broadcast_in_dim3A_672 = vector.broadcast %squeeze3A_671 : i32 to vector<16xi32>
    %broadcast_in_dim3A_673 = arith.constant 7 : i32
    %broadcast_in_dim3A_674 = vector.broadcast %broadcast_in_dim3A_673 : i32 to vector<16xi32>
    %broadcast_in_dim3A_675 = arith.constant 119 : i32
    %broadcast_in_dim3A_676 = vector.broadcast %broadcast_in_dim3A_675 : i32 to vector<16xi32>
    %iota3A_677 = tpu.iota {dimensions = array<i32: 0>} : vector<16xi32>
    %add3A_678 = arith.constant 0 : i32
    %add3A_679 = vector.broadcast %add3A_678 : i32 to vector<16xi32>
    %add3A_680 = arith.addi %iota3A_677, %add3A_679 : vector<16xi32>
    %gather3A_681 = tpu.vector_load_idx %arg8[%broadcast_in_dim3A_674, %add3A_680, %broadcast_in_dim3A_672] : memref<8x64x128xf32, #tpu.memory_space<vmem>>[vector<16xi32>, vector<16xi32>, vector<16xi32>], vector<16xf32>,
    tpu.vector_store_idx %arg7[%add3A_680, %broadcast_in_dim3A_676], %gather3A_681 {add = true} : memref<64x128xf32, #tpu.memory_space<vmem>>[vector<16xi32>, vector<16xi32>], vector<16xf32>,
    %add3A_682 = arith.constant 16 : i32
    %add3A_683 = vector.broadcast %add3A_682 : i32 to vector<16xi32>
    %add3A_684 = arith.addi %iota3A_677, %add3A_683 : vector<16xi32>
    %gather3A_685 = tpu.vector_load_idx %arg8[%broadcast_in_dim3A_674, %add3A_684, %broadcast_in_dim3A_672] : memref<8x64x128xf32, #tpu.memory_space<vmem>>[vector<16xi32>, vector<16xi32>, vector<16xi32>], vector<16xf32>,
    tpu.vector_store_idx %arg7[%add3A_684, %broadcast_in_dim3A_676], %gather3A_685 {add = true} : memref<64x128xf32, #tpu.memory_space<vmem>>[vector<16xi32>, vector<16xi32>], vector<16xf32>,
    %add3A_686 = arith.constant 32 : i32
    %add3A_687 = vector.broadcast %add3A_686 : i32 to vector<16xi32>
    %add3A_688 = arith.addi %iota3A_677, %add3A_687 : vector<16xi32>
    %gather3A_689 = tpu.vector_load_idx %arg8[%broadcast_in_dim3A_674, %add3A_688, %broadcast_in_dim3A_672] : memref<8x64x128xf32, #tpu.memory_space<vmem>>[vector<16xi32>, vector<16xi32>, vector<16xi32>], vector<16xf32>,
    tpu.vector_store_idx %arg7[%add3A_688, %broadcast_in_dim3A_676], %gather3A_689 {add = true} : memref<64x128xf32, #tpu.memory_space<vmem>>[vector<16xi32>, vector<16xi32>], vector<16xf32>,
    %add3A_690 = arith.constant 48 : i32
    %add3A_691 = vector.broadcast %add3A_690 : i32 to vector<16xi32>
    %add3A_692 = arith.addi %iota3A_677, %add3A_691 : vector<16xi32>
    %gather3A_693 = tpu.vector_load_idx %arg8[%broadcast_in_dim3A_674, %add3A_692, %broadcast_in_dim3A_672] : memref<8x64x128xf32, #tpu.memory_space<vmem>>[vector<16xi32>, vector<16xi32>, vector<16xi32>], vector<16xf32>,
    tpu.vector_store_idx %arg7[%add3A_692, %broadcast_in_dim3A_676], %gather3A_693 {add = true} : memref<64x128xf32, #tpu.memory_space<vmem>>[vector<16xi32>, vector<16xi32>], vector<16xf32>,
    %slice3A_694 = vector.extract_strided_slice %get3A_197 {offsets = [15], sizes = [1], strides = [1]} : vector<16xi32> to vector<1xi32>
    %squeeze3A_695 = vector.extract %slice3A_694[0] : i32 from vector<1xi32>
    %shift_right_arithmetic3A_696 = arith.constant 7 : i32
    %shift_right_arithmetic3A_697 = arith.shrsi %squeeze3A_695, %shift_right_arithmetic3A_696 : i32
    %mul3A_698 = arith.constant 128 : i32
    %mul3A_699 = arith.muli %shift_right_arithmetic3A_697, %mul3A_698 : i32
    %multiple_of3A_700 = tpu.assume_multiple %mul3A_699, 128 : i32
    %dma_start3A_701 = arith.constant 7 : i32
    %dma_start3A_702 = arith.constant 7 : i32
    %dma_start3A_703 = arith.constant 0 : i32
    %dma_start3A_704 = arith.constant 0 : i32
    %dma_start3A_705 = tpu.memref_slice %arg8[%dma_start3A_701, %dma_start3A_703, %dma_start3A_704] : memref<8x64x128xf32, #tpu.memory_space<vmem>> -> memref<1x64x128xf32, #tpu.memory_space<vmem>>
    %dma_start3A_706 = tpu.memref_squeeze %dma_start3A_705 : memref<1x64x128xf32, #tpu.memory_space<vmem>> -> memref<64x128xf32, #tpu.memory_space<vmem>>
    %dma_start3A_707 = arith.constant 0 : i32
    %dma_start3A_708 = tpu.memref_slice %arg2[%dma_start3A_707, %multiple_of3A_700] : memref<64x1000001xf32, #tpu.memory_space<hbm>> -> memref<64x128xf32, #tpu.memory_space<hbm>>
    %dma_start3A_709 = tpu.memref_slice %arg9[%dma_start3A_702] : memref<8x!tpu.dma_semaphore, #tpu.memory_space<semaphore_mem>> -> memref<1x!tpu.dma_semaphore, #tpu.memory_space<semaphore_mem>>
    %dma_start3A_710 = tpu.memref_squeeze %dma_start3A_709 : memref<1x!tpu.dma_semaphore, #tpu.memory_space<semaphore_mem>> -> memref<!tpu.dma_semaphore, #tpu.memory_space<semaphore_mem>>
    %dma_start3A_711 = arith.constant 0 : i32
    %dma_start3A_712 = arith.constant 0 : i32
    %dma_start3A_713 = tpu.memref_slice %arg8[%dma_start3A_701, %dma_start3A_711, %dma_start3A_712] : memref<8x64x128xf32, #tpu.memory_space<vmem>> -> memref<1x64x128xf32, #tpu.memory_space<vmem>>
    %dma_start3A_714 = tpu.memref_squeeze %dma_start3A_713 : memref<1x64x128xf32, #tpu.memory_space<vmem>> -> memref<64x128xf32, #tpu.memory_space<vmem>>
    %dma_start3A_715 = arith.constant 0 : i32
    %dma_start3A_716 = tpu.memref_slice %arg2[%dma_start3A_715, %multiple_of3A_700] : memref<64x1000001xf32, #tpu.memory_space<hbm>> -> memref<64x128xf32, #tpu.memory_space<hbm>>
    tpu.enqueue_dma source(%dma_start3A_716 : memref<64x128xf32, #tpu.memory_space<hbm>>) target(%dma_start3A_714 : memref<64x128xf32, #tpu.memory_space<vmem>>) target_semaphore(%dma_start3A_710 : memref<!tpu.dma_semaphore, #tpu.memory_space<semaphore_mem>>)
    %dma_wait3A_717 = arith.constant 0 : i32
    %dma_wait3A_718 = arith.constant 0 : i32
    %dma_wait3A_719 = arith.constant 0 : i32
    %dma_wait3A_720 = arith.constant 0 : i32
    %dma_wait3A_721 = tpu.memref_slice %arg8[%dma_wait3A_717, %dma_wait3A_719, %dma_wait3A_720] : memref<8x64x128xf32, #tpu.memory_space<vmem>> -> memref<1x64x128xf32, #tpu.memory_space<vmem>>
    %dma_wait3A_722 = tpu.memref_squeeze %dma_wait3A_721 : memref<1x64x128xf32, #tpu.memory_space<vmem>> -> memref<64x128xf32, #tpu.memory_space<vmem>>
    %dma_wait3A_723 = arith.constant 0 : i32
    %dma_wait3A_724 = arith.constant 0 : i32
    %dma_wait3A_725 = tpu.memref_slice %arg2[%dma_wait3A_723, %dma_wait3A_724] : memref<64x1000001xf32, #tpu.memory_space<hbm>> -> memref<64x128xf32, #tpu.memory_space<hbm>>
    %dma_wait3A_726 = tpu.memref_slice %arg9[%dma_wait3A_718] : memref<8x!tpu.dma_semaphore, #tpu.memory_space<semaphore_mem>> -> memref<1x!tpu.dma_semaphore, #tpu.memory_space<semaphore_mem>>
    %dma_wait3A_727 = tpu.memref_squeeze %dma_wait3A_726 : memref<1x!tpu.dma_semaphore, #tpu.memory_space<semaphore_mem>> -> memref<!tpu.dma_semaphore, #tpu.memory_space<semaphore_mem>>
    %dma_wait3A_728 = arith.constant 0 : i32
    %dma_wait3A_729 = arith.constant 0 : i32
    %dma_wait3A_730 = tpu.memref_slice %arg8[%dma_wait3A_717, %dma_wait3A_728, %dma_wait3A_729] : memref<8x64x128xf32, #tpu.memory_space<vmem>> -> memref<1x64x128xf32, #tpu.memory_space<vmem>>
    %dma_wait3A_731 = tpu.memref_squeeze %dma_wait3A_730 : memref<1x64x128xf32, #tpu.memory_space<vmem>> -> memref<64x128xf32, #tpu.memory_space<vmem>>
    %dma_wait3A_732 = arith.constant 0 : i32
    %dma_wait3A_733 = arith.constant 0 : i32
    %dma_wait3A_734 = tpu.memref_slice %arg2[%dma_wait3A_732, %dma_wait3A_733] : memref<64x1000001xf32, #tpu.memory_space<hbm>> -> memref<64x128xf32, #tpu.memory_space<hbm>>
    tpu.wait_dma2 semaphore(%dma_wait3A_727 : memref<!tpu.dma_semaphore, #tpu.memory_space<semaphore_mem>>) src(%dma_wait3A_734 : memref<64x128xf32, #tpu.memory_space<hbm>>) dst(%dma_wait3A_731 : memref<64x128xf32, #tpu.memory_space<vmem>>)
    %slice3A_735 = vector.extract_strided_slice %and3A_199 {offsets = [8], sizes = [1], strides = [1]} : vector<16xi32> to vector<1xi32>
    %squeeze3A_736 = vector.extract %slice3A_735[0] : i32 from vector<1xi32>
    %broadcast_in_dim3A_737 = vector.broadcast %squeeze3A_736 : i32 to vector<16xi32>
    %broadcast_in_dim3A_738 = arith.constant 0 : i32
    %broadcast_in_dim3A_739 = vector.broadcast %broadcast_in_dim3A_738 : i32 to vector<16xi32>
    %broadcast_in_dim3A_740 = arith.constant 120 : i32
    %broadcast_in_dim3A_741 = vector.broadcast %broadcast_in_dim3A_740 : i32 to vector<16xi32>
    %iota3A_742 = tpu.iota {dimensions = array<i32: 0>} : vector<16xi32>
    %add3A_743 = arith.constant 0 : i32
    %add3A_744 = vector.broadcast %add3A_743 : i32 to vector<16xi32>
    %add3A_745 = arith.addi %iota3A_742, %add3A_744 : vector<16xi32>
    %gather3A_746 = tpu.vector_load_idx %arg8[%broadcast_in_dim3A_739, %add3A_745, %broadcast_in_dim3A_737] : memref<8x64x128xf32, #tpu.memory_space<vmem>>[vector<16xi32>, vector<16xi32>, vector<16xi32>], vector<16xf32>,
    tpu.vector_store_idx %arg7[%add3A_745, %broadcast_in_dim3A_741], %gather3A_746 {add = true} : memref<64x128xf32, #tpu.memory_space<vmem>>[vector<16xi32>, vector<16xi32>], vector<16xf32>,
    %add3A_747 = arith.constant 16 : i32
    %add3A_748 = vector.broadcast %add3A_747 : i32 to vector<16xi32>
    %add3A_749 = arith.addi %iota3A_742, %add3A_748 : vector<16xi32>
    %gather3A_750 = tpu.vector_load_idx %arg8[%broadcast_in_dim3A_739, %add3A_749, %broadcast_in_dim3A_737] : memref<8x64x128xf32, #tpu.memory_space<vmem>>[vector<16xi32>, vector<16xi32>, vector<16xi32>], vector<16xf32>,
    tpu.vector_store_idx %arg7[%add3A_749, %broadcast_in_dim3A_741], %gather3A_750 {add = true} : memref<64x128xf32, #tpu.memory_space<vmem>>[vector<16xi32>, vector<16xi32>], vector<16xf32>,
    %add3A_751 = arith.constant 32 : i32
    %add3A_752 = vector.broadcast %add3A_751 : i32 to vector<16xi32>
    %add3A_753 = arith.addi %iota3A_742, %add3A_752 : vector<16xi32>
    %gather3A_754 = tpu.vector_load_idx %arg8[%broadcast_in_dim3A_739, %add3A_753, %broadcast_in_dim3A_737] : memref<8x64x128xf32, #tpu.memory_space<vmem>>[vector<16xi32>, vector<16xi32>, vector<16xi32>], vector<16xf32>,
    tpu.vector_store_idx %arg7[%add3A_753, %broadcast_in_dim3A_741], %gather3A_754 {add = true} : memref<64x128xf32, #tpu.memory_space<vmem>>[vector<16xi32>, vector<16xi32>], vector<16xf32>,
    %add3A_755 = arith.constant 48 : i32
    %add3A_756 = vector.broadcast %add3A_755 : i32 to vector<16xi32>
    %add3A_757 = arith.addi %iota3A_742, %add3A_756 : vector<16xi32>
    %gather3A_758 = tpu.vector_load_idx %arg8[%broadcast_in_dim3A_739, %add3A_757, %broadcast_in_dim3A_737] : memref<8x64x128xf32, #tpu.memory_space<vmem>>[vector<16xi32>, vector<16xi32>, vector<16xi32>], vector<16xf32>,
    tpu.vector_store_idx %arg7[%add3A_757, %broadcast_in_dim3A_741], %gather3A_758 {add = true} : memref<64x128xf32, #tpu.memory_space<vmem>>[vector<16xi32>, vector<16xi32>], vector<16xf32>,
    %dma_wait3A_759 = arith.constant 1 : i32
    %dma_wait3A_760 = arith.constant 1 : i32
    %dma_wait3A_761 = arith.constant 0 : i32
    %dma_wait3A_762 = arith.constant 0 : i32
    %dma_wait3A_763 = tpu.memref_slice %arg8[%dma_wait3A_759, %dma_wait3A_761, %dma_wait3A_762] : memref<8x64x128xf32, #tpu.memory_space<vmem>> -> memref<1x64x128xf32, #tpu.memory_space<vmem>>
    %dma_wait3A_764 = tpu.memref_squeeze %dma_wait3A_763 : memref<1x64x128xf32, #tpu.memory_space<vmem>> -> memref<64x128xf32, #tpu.memory_space<vmem>>
    %dma_wait3A_765 = arith.constant 0 : i32
    %dma_wait3A_766 = arith.constant 0 : i32
    %dma_wait3A_767 = tpu.memref_slice %arg2[%dma_wait3A_765, %dma_wait3A_766] : memref<64x1000001xf32, #tpu.memory_space<hbm>> -> memref<64x128xf32, #tpu.memory_space<hbm>>
    %dma_wait3A_768 = tpu.memref_slice %arg9[%dma_wait3A_760] : memref<8x!tpu.dma_semaphore, #tpu.memory_space<semaphore_mem>> -> memref<1x!tpu.dma_semaphore, #tpu.memory_space<semaphore_mem>>
    %dma_wait3A_769 = tpu.memref_squeeze %dma_wait3A_768 : memref<1x!tpu.dma_semaphore, #tpu.memory_space<semaphore_mem>> -> memref<!tpu.dma_semaphore, #tpu.memory_space<semaphore_mem>>
    %dma_wait3A_770 = arith.constant 0 : i32
    %dma_wait3A_771 = arith.constant 0 : i32
    %dma_wait3A_772 = tpu.memref_slice %arg8[%dma_wait3A_759, %dma_wait3A_770, %dma_wait3A_771] : memref<8x64x128xf32, #tpu.memory_space<vmem>> -> memref<1x64x128xf32, #tpu.memory_space<vmem>>
    %dma_wait3A_773 = tpu.memref_squeeze %dma_wait3A_772 : memref<1x64x128xf32, #tpu.memory_space<vmem>> -> memref<64x128xf32, #tpu.memory_space<vmem>>
    %dma_wait3A_774 = arith.constant 0 : i32
    %dma_wait3A_775 = arith.constant 0 : i32
    %dma_wait3A_776 = tpu.memref_slice %arg2[%dma_wait3A_774, %dma_wait3A_775] : memref<64x1000001xf32, #tpu.memory_space<hbm>> -> memref<64x128xf32, #tpu.memory_space<hbm>>
    tpu.wait_dma2 semaphore(%dma_wait3A_769 : memref<!tpu.dma_semaphore, #tpu.memory_space<semaphore_mem>>) src(%dma_wait3A_776 : memref<64x128xf32, #tpu.memory_space<hbm>>) dst(%dma_wait3A_773 : memref<64x128xf32, #tpu.memory_space<vmem>>)
    %slice3A_777 = vector.extract_strided_slice %and3A_199 {offsets = [9], sizes = [1], strides = [1]} : vector<16xi32> to vector<1xi32>
    %squeeze3A_778 = vector.extract %slice3A_777[0] : i32 from vector<1xi32>
    %broadcast_in_dim3A_779 = vector.broadcast %squeeze3A_778 : i32 to vector<16xi32>
    %broadcast_in_dim3A_780 = arith.constant 1 : i32
    %broadcast_in_dim3A_781 = vector.broadcast %broadcast_in_dim3A_780 : i32 to vector<16xi32>
    %broadcast_in_dim3A_782 = arith.constant 121 : i32
    %broadcast_in_dim3A_783 = vector.broadcast %broadcast_in_dim3A_782 : i32 to vector<16xi32>
    %iota3A_784 = tpu.iota {dimensions = array<i32: 0>} : vector<16xi32>
    %add3A_785 = arith.constant 0 : i32
    %add3A_786 = vector.broadcast %add3A_785 : i32 to vector<16xi32>
    %add3A_787 = arith.addi %iota3A_784, %add3A_786 : vector<16xi32>
    %gather3A_788 = tpu.vector_load_idx %arg8[%broadcast_in_dim3A_781, %add3A_787, %broadcast_in_dim3A_779] : memref<8x64x128xf32, #tpu.memory_space<vmem>>[vector<16xi32>, vector<16xi32>, vector<16xi32>], vector<16xf32>,
    tpu.vector_store_idx %arg7[%add3A_787, %broadcast_in_dim3A_783], %gather3A_788 {add = true} : memref<64x128xf32, #tpu.memory_space<vmem>>[vector<16xi32>, vector<16xi32>], vector<16xf32>,
    %add3A_789 = arith.constant 16 : i32
    %add3A_790 = vector.broadcast %add3A_789 : i32 to vector<16xi32>
    %add3A_791 = arith.addi %iota3A_784, %add3A_790 : vector<16xi32>
    %gather3A_792 = tpu.vector_load_idx %arg8[%broadcast_in_dim3A_781, %add3A_791, %broadcast_in_dim3A_779] : memref<8x64x128xf32, #tpu.memory_space<vmem>>[vector<16xi32>, vector<16xi32>, vector<16xi32>], vector<16xf32>,
    tpu.vector_store_idx %arg7[%add3A_791, %broadcast_in_dim3A_783], %gather3A_792 {add = true} : memref<64x128xf32, #tpu.memory_space<vmem>>[vector<16xi32>, vector<16xi32>], vector<16xf32>,
    %add3A_793 = arith.constant 32 : i32
    %add3A_794 = vector.broadcast %add3A_793 : i32 to vector<16xi32>
    %add3A_795 = arith.addi %iota3A_784, %add3A_794 : vector<16xi32>
    %gather3A_796 = tpu.vector_load_idx %arg8[%broadcast_in_dim3A_781, %add3A_795, %broadcast_in_dim3A_779] : memref<8x64x128xf32, #tpu.memory_space<vmem>>[vector<16xi32>, vector<16xi32>, vector<16xi32>], vector<16xf32>,
    tpu.vector_store_idx %arg7[%add3A_795, %broadcast_in_dim3A_783], %gather3A_796 {add = true} : memref<64x128xf32, #tpu.memory_space<vmem>>[vector<16xi32>, vector<16xi32>], vector<16xf32>,
    %add3A_797 = arith.constant 48 : i32
    %add3A_798 = vector.broadcast %add3A_797 : i32 to vector<16xi32>
    %add3A_799 = arith.addi %iota3A_784, %add3A_798 : vector<16xi32>
    %gather3A_800 = tpu.vector_load_idx %arg8[%broadcast_in_dim3A_781, %add3A_799, %broadcast_in_dim3A_779] : memref<8x64x128xf32, #tpu.memory_space<vmem>>[vector<16xi32>, vector<16xi32>, vector<16xi32>], vector<16xf32>,
    tpu.vector_store_idx %arg7[%add3A_799, %broadcast_in_dim3A_783], %gather3A_800 {add = true} : memref<64x128xf32, #tpu.memory_space<vmem>>[vector<16xi32>, vector<16xi32>], vector<16xf32>,
    %dma_wait3A_801 = arith.constant 2 : i32
    %dma_wait3A_802 = arith.constant 2 : i32
    %dma_wait3A_803 = arith.constant 0 : i32
    %dma_wait3A_804 = arith.constant 0 : i32
    %dma_wait3A_805 = tpu.memref_slice %arg8[%dma_wait3A_801, %dma_wait3A_803, %dma_wait3A_804] : memref<8x64x128xf32, #tpu.memory_space<vmem>> -> memref<1x64x128xf32, #tpu.memory_space<vmem>>
    %dma_wait3A_806 = tpu.memref_squeeze %dma_wait3A_805 : memref<1x64x128xf32, #tpu.memory_space<vmem>> -> memref<64x128xf32, #tpu.memory_space<vmem>>
    %dma_wait3A_807 = arith.constant 0 : i32
    %dma_wait3A_808 = arith.constant 0 : i32
    %dma_wait3A_809 = tpu.memref_slice %arg2[%dma_wait3A_807, %dma_wait3A_808] : memref<64x1000001xf32, #tpu.memory_space<hbm>> -> memref<64x128xf32, #tpu.memory_space<hbm>>
    %dma_wait3A_810 = tpu.memref_slice %arg9[%dma_wait3A_802] : memref<8x!tpu.dma_semaphore, #tpu.memory_space<semaphore_mem>> -> memref<1x!tpu.dma_semaphore, #tpu.memory_space<semaphore_mem>>
    %dma_wait3A_811 = tpu.memref_squeeze %dma_wait3A_810 : memref<1x!tpu.dma_semaphore, #tpu.memory_space<semaphore_mem>> -> memref<!tpu.dma_semaphore, #tpu.memory_space<semaphore_mem>>
    %dma_wait3A_812 = arith.constant 0 : i32
    %dma_wait3A_813 = arith.constant 0 : i32
    %dma_wait3A_814 = tpu.memref_slice %arg8[%dma_wait3A_801, %dma_wait3A_812, %dma_wait3A_813] : memref<8x64x128xf32, #tpu.memory_space<vmem>> -> memref<1x64x128xf32, #tpu.memory_space<vmem>>
    %dma_wait3A_815 = tpu.memref_squeeze %dma_wait3A_814 : memref<1x64x128xf32, #tpu.memory_space<vmem>> -> memref<64x128xf32, #tpu.memory_space<vmem>>
    %dma_wait3A_816 = arith.constant 0 : i32
    %dma_wait3A_817 = arith.constant 0 : i32
    %dma_wait3A_818 = tpu.memref_slice %arg2[%dma_wait3A_816, %dma_wait3A_817] : memref<64x1000001xf32, #tpu.memory_space<hbm>> -> memref<64x128xf32, #tpu.memory_space<hbm>>
    tpu.wait_dma2 semaphore(%dma_wait3A_811 : memref<!tpu.dma_semaphore, #tpu.memory_space<semaphore_mem>>) src(%dma_wait3A_818 : memref<64x128xf32, #tpu.memory_space<hbm>>) dst(%dma_wait3A_815 : memref<64x128xf32, #tpu.memory_space<vmem>>)
    %slice3A_819 = vector.extract_strided_slice %and3A_199 {offsets = [10], sizes = [1], strides = [1]} : vector<16xi32> to vector<1xi32>
    %squeeze3A_820 = vector.extract %slice3A_819[0] : i32 from vector<1xi32>
    %broadcast_in_dim3A_821 = vector.broadcast %squeeze3A_820 : i32 to vector<16xi32>
    %broadcast_in_dim3A_822 = arith.constant 2 : i32
    %broadcast_in_dim3A_823 = vector.broadcast %broadcast_in_dim3A_822 : i32 to vector<16xi32>
    %broadcast_in_dim3A_824 = arith.constant 122 : i32
    %broadcast_in_dim3A_825 = vector.broadcast %broadcast_in_dim3A_824 : i32 to vector<16xi32>
    %iota3A_826 = tpu.iota {dimensions = array<i32: 0>} : vector<16xi32>
    %add3A_827 = arith.constant 0 : i32
    %add3A_828 = vector.broadcast %add3A_827 : i32 to vector<16xi32>
    %add3A_829 = arith.addi %iota3A_826, %add3A_828 : vector<16xi32>
    %gather3A_830 = tpu.vector_load_idx %arg8[%broadcast_in_dim3A_823, %add3A_829, %broadcast_in_dim3A_821] : memref<8x64x128xf32, #tpu.memory_space<vmem>>[vector<16xi32>, vector<16xi32>, vector<16xi32>], vector<16xf32>,
    tpu.vector_store_idx %arg7[%add3A_829, %broadcast_in_dim3A_825], %gather3A_830 {add = true} : memref<64x128xf32, #tpu.memory_space<vmem>>[vector<16xi32>, vector<16xi32>], vector<16xf32>,
    %add3A_831 = arith.constant 16 : i32
    %add3A_832 = vector.broadcast %add3A_831 : i32 to vector<16xi32>
    %add3A_833 = arith.addi %iota3A_826, %add3A_832 : vector<16xi32>
    %gather3A_834 = tpu.vector_load_idx %arg8[%broadcast_in_dim3A_823, %add3A_833, %broadcast_in_dim3A_821] : memref<8x64x128xf32, #tpu.memory_space<vmem>>[vector<16xi32>, vector<16xi32>, vector<16xi32>], vector<16xf32>,
    tpu.vector_store_idx %arg7[%add3A_833, %broadcast_in_dim3A_825], %gather3A_834 {add = true} : memref<64x128xf32, #tpu.memory_space<vmem>>[vector<16xi32>, vector<16xi32>], vector<16xf32>,
    %add3A_835 = arith.constant 32 : i32
    %add3A_836 = vector.broadcast %add3A_835 : i32 to vector<16xi32>
    %add3A_837 = arith.addi %iota3A_826, %add3A_836 : vector<16xi32>
    %gather3A_838 = tpu.vector_load_idx %arg8[%broadcast_in_dim3A_823, %add3A_837, %broadcast_in_dim3A_821] : memref<8x64x128xf32, #tpu.memory_space<vmem>>[vector<16xi32>, vector<16xi32>, vector<16xi32>], vector<16xf32>,
    tpu.vector_store_idx %arg7[%add3A_837, %broadcast_in_dim3A_825], %gather3A_838 {add = true} : memref<64x128xf32, #tpu.memory_space<vmem>>[vector<16xi32>, vector<16xi32>], vector<16xf32>,
    %add3A_839 = arith.constant 48 : i32
    %add3A_840 = vector.broadcast %add3A_839 : i32 to vector<16xi32>
    %add3A_841 = arith.addi %iota3A_826, %add3A_840 : vector<16xi32>
    %gather3A_842 = tpu.vector_load_idx %arg8[%broadcast_in_dim3A_823, %add3A_841, %broadcast_in_dim3A_821] : memref<8x64x128xf32, #tpu.memory_space<vmem>>[vector<16xi32>, vector<16xi32>, vector<16xi32>], vector<16xf32>,
    tpu.vector_store_idx %arg7[%add3A_841, %broadcast_in_dim3A_825], %gather3A_842 {add = true} : memref<64x128xf32, #tpu.memory_space<vmem>>[vector<16xi32>, vector<16xi32>], vector<16xf32>,
    %dma_wait3A_843 = arith.constant 3 : i32
    %dma_wait3A_844 = arith.constant 3 : i32
    %dma_wait3A_845 = arith.constant 0 : i32
    %dma_wait3A_846 = arith.constant 0 : i32
    %dma_wait3A_847 = tpu.memref_slice %arg8[%dma_wait3A_843, %dma_wait3A_845, %dma_wait3A_846] : memref<8x64x128xf32, #tpu.memory_space<vmem>> -> memref<1x64x128xf32, #tpu.memory_space<vmem>>
    %dma_wait3A_848 = tpu.memref_squeeze %dma_wait3A_847 : memref<1x64x128xf32, #tpu.memory_space<vmem>> -> memref<64x128xf32, #tpu.memory_space<vmem>>
    %dma_wait3A_849 = arith.constant 0 : i32
    %dma_wait3A_850 = arith.constant 0 : i32
    %dma_wait3A_851 = tpu.memref_slice %arg2[%dma_wait3A_849, %dma_wait3A_850] : memref<64x1000001xf32, #tpu.memory_space<hbm>> -> memref<64x128xf32, #tpu.memory_space<hbm>>
    %dma_wait3A_852 = tpu.memref_slice %arg9[%dma_wait3A_844] : memref<8x!tpu.dma_semaphore, #tpu.memory_space<semaphore_mem>> -> memref<1x!tpu.dma_semaphore, #tpu.memory_space<semaphore_mem>>
    %dma_wait3A_853 = tpu.memref_squeeze %dma_wait3A_852 : memref<1x!tpu.dma_semaphore, #tpu.memory_space<semaphore_mem>> -> memref<!tpu.dma_semaphore, #tpu.memory_space<semaphore_mem>>
    %dma_wait3A_854 = arith.constant 0 : i32
    %dma_wait3A_855 = arith.constant 0 : i32
    %dma_wait3A_856 = tpu.memref_slice %arg8[%dma_wait3A_843, %dma_wait3A_854, %dma_wait3A_855] : memref<8x64x128xf32, #tpu.memory_space<vmem>> -> memref<1x64x128xf32, #tpu.memory_space<vmem>>
    %dma_wait3A_857 = tpu.memref_squeeze %dma_wait3A_856 : memref<1x64x128xf32, #tpu.memory_space<vmem>> -> memref<64x128xf32, #tpu.memory_space<vmem>>
    %dma_wait3A_858 = arith.constant 0 : i32
    %dma_wait3A_859 = arith.constant 0 : i32
    %dma_wait3A_860 = tpu.memref_slice %arg2[%dma_wait3A_858, %dma_wait3A_859] : memref<64x1000001xf32, #tpu.memory_space<hbm>> -> memref<64x128xf32, #tpu.memory_space<hbm>>
    tpu.wait_dma2 semaphore(%dma_wait3A_853 : memref<!tpu.dma_semaphore, #tpu.memory_space<semaphore_mem>>) src(%dma_wait3A_860 : memref<64x128xf32, #tpu.memory_space<hbm>>) dst(%dma_wait3A_857 : memref<64x128xf32, #tpu.memory_space<vmem>>)
    %slice3A_861 = vector.extract_strided_slice %and3A_199 {offsets = [11], sizes = [1], strides = [1]} : vector<16xi32> to vector<1xi32>
    %squeeze3A_862 = vector.extract %slice3A_861[0] : i32 from vector<1xi32>
    %broadcast_in_dim3A_863 = vector.broadcast %squeeze3A_862 : i32 to vector<16xi32>
    %broadcast_in_dim3A_864 = arith.constant 3 : i32
    %broadcast_in_dim3A_865 = vector.broadcast %broadcast_in_dim3A_864 : i32 to vector<16xi32>
    %broadcast_in_dim3A_866 = arith.constant 123 : i32
    %broadcast_in_dim3A_867 = vector.broadcast %broadcast_in_dim3A_866 : i32 to vector<16xi32>
    %iota3A_868 = tpu.iota {dimensions = array<i32: 0>} : vector<16xi32>
    %add3A_869 = arith.constant 0 : i32
    %add3A_870 = vector.broadcast %add3A_869 : i32 to vector<16xi32>
    %add3A_871 = arith.addi %iota3A_868, %add3A_870 : vector<16xi32>
    %gather3A_872 = tpu.vector_load_idx %arg8[%broadcast_in_dim3A_865, %add3A_871, %broadcast_in_dim3A_863] : memref<8x64x128xf32, #tpu.memory_space<vmem>>[vector<16xi32>, vector<16xi32>, vector<16xi32>], vector<16xf32>,
    tpu.vector_store_idx %arg7[%add3A_871, %broadcast_in_dim3A_867], %gather3A_872 {add = true} : memref<64x128xf32, #tpu.memory_space<vmem>>[vector<16xi32>, vector<16xi32>], vector<16xf32>,
    %add3A_873 = arith.constant 16 : i32
    %add3A_874 = vector.broadcast %add3A_873 : i32 to vector<16xi32>
    %add3A_875 = arith.addi %iota3A_868, %add3A_874 : vector<16xi32>
    %gather3A_876 = tpu.vector_load_idx %arg8[%broadcast_in_dim3A_865, %add3A_875, %broadcast_in_dim3A_863] : memref<8x64x128xf32, #tpu.memory_space<vmem>>[vector<16xi32>, vector<16xi32>, vector<16xi32>], vector<16xf32>,
    tpu.vector_store_idx %arg7[%add3A_875, %broadcast_in_dim3A_867], %gather3A_876 {add = true} : memref<64x128xf32, #tpu.memory_space<vmem>>[vector<16xi32>, vector<16xi32>], vector<16xf32>,
    %add3A_877 = arith.constant 32 : i32
    %add3A_878 = vector.broadcast %add3A_877 : i32 to vector<16xi32>
    %add3A_879 = arith.addi %iota3A_868, %add3A_878 : vector<16xi32>
    %gather3A_880 = tpu.vector_load_idx %arg8[%broadcast_in_dim3A_865, %add3A_879, %broadcast_in_dim3A_863] : memref<8x64x128xf32, #tpu.memory_space<vmem>>[vector<16xi32>, vector<16xi32>, vector<16xi32>], vector<16xf32>,
    tpu.vector_store_idx %arg7[%add3A_879, %broadcast_in_dim3A_867], %gather3A_880 {add = true} : memref<64x128xf32, #tpu.memory_space<vmem>>[vector<16xi32>, vector<16xi32>], vector<16xf32>,
    %add3A_881 = arith.constant 48 : i32
    %add3A_882 = vector.broadcast %add3A_881 : i32 to vector<16xi32>
    %add3A_883 = arith.addi %iota3A_868, %add3A_882 : vector<16xi32>
    %gather3A_884 = tpu.vector_load_idx %arg8[%broadcast_in_dim3A_865, %add3A_883, %broadcast_in_dim3A_863] : memref<8x64x128xf32, #tpu.memory_space<vmem>>[vector<16xi32>, vector<16xi32>, vector<16xi32>], vector<16xf32>,
    tpu.vector_store_idx %arg7[%add3A_883, %broadcast_in_dim3A_867], %gather3A_884 {add = true} : memref<64x128xf32, #tpu.memory_space<vmem>>[vector<16xi32>, vector<16xi32>], vector<16xf32>,
    %dma_wait3A_885 = arith.constant 4 : i32
    %dma_wait3A_886 = arith.constant 4 : i32
    %dma_wait3A_887 = arith.constant 0 : i32
    %dma_wait3A_888 = arith.constant 0 : i32
    %dma_wait3A_889 = tpu.memref_slice %arg8[%dma_wait3A_885, %dma_wait3A_887, %dma_wait3A_888] : memref<8x64x128xf32, #tpu.memory_space<vmem>> -> memref<1x64x128xf32, #tpu.memory_space<vmem>>
    %dma_wait3A_890 = tpu.memref_squeeze %dma_wait3A_889 : memref<1x64x128xf32, #tpu.memory_space<vmem>> -> memref<64x128xf32, #tpu.memory_space<vmem>>
    %dma_wait3A_891 = arith.constant 0 : i32
    %dma_wait3A_892 = arith.constant 0 : i32
    %dma_wait3A_893 = tpu.memref_slice %arg2[%dma_wait3A_891, %dma_wait3A_892] : memref<64x1000001xf32, #tpu.memory_space<hbm>> -> memref<64x128xf32, #tpu.memory_space<hbm>>
    %dma_wait3A_894 = tpu.memref_slice %arg9[%dma_wait3A_886] : memref<8x!tpu.dma_semaphore, #tpu.memory_space<semaphore_mem>> -> memref<1x!tpu.dma_semaphore, #tpu.memory_space<semaphore_mem>>
    %dma_wait3A_895 = tpu.memref_squeeze %dma_wait3A_894 : memref<1x!tpu.dma_semaphore, #tpu.memory_space<semaphore_mem>> -> memref<!tpu.dma_semaphore, #tpu.memory_space<semaphore_mem>>
    %dma_wait3A_896 = arith.constant 0 : i32
    %dma_wait3A_897 = arith.constant 0 : i32
    %dma_wait3A_898 = tpu.memref_slice %arg8[%dma_wait3A_885, %dma_wait3A_896, %dma_wait3A_897] : memref<8x64x128xf32, #tpu.memory_space<vmem>> -> memref<1x64x128xf32, #tpu.memory_space<vmem>>
    %dma_wait3A_899 = tpu.memref_squeeze %dma_wait3A_898 : memref<1x64x128xf32, #tpu.memory_space<vmem>> -> memref<64x128xf32, #tpu.memory_space<vmem>>
    %dma_wait3A_900 = arith.constant 0 : i32
    %dma_wait3A_901 = arith.constant 0 : i32
    %dma_wait3A_902 = tpu.memref_slice %arg2[%dma_wait3A_900, %dma_wait3A_901] : memref<64x1000001xf32, #tpu.memory_space<hbm>> -> memref<64x128xf32, #tpu.memory_space<hbm>>
    tpu.wait_dma2 semaphore(%dma_wait3A_895 : memref<!tpu.dma_semaphore, #tpu.memory_space<semaphore_mem>>) src(%dma_wait3A_902 : memref<64x128xf32, #tpu.memory_space<hbm>>) dst(%dma_wait3A_899 : memref<64x128xf32, #tpu.memory_space<vmem>>)
    %slice3A_903 = vector.extract_strided_slice %and3A_199 {offsets = [12], sizes = [1], strides = [1]} : vector<16xi32> to vector<1xi32>
    %squeeze3A_904 = vector.extract %slice3A_903[0] : i32 from vector<1xi32>
    %broadcast_in_dim3A_905 = vector.broadcast %squeeze3A_904 : i32 to vector<16xi32>
    %broadcast_in_dim3A_906 = arith.constant 4 : i32
    %broadcast_in_dim3A_907 = vector.broadcast %broadcast_in_dim3A_906 : i32 to vector<16xi32>
    %broadcast_in_dim3A_908 = arith.constant 124 : i32
    %broadcast_in_dim3A_909 = vector.broadcast %broadcast_in_dim3A_908 : i32 to vector<16xi32>
    %iota3A_910 = tpu.iota {dimensions = array<i32: 0>} : vector<16xi32>
    %add3A_911 = arith.constant 0 : i32
    %add3A_912 = vector.broadcast %add3A_911 : i32 to vector<16xi32>
    %add3A_913 = arith.addi %iota3A_910, %add3A_912 : vector<16xi32>
    %gather3A_914 = tpu.vector_load_idx %arg8[%broadcast_in_dim3A_907, %add3A_913, %broadcast_in_dim3A_905] : memref<8x64x128xf32, #tpu.memory_space<vmem>>[vector<16xi32>, vector<16xi32>, vector<16xi32>], vector<16xf32>,
    tpu.vector_store_idx %arg7[%add3A_913, %broadcast_in_dim3A_909], %gather3A_914 {add = true} : memref<64x128xf32, #tpu.memory_space<vmem>>[vector<16xi32>, vector<16xi32>], vector<16xf32>,
    %add3A_915 = arith.constant 16 : i32
    %add3A_916 = vector.broadcast %add3A_915 : i32 to vector<16xi32>
    %add3A_917 = arith.addi %iota3A_910, %add3A_916 : vector<16xi32>
    %gather3A_918 = tpu.vector_load_idx %arg8[%broadcast_in_dim3A_907, %add3A_917, %broadcast_in_dim3A_905] : memref<8x64x128xf32, #tpu.memory_space<vmem>>[vector<16xi32>, vector<16xi32>, vector<16xi32>], vector<16xf32>,
    tpu.vector_store_idx %arg7[%add3A_917, %broadcast_in_dim3A_909], %gather3A_918 {add = true} : memref<64x128xf32, #tpu.memory_space<vmem>>[vector<16xi32>, vector<16xi32>], vector<16xf32>,
    %add3A_919 = arith.constant 32 : i32
    %add3A_920 = vector.broadcast %add3A_919 : i32 to vector<16xi32>
    %add3A_921 = arith.addi %iota3A_910, %add3A_920 : vector<16xi32>
    %gather3A_922 = tpu.vector_load_idx %arg8[%broadcast_in_dim3A_907, %add3A_921, %broadcast_in_dim3A_905] : memref<8x64x128xf32, #tpu.memory_space<vmem>>[vector<16xi32>, vector<16xi32>, vector<16xi32>], vector<16xf32>,
    tpu.vector_store_idx %arg7[%add3A_921, %broadcast_in_dim3A_909], %gather3A_922 {add = true} : memref<64x128xf32, #tpu.memory_space<vmem>>[vector<16xi32>, vector<16xi32>], vector<16xf32>,
    %add3A_923 = arith.constant 48 : i32
    %add3A_924 = vector.broadcast %add3A_923 : i32 to vector<16xi32>
    %add3A_925 = arith.addi %iota3A_910, %add3A_924 : vector<16xi32>
    %gather3A_926 = tpu.vector_load_idx %arg8[%broadcast_in_dim3A_907, %add3A_925, %broadcast_in_dim3A_905] : memref<8x64x128xf32, #tpu.memory_space<vmem>>[vector<16xi32>, vector<16xi32>, vector<16xi32>], vector<16xf32>,
    tpu.vector_store_idx %arg7[%add3A_925, %broadcast_in_dim3A_909], %gather3A_926 {add = true} : memref<64x128xf32, #tpu.memory_space<vmem>>[vector<16xi32>, vector<16xi32>], vector<16xf32>,
    %dma_wait3A_927 = arith.constant 5 : i32
    %dma_wait3A_928 = arith.constant 5 : i32
    %dma_wait3A_929 = arith.constant 0 : i32
    %dma_wait3A_930 = arith.constant 0 : i32
    %dma_wait3A_931 = tpu.memref_slice %arg8[%dma_wait3A_927, %dma_wait3A_929, %dma_wait3A_930] : memref<8x64x128xf32, #tpu.memory_space<vmem>> -> memref<1x64x128xf32, #tpu.memory_space<vmem>>
    %dma_wait3A_932 = tpu.memref_squeeze %dma_wait3A_931 : memref<1x64x128xf32, #tpu.memory_space<vmem>> -> memref<64x128xf32, #tpu.memory_space<vmem>>
    %dma_wait3A_933 = arith.constant 0 : i32
    %dma_wait3A_934 = arith.constant 0 : i32
    %dma_wait3A_935 = tpu.memref_slice %arg2[%dma_wait3A_933, %dma_wait3A_934] : memref<64x1000001xf32, #tpu.memory_space<hbm>> -> memref<64x128xf32, #tpu.memory_space<hbm>>
    %dma_wait3A_936 = tpu.memref_slice %arg9[%dma_wait3A_928] : memref<8x!tpu.dma_semaphore, #tpu.memory_space<semaphore_mem>> -> memref<1x!tpu.dma_semaphore, #tpu.memory_space<semaphore_mem>>
    %dma_wait3A_937 = tpu.memref_squeeze %dma_wait3A_936 : memref<1x!tpu.dma_semaphore, #tpu.memory_space<semaphore_mem>> -> memref<!tpu.dma_semaphore, #tpu.memory_space<semaphore_mem>>
    %dma_wait3A_938 = arith.constant 0 : i32
    %dma_wait3A_939 = arith.constant 0 : i32
    %dma_wait3A_940 = tpu.memref_slice %arg8[%dma_wait3A_927, %dma_wait3A_938, %dma_wait3A_939] : memref<8x64x128xf32, #tpu.memory_space<vmem>> -> memref<1x64x128xf32, #tpu.memory_space<vmem>>
    %dma_wait3A_941 = tpu.memref_squeeze %dma_wait3A_940 : memref<1x64x128xf32, #tpu.memory_space<vmem>> -> memref<64x128xf32, #tpu.memory_space<vmem>>
    %dma_wait3A_942 = arith.constant 0 : i32
    %dma_wait3A_943 = arith.constant 0 : i32
    %dma_wait3A_944 = tpu.memref_slice %arg2[%dma_wait3A_942, %dma_wait3A_943] : memref<64x1000001xf32, #tpu.memory_space<hbm>> -> memref<64x128xf32, #tpu.memory_space<hbm>>
    tpu.wait_dma2 semaphore(%dma_wait3A_937 : memref<!tpu.dma_semaphore, #tpu.memory_space<semaphore_mem>>) src(%dma_wait3A_944 : memref<64x128xf32, #tpu.memory_space<hbm>>) dst(%dma_wait3A_941 : memref<64x128xf32, #tpu.memory_space<vmem>>)
    %slice3A_945 = vector.extract_strided_slice %and3A_199 {offsets = [13], sizes = [1], strides = [1]} : vector<16xi32> to vector<1xi32>
    %squeeze3A_946 = vector.extract %slice3A_945[0] : i32 from vector<1xi32>
    %broadcast_in_dim3A_947 = vector.broadcast %squeeze3A_946 : i32 to vector<16xi32>
    %broadcast_in_dim3A_948 = arith.constant 5 : i32
    %broadcast_in_dim3A_949 = vector.broadcast %broadcast_in_dim3A_948 : i32 to vector<16xi32>
    %broadcast_in_dim3A_950 = arith.constant 125 : i32
    %broadcast_in_dim3A_951 = vector.broadcast %broadcast_in_dim3A_950 : i32 to vector<16xi32>
    %iota3A_952 = tpu.iota {dimensions = array<i32: 0>} : vector<16xi32>
    %add3A_953 = arith.constant 0 : i32
    %add3A_954 = vector.broadcast %add3A_953 : i32 to vector<16xi32>
    %add3A_955 = arith.addi %iota3A_952, %add3A_954 : vector<16xi32>
    %gather3A_956 = tpu.vector_load_idx %arg8[%broadcast_in_dim3A_949, %add3A_955, %broadcast_in_dim3A_947] : memref<8x64x128xf32, #tpu.memory_space<vmem>>[vector<16xi32>, vector<16xi32>, vector<16xi32>], vector<16xf32>,
    tpu.vector_store_idx %arg7[%add3A_955, %broadcast_in_dim3A_951], %gather3A_956 {add = true} : memref<64x128xf32, #tpu.memory_space<vmem>>[vector<16xi32>, vector<16xi32>], vector<16xf32>,
    %add3A_957 = arith.constant 16 : i32
    %add3A_958 = vector.broadcast %add3A_957 : i32 to vector<16xi32>
    %add3A_959 = arith.addi %iota3A_952, %add3A_958 : vector<16xi32>
    %gather3A_960 = tpu.vector_load_idx %arg8[%broadcast_in_dim3A_949, %add3A_959, %broadcast_in_dim3A_947] : memref<8x64x128xf32, #tpu.memory_space<vmem>>[vector<16xi32>, vector<16xi32>, vector<16xi32>], vector<16xf32>,
    tpu.vector_store_idx %arg7[%add3A_959, %broadcast_in_dim3A_951], %gather3A_960 {add = true} : memref<64x128xf32, #tpu.memory_space<vmem>>[vector<16xi32>, vector<16xi32>], vector<16xf32>,
    %add3A_961 = arith.constant 32 : i32
    %add3A_962 = vector.broadcast %add3A_961 : i32 to vector<16xi32>
    %add3A_963 = arith.addi %iota3A_952, %add3A_962 : vector<16xi32>
    %gather3A_964 = tpu.vector_load_idx %arg8[%broadcast_in_dim3A_949, %add3A_963, %broadcast_in_dim3A_947] : memref<8x64x128xf32, #tpu.memory_space<vmem>>[vector<16xi32>, vector<16xi32>, vector<16xi32>], vector<16xf32>,
    tpu.vector_store_idx %arg7[%add3A_963, %broadcast_in_dim3A_951], %gather3A_964 {add = true} : memref<64x128xf32, #tpu.memory_space<vmem>>[vector<16xi32>, vector<16xi32>], vector<16xf32>,
    %add3A_965 = arith.constant 48 : i32
    %add3A_966 = vector.broadcast %add3A_965 : i32 to vector<16xi32>
    %add3A_967 = arith.addi %iota3A_952, %add3A_966 : vector<16xi32>
    %gather3A_968 = tpu.vector_load_idx %arg8[%broadcast_in_dim3A_949, %add3A_967, %broadcast_in_dim3A_947] : memref<8x64x128xf32, #tpu.memory_space<vmem>>[vector<16xi32>, vector<16xi32>, vector<16xi32>], vector<16xf32>,
    tpu.vector_store_idx %arg7[%add3A_967, %broadcast_in_dim3A_951], %gather3A_968 {add = true} : memref<64x128xf32, #tpu.memory_space<vmem>>[vector<16xi32>, vector<16xi32>], vector<16xf32>,
    %dma_wait3A_969 = arith.constant 6 : i32
    %dma_wait3A_970 = arith.constant 6 : i32
    %dma_wait3A_971 = arith.constant 0 : i32
    %dma_wait3A_972 = arith.constant 0 : i32
    %dma_wait3A_973 = tpu.memref_slice %arg8[%dma_wait3A_969, %dma_wait3A_971, %dma_wait3A_972] : memref<8x64x128xf32, #tpu.memory_space<vmem>> -> memref<1x64x128xf32, #tpu.memory_space<vmem>>
    %dma_wait3A_974 = tpu.memref_squeeze %dma_wait3A_973 : memref<1x64x128xf32, #tpu.memory_space<vmem>> -> memref<64x128xf32, #tpu.memory_space<vmem>>
    %dma_wait3A_975 = arith.constant 0 : i32
    %dma_wait3A_976 = arith.constant 0 : i32
    %dma_wait3A_977 = tpu.memref_slice %arg2[%dma_wait3A_975, %dma_wait3A_976] : memref<64x1000001xf32, #tpu.memory_space<hbm>> -> memref<64x128xf32, #tpu.memory_space<hbm>>
    %dma_wait3A_978 = tpu.memref_slice %arg9[%dma_wait3A_970] : memref<8x!tpu.dma_semaphore, #tpu.memory_space<semaphore_mem>> -> memref<1x!tpu.dma_semaphore, #tpu.memory_space<semaphore_mem>>
    %dma_wait3A_979 = tpu.memref_squeeze %dma_wait3A_978 : memref<1x!tpu.dma_semaphore, #tpu.memory_space<semaphore_mem>> -> memref<!tpu.dma_semaphore, #tpu.memory_space<semaphore_mem>>
    %dma_wait3A_980 = arith.constant 0 : i32
    %dma_wait3A_981 = arith.constant 0 : i32
    %dma_wait3A_982 = tpu.memref_slice %arg8[%dma_wait3A_969, %dma_wait3A_980, %dma_wait3A_981] : memref<8x64x128xf32, #tpu.memory_space<vmem>> -> memref<1x64x128xf32, #tpu.memory_space<vmem>>
    %dma_wait3A_983 = tpu.memref_squeeze %dma_wait3A_982 : memref<1x64x128xf32, #tpu.memory_space<vmem>> -> memref<64x128xf32, #tpu.memory_space<vmem>>
    %dma_wait3A_984 = arith.constant 0 : i32
    %dma_wait3A_985 = arith.constant 0 : i32
    %dma_wait3A_986 = tpu.memref_slice %arg2[%dma_wait3A_984, %dma_wait3A_985] : memref<64x1000001xf32, #tpu.memory_space<hbm>> -> memref<64x128xf32, #tpu.memory_space<hbm>>
    tpu.wait_dma2 semaphore(%dma_wait3A_979 : memref<!tpu.dma_semaphore, #tpu.memory_space<semaphore_mem>>) src(%dma_wait3A_986 : memref<64x128xf32, #tpu.memory_space<hbm>>) dst(%dma_wait3A_983 : memref<64x128xf32, #tpu.memory_space<vmem>>)
    %slice3A_987 = vector.extract_strided_slice %and3A_199 {offsets = [14], sizes = [1], strides = [1]} : vector<16xi32> to vector<1xi32>
    %squeeze3A_988 = vector.extract %slice3A_987[0] : i32 from vector<1xi32>
    %broadcast_in_dim3A_989 = vector.broadcast %squeeze3A_988 : i32 to vector<16xi32>
    %broadcast_in_dim3A_990 = arith.constant 6 : i32
    %broadcast_in_dim3A_991 = vector.broadcast %broadcast_in_dim3A_990 : i32 to vector<16xi32>
    %broadcast_in_dim3A_992 = arith.constant 126 : i32
    %broadcast_in_dim3A_993 = vector.broadcast %broadcast_in_dim3A_992 : i32 to vector<16xi32>
    %iota3A_994 = tpu.iota {dimensions = array<i32: 0>} : vector<16xi32>
    %add3A_995 = arith.constant 0 : i32
    %add3A_996 = vector.broadcast %add3A_995 : i32 to vector<16xi32>
    %add3A_997 = arith.addi %iota3A_994, %add3A_996 : vector<16xi32>
    %gather3A_998 = tpu.vector_load_idx %arg8[%broadcast_in_dim3A_991, %add3A_997, %broadcast_in_dim3A_989] : memref<8x64x128xf32, #tpu.memory_space<vmem>>[vector<16xi32>, vector<16xi32>, vector<16xi32>], vector<16xf32>,
    tpu.vector_store_idx %arg7[%add3A_997, %broadcast_in_dim3A_993], %gather3A_998 {add = true} : memref<64x128xf32, #tpu.memory_space<vmem>>[vector<16xi32>, vector<16xi32>], vector<16xf32>,
    %add3A_999 = arith.constant 16 : i32
    %add3A_1000 = vector.broadcast %add3A_999 : i32 to vector<16xi32>
    %add3A_1001 = arith.addi %iota3A_994, %add3A_1000 : vector<16xi32>
    %gather3A_1002 = tpu.vector_load_idx %arg8[%broadcast_in_dim3A_991, %add3A_1001, %broadcast_in_dim3A_989] : memref<8x64x128xf32, #tpu.memory_space<vmem>>[vector<16xi32>, vector<16xi32>, vector<16xi32>], vector<16xf32>,
    tpu.vector_store_idx %arg7[%add3A_1001, %broadcast_in_dim3A_993], %gather3A_1002 {add = true} : memref<64x128xf32, #tpu.memory_space<vmem>>[vector<16xi32>, vector<16xi32>], vector<16xf32>,
    %add3A_1003 = arith.constant 32 : i32
    %add3A_1004 = vector.broadcast %add3A_1003 : i32 to vector<16xi32>
    %add3A_1005 = arith.addi %iota3A_994, %add3A_1004 : vector<16xi32>
    %gather3A_1006 = tpu.vector_load_idx %arg8[%broadcast_in_dim3A_991, %add3A_1005, %broadcast_in_dim3A_989] : memref<8x64x128xf32, #tpu.memory_space<vmem>>[vector<16xi32>, vector<16xi32>, vector<16xi32>], vector<16xf32>,
    tpu.vector_store_idx %arg7[%add3A_1005, %broadcast_in_dim3A_993], %gather3A_1006 {add = true} : memref<64x128xf32, #tpu.memory_space<vmem>>[vector<16xi32>, vector<16xi32>], vector<16xf32>,
    %add3A_1007 = arith.constant 48 : i32
    %add3A_1008 = vector.broadcast %add3A_1007 : i32 to vector<16xi32>
    %add3A_1009 = arith.addi %iota3A_994, %add3A_1008 : vector<16xi32>
    %gather3A_1010 = tpu.vector_load_idx %arg8[%broadcast_in_dim3A_991, %add3A_1009, %broadcast_in_dim3A_989] : memref<8x64x128xf32, #tpu.memory_space<vmem>>[vector<16xi32>, vector<16xi32>, vector<16xi32>], vector<16xf32>,
    tpu.vector_store_idx %arg7[%add3A_1009, %broadcast_in_dim3A_993], %gather3A_1010 {add = true} : memref<64x128xf32, #tpu.memory_space<vmem>>[vector<16xi32>, vector<16xi32>], vector<16xf32>,
    %dma_wait3A_1011 = arith.constant 7 : i32
    %dma_wait3A_1012 = arith.constant 7 : i32
    %dma_wait3A_1013 = arith.constant 0 : i32
    %dma_wait3A_1014 = arith.constant 0 : i32
    %dma_wait3A_1015 = tpu.memref_slice %arg8[%dma_wait3A_1011, %dma_wait3A_1013, %dma_wait3A_1014] : memref<8x64x128xf32, #tpu.memory_space<vmem>> -> memref<1x64x128xf32, #tpu.memory_space<vmem>>
    %dma_wait3A_1016 = tpu.memref_squeeze %dma_wait3A_1015 : memref<1x64x128xf32, #tpu.memory_space<vmem>> -> memref<64x128xf32, #tpu.memory_space<vmem>>
    %dma_wait3A_1017 = arith.constant 0 : i32
    %dma_wait3A_1018 = arith.constant 0 : i32
    %dma_wait3A_1019 = tpu.memref_slice %arg2[%dma_wait3A_1017, %dma_wait3A_1018] : memref<64x1000001xf32, #tpu.memory_space<hbm>> -> memref<64x128xf32, #tpu.memory_space<hbm>>
    %dma_wait3A_1020 = tpu.memref_slice %arg9[%dma_wait3A_1012] : memref<8x!tpu.dma_semaphore, #tpu.memory_space<semaphore_mem>> -> memref<1x!tpu.dma_semaphore, #tpu.memory_space<semaphore_mem>>
    %dma_wait3A_1021 = tpu.memref_squeeze %dma_wait3A_1020 : memref<1x!tpu.dma_semaphore, #tpu.memory_space<semaphore_mem>> -> memref<!tpu.dma_semaphore, #tpu.memory_space<semaphore_mem>>
    %dma_wait3A_1022 = arith.constant 0 : i32
    %dma_wait3A_1023 = arith.constant 0 : i32
    %dma_wait3A_1024 = tpu.memref_slice %arg8[%dma_wait3A_1011, %dma_wait3A_1022, %dma_wait3A_1023] : memref<8x64x128xf32, #tpu.memory_space<vmem>> -> memref<1x64x128xf32, #tpu.memory_space<vmem>>
    %dma_wait3A_1025 = tpu.memref_squeeze %dma_wait3A_1024 : memref<1x64x128xf32, #tpu.memory_space<vmem>> -> memref<64x128xf32, #tpu.memory_space<vmem>>
    %dma_wait3A_1026 = arith.constant 0 : i32
    %dma_wait3A_1027 = arith.constant 0 : i32
    %dma_wait3A_1028 = tpu.memref_slice %arg2[%dma_wait3A_1026, %dma_wait3A_1027] : memref<64x1000001xf32, #tpu.memory_space<hbm>> -> memref<64x128xf32, #tpu.memory_space<hbm>>
    tpu.wait_dma2 semaphore(%dma_wait3A_1021 : memref<!tpu.dma_semaphore, #tpu.memory_space<semaphore_mem>>) src(%dma_wait3A_1028 : memref<64x128xf32, #tpu.memory_space<hbm>>) dst(%dma_wait3A_1025 : memref<64x128xf32, #tpu.memory_space<vmem>>)
    %slice3A_1029 = vector.extract_strided_slice %and3A_199 {offsets = [15], sizes = [1], strides = [1]} : vector<16xi32> to vector<1xi32>
    %squeeze3A_1030 = vector.extract %slice3A_1029[0] : i32 from vector<1xi32>
    %broadcast_in_dim3A_1031 = vector.broadcast %squeeze3A_1030 : i32 to vector<16xi32>
    %broadcast_in_dim3A_1032 = arith.constant 7 : i32
    %broadcast_in_dim3A_1033 = vector.broadcast %broadcast_in_dim3A_1032 : i32 to vector<16xi32>
    %broadcast_in_dim3A_1034 = arith.constant 127 : i32
    %broadcast_in_dim3A_1035 = vector.broadcast %broadcast_in_dim3A_1034 : i32 to vector<16xi32>
    %iota3A_1036 = tpu.iota {dimensions = array<i32: 0>} : vector<16xi32>
    %add3A_1037 = arith.constant 0 : i32
    %add3A_1038 = vector.broadcast %add3A_1037 : i32 to vector<16xi32>
    %add3A_1039 = arith.addi %iota3A_1036, %add3A_1038 : vector<16xi32>
    %gather3A_1040 = tpu.vector_load_idx %arg8[%broadcast_in_dim3A_1033, %add3A_1039, %broadcast_in_dim3A_1031] : memref<8x64x128xf32, #tpu.memory_space<vmem>>[vector<16xi32>, vector<16xi32>, vector<16xi32>], vector<16xf32>,
    tpu.vector_store_idx %arg7[%add3A_1039, %broadcast_in_dim3A_1035], %gather3A_1040 {add = true} : memref<64x128xf32, #tpu.memory_space<vmem>>[vector<16xi32>, vector<16xi32>], vector<16xf32>,
    %add3A_1041 = arith.constant 16 : i32
    %add3A_1042 = vector.broadcast %add3A_1041 : i32 to vector<16xi32>
    %add3A_1043 = arith.addi %iota3A_1036, %add3A_1042 : vector<16xi32>
    %gather3A_1044 = tpu.vector_load_idx %arg8[%broadcast_in_dim3A_1033, %add3A_1043, %broadcast_in_dim3A_1031] : memref<8x64x128xf32, #tpu.memory_space<vmem>>[vector<16xi32>, vector<16xi32>, vector<16xi32>], vector<16xf32>,
    tpu.vector_store_idx %arg7[%add3A_1043, %broadcast_in_dim3A_1035], %gather3A_1044 {add = true} : memref<64x128xf32, #tpu.memory_space<vmem>>[vector<16xi32>, vector<16xi32>], vector<16xf32>,
    %add3A_1045 = arith.constant 32 : i32
    %add3A_1046 = vector.broadcast %add3A_1045 : i32 to vector<16xi32>
    %add3A_1047 = arith.addi %iota3A_1036, %add3A_1046 : vector<16xi32>
    %gather3A_1048 = tpu.vector_load_idx %arg8[%broadcast_in_dim3A_1033, %add3A_1047, %broadcast_in_dim3A_1031] : memref<8x64x128xf32, #tpu.memory_space<vmem>>[vector<16xi32>, vector<16xi32>, vector<16xi32>], vector<16xf32>,
    tpu.vector_store_idx %arg7[%add3A_1047, %broadcast_in_dim3A_1035], %gather3A_1048 {add = true} : memref<64x128xf32, #tpu.memory_space<vmem>>[vector<16xi32>, vector<16xi32>], vector<16xf32>,
    %add3A_1049 = arith.constant 48 : i32
    %add3A_1050 = vector.broadcast %add3A_1049 : i32 to vector<16xi32>
    %add3A_1051 = arith.addi %iota3A_1036, %add3A_1050 : vector<16xi32>
    %gather3A_1052 = tpu.vector_load_idx %arg8[%broadcast_in_dim3A_1033, %add3A_1051, %broadcast_in_dim3A_1031] : memref<8x64x128xf32, #tpu.memory_space<vmem>>[vector<16xi32>, vector<16xi32>, vector<16xi32>], vector<16xf32>,
    tpu.vector_store_idx %arg7[%add3A_1051, %broadcast_in_dim3A_1035], %gather3A_1052 {add = true} : memref<64x128xf32, #tpu.memory_space<vmem>>[vector<16xi32>, vector<16xi32>], vector<16xf32>,
    "tpu.region"() ({
      %run_scoped3A = tpu.sem_alloc : memref<!tpu.dma_semaphore, #tpu.memory_space<semaphore_mem>>
      %dma_start3A_1053 = arith.constant 0 : i32
      %dma_start3A_1054 = tpu.memref_slice %arg5[%dma_start3A_1053, %mul3A_2] : memref<64x4096xf32, #tpu.memory_space<hbm>> -> memref<64x128xf32, #tpu.memory_space<hbm>>
      %dma_start3A_1055 = arith.constant 0 : i32
      %dma_start3A_1056 = tpu.memref_slice %arg5[%dma_start3A_1055, %mul3A_2] : memref<64x4096xf32, #tpu.memory_space<hbm>> -> memref<64x128xf32, #tpu.memory_space<hbm>>
      tpu.enqueue_dma source(%arg7 : memref<64x128xf32, #tpu.memory_space<vmem>>) target(%dma_start3A_1056 : memref<64x128xf32, #tpu.memory_space<hbm>>) target_semaphore(%run_scoped3A : memref<!tpu.dma_semaphore, #tpu.memory_space<semaphore_mem>>)
      %dma_wait3A_1057 = arith.constant 0 : i32
      %dma_wait3A_1058 = tpu.memref_slice %arg5[%dma_wait3A_1057, %mul3A_2] : memref<64x4096xf32, #tpu.memory_space<hbm>> -> memref<64x128xf32, #tpu.memory_space<hbm>>
      %dma_wait3A_1059 = arith.constant 0 : i32
      %dma_wait3A_1060 = tpu.memref_slice %arg5[%dma_wait3A_1059, %mul3A_2] : memref<64x4096xf32, #tpu.memory_space<hbm>> -> memref<64x128xf32, #tpu.memory_space<hbm>>
      tpu.wait_dma2 semaphore(%run_scoped3A : memref<!tpu.dma_semaphore, #tpu.memory_space<semaphore_mem>>) src(%arg7 : memref<64x128xf32, #tpu.memory_space<vmem>>) dst(%dma_wait3A_1060 : memref<64x128xf32, #tpu.memory_space<hbm>>)
      tpu.yield
    }) : () -> ()
    return
  }
}

</mosaic_0001>

<sc_bundles>
// kernel: kernel.3.cloned.1.call-start
scs
__scs_entry_jumppad:
0x0: {  	(pc) =	sbr.rel $0x88, $3  }
0x1: {  	(tag) =	ssettag $0x0;
	lr =	simm.s32 $0x1  }
0x2: {  	[smem:$0x3F9F] =	sst lr;
	_ =	strace $0xD0000000  }
0x3: {  	_ = 	snop  }
0x4: {  	_ = 	snop  }
0x5: {  	_ = 	snop  }
0x6: {  	_ = 	snop  }
0x7: {  	_ = 	snop  }
__scs_overlays_trampoline_lowered:
0x8: {  	[smem:$0x3FAE] =	sst s0  }
0x9: {  	[smem:$0x3FAF] =	sst s1  }
0xa: {  	[smem:$0x3FB0] =	sst s2  }
0xb: {  	[smem:$0x3FB1] =	sst s3  }
0xc: {  	[smem:$0x3FB2] =	sst s4  }
0xd: {  	[smem:$0x3FB3] =	sst s5  }
0xe: {  	[smem:$0x3FB4] =	sst s6  }
0xf: {  	[smem:$0x3FB5] =	sst s7  }
0x10: {  	[smem:$0x3FB6] =	sst s8  }
0x11: {  	[smem:$0x3FB7] =	sst s9;
	s0 =	simm.s32 @!p0 $0x0  }
0x12: {  	s1 =	sld [smem:$0x3F9D];
	s0 =	simm.s32 @p0 $0x1  }
0x13: {  	[smem:$0x3FB8] =	sst s0;
	s0 =	simm.s32 @!p1 $0x0  }
0x14: {  	s2 =	sld [smem:$0x3F9C];
	s0 =	simm.s32 @p1 $0x1  }
0x15: {  	[smem:$0x3FB9] =	sst s0;
	s0 =	simm.s32 @!p2 $0x0  }
0x16: {  	s3 =	sld [smem:$0x3FDB];
	s0 =	simm.s32 @p2 $0x1  }
0x17: {  	s4 =	simm.s32 $0x1BF5;
	[smem:$0x3FBB] =	sst s0  }
0x18: {  	s0 =	sld [smem:$0x3F9E];
	_ =	swait.ge [sflag:s4], $0x0  }
0x19: {  	s7 =	sld [smem:$0x3F9F]  }
0x1a: {  	s8 =	sadd.s32 $0xFFFFE003, lr  }
0x1b: {  	s9 =	sadd.s32 $0xFFFFFEF7, lr;
	s5 =	simm.s32 $0xFFFFFFFF;
	p2 =	slt.u32 s8, $0xFFFFF086  }
0x1c: {  	p1 =	slt.u32 s9, $0xF7A;
	s5 =	simm.s32 @!p2 $0x0  }
0x1d: {  	s5 =	simm.s32 @p1 $0x1;
	p0 =	seq.s32 s7, s2  }
0x1e: {  	s7 =	smul.u32 @!p0 $0xF7A, s2;
	p2 =	seq.s32 @!p0 s5, $0x0  }
0x1f: {  	s9 =	smul.u32 $0xF7A, s1;
	s8 =	simm.s32 @!p0 $0x1BF5;
	p2 =	por !p2, p0  }
0x20: {  	[sflag:s8] =	ssyncset.s32 @!p0 $0xFFFFF086;
	s6 =	sadd.s32 @!p0 s3, s7;
	s7 =	simm.s32 @!p0 $0x108  }
0x21: {  	s3 =	sadd.s32 s3, s9;
	s6 =	sadd.s32 @!p0 $0x88, s6;
	s7 =	simm.s32 @p2 $0x1082  }
0x22: {  	[simem:s7], [sflag:s8] =	dma.local @!p0 [hbm:s6], $0xF7A  }
0x23: {  	s9 =	sor.u32 $0xD0000000, s2;
	s6 =	simm.s32 $0x108;
	_ =	swait.ge @!p0 [sflag:s8], $0x0  }
0x24: {  	s3 =	sadd.s32 $0x88, s3;
	s6 =	simm.s32 @!p1 $0x1082;
	[sflag:s4] =	ssyncset.s32 $0xFFFFF086  }
0x25: {  	[simem:s6], [sflag:s4] =	dma.local [hbm:s3], $0xF7A  }
0x26: {  	[smem:$0x3F9F] =	sst s1;
	(tag) =	ssettag s2;
	_ =	strace s9  }
0x27: {  	s1 =	sld [smem:$0x3FAF]  }
0x28: {  	s2 =	sld [smem:$0x3FB0]  }
0x29: {  	s4 =	sld [smem:$0x3FB2]  }
0x2a: {  	p0 =	seq.s32 s5, $0x0;
	s5 =	sld [smem:$0x3FB3]  }
0x2b: {  	s6 =	sld [smem:$0x3FB4]  }
0x2c: {  	s7 =	sld [smem:$0x3FB5]  }
0x2d: {  	s3 =	simm.s32 $0x108;
	s8 =	sld [smem:$0x3FB6]  }
0x2e: {  	s3 =	simm.s32 @!p0 $0x1082;
	s9 =	sld [smem:$0x3FB7]  }
0x2f: {  	lr =	sadd.s32 s0, s3;
	s0 =	sld [smem:$0x3FAE]  }
0x30: {  	s3 =	sld [smem:$0x3FB1]  }
0x31: {  	[smem:$0x3FBA] =	sst s10  }
0x32: {  	s10 =	sld [smem:$0x3FB8];
	_ =	sdelay $0x3  }
0x33: {  	p0 =	seq.s32 s10, $0x1;
	s10 =	sld [smem:$0x3FBA];
	_ =	sdelay $0x3  }
0x34: {  	[smem:$0x3FBA] =	sst s10  }
0x35: {  	s10 =	sld [smem:$0x3FB9];
	_ =	sdelay $0x3  }
0x36: {  	p1 =	seq.s32 s10, $0x1;
	s10 =	sld [smem:$0x3FBA];
	_ =	sdelay $0x3  }
0x37: {  	[smem:$0x3FBA] =	sst s10  }
0x38: {  	s10 =	sld [smem:$0x3FBB]  }
0x39: {  	_ = 	snop;
	(pc) =	sbr.ind lr, $3  }
0x3a: {  	_ = 	snop  }
0x3b: {  	_ = 	snop  }
0x3c: {  	p2 =	seq.s32 s10, $0x1;
	s10 =	sld [smem:$0x3FBA]  }
0x3d: {  	_ =	shalt  }
0x3e: {  	_ =	shalt  }
0x3f: {  	_ =	shalt  }
0x40: {  	_ =	shalt  }
0x41: {  	_ =	shalt  }
0x42: {  	_ =	shalt  }
0x43: {  	_ =	shalt  }
0x44: {  	_ =	shalt  }
0x45: {  	_ =	shalt  }
0x46: {  	_ =	shalt  }
0x47: {  	_ =	shalt  }
0x48: {  	_ =	shalt  }
0x49: {  	_ =	shalt  }
0x4a: {  	_ =	shalt  }
0x4b: {  	_ =	shalt  }
0x4c: {  	_ =	shalt  }
0x4d: {  	_ =	shalt  }
0x4e: {  	_ =	shalt  }
0x4f: {  	_ =	shalt  }
0x50: {  	_ =	shalt  }
0x51: {  	_ =	shalt  }
0x52: {  	_ =	shalt  }
0x53: {  	_ =	shalt  }
0x54: {  	_ =	shalt  }
0x55: {  	_ =	shalt  }
0x56: {  	_ =	shalt  }
0x57: {  	_ =	shalt  }
0x58: {  	_ =	shalt  }
0x59: {  	_ =	shalt  }
0x5a: {  	_ =	shalt  }
0x5b: {  	_ =	shalt  }
0x5c: {  	_ =	shalt  }
0x5d: {  	_ =	shalt  }
0x5e: {  	_ =	shalt  }
0x5f: {  	_ =	shalt  }
0x60: {  	_ =	shalt  }
0x61: {  	_ =	shalt  }
0x62: {  	_ =	shalt  }
0x63: {  	_ =	shalt  }
0x64: {  	_ =	shalt  }
0x65: {  	_ =	shalt  }
0x66: {  	_ =	shalt  }
0x67: {  	_ =	shalt  }
0x68: {  	_ =	shalt  }
0x69: {  	_ =	shalt  }
0x6a: {  	_ =	shalt  }
0x6b: {  	_ =	shalt  }
0x6c: {  	_ =	shalt  }
0x6d: {  	_ =	shalt  }
0x6e: {  	_ =	shalt  }
0x6f: {  	_ =	shalt  }
0x70: {  	_ =	shalt  }
0x71: {  	_ =	shalt  }
0x72: {  	_ =	shalt  }
0x73: {  	_ =	shalt  }
0x74: {  	_ =	shalt  }
0x75: {  	_ =	shalt  }
0x76: {  	_ =	shalt  }
0x77: {  	_ =	shalt  }
0x78: {  	_ =	shalt  }
0x79: {  	_ =	shalt  }
0x7a: {  	_ =	shalt  }
0x7b: {  	_ =	shalt  }
0x7c: {  	_ =	shalt  }
0x7d: {  	_ =	shalt  }
0x7e: {  	_ =	shalt  }
0x7f: {  	_ =	shalt  }
0x80: {  	_ =	shalt  }
0x81: {  	_ =	shalt  }
0x82: {  	_ =	shalt  }
0x83: {  	_ =	shalt  }
0x84: {  	_ =	shalt  }
0x85: {  	_ =	shalt  }
0x86: {  	_ =	shalt  }
0x87: {  	_ =	shalt  }
.Lfunc_end0:
.L_simem_size_0:
called_computation_lowered:
.L_overlay_start_0:
0x88: {  	s2 =	sld [smem:$0x3FD9]  }
0x89: {  	s3 =	sld [smem:$0x3FFE];
	_ =	sdelay $0x1  }
0x8a: {  	s1 =	srdreg.scid  }
0x8b: {  	s0 =	sand.u32 $0x1, s1  }
0x8c: {  	s17 =	sshll.u32 s0, $0xA;
	s2 =	sadd.s32 s3, s2  }
0x8d: {  	s2 =	sadd.s32 s2, s17  }
0x8e: {  	[smem:$0x3FC6] =	sst s2  }
0x8f: {  	_ = 	snop  }
0x90: {  	s2 =	sld [smem:$0x3FC9]  }
0x91: {  	s18 =	sld [smem:$0x3FC8]  }
0x92: {  	s4 =	sld [smem:$0x3FD0];
	(tm) =	ssettm $0x1  }
0x93: {  	s5 =	sld [smem:$0x3FFB];
	_ =	sdelay $0x3  }
0x94: {  	_ =	strace s5  }
0x95: {  	s5 =	sld [smem:$0x3FFC];
	_ =	sdelay $0x3  }
0x96: {  	_ =	strace s5  }
0x97: {  	s5 =	sld [smem:$0x3FFD];
	_ =	sdelay $0x3  }
0x98: {  	_ =	strace s5  }
0x99: {  	_ =	strace $0x8FFFFFFF  }
0x9a: {  	s19 =	sld [smem:$0x3FDB];
	_ =	sdelay $0x1  }
0x9b: {  	s6 =	simm.s32 $_scs_section_size  }
0x9c: {  	s7 =	simm.s32 $_size__tile_overlayer_lowered;
	s8 =	simm.s32 $_tile_overlayer_lowered  }
0x9d: {  	s22 =	simm.s32 $0x1BFF;
	s21 =	sshll.u32 s8, $0x1;
	s5 =	sadd.s32 s6, s19  }
0x9e: {  	s9 =	simm.s32 $0x0;
	s20 =	sshll.u32 s7, $0x1;
	s7 =	sadd.s32 s21, s5  }
0x9f: {  	[timem:s9], [sflag:s22] =	dma.local [hbm:s7], s20  }
0xa0: {  	_ =	swait.ge [sflag:s22], s20  }
0xa1: {  	s6 =	ssub.s32 $0x0, s20;
	[sflag:s22] =	ssyncset.done $0x0  }
0xa2: {  	[sflag:s22] =	ssyncadd.s32 s6;
	_ =	sdelay $0x1  }
0xa3: {  	s23 =	simm.s32 $0x1B8B  }
0xa4: {  	_ =	swait.ge [sflag:s23], $0x1  }
0xa5: {  	[sflag:s23] =	ssyncset.done $0x0  }
0xa6: {  	s25 =	simm.s32 $0x1B8E;
	s24 =	sld [smem:$0x3FFE];
	[sflag:s23] =	ssyncadd.s32 $0xFFFFFFFF  }
0xa7: {  	s26 =	simm.s32 $execute0_lowered;
	[smem:$0x3FD2] =	sst s25  }
0xa8: {  	s7 =	sshll.u32 s26, $0x1;
	_ =	strace $0x80000046;
	[dreg:$0x1] =	wrdreg $0xFFFFFFFF  }
0xa9: {  	s28 =	simm.s32 $_size_execute0_lowered;
	s5 =	sadd.s32 s5, s7;
	[dreg:$0x0] =	wrdreg $0x0  }
0xaa: {  	s7 =	sshll.u32 s28, $0x1;
	[dreg:$0x2] =	wrdreg s5  }
0xab: {  	[dreg:$0x3] =	wrdreg s7  }
0xac: {  	[dreg:$0x4] =	wrdreg $0xC0  }
0xad: {  	_ =	task [dreg:s9], $0x5FFFF  }
0xae: {  	[dreg:$0x1] =	wrdreg $0xFFFFFFFF  }
0xaf: {  	[dreg:$0x0] =	wrdreg $0x60  }
0xb0: {  	[dreg:$0x2] =	wrdreg s18  }
0xb1: {  	[dreg:$0x3] =	wrdreg s2  }
0xb2: {  	[dreg:$0x4] =	wrdreg s24  }
0xb3: {  	[dreg:$0x5] =	wrdreg s4  }
0xb4: {  	[dreg:$0x6] =	wrdreg $0x9  }
0xb5: {  	_ =	task.clear_ibuf [dreg:s9], $0x7FFFF;
	_ =	strace $0x90000046  }
0xb6: {  	s29 =	simm.s32 $0x9;
	_ =	strace $0x80000048  }
0xb7: {  	_ =	swait.ge [sflag:s29], $0x1  }
0xb8: {  	[sflag:s29] =	ssyncadd.s32 $0xFFFFFFFF  }
0xb9: {  	_ =	strace $0x90000048  }
0xba: {  	_ =	sfence  }
0xbb: {  	s30 =	sld [smem:$0x0];
	_ =	sdelay $0x2  }
0xbc: {  	s31 =	sshll.u32 s1, $0xD;
	s1 =	sshrl.u32 s1, $0x2  }
0xbd: {  	s3 =	sand.u32 $0x4000, s31;
	s1 =	sadd.s32 s1, s30  }
0xbe: {  	s0 =	sor.u32 s3, s0;
	s1 =	sshll.u32 s1, $0x11  }
0xbf: {  	s0 =	sor.u32 s1, s0  }
0xc0: {  	s0 =	sadd.s32 $0x8F2B, s0  }
0xc1: {  	[sflag:s0] =	ssyncadd.remote.s32 $0x1  }
0xc2: {  	_ =	sfence.sel $0xFFFF  }
0xc3: {  	[dreg:$0x0] =	wrdreg $0xFFFFFFFF;
	(pc) =	sbr.abs _section_cstart, $3  }
0xc4: {  	[dreg:$0x1] =	wrdreg $0xFFFFFFFF  }
0xc5: {  	_ =	task.clear_ibuf [dreg:s9], $0x2FFFF;
	_ =	strace $0x9FFFFFFF  }
0xc6: {  	(tm) =	ssettm $0x7FFFFFFF  }
0xc7: {  	_ =	shalt  }
tec
execute0_lowered:
.L_overlay_start_1:
0x0: {  	(tag) =	ssettag $0x1  }
0x1: {  	s1 =	rddreg [dreg:$0x0]  }
0x2: {  	s0 =	rddreg [dreg:$0x1]  }
0x3: {  	s2 =	rddreg [dreg:$0x2]  }
0x4: {  	s6 =	rddreg [dreg:$0x3]  }
0x5: {  	s4 =	srdreg.scid;
	s3 =	stileid.u32;
	v0 =	vlaneseq.u32  }
0x6: {  	s7 =	simm.s32 $0x0;
	s9 =	simm.s32 $0x400;
	s11 =	simm.s32 $0x80;
	v0 =	vmul.u32 $0x80, v0  }
0x7: {  	s12 =	simm.s32 $0x7A1400;
	s13 =	simm.s32 $0x2080;
	s14 =	simm.s32 $0x4080  }
0x8: {  	s15 =	simm.s32 $0x6080;
	s16 =	simm.s32 $0x8080;
	s17 =	simm.s32 $0xA080;
	v1 =	vor.u32 $0x800, v0  }
0x9: {  	s18 =	simm.s32 $0xC080;
	s19 =	simm.s32 $0xE080;
	s20 =	simm.s32 $0x10080;
	v2 =	vor.u32 $0x1000, v0;
	v3 =	vor.u32 $0x1800, v0;
	v4 =	vor.u32 $0x2000, v0  }
0xa: {  	s21 =	simm.s32 $0x9;
	s22 =	simm.s32 $0x1;
	s23 =	simm.s32 $0x2;
	v5 =	vor.u32 $0x2800, v0;
	v6 =	vor.u32 $0x3000, v0;
	v7 =	vor.u32 $0x3800, v0  }
0xb: {  	s24 =	simm.s32 $0x3;
	s28 =	simm.s32 $0x6;
	s29 =	simm.s32 $0x7;
	v8 =	vor.u32 $0x4000, v0;
	v9 =	vor.u32 $0x4800, v0;
	v10 =	vor.u32 $0x5000, v0  }
0xc: {  	s30 =	simm.s32 $0x8;
	s4 =	sand.u32 $0x1, s4;
	s5 =	sshll.u32 s3, $0x1;
	v11 =	vor.u32 $0x5800, v0;
	v12 =	vor.u32 $0x6000, v0;
	v13 =	vor.u32 $0x6800, v0  }
0xd: {  	s31 =	simm.s32 $0x0;
	[smem:$0x7FF] =	sst s7;
	s5 =	sor.u32 s4, s5;
	v14 =	vor.u32 $0x7000, v0;
	v15 =	vor.u32 $0x7800, v0;
	v16 =	vor.u32 $0x8000, v0  }
0xe: {  	s4 =	ssub.s32 $0x2, s4;
	_ =	strace $0x80000047;
	s25 =	sshll.u32 s5, $0x7;
	v17 =	vor.u32 $0x8800, v0;
	v18 =	vor.u32 $0x9000, v0;
	v19 =	vor.u32 $0x9800, v0  }
0xf: {  	s8 =	sshrl.u32 s4, $0x1;
	s26 =	sshll.u32 s5, $0x4;
	v20 =	vor.u32 $0xA000, v0;
	v21 =	vor.u32 $0xA800, v0;
	v22 =	vor.u32 $0xB000, v0;
	s2 =	sadd.s32 s25, s2  }
0x10: {  	v23 =	vor.u32 $0xB800, v0;
	v24 =	vor.u32 $0xC000, v0;
	v25 =	vor.u32 $0xC800, v0;
	s8 =	ssub.s32 s4, s8;
	s4 =	sadd.s32 s0, s26;
	s6 =	sadd.s32 s6, s25  }
0x11: {  	v26 =	vor.u32 $0xD000, v0;
	v27 =	vor.u32 $0xD800, v0;
	v28 =	vor.u32 $0xE000, v0;
	s25 =	simm.s32 $0x4;
	s26 =	simm.s32 $0x5;
	s5 =	sadd.s32 $0x400, s2  }
0x12: {  	v29 =	vor.u32 $0xE800, v0;
	v30 =	vor.u32 $0xF000, v0;
	v31 =	vor.u32 $0xF800, v0;
	s7 =	smax.u32 s8, $0x1;
	s8 =	simm.s32 $0xA;
	s2 =	simm.s32 $0x8000  }
.LBB2_1:
0x13: {  	s0 =	simm.s32 $0x0  }
0x14: {  	[tilespmem:s0], [sflag:$0xA] =	stream.linear.gather [hbm4b:s4+s0], $0x80, $0x38;
	[tilespmem:$0x12080] =	vst v63  }
0x15: {  	_ =	swait.ge [sflag:s8], $0x80  }
0x16: {  	[sflag:s8] =	ssyncset.done $0x0  }
0x17: {  	[sflag:s8] =	ssyncadd.s32 $0xFFFFFF80  }
0x18: {  	[tilespmem:s11], [sflag:$0x9] =	stream.strided.gather [hbm4b:s5+s9], $0x2000, s2, s9, $0x38;
	[tilespmem:$0x12080] =	vst v63  }
0x19: {  	v32 =	vld [tilespmem:$0x0];
	_ =	sdelay $0x4  }
0x1a: {  	(v2sf) =	vpush v32, $0x0  }
0x1b: {  	(v2sf) =	vpush v32, $0x1;
	_ =	sdelay $0x1  }
0x1c: {  	(v2sf) =	vpush v32, $0x2;
	_ =	sdelay $0x4  }
0x1d: {  	(v2sf) =	vpush v32, $0x3  }
0x1e: {  	(v2sf) =	vpush v32, $0x4;
	_ =	sdelay $0x5  }
0x1f: {  	s10 =	spop (v2sf);
	(v2sf) =	vpush v32, $0x5  }
0x20: {  	s2 =	spop (v2sf);
	(v2sf) =	vpush v32, $0x6  }
0x21: {  	s0 =	sand.u32 $0xFFFFF80, s10  }
0x22: {  	s0 =	sadd.s32 s1, s0;
	s3 =	spop (v2sf)  }
0x23: {  	(v2sf) =	vpush v32, $0x7;
	[tilespmem:s13], [sflag:$0x1] =	stream.strided.gather [hbm4b:s0+s9], $0x2000, s12, s9, $0x38;
	[tilespmem:$0x12080] =	vst v63  }
0x24: {  	s0 =	sand.u32 $0xFFFFF80, s2  }
0x25: {  	s0 =	sadd.s32 s1, s0  }
0x26: {  	[tilespmem:s14], [sflag:$0x2] =	stream.strided.gather [hbm4b:s0+s9], $0x2000, s12, s9, $0x38;
	[tilespmem:$0x12080] =	vst v63  }
0x27: {  	s10 =	spop (v2sf);
	s0 =	sand.u32 $0xFFFFF80, s3  }
0x28: {  	s3 =	sand.u32 $0xFFFFF80, s10;
	s10 =	spop (v2sf);
	s0 =	sadd.s32 s1, s0  }
0x29: {  	[tilespmem:s15], [sflag:$0x3] =	stream.strided.gather [hbm4b:s0+s9], $0x2000, s12, s9, $0x38;
	[tilespmem:$0x12080] =	vst v63  }
0x2a: {  	s0 =	sadd.s32 s1, s3;
	s3 =	sand.u32 $0xFFFFF80, s10  }
0x2b: {  	[tilespmem:s16], [sflag:$0x4] =	stream.strided.gather [hbm4b:s0+s9], $0x2000, s12, s9, $0x38;
	[tilespmem:$0x12080] =	vst v63  }
0x2c: {  	s0 =	sadd.s32 s1, s3  }
0x2d: {  	[tilespmem:s17], [sflag:$0x5] =	stream.strided.gather [hbm4b:s0+s9], $0x2000, s12, s9, $0x38;
	[tilespmem:$0x12080] =	vst v63  }
0x2e: {  	s10 =	spop (v2sf)  }
0x2f: {  	s3 =	sand.u32 $0xFFFFF80, s10;
	s10 =	spop (v2sf)  }
0x30: {  	s0 =	sadd.s32 s1, s3;
	s3 =	sand.u32 $0xFFFFF80, s10  }
0x31: {  	[tilespmem:s18], [sflag:$0x6] =	stream.strided.gather [hbm4b:s0+s9], $0x2000, s12, s9, $0x38;
	[tilespmem:$0x12080] =	vst v63  }
0x32: {  	s10 =	spop (v2sf);
	s0 =	sadd.s32 s1, s3  }
0x33: {  	[tilespmem:s19], [sflag:$0x7] =	stream.strided.gather [hbm4b:s0+s9], $0x2000, s12, s9, $0x38;
	[tilespmem:$0x12080] =	vst v63  }
0x34: {  	s0 =	sand.u32 $0xFFFFF80, s10  }
0x35: {  	s0 =	sadd.s32 s1, s0  }
0x36: {  	[tilespmem:s20], [sflag:$0x8] =	stream.strided.gather [hbm4b:s0+s9], $0x2000, s12, s9, $0x38;
	[tilespmem:$0x12080] =	vst v63  }
0x37: {  	_ =	swait.ge [sflag:s21], $0x2000  }
0x38: {  	[sflag:s21] =	ssyncset.done $0x0  }
0x39: {  	s2 =	simm.s32 $0x10;
	s0 =	simm.s32 $0xF;
	[sflag:s21] =	ssyncadd.s32 $0xFFFFE000  }
.LBB2_2:
0x3a: {  	v34 =	vld [tilespmem:s2+$0xFFFFFFF0];
	_ =	sdelay $0x4  }
0x3b: {  	v33 =	vand.u32 $0x7F, v34  }
0x3c: {  	v35 =	vbroadcast v33, $0x0;
	_ =	sdelay $0x1  }
0x3d: {  	s3 =	sadd.s32 $0xFFFFFFF1, s0;
	v36 =	vor.u32 v0, v35  }
0x3e: {  	v37 =	vmov s3  }
0x3f: {  	v32 =	vld [tilespmem:s2+$0x0];
	_ =	swait.ge [sflag:s22], $0x2000;
	v37 =	vand.u32 $0x70, v37  }
0x40: {  	[sflag:s22] =	ssyncset.done $0x0;
	v37 =	vbroadcast v37, $0x0  }
0x41: {  	[sflag:s22] =	ssyncadd.s32 $0xFFFFE000  }
0x42: {  	v38 =	vor.u32 v0, v37;
	v36 =	vld.idx.msk [tilespmem:v36+s13+$0x0], $0xffff  }
0x43: {  	v39 =	vor.u32 v1, v35;
	_ =	sdelay $0x3  }
0x44: {  	[tilespmem:v38+s11+$0x0] =	vst.idx.add.f32.msk $0xffff, v36  }
0x45: {  	v59 =	vor.u32 v1, v37;
	(v2sf) =	vpush v34, $0x8;
	v36 =	vld.idx.msk [tilespmem:v39+s13+$0x0], $0xffff  }
0x46: {  	v60 =	vor.u32 v2, v35;
	_ =	sdelay $0x3  }
0x47: {  	[tilespmem:v59+s11+$0x0] =	vst.idx.add.f32.msk $0xffff, v36  }
0x48: {  	v61 =	vor.u32 v2, v37;
	v36 =	vld.idx.msk [tilespmem:v60+s13+$0x0], $0xffff  }
0x49: {  	v35 =	vor.u32 v3, v35;
	_ =	sdelay $0x3  }
0x4a: {  	[tilespmem:v61+s11+$0x0] =	vst.idx.add.f32.msk $0xffff, v36  }
0x4b: {  	v62 =	vor.u32 v3, v37;
	v35 =	vld.idx.msk [tilespmem:v35+s13+$0x0], $0xffff;
	_ =	sdelay $0x2  }
0x4c: {  	v63 =	vbroadcast v33, $0x1;
	s10 =	spop (v2sf)  }
0x4d: {  	s3 =	sand.u32 $0xFFFFF80, s10  }
0x4e: {  	v40 =	vor.u32 v4, v63;
	s10 =	sadd.s32 $0xFFFFFFF2, s0;
	s3 =	sadd.s32 s1, s3;
	[tilespmem:v62+s11+$0x0] =	vst.idx.add.f32.msk $0xffff, v35  }
0x4f: {  	v41 =	vmov s10;
	[tilespmem:s13], [sflag:$0x1] =	stream.strided.gather [hbm4b:s3+s9], $0x2000, s12, s9, $0x38;
	[tilespmem:$0x12080] =	vst v63  }
0x50: {  	v36 =	vand.u32 $0x71, v41;
	_ =	swait.ge [sflag:s23], $0x2000  }
0x51: {  	v36 =	vbroadcast v36, $0x0;
	[sflag:s23] =	ssyncset.done $0x0  }
0x52: {  	[sflag:s23] =	ssyncadd.s32 $0xFFFFE000  }
0x53: {  	v42 =	vor.u32 v0, v36;
	v35 =	vld.idx.msk [tilespmem:v40+s13+$0x0], $0xffff  }
0x54: {  	v43 =	vor.u32 v5, v63;
	_ =	sdelay $0x3  }
0x55: {  	[tilespmem:v42+s11+$0x0] =	vst.idx.add.f32.msk $0xffff, v35  }
0x56: {  	v44 =	vor.u32 v1, v36;
	(v2sf) =	vpush v34, $0x9;
	v35 =	vld.idx.msk [tilespmem:v43+s13+$0x0], $0xffff  }
0x57: {  	v45 =	vor.u32 v6, v63;
	_ =	sdelay $0x3  }
0x58: {  	[tilespmem:v44+s11+$0x0] =	vst.idx.add.f32.msk $0xffff, v35  }
0x59: {  	v46 =	vor.u32 v2, v36;
	v35 =	vld.idx.msk [tilespmem:v45+s13+$0x0], $0xffff  }
0x5a: {  	v37 =	vor.u32 v7, v63;
	_ =	sdelay $0x3  }
0x5b: {  	[tilespmem:v46+s11+$0x0] =	vst.idx.add.f32.msk $0xffff, v35  }
0x5c: {  	v36 =	vor.u32 v3, v36;
	v35 =	vld.idx.msk [tilespmem:v37+s13+$0x0], $0xffff;
	_ =	sdelay $0x2  }
0x5d: {  	v47 =	vbroadcast v33, $0x2;
	s10 =	spop (v2sf)  }
0x5e: {  	s3 =	sand.u32 $0xFFFFF80, s10  }
0x5f: {  	v48 =	vor.u32 v8, v47;
	s10 =	sadd.s32 $0xFFFFFFF3, s0;
	s3 =	sadd.s32 s1, s3;
	[tilespmem:v36+s11+$0x0] =	vst.idx.add.f32.msk $0xffff, v35  }
0x60: {  	v49 =	vmov s10;
	[tilespmem:s14], [sflag:$0x2] =	stream.strided.gather [hbm4b:s3+s9], $0x2000, s12, s9, $0x38;
	[tilespmem:$0x12080] =	vst v63  }
0x61: {  	v36 =	vand.u32 $0x72, v49;
	_ =	swait.ge [sflag:s24], $0x2000  }
0x62: {  	v36 =	vbroadcast v36, $0x0;
	[sflag:s24] =	ssyncset.done $0x0  }
0x63: {  	[sflag:s24] =	ssyncadd.s32 $0xFFFFE000  }
0x64: {  	v50 =	vor.u32 v0, v36;
	v35 =	vld.idx.msk [tilespmem:v48+s13+$0x0], $0xffff  }
0x65: {  	v51 =	vor.u32 v9, v47;
	_ =	sdelay $0x3  }
0x66: {  	[tilespmem:v50+s11+$0x0] =	vst.idx.add.f32.msk $0xffff, v35  }
0x67: {  	v52 =	vor.u32 v1, v36;
	(v2sf) =	vpush v34, $0xA;
	v35 =	vld.idx.msk [tilespmem:v51+s13+$0x0], $0xffff  }
0x68: {  	v53 =	vor.u32 v10, v47;
	_ =	sdelay $0x3  }
0x69: {  	[tilespmem:v52+s11+$0x0] =	vst.idx.add.f32.msk $0xffff, v35  }
0x6a: {  	v54 =	vor.u32 v2, v36;
	v35 =	vld.idx.msk [tilespmem:v53+s13+$0x0], $0xffff  }
0x6b: {  	v37 =	vor.u32 v11, v47;
	_ =	sdelay $0x3  }
0x6c: {  	[tilespmem:v54+s11+$0x0] =	vst.idx.add.f32.msk $0xffff, v35  }
0x6d: {  	v36 =	vor.u32 v3, v36;
	v35 =	vld.idx.msk [tilespmem:v37+s13+$0x0], $0xffff;
	_ =	sdelay $0x2  }
0x6e: {  	v55 =	vbroadcast v33, $0x3;
	s10 =	spop (v2sf)  }
0x6f: {  	s3 =	sand.u32 $0xFFFFF80, s10  }
0x70: {  	v56 =	vor.u32 v12, v55;
	s10 =	sadd.s32 $0xFFFFFFF4, s0;
	s3 =	sadd.s32 s1, s3;
	[tilespmem:v36+s11+$0x0] =	vst.idx.add.f32.msk $0xffff, v35  }
0x71: {  	v57 =	vmov s10;
	[tilespmem:s15], [sflag:$0x3] =	stream.strided.gather [hbm4b:s3+s9], $0x2000, s12, s9, $0x38;
	[tilespmem:$0x12080] =	vst v63  }
0x72: {  	v36 =	vand.u32 $0x73, v57;
	_ =	swait.ge [sflag:s25], $0x2000  }
0x73: {  	v36 =	vbroadcast v36, $0x0;
	[sflag:s25] =	ssyncset.done $0x0  }
0x74: {  	[sflag:s25] =	ssyncadd.s32 $0xFFFFE000  }
0x75: {  	v58 =	vor.u32 v0, v36;
	v35 =	vld.idx.msk [tilespmem:v56+s13+$0x0], $0xffff  }
0x76: {  	v59 =	vor.u32 v13, v55;
	_ =	sdelay $0x3  }
0x77: {  	[tilespmem:v58+s11+$0x0] =	vst.idx.add.f32.msk $0xffff, v35  }
0x78: {  	v60 =	vor.u32 v1, v36;
	(v2sf) =	vpush v34, $0xB;
	v35 =	vld.idx.msk [tilespmem:v59+s13+$0x0], $0xffff  }
0x79: {  	v61 =	vor.u32 v14, v55;
	_ =	sdelay $0x3  }
0x7a: {  	[tilespmem:v60+s11+$0x0] =	vst.idx.add.f32.msk $0xffff, v35  }
0x7b: {  	v62 =	vor.u32 v2, v36;
	v35 =	vld.idx.msk [tilespmem:v61+s13+$0x0], $0xffff  }
0x7c: {  	v37 =	vor.u32 v15, v55;
	_ =	sdelay $0x3  }
0x7d: {  	[tilespmem:v62+s11+$0x0] =	vst.idx.add.f32.msk $0xffff, v35  }
0x7e: {  	v36 =	vor.u32 v3, v36;
	v35 =	vld.idx.msk [tilespmem:v37+s13+$0x0], $0xffff;
	_ =	sdelay $0x2  }
0x7f: {  	v63 =	vbroadcast v33, $0x4;
	s10 =	spop (v2sf)  }
0x80: {  	s3 =	sand.u32 $0xFFFFF80, s10  }
0x81: {  	v40 =	vor.u32 v16, v63;
	s10 =	sadd.s32 $0xFFFFFFF5, s0;
	s3 =	sadd.s32 s1, s3;
	[tilespmem:v36+s11+$0x0] =	vst.idx.add.f32.msk $0xffff, v35  }
0x82: {  	v41 =	vmov s10;
	[tilespmem:s16], [sflag:$0x4] =	stream.strided.gather [hbm4b:s3+s9], $0x2000, s12, s9, $0x38;
	[tilespmem:$0x12080] =	vst v63  }
0x83: {  	v36 =	vand.u32 $0x74, v41;
	_ =	swait.ge [sflag:s26], $0x2000  }
0x84: {  	v36 =	vbroadcast v36, $0x0;
	[sflag:s26] =	ssyncset.done $0x0  }
0x85: {  	[sflag:s26] =	ssyncadd.s32 $0xFFFFE000  }
0x86: {  	v42 =	vor.u32 v0, v36;
	v35 =	vld.idx.msk [tilespmem:v40+s13+$0x0], $0xffff  }
0x87: {  	v43 =	vor.u32 v17, v63;
	_ =	sdelay $0x3  }
0x88: {  	[tilespmem:v42+s11+$0x0] =	vst.idx.add.f32.msk $0xffff, v35  }
0x89: {  	v44 =	vor.u32 v1, v36;
	(v2sf) =	vpush v34, $0xC;
	v35 =	vld.idx.msk [tilespmem:v43+s13+$0x0], $0xffff  }
0x8a: {  	v45 =	vor.u32 v18, v63;
	_ =	sdelay $0x3  }
0x8b: {  	[tilespmem:v44+s11+$0x0] =	vst.idx.add.f32.msk $0xffff, v35  }
0x8c: {  	v46 =	vor.u32 v2, v36;
	v35 =	vld.idx.msk [tilespmem:v45+s13+$0x0], $0xffff  }
0x8d: {  	v37 =	vor.u32 v19, v63;
	_ =	sdelay $0x3  }
0x8e: {  	[tilespmem:v46+s11+$0x0] =	vst.idx.add.f32.msk $0xffff, v35  }
0x8f: {  	v36 =	vor.u32 v3, v36;
	v35 =	vld.idx.msk [tilespmem:v37+s13+$0x0], $0xffff;
	_ =	sdelay $0x2  }
0x90: {  	v47 =	vbroadcast v33, $0x5;
	s10 =	spop (v2sf)  }
0x91: {  	s3 =	sand.u32 $0xFFFFF80, s10  }
0x92: {  	v48 =	vor.u32 v20, v47;
	s10 =	sadd.s32 $0xFFFFFFF6, s0;
	s3 =	sadd.s32 s1, s3;
	[tilespmem:v36+s11+$0x0] =	vst.idx.add.f32.msk $0xffff, v35  }
0x93: {  	v49 =	vmov s10;
	[tilespmem:s17], [sflag:$0x5] =	stream.strided.gather [hbm4b:s3+s9], $0x2000, s12, s9, $0x38;
	[tilespmem:$0x12080] =	vst v63  }
0x94: {  	v36 =	vand.u32 $0x75, v49;
	_ =	swait.ge [sflag:s28], $0x2000  }
0x95: {  	v36 =	vbroadcast v36, $0x0;
	[sflag:s28] =	ssyncset.done $0x0  }
0x96: {  	[sflag:s28] =	ssyncadd.s32 $0xFFFFE000  }
0x97: {  	v50 =	vor.u32 v0, v36;
	v35 =	vld.idx.msk [tilespmem:v48+s13+$0x0], $0xffff  }
0x98: {  	v51 =	vor.u32 v21, v47;
	_ =	sdelay $0x3  }
0x99: {  	[tilespmem:v50+s11+$0x0] =	vst.idx.add.f32.msk $0xffff, v35  }
0x9a: {  	v52 =	vor.u32 v1, v36;
	(v2sf) =	vpush v34, $0xD;
	v35 =	vld.idx.msk [tilespmem:v51+s13+$0x0], $0xffff  }
0x9b: {  	v53 =	vor.u32 v22, v47;
	_ =	sdelay $0x3  }
0x9c: {  	[tilespmem:v52+s11+$0x0] =	vst.idx.add.f32.msk $0xffff, v35  }
0x9d: {  	v54 =	vor.u32 v2, v36;
	v35 =	vld.idx.msk [tilespmem:v53+s13+$0x0], $0xffff  }
0x9e: {  	v37 =	vor.u32 v23, v47;
	_ =	sdelay $0x3  }
0x9f: {  	[tilespmem:v54+s11+$0x0] =	vst.idx.add.f32.msk $0xffff, v35  }
0xa0: {  	v36 =	vor.u32 v3, v36;
	v35 =	vld.idx.msk [tilespmem:v37+s13+$0x0], $0xffff;
	_ =	sdelay $0x2  }
0xa1: {  	v55 =	vbroadcast v33, $0x6;
	s10 =	spop (v2sf)  }
0xa2: {  	s3 =	sand.u32 $0xFFFFF80, s10  }
0xa3: {  	v56 =	vor.u32 v24, v55;
	s10 =	sadd.s32 $0xFFFFFFF7, s0;
	s3 =	sadd.s32 s1, s3;
	[tilespmem:v36+s11+$0x0] =	vst.idx.add.f32.msk $0xffff, v35  }
0xa4: {  	v57 =	vmov s10;
	[tilespmem:s18], [sflag:$0x6] =	stream.strided.gather [hbm4b:s3+s9], $0x2000, s12, s9, $0x38;
	[tilespmem:$0x12080] =	vst v63  }
0xa5: {  	v36 =	vand.u32 $0x76, v57;
	_ =	swait.ge [sflag:s29], $0x2000  }
0xa6: {  	v36 =	vbroadcast v36, $0x0;
	[sflag:s29] =	ssyncset.done $0x0  }
0xa7: {  	[sflag:s29] =	ssyncadd.s32 $0xFFFFE000  }
0xa8: {  	v58 =	vor.u32 v0, v36;
	v35 =	vld.idx.msk [tilespmem:v56+s13+$0x0], $0xffff  }
0xa9: {  	v59 =	vor.u32 v25, v55;
	_ =	sdelay $0x3  }
0xaa: {  	[tilespmem:v58+s11+$0x0] =	vst.idx.add.f32.msk $0xffff, v35  }
0xab: {  	v60 =	vor.u32 v1, v36;
	(v2sf) =	vpush v34, $0xE;
	v35 =	vld.idx.msk [tilespmem:v59+s13+$0x0], $0xffff  }
0xac: {  	v61 =	vor.u32 v26, v55;
	_ =	sdelay $0x3  }
0xad: {  	[tilespmem:v60+s11+$0x0] =	vst.idx.add.f32.msk $0xffff, v35  }
0xae: {  	v62 =	vor.u32 v2, v36;
	v35 =	vld.idx.msk [tilespmem:v61+s13+$0x0], $0xffff  }
0xaf: {  	v37 =	vor.u32 v27, v55;
	_ =	sdelay $0x3  }
0xb0: {  	[tilespmem:v62+s11+$0x0] =	vst.idx.add.f32.msk $0xffff, v35  }
0xb1: {  	v36 =	vor.u32 v3, v36;
	v35 =	vld.idx.msk [tilespmem:v37+s13+$0x0], $0xffff;
	_ =	sdelay $0x2  }
0xb2: {  	v63 =	vbroadcast v33, $0x7;
	s10 =	spop (v2sf)  }
0xb3: {  	s3 =	sand.u32 $0xFFFFF80, s10  }
0xb4: {  	v40 =	vor.u32 v28, v63;
	s10 =	sadd.s32 $0xFFFFFFF8, s0;
	s3 =	sadd.s32 s1, s3;
	[tilespmem:v36+s11+$0x0] =	vst.idx.add.f32.msk $0xffff, v35  }
0xb5: {  	v41 =	vmov s10;
	[tilespmem:s19], [sflag:$0x7] =	stream.strided.gather [hbm4b:s3+s9], $0x2000, s12, s9, $0x38;
	[tilespmem:$0x12080] =	vst v63  }
0xb6: {  	v36 =	vand.u32 $0x77, v41;
	_ =	swait.ge [sflag:s30], $0x2000  }
0xb7: {  	v36 =	vbroadcast v36, $0x0;
	[sflag:s30] =	ssyncset.done $0x0  }
0xb8: {  	[sflag:s30] =	ssyncadd.s32 $0xFFFFE000  }
0xb9: {  	v42 =	vor.u32 v0, v36;
	v35 =	vld.idx.msk [tilespmem:v40+s13+$0x0], $0xffff  }
0xba: {  	v43 =	vor.u32 v29, v63;
	_ =	sdelay $0x3  }
0xbb: {  	[tilespmem:v42+s11+$0x0] =	vst.idx.add.f32.msk $0xffff, v35  }
0xbc: {  	v44 =	vor.u32 v1, v36;
	(v2sf) =	vpush v34, $0xF;
	v35 =	vld.idx.msk [tilespmem:v43+s13+$0x0], $0xffff  }
0xbd: {  	v45 =	vor.u32 v30, v63;
	_ =	sdelay $0x3  }
0xbe: {  	[tilespmem:v44+s11+$0x0] =	vst.idx.add.f32.msk $0xffff, v35  }
0xbf: {  	v46 =	vor.u32 v2, v36;
	v34 =	vld.idx.msk [tilespmem:v45+s13+$0x0], $0xffff  }
0xc0: {  	v37 =	vor.u32 v31, v63;
	_ =	sdelay $0x3  }
0xc1: {  	[tilespmem:v46+s11+$0x0] =	vst.idx.add.f32.msk $0xffff, v34  }
0xc2: {  	v47 =	vor.u32 v3, v36;
	v34 =	vld.idx.msk [tilespmem:v37+s13+$0x0], $0xffff;
	_ =	sdelay $0x2  }
0xc3: {  	v48 =	vbroadcast v33, $0x8;
	s10 =	spop (v2sf)  }
0xc4: {  	s3 =	sand.u32 $0xFFFFF80, s10  }
0xc5: {  	v49 =	vor.u32 v0, v48;
	s10 =	sadd.s32 $0xFFFFFFF9, s0;
	s3 =	sadd.s32 s1, s3;
	[tilespmem:v47+s11+$0x0] =	vst.idx.add.f32.msk $0xffff, v34  }
0xc6: {  	v50 =	vmov s10;
	[tilespmem:s20], [sflag:$0x8] =	stream.strided.gather [hbm4b:s3+s9], $0x2000, s12, s9, $0x38;
	[tilespmem:$0x12080] =	vst v63  }
0xc7: {  	v35 =	vand.u32 $0x78, v50;
	_ =	swait.ge [sflag:s22], $0x2000  }
0xc8: {  	v35 =	vbroadcast v35, $0x0;
	[sflag:s22] =	ssyncset.done $0x0  }
0xc9: {  	[sflag:s22] =	ssyncadd.s32 $0xFFFFE000  }
0xca: {  	v51 =	vor.u32 v0, v35;
	v34 =	vld.idx.msk [tilespmem:v49+s13+$0x0], $0xffff  }
0xcb: {  	v52 =	vor.u32 v1, v48;
	_ =	sdelay $0x3  }
0xcc: {  	[tilespmem:v51+s11+$0x0] =	vst.idx.add.f32.msk $0xffff, v34  }
0xcd: {  	v53 =	vor.u32 v1, v35;
	(v2sf) =	vpush v32, $0x0;
	v34 =	vld.idx.msk [tilespmem:v52+s13+$0x0], $0xffff  }
0xce: {  	v54 =	vor.u32 v2, v48;
	_ =	sdelay $0x3  }
0xcf: {  	[tilespmem:v53+s11+$0x0] =	vst.idx.add.f32.msk $0xffff, v34  }
0xd0: {  	v55 =	vor.u32 v2, v35;
	v34 =	vld.idx.msk [tilespmem:v54+s13+$0x0], $0xffff  }
0xd1: {  	v36 =	vor.u32 v3, v48;
	_ =	sdelay $0x3  }
0xd2: {  	[tilespmem:v55+s11+$0x0] =	vst.idx.add.f32.msk $0xffff, v34  }
0xd3: {  	v35 =	vor.u32 v3, v35;
	v34 =	vld.idx.msk [tilespmem:v36+s13+$0x0], $0xffff;
	_ =	sdelay $0x2  }
0xd4: {  	v56 =	vbroadcast v33, $0x9;
	s10 =	spop (v2sf)  }
0xd5: {  	s3 =	sand.u32 $0xFFFFF80, s10  }
0xd6: {  	v57 =	vor.u32 v4, v56;
	s10 =	sadd.s32 $0xFFFFFFFA, s0;
	s3 =	sadd.s32 s1, s3;
	[tilespmem:v35+s11+$0x0] =	vst.idx.add.f32.msk $0xffff, v34  }
0xd7: {  	v58 =	vmov s10;
	[tilespmem:s13], [sflag:$0x1] =	stream.strided.gather [hbm4b:s3+s9], $0x2000, s12, s9, $0x38;
	[tilespmem:$0x12080] =	vst v63  }
0xd8: {  	v35 =	vand.u32 $0x79, v58;
	_ =	swait.ge [sflag:s23], $0x2000  }
0xd9: {  	v35 =	vbroadcast v35, $0x0;
	[sflag:s23] =	ssyncset.done $0x0  }
0xda: {  	[sflag:s23] =	ssyncadd.s32 $0xFFFFE000  }
0xdb: {  	v59 =	vor.u32 v0, v35;
	v34 =	vld.idx.msk [tilespmem:v57+s13+$0x0], $0xffff  }
0xdc: {  	v60 =	vor.u32 v5, v56;
	_ =	sdelay $0x3  }
0xdd: {  	[tilespmem:v59+s11+$0x0] =	vst.idx.add.f32.msk $0xffff, v34  }
0xde: {  	v61 =	vor.u32 v1, v35;
	(v2sf) =	vpush v32, $0x1;
	v34 =	vld.idx.msk [tilespmem:v60+s13+$0x0], $0xffff  }
0xdf: {  	v62 =	vor.u32 v6, v56;
	_ =	sdelay $0x3  }
0xe0: {  	[tilespmem:v61+s11+$0x0] =	vst.idx.add.f32.msk $0xffff, v34  }
0xe1: {  	v63 =	vor.u32 v2, v35;
	v34 =	vld.idx.msk [tilespmem:v62+s13+$0x0], $0xffff  }
0xe2: {  	v36 =	vor.u32 v7, v56;
	_ =	sdelay $0x3  }
0xe3: {  	[tilespmem:v63+s11+$0x0] =	vst.idx.add.f32.msk $0xffff, v34  }
0xe4: {  	v35 =	vor.u32 v3, v35;
	v34 =	vld.idx.msk [tilespmem:v36+s13+$0x0], $0xffff;
	_ =	sdelay $0x2  }
0xe5: {  	v40 =	vbroadcast v33, $0xA;
	s10 =	spop (v2sf)  }
0xe6: {  	s3 =	sand.u32 $0xFFFFF80, s10  }
0xe7: {  	v41 =	vor.u32 v8, v40;
	s10 =	sadd.s32 $0xFFFFFFFB, s0;
	s3 =	sadd.s32 s1, s3;
	[tilespmem:v35+s11+$0x0] =	vst.idx.add.f32.msk $0xffff, v34  }
0xe8: {  	v42 =	vmov s10;
	[tilespmem:s14], [sflag:$0x2] =	stream.strided.gather [hbm4b:s3+s9], $0x2000, s12, s9, $0x38;
	[tilespmem:$0x12080] =	vst v63  }
0xe9: {  	v35 =	vand.u32 $0x7A, v42;
	_ =	swait.ge [sflag:s24], $0x2000  }
0xea: {  	v35 =	vbroadcast v35, $0x0;
	[sflag:s24] =	ssyncset.done $0x0  }
0xeb: {  	[sflag:s24] =	ssyncadd.s32 $0xFFFFE000  }
0xec: {  	v43 =	vor.u32 v0, v35;
	v34 =	vld.idx.msk [tilespmem:v41+s13+$0x0], $0xffff  }
0xed: {  	v44 =	vor.u32 v9, v40;
	_ =	sdelay $0x3  }
0xee: {  	[tilespmem:v43+s11+$0x0] =	vst.idx.add.f32.msk $0xffff, v34  }
0xef: {  	v45 =	vor.u32 v1, v35;
	(v2sf) =	vpush v32, $0x2;
	v34 =	vld.idx.msk [tilespmem:v44+s13+$0x0], $0xffff  }
0xf0: {  	v46 =	vor.u32 v10, v40;
	_ =	sdelay $0x3  }
0xf1: {  	[tilespmem:v45+s11+$0x0] =	vst.idx.add.f32.msk $0xffff, v34  }
0xf2: {  	v47 =	vor.u32 v2, v35;
	v34 =	vld.idx.msk [tilespmem:v46+s13+$0x0], $0xffff  }
0xf3: {  	v36 =	vor.u32 v11, v40;
	_ =	sdelay $0x3  }
0xf4: {  	[tilespmem:v47+s11+$0x0] =	vst.idx.add.f32.msk $0xffff, v34  }
0xf5: {  	v35 =	vor.u32 v3, v35;
	v34 =	vld.idx.msk [tilespmem:v36+s13+$0x0], $0xffff;
	_ =	sdelay $0x2  }
0xf6: {  	v48 =	vbroadcast v33, $0xB;
	s10 =	spop (v2sf)  }
0xf7: {  	s3 =	sand.u32 $0xFFFFF80, s10  }
0xf8: {  	v49 =	vor.u32 v12, v48;
	s10 =	sadd.s32 $0xFFFFFFFC, s0;
	s3 =	sadd.s32 s1, s3;
	[tilespmem:v35+s11+$0x0] =	vst.idx.add.f32.msk $0xffff, v34  }
0xf9: {  	v50 =	vmov s10;
	[tilespmem:s15], [sflag:$0x3] =	stream.strided.gather [hbm4b:s3+s9], $0x2000, s12, s9, $0x38;
	[tilespmem:$0x12080] =	vst v63  }
0xfa: {  	v35 =	vand.u32 $0x7B, v50;
	_ =	swait.ge [sflag:s25], $0x2000  }
0xfb: {  	v35 =	vbroadcast v35, $0x0;
	[sflag:s25] =	ssyncset.done $0x0  }
0xfc: {  	[sflag:s25] =	ssyncadd.s32 $0xFFFFE000  }
0xfd: {  	v51 =	vor.u32 v0, v35;
	v34 =	vld.idx.msk [tilespmem:v49+s13+$0x0], $0xffff  }
0xfe: {  	v52 =	vor.u32 v13, v48;
	_ =	sdelay $0x3  }
0xff: {  	[tilespmem:v51+s11+$0x0] =	vst.idx.add.f32.msk $0xffff, v34  }
0x100: {  	v53 =	vor.u32 v1, v35;
	(v2sf) =	vpush v32, $0x3;
	v34 =	vld.idx.msk [tilespmem:v52+s13+$0x0], $0xffff  }
0x101: {  	v54 =	vor.u32 v14, v48;
	_ =	sdelay $0x3  }
0x102: {  	[tilespmem:v53+s11+$0x0] =	vst.idx.add.f32.msk $0xffff, v34  }
0x103: {  	v55 =	vor.u32 v2, v35;
	v34 =	vld.idx.msk [tilespmem:v54+s13+$0x0], $0xffff  }
0x104: {  	v36 =	vor.u32 v15, v48;
	_ =	sdelay $0x3  }
0x105: {  	[tilespmem:v55+s11+$0x0] =	vst.idx.add.f32.msk $0xffff, v34  }
0x106: {  	v35 =	vor.u32 v3, v35;
	v34 =	vld.idx.msk [tilespmem:v36+s13+$0x0], $0xffff;
	_ =	sdelay $0x2  }
0x107: {  	v56 =	vbroadcast v33, $0xC;
	s10 =	spop (v2sf)  }
0x108: {  	s3 =	sand.u32 $0xFFFFF80, s10  }
0x109: {  	v57 =	vor.u32 v16, v56;
	s10 =	sadd.s32 $0xFFFFFFFD, s0;
	s3 =	sadd.s32 s1, s3;
	[tilespmem:v35+s11+$0x0] =	vst.idx.add.f32.msk $0xffff, v34  }
0x10a: {  	v58 =	vmov s10;
	[tilespmem:s16], [sflag:$0x4] =	stream.strided.gather [hbm4b:s3+s9], $0x2000, s12, s9, $0x38;
	[tilespmem:$0x12080] =	vst v63  }
0x10b: {  	v35 =	vand.u32 $0x7C, v58;
	_ =	swait.ge [sflag:s26], $0x2000  }
0x10c: {  	v35 =	vbroadcast v35, $0x0;
	[sflag:s26] =	ssyncset.done $0x0  }
0x10d: {  	[sflag:s26] =	ssyncadd.s32 $0xFFFFE000  }
0x10e: {  	v59 =	vor.u32 v0, v35;
	v34 =	vld.idx.msk [tilespmem:v57+s13+$0x0], $0xffff  }
0x10f: {  	v60 =	vor.u32 v17, v56;
	_ =	sdelay $0x3  }
0x110: {  	[tilespmem:v59+s11+$0x0] =	vst.idx.add.f32.msk $0xffff, v34  }
0x111: {  	v61 =	vor.u32 v1, v35;
	(v2sf) =	vpush v32, $0x4;
	v34 =	vld.idx.msk [tilespmem:v60+s13+$0x0], $0xffff  }
0x112: {  	v62 =	vor.u32 v18, v56;
	_ =	sdelay $0x3  }
0x113: {  	[tilespmem:v61+s11+$0x0] =	vst.idx.add.f32.msk $0xffff, v34  }
0x114: {  	v63 =	vor.u32 v2, v35;
	v34 =	vld.idx.msk [tilespmem:v62+s13+$0x0], $0xffff  }
0x115: {  	v36 =	vor.u32 v19, v56;
	_ =	sdelay $0x3  }
0x116: {  	[tilespmem:v63+s11+$0x0] =	vst.idx.add.f32.msk $0xffff, v34  }
0x117: {  	v35 =	vor.u32 v3, v35;
	v34 =	vld.idx.msk [tilespmem:v36+s13+$0x0], $0xffff;
	_ =	sdelay $0x2  }
0x118: {  	v40 =	vbroadcast v33, $0xD;
	s10 =	spop (v2sf)  }
0x119: {  	s3 =	sand.u32 $0xFFFFF80, s10  }
0x11a: {  	v41 =	vor.u32 v20, v40;
	s10 =	sadd.s32 $0xFFFFFFFE, s0;
	s3 =	sadd.s32 s1, s3;
	[tilespmem:v35+s11+$0x0] =	vst.idx.add.f32.msk $0xffff, v34  }
0x11b: {  	v42 =	vmov s10;
	[tilespmem:s17], [sflag:$0x5] =	stream.strided.gather [hbm4b:s3+s9], $0x2000, s12, s9, $0x38;
	[tilespmem:$0x12080] =	vst v63  }
0x11c: {  	v35 =	vand.u32 $0x7D, v42;
	_ =	swait.ge [sflag:s28], $0x2000  }
0x11d: {  	v35 =	vbroadcast v35, $0x0;
	[sflag:s28] =	ssyncset.done $0x0  }
0x11e: {  	[sflag:s28] =	ssyncadd.s32 $0xFFFFE000  }
0x11f: {  	v43 =	vor.u32 v0, v35;
	v34 =	vld.idx.msk [tilespmem:v41+s13+$0x0], $0xffff  }
0x120: {  	v44 =	vor.u32 v21, v40;
	_ =	sdelay $0x3  }
0x121: {  	[tilespmem:v43+s11+$0x0] =	vst.idx.add.f32.msk $0xffff, v34  }
0x122: {  	v45 =	vor.u32 v1, v35;
	(v2sf) =	vpush v32, $0x5;
	v34 =	vld.idx.msk [tilespmem:v44+s13+$0x0], $0xffff  }
0x123: {  	v46 =	vor.u32 v22, v40;
	_ =	sdelay $0x3  }
0x124: {  	[tilespmem:v45+s11+$0x0] =	vst.idx.add.f32.msk $0xffff, v34  }
0x125: {  	v47 =	vor.u32 v2, v35;
	v34 =	vld.idx.msk [tilespmem:v46+s13+$0x0], $0xffff  }
0x126: {  	v36 =	vor.u32 v23, v40;
	_ =	sdelay $0x3  }
0x127: {  	[tilespmem:v47+s11+$0x0] =	vst.idx.add.f32.msk $0xffff, v34  }
0x128: {  	v35 =	vor.u32 v3, v35;
	v34 =	vld.idx.msk [tilespmem:v36+s13+$0x0], $0xffff;
	_ =	sdelay $0x2  }
0x129: {  	v48 =	vbroadcast v33, $0xE;
	s10 =	spop (v2sf)  }
0x12a: {  	s3 =	sand.u32 $0xFFFFF80, s10  }
0x12b: {  	v49 =	vor.u32 v24, v48;
	s10 =	sadd.s32 $0xFFFFFFFF, s0;
	s3 =	sadd.s32 s1, s3;
	[tilespmem:v35+s11+$0x0] =	vst.idx.add.f32.msk $0xffff, v34  }
0x12c: {  	v50 =	vmov s10;
	[tilespmem:s18], [sflag:$0x6] =	stream.strided.gather [hbm4b:s3+s9], $0x2000, s12, s9, $0x38;
	[tilespmem:$0x12080] =	vst v63  }
0x12d: {  	v35 =	vand.u32 $0x7E, v50;
	_ =	swait.ge [sflag:s29], $0x2000  }
0x12e: {  	v35 =	vbroadcast v35, $0x0;
	[sflag:s29] =	ssyncset.done $0x0  }
0x12f: {  	[sflag:s29] =	ssyncadd.s32 $0xFFFFE000  }
0x130: {  	v51 =	vor.u32 v0, v35;
	v34 =	vld.idx.msk [tilespmem:v49+s13+$0x0], $0xffff  }
0x131: {  	v52 =	vor.u32 v25, v48;
	_ =	sdelay $0x3  }
0x132: {  	[tilespmem:v51+s11+$0x0] =	vst.idx.add.f32.msk $0xffff, v34  }
0x133: {  	v53 =	vor.u32 v1, v35;
	(v2sf) =	vpush v32, $0x6;
	v34 =	vld.idx.msk [tilespmem:v52+s13+$0x0], $0xffff  }
0x134: {  	v54 =	vor.u32 v26, v48;
	_ =	sdelay $0x3  }
0x135: {  	[tilespmem:v53+s11+$0x0] =	vst.idx.add.f32.msk $0xffff, v34  }
0x136: {  	v55 =	vor.u32 v2, v35;
	v34 =	vld.idx.msk [tilespmem:v54+s13+$0x0], $0xffff  }
0x137: {  	v36 =	vor.u32 v27, v48;
	_ =	sdelay $0x3  }
0x138: {  	[tilespmem:v55+s11+$0x0] =	vst.idx.add.f32.msk $0xffff, v34  }
0x139: {  	v35 =	vor.u32 v3, v35;
	v34 =	vld.idx.msk [tilespmem:v36+s13+$0x0], $0xffff;
	_ =	sdelay $0x2  }
0x13a: {  	v33 =	vbroadcast v33, $0xF;
	s10 =	spop (v2sf)  }
0x13b: {  	s3 =	sand.u32 $0xFFFFF80, s10  }
0x13c: {  	v56 =	vor.u32 v28, v33;
	s3 =	sadd.s32 s1, s3;
	[tilespmem:v35+s11+$0x0] =	vst.idx.add.f32.msk $0xffff, v34  }
0x13d: {  	v57 =	vmov s0;
	[tilespmem:s19], [sflag:$0x7] =	stream.strided.gather [hbm4b:s3+s9], $0x2000, s12, s9, $0x38;
	[tilespmem:$0x12080] =	vst v63  }
0x13e: {  	v35 =	vand.u32 $0x7F, v57;
	_ =	swait.ge [sflag:s30], $0x2000  }
0x13f: {  	v35 =	vbroadcast v35, $0x0;
	[sflag:s30] =	ssyncset.done $0x0  }
0x140: {  	[sflag:s30] =	ssyncadd.s32 $0xFFFFE000  }
0x141: {  	v58 =	vor.u32 v0, v35;
	v34 =	vld.idx.msk [tilespmem:v56+s13+$0x0], $0xffff  }
0x142: {  	v59 =	vor.u32 v29, v33;
	_ =	sdelay $0x3  }
0x143: {  	[tilespmem:v58+s11+$0x0] =	vst.idx.add.f32.msk $0xffff, v34  }
0x144: {  	v60 =	vor.u32 v1, v35;
	(v2sf) =	vpush v32, $0x7;
	v34 =	vld.idx.msk [tilespmem:v59+s13+$0x0], $0xffff  }
0x145: {  	v61 =	vor.u32 v30, v33;
	_ =	sdelay $0x3  }
0x146: {  	[tilespmem:v60+s11+$0x0] =	vst.idx.add.f32.msk $0xffff, v34  }
0x147: {  	v62 =	vor.u32 v2, v35;
	v32 =	vld.idx.msk [tilespmem:v61+s13+$0x0], $0xffff  }
0x148: {  	v33 =	vor.u32 v31, v33;
	_ =	sdelay $0x3  }
0x149: {  	[tilespmem:v62+s11+$0x0] =	vst.idx.add.f32.msk $0xffff, v32  }
0x14a: {  	v63 =	vor.u32 v3, v35;
	v32 =	vld.idx.msk [tilespmem:v33+s13+$0x0], $0xffff  }
0x14b: {  	p0 =	sne.s32 s0, $0x6F  }
.Ltmp0:
0x14c: {  	_ = 	snop;
	(pc) =	sbr.rel @p0 .LBB2_2-.Ltmp0, $4  }
0x14d: {  	s10 =	spop (v2sf)  }
0x14e: {  	s3 =	sand.u32 $0xFFFFF80, s10  }
0x14f: {  	s2 =	sadd.s32 $0x10, s2;
	s0 =	sadd.s32 $0x10, s0;
	s3 =	sadd.s32 s1, s3;
	[tilespmem:v63+s11+$0x0] =	vst.idx.add.f32.msk $0xffff, v32  }
0x150: {  	[tilespmem:s20], [sflag:$0x8] =	stream.strided.gather [hbm4b:s3+s9], $0x2000, s12, s9, $0x38;
	[tilespmem:$0x12080] =	vst v63  }
0x151: {  	v33 =	vld [tilespmem:$0x70];
	_ =	sdelay $0x4  }
0x152: {  	v32 =	vand.u32 $0x7F, v33  }
0x153: {  	v34 =	vbroadcast v32, $0x0;
	_ =	sdelay $0x1  }
0x154: {  	v35 =	vor.u32 v0, v34;
	_ =	sdelay $0x1  }
0x155: {  	_ =	swait.ge [sflag:s22], $0x2000  }
0x156: {  	[sflag:s22] =	ssyncset.done $0x0  }
0x157: {  	[sflag:s22] =	ssyncadd.s32 $0xFFFFE000  }
0x158: {  	v36 =	vor.u32 $0x70, v0;
	v35 =	vld.idx.msk [tilespmem:v35+s13+$0x0], $0xffff  }
0x159: {  	v37 =	vor.u32 v1, v34;
	_ =	sdelay $0x3  }
0x15a: {  	[tilespmem:v36+s11+$0x0] =	vst.idx.add.f32.msk $0xffff, v35  }
0x15b: {  	v56 =	vor.u32 $0x870, v0;
	(v2sf) =	vpush v33, $0x8;
	v35 =	vld.idx.msk [tilespmem:v37+s13+$0x0], $0xffff  }
0x15c: {  	v57 =	vor.u32 v2, v34;
	_ =	sdelay $0x3  }
0x15d: {  	[tilespmem:v56+s11+$0x0] =	vst.idx.add.f32.msk $0xffff, v35  }
0x15e: {  	v58 =	vor.u32 $0x1070, v0;
	v35 =	vld.idx.msk [tilespmem:v57+s13+$0x0], $0xffff  }
0x15f: {  	v34 =	vor.u32 v3, v34;
	_ =	sdelay $0x3  }
0x160: {  	[tilespmem:v58+s11+$0x0] =	vst.idx.add.f32.msk $0xffff, v35  }
0x161: {  	v59 =	vor.u32 $0x1870, v0;
	v34 =	vld.idx.msk [tilespmem:v34+s13+$0x0], $0xffff;
	_ =	sdelay $0x2  }
0x162: {  	v60 =	vbroadcast v32, $0x1;
	s0 =	spop (v2sf)  }
0x163: {  	s0 =	sand.u32 $0xFFFFF80, s0  }
0x164: {  	v61 =	vor.u32 v4, v60;
	s0 =	sadd.s32 s1, s0;
	[tilespmem:v59+s11+$0x0] =	vst.idx.add.f32.msk $0xffff, v34  }
0x165: {  	[tilespmem:s13], [sflag:$0x1] =	stream.strided.gather [hbm4b:s0+s9], $0x2000, s12, s9, $0x38;
	[tilespmem:$0x12080] =	vst v63  }
0x166: {  	_ =	swait.ge [sflag:s23], $0x2000  }
0x167: {  	[sflag:s23] =	ssyncset.done $0x0  }
0x168: {  	[sflag:s23] =	ssyncadd.s32 $0xFFFFE000  }
0x169: {  	v62 =	vor.u32 $0x71, v0;
	v34 =	vld.idx.msk [tilespmem:v61+s13+$0x0], $0xffff  }
0x16a: {  	v63 =	vor.u32 v5, v60;
	_ =	sdelay $0x3  }
0x16b: {  	[tilespmem:v62+s11+$0x0] =	vst.idx.add.f32.msk $0xffff, v34  }
0x16c: {  	v40 =	vor.u32 $0x871, v0;
	(v2sf) =	vpush v33, $0x9;
	v34 =	vld.idx.msk [tilespmem:v63+s13+$0x0], $0xffff  }
0x16d: {  	v41 =	vor.u32 v6, v60;
	_ =	sdelay $0x3  }
0x16e: {  	[tilespmem:v40+s11+$0x0] =	vst.idx.add.f32.msk $0xffff, v34  }
0x16f: {  	v42 =	vor.u32 $0x1071, v0;
	v34 =	vld.idx.msk [tilespmem:v41+s13+$0x0], $0xffff  }
0x170: {  	v36 =	vor.u32 v7, v60;
	_ =	sdelay $0x3  }
0x171: {  	[tilespmem:v42+s11+$0x0] =	vst.idx.add.f32.msk $0xffff, v34  }
0x172: {  	v43 =	vor.u32 $0x1871, v0;
	v34 =	vld.idx.msk [tilespmem:v36+s13+$0x0], $0xffff;
	_ =	sdelay $0x2  }
0x173: {  	v44 =	vbroadcast v32, $0x2;
	s10 =	spop (v2sf)  }
0x174: {  	s0 =	sand.u32 $0xFFFFF80, s10  }
0x175: {  	v45 =	vor.u32 v8, v44;
	s0 =	sadd.s32 s1, s0;
	[tilespmem:v43+s11+$0x0] =	vst.idx.add.f32.msk $0xffff, v34  }
0x176: {  	[tilespmem:s14], [sflag:$0x2] =	stream.strided.gather [hbm4b:s0+s9], $0x2000, s12, s9, $0x38;
	[tilespmem:$0x12080] =	vst v63  }
0x177: {  	_ =	swait.ge [sflag:s24], $0x2000  }
0x178: {  	[sflag:s24] =	ssyncset.done $0x0  }
0x179: {  	[sflag:s24] =	ssyncadd.s32 $0xFFFFE000  }
0x17a: {  	v46 =	vor.u32 $0x72, v0;
	v34 =	vld.idx.msk [tilespmem:v45+s13+$0x0], $0xffff  }
0x17b: {  	v47 =	vor.u32 v9, v44;
	_ =	sdelay $0x3  }
0x17c: {  	[tilespmem:v46+s11+$0x0] =	vst.idx.add.f32.msk $0xffff, v34  }
0x17d: {  	v48 =	vor.u32 $0x872, v0;
	(v2sf) =	vpush v33, $0xA;
	v34 =	vld.idx.msk [tilespmem:v47+s13+$0x0], $0xffff  }
0x17e: {  	v49 =	vor.u32 v10, v44;
	_ =	sdelay $0x3  }
0x17f: {  	[tilespmem:v48+s11+$0x0] =	vst.idx.add.f32.msk $0xffff, v34  }
0x180: {  	v50 =	vor.u32 $0x1072, v0;
	v34 =	vld.idx.msk [tilespmem:v49+s13+$0x0], $0xffff  }
0x181: {  	v36 =	vor.u32 v11, v44;
	_ =	sdelay $0x3  }
0x182: {  	[tilespmem:v50+s11+$0x0] =	vst.idx.add.f32.msk $0xffff, v34  }
0x183: {  	v51 =	vor.u32 $0x1872, v0;
	v34 =	vld.idx.msk [tilespmem:v36+s13+$0x0], $0xffff;
	_ =	sdelay $0x2  }
0x184: {  	v52 =	vbroadcast v32, $0x3;
	s2 =	spop (v2sf)  }
0x185: {  	s0 =	sand.u32 $0xFFFFF80, s2  }
0x186: {  	v53 =	vor.u32 v12, v52;
	s0 =	sadd.s32 s1, s0;
	[tilespmem:v51+s11+$0x0] =	vst.idx.add.f32.msk $0xffff, v34  }
0x187: {  	[tilespmem:s15], [sflag:$0x3] =	stream.strided.gather [hbm4b:s0+s9], $0x2000, s12, s9, $0x38;
	[tilespmem:$0x12080] =	vst v63  }
0x188: {  	_ =	swait.ge [sflag:s25], $0x2000  }
0x189: {  	[sflag:s25] =	ssyncset.done $0x0  }
0x18a: {  	[sflag:s25] =	ssyncadd.s32 $0xFFFFE000  }
0x18b: {  	v54 =	vor.u32 $0x73, v0;
	v34 =	vld.idx.msk [tilespmem:v53+s13+$0x0], $0xffff  }
0x18c: {  	v55 =	vor.u32 v13, v52;
	_ =	sdelay $0x3  }
0x18d: {  	[tilespmem:v54+s11+$0x0] =	vst.idx.add.f32.msk $0xffff, v34  }
0x18e: {  	v56 =	vor.u32 $0x873, v0;
	(v2sf) =	vpush v33, $0xB;
	v34 =	vld.idx.msk [tilespmem:v55+s13+$0x0], $0xffff  }
0x18f: {  	v57 =	vor.u32 v14, v52;
	_ =	sdelay $0x3  }
0x190: {  	[tilespmem:v56+s11+$0x0] =	vst.idx.add.f32.msk $0xffff, v34  }
0x191: {  	v58 =	vor.u32 $0x1073, v0;
	v34 =	vld.idx.msk [tilespmem:v57+s13+$0x0], $0xffff  }
0x192: {  	v36 =	vor.u32 v15, v52;
	_ =	sdelay $0x3  }
0x193: {  	[tilespmem:v58+s11+$0x0] =	vst.idx.add.f32.msk $0xffff, v34  }
0x194: {  	v59 =	vor.u32 $0x1873, v0;
	v34 =	vld.idx.msk [tilespmem:v36+s13+$0x0], $0xffff;
	_ =	sdelay $0x2  }
0x195: {  	v60 =	vbroadcast v32, $0x4;
	s3 =	spop (v2sf)  }
0x196: {  	s0 =	sand.u32 $0xFFFFF80, s3  }
0x197: {  	v61 =	vor.u32 v16, v60;
	s0 =	sadd.s32 s1, s0;
	[tilespmem:v59+s11+$0x0] =	vst.idx.add.f32.msk $0xffff, v34  }
0x198: {  	[tilespmem:s16], [sflag:$0x4] =	stream.strided.gather [hbm4b:s0+s9], $0x2000, s12, s9, $0x38;
	[tilespmem:$0x12080] =	vst v63  }
0x199: {  	_ =	swait.ge [sflag:s26], $0x2000  }
0x19a: {  	[sflag:s26] =	ssyncset.done $0x0  }
0x19b: {  	[sflag:s26] =	ssyncadd.s32 $0xFFFFE000  }
0x19c: {  	v62 =	vor.u32 $0x74, v0;
	v34 =	vld.idx.msk [tilespmem:v61+s13+$0x0], $0xffff  }
0x19d: {  	v63 =	vor.u32 v17, v60;
	_ =	sdelay $0x3  }
0x19e: {  	[tilespmem:v62+s11+$0x0] =	vst.idx.add.f32.msk $0xffff, v34  }
0x19f: {  	v40 =	vor.u32 $0x874, v0;
	(v2sf) =	vpush v33, $0xC;
	v34 =	vld.idx.msk [tilespmem:v63+s13+$0x0], $0xffff  }
0x1a0: {  	v41 =	vor.u32 v18, v60;
	_ =	sdelay $0x3  }
0x1a1: {  	[tilespmem:v40+s11+$0x0] =	vst.idx.add.f32.msk $0xffff, v34  }
0x1a2: {  	v42 =	vor.u32 $0x1074, v0;
	v34 =	vld.idx.msk [tilespmem:v41+s13+$0x0], $0xffff  }
0x1a3: {  	v36 =	vor.u32 v19, v60;
	_ =	sdelay $0x3  }
0x1a4: {  	[tilespmem:v42+s11+$0x0] =	vst.idx.add.f32.msk $0xffff, v34  }
0x1a5: {  	v43 =	vor.u32 $0x1874, v0;
	v34 =	vld.idx.msk [tilespmem:v36+s13+$0x0], $0xffff;
	_ =	sdelay $0x2  }
0x1a6: {  	v44 =	vbroadcast v32, $0x5;
	s10 =	spop (v2sf)  }
0x1a7: {  	s0 =	sand.u32 $0xFFFFF80, s10  }
0x1a8: {  	v45 =	vor.u32 v20, v44;
	s0 =	sadd.s32 s1, s0;
	[tilespmem:v43+s11+$0x0] =	vst.idx.add.f32.msk $0xffff, v34  }
0x1a9: {  	[tilespmem:s17], [sflag:$0x5] =	stream.strided.gather [hbm4b:s0+s9], $0x2000, s12, s9, $0x38;
	[tilespmem:$0x12080] =	vst v63  }
0x1aa: {  	_ =	swait.ge [sflag:s28], $0x2000  }
0x1ab: {  	[sflag:s28] =	ssyncset.done $0x0  }
0x1ac: {  	[sflag:s28] =	ssyncadd.s32 $0xFFFFE000  }
0x1ad: {  	v46 =	vor.u32 $0x75, v0;
	v34 =	vld.idx.msk [tilespmem:v45+s13+$0x0], $0xffff  }
0x1ae: {  	v47 =	vor.u32 v21, v44;
	_ =	sdelay $0x3  }
0x1af: {  	[tilespmem:v46+s11+$0x0] =	vst.idx.add.f32.msk $0xffff, v34  }
0x1b0: {  	v48 =	vor.u32 $0x875, v0;
	(v2sf) =	vpush v33, $0xD;
	v34 =	vld.idx.msk [tilespmem:v47+s13+$0x0], $0xffff  }
0x1b1: {  	v49 =	vor.u32 v22, v44;
	_ =	sdelay $0x3  }
0x1b2: {  	[tilespmem:v48+s11+$0x0] =	vst.idx.add.f32.msk $0xffff, v34  }
0x1b3: {  	v50 =	vor.u32 $0x1075, v0;
	v34 =	vld.idx.msk [tilespmem:v49+s13+$0x0], $0xffff  }
0x1b4: {  	v36 =	vor.u32 v23, v44;
	_ =	sdelay $0x3  }
0x1b5: {  	[tilespmem:v50+s11+$0x0] =	vst.idx.add.f32.msk $0xffff, v34  }
0x1b6: {  	v51 =	vor.u32 $0x1875, v0;
	v34 =	vld.idx.msk [tilespmem:v36+s13+$0x0], $0xffff;
	_ =	sdelay $0x2  }
0x1b7: {  	v52 =	vbroadcast v32, $0x6;
	s2 =	spop (v2sf)  }
0x1b8: {  	s0 =	sand.u32 $0xFFFFF80, s2  }
0x1b9: {  	v53 =	vor.u32 v24, v52;
	s0 =	sadd.s32 s1, s0;
	[tilespmem:v51+s11+$0x0] =	vst.idx.add.f32.msk $0xffff, v34  }
0x1ba: {  	[tilespmem:s18], [sflag:$0x6] =	stream.strided.gather [hbm4b:s0+s9], $0x2000, s12, s9, $0x38;
	[tilespmem:$0x12080] =	vst v63  }
0x1bb: {  	_ =	swait.ge [sflag:s29], $0x2000  }
0x1bc: {  	[sflag:s29] =	ssyncset.done $0x0  }
0x1bd: {  	[sflag:s29] =	ssyncadd.s32 $0xFFFFE000  }
0x1be: {  	v54 =	vor.u32 $0x76, v0;
	v34 =	vld.idx.msk [tilespmem:v53+s13+$0x0], $0xffff  }
0x1bf: {  	v55 =	vor.u32 v25, v52;
	_ =	sdelay $0x3  }
0x1c0: {  	[tilespmem:v54+s11+$0x0] =	vst.idx.add.f32.msk $0xffff, v34  }
0x1c1: {  	v56 =	vor.u32 $0x876, v0;
	(v2sf) =	vpush v33, $0xE;
	v34 =	vld.idx.msk [tilespmem:v55+s13+$0x0], $0xffff  }
0x1c2: {  	v57 =	vor.u32 v26, v52;
	_ =	sdelay $0x3  }
0x1c3: {  	[tilespmem:v56+s11+$0x0] =	vst.idx.add.f32.msk $0xffff, v34  }
0x1c4: {  	v58 =	vor.u32 $0x1076, v0;
	v34 =	vld.idx.msk [tilespmem:v57+s13+$0x0], $0xffff  }
0x1c5: {  	v36 =	vor.u32 v27, v52;
	_ =	sdelay $0x3  }
0x1c6: {  	[tilespmem:v58+s11+$0x0] =	vst.idx.add.f32.msk $0xffff, v34  }
0x1c7: {  	v59 =	vor.u32 $0x1876, v0;
	v34 =	vld.idx.msk [tilespmem:v36+s13+$0x0], $0xffff;
	_ =	sdelay $0x2  }
0x1c8: {  	v60 =	vbroadcast v32, $0x7;
	s3 =	spop (v2sf)  }
0x1c9: {  	s0 =	sand.u32 $0xFFFFF80, s3  }
0x1ca: {  	v61 =	vor.u32 v28, v60;
	s0 =	sadd.s32 s1, s0;
	[tilespmem:v59+s11+$0x0] =	vst.idx.add.f32.msk $0xffff, v34  }
0x1cb: {  	[tilespmem:s19], [sflag:$0x7] =	stream.strided.gather [hbm4b:s0+s9], $0x2000, s12, s9, $0x38;
	[tilespmem:$0x12080] =	vst v63  }
0x1cc: {  	_ =	swait.ge [sflag:s30], $0x2000  }
0x1cd: {  	[sflag:s30] =	ssyncset.done $0x0  }
0x1ce: {  	[sflag:s30] =	ssyncadd.s32 $0xFFFFE000  }
0x1cf: {  	v62 =	vor.u32 $0x77, v0;
	v34 =	vld.idx.msk [tilespmem:v61+s13+$0x0], $0xffff  }
0x1d0: {  	v63 =	vor.u32 v29, v60;
	_ =	sdelay $0x3  }
0x1d1: {  	[tilespmem:v62+s11+$0x0] =	vst.idx.add.f32.msk $0xffff, v34  }
0x1d2: {  	v37 =	vor.u32 $0x877, v0;
	(v2sf) =	vpush v33, $0xF;
	v34 =	vld.idx.msk [tilespmem:v63+s13+$0x0], $0xffff  }
0x1d3: {  	v38 =	vor.u32 v30, v60;
	_ =	sdelay $0x3  }
0x1d4: {  	[tilespmem:v37+s11+$0x0] =	vst.idx.add.f32.msk $0xffff, v34  }
0x1d5: {  	v39 =	vor.u32 $0x1077, v0;
	v33 =	vld.idx.msk [tilespmem:v38+s13+$0x0], $0xffff  }
0x1d6: {  	v40 =	vor.u32 v31, v60;
	_ =	sdelay $0x3  }
0x1d7: {  	[tilespmem:v39+s11+$0x0] =	vst.idx.add.f32.msk $0xffff, v33  }
0x1d8: {  	v41 =	vor.u32 $0x1877, v0;
	v33 =	vld.idx.msk [tilespmem:v40+s13+$0x0], $0xffff;
	_ =	sdelay $0x2  }
0x1d9: {  	v42 =	vbroadcast v32, $0x8;
	s10 =	spop (v2sf)  }
0x1da: {  	s0 =	sand.u32 $0xFFFFF80, s10  }
0x1db: {  	v43 =	vor.u32 v0, v42;
	s0 =	sadd.s32 s1, s0;
	[tilespmem:v41+s11+$0x0] =	vst.idx.add.f32.msk $0xffff, v33  }
0x1dc: {  	[tilespmem:s20], [sflag:$0x8] =	stream.strided.gather [hbm4b:s0+s9], $0x2000, s12, s9, $0x38;
	[tilespmem:$0x12080] =	vst v63  }
0x1dd: {  	_ =	swait.ge [sflag:s22], $0x2000  }
0x1de: {  	[sflag:s22] =	ssyncset.done $0x0  }
0x1df: {  	[sflag:s22] =	ssyncadd.s32 $0xFFFFE000  }
0x1e0: {  	v44 =	vor.u32 $0x78, v0;
	v33 =	vld.idx.msk [tilespmem:v43+s13+$0x0], $0xffff  }
0x1e1: {  	v45 =	vor.u32 v1, v42;
	_ =	sdelay $0x3  }
0x1e2: {  	[tilespmem:v44+s11+$0x0] =	vst.idx.add.f32.msk $0xffff, v33  }
0x1e3: {  	v46 =	vor.u32 $0x878, v0;
	v33 =	vld.idx.msk [tilespmem:v45+s13+$0x0], $0xffff  }
0x1e4: {  	v47 =	vor.u32 v2, v42;
	_ =	sdelay $0x3  }
0x1e5: {  	[tilespmem:v46+s11+$0x0] =	vst.idx.add.f32.msk $0xffff, v33  }
0x1e6: {  	v48 =	vor.u32 $0x1078, v0;
	v33 =	vld.idx.msk [tilespmem:v47+s13+$0x0], $0xffff  }
0x1e7: {  	v35 =	vor.u32 v3, v42;
	_ =	sdelay $0x3  }
0x1e8: {  	[tilespmem:v48+s11+$0x0] =	vst.idx.add.f32.msk $0xffff, v33  }
0x1e9: {  	v49 =	vor.u32 $0x1878, v0;
	v33 =	vld.idx.msk [tilespmem:v35+s13+$0x0], $0xffff;
	_ =	sdelay $0x1  }
0x1ea: {  	v50 =	vbroadcast v32, $0x9;
	_ =	sdelay $0x1  }
0x1eb: {  	v51 =	vor.u32 v4, v50  }
0x1ec: {  	[tilespmem:v49+s11+$0x0] =	vst.idx.add.f32.msk $0xffff, v33  }
0x1ed: {  	_ =	swait.ge [sflag:s23], $0x2000  }
0x1ee: {  	[sflag:s23] =	ssyncset.done $0x0  }
0x1ef: {  	[sflag:s23] =	ssyncadd.s32 $0xFFFFE000  }
0x1f0: {  	v53 =	vor.u32 $0x79, v0;
	v52 =	vld.idx.msk [tilespmem:v51+s13+$0x0], $0xffff  }
0x1f1: {  	v54 =	vor.u32 v5, v50;
	_ =	sdelay $0x3  }
0x1f2: {  	[tilespmem:v53+s11+$0x0] =	vst.idx.add.f32.msk $0xffff, v52  }
0x1f3: {  	v55 =	vor.u32 $0x879, v0;
	v33 =	vld.idx.msk [tilespmem:v54+s13+$0x0], $0xffff  }
0x1f4: {  	v56 =	vor.u32 v6, v50;
	_ =	sdelay $0x3  }
0x1f5: {  	[tilespmem:v55+s11+$0x0] =	vst.idx.add.f32.msk $0xffff, v33  }
0x1f6: {  	v57 =	vor.u32 $0x1079, v0;
	v33 =	vld.idx.msk [tilespmem:v56+s13+$0x0], $0xffff  }
0x1f7: {  	v35 =	vor.u32 v7, v50;
	_ =	sdelay $0x3  }
0x1f8: {  	[tilespmem:v57+s11+$0x0] =	vst.idx.add.f32.msk $0xffff, v33  }
0x1f9: {  	v58 =	vor.u32 $0x1879, v0;
	v33 =	vld.idx.msk [tilespmem:v35+s13+$0x0], $0xffff;
	_ =	sdelay $0x1  }
0x1fa: {  	v59 =	vbroadcast v32, $0xA;
	_ =	sdelay $0x1  }
0x1fb: {  	v60 =	vor.u32 v8, v59  }
0x1fc: {  	[tilespmem:v58+s11+$0x0] =	vst.idx.add.f32.msk $0xffff, v33  }
0x1fd: {  	_ =	swait.ge [sflag:s24], $0x2000  }
0x1fe: {  	[sflag:s24] =	ssyncset.done $0x0  }
0x1ff: {  	[sflag:s24] =	ssyncadd.s32 $0xFFFFE000  }
0x200: {  	v62 =	vor.u32 $0x7A, v0;
	v61 =	vld.idx.msk [tilespmem:v60+s13+$0x0], $0xffff  }
0x201: {  	v63 =	vor.u32 v9, v59;
	_ =	sdelay $0x3  }
0x202: {  	[tilespmem:v62+s11+$0x0] =	vst.idx.add.f32.msk $0xffff, v61  }
0x203: {  	v40 =	vor.u32 $0x87A, v0;
	v33 =	vld.idx.msk [tilespmem:v63+s13+$0x0], $0xffff  }
0x204: {  	v41 =	vor.u32 v10, v59;
	_ =	sdelay $0x3  }
0x205: {  	[tilespmem:v40+s11+$0x0] =	vst.idx.add.f32.msk $0xffff, v33  }
0x206: {  	v42 =	vor.u32 $0x107A, v0;
	v33 =	vld.idx.msk [tilespmem:v41+s13+$0x0], $0xffff  }
0x207: {  	v35 =	vor.u32 v11, v59;
	_ =	sdelay $0x3  }
0x208: {  	[tilespmem:v42+s11+$0x0] =	vst.idx.add.f32.msk $0xffff, v33  }
0x209: {  	v43 =	vor.u32 $0x187A, v0;
	v33 =	vld.idx.msk [tilespmem:v35+s13+$0x0], $0xffff;
	_ =	sdelay $0x1  }
0x20a: {  	v44 =	vbroadcast v32, $0xB;
	_ =	sdelay $0x1  }
0x20b: {  	v45 =	vor.u32 v12, v44  }
0x20c: {  	[tilespmem:v43+s11+$0x0] =	vst.idx.add.f32.msk $0xffff, v33  }
0x20d: {  	_ =	swait.ge [sflag:s25], $0x2000  }
0x20e: {  	[sflag:s25] =	ssyncset.done $0x0  }
0x20f: {  	[sflag:s25] =	ssyncadd.s32 $0xFFFFE000  }
0x210: {  	v47 =	vor.u32 $0x7B, v0;
	v46 =	vld.idx.msk [tilespmem:v45+s13+$0x0], $0xffff  }
0x211: {  	v48 =	vor.u32 v13, v44;
	_ =	sdelay $0x3  }
0x212: {  	[tilespmem:v47+s11+$0x0] =	vst.idx.add.f32.msk $0xffff, v46  }
0x213: {  	v49 =	vor.u32 $0x87B, v0;
	v33 =	vld.idx.msk [tilespmem:v48+s13+$0x0], $0xffff  }
0x214: {  	v50 =	vor.u32 v14, v44;
	_ =	sdelay $0x3  }
0x215: {  	[tilespmem:v49+s11+$0x0] =	vst.idx.add.f32.msk $0xffff, v33  }
0x216: {  	v51 =	vor.u32 $0x107B, v0;
	v33 =	vld.idx.msk [tilespmem:v50+s13+$0x0], $0xffff  }
0x217: {  	v35 =	vor.u32 v15, v44;
	_ =	sdelay $0x3  }
0x218: {  	[tilespmem:v51+s11+$0x0] =	vst.idx.add.f32.msk $0xffff, v33  }
0x219: {  	v52 =	vor.u32 $0x187B, v0;
	v33 =	vld.idx.msk [tilespmem:v35+s13+$0x0], $0xffff;
	_ =	sdelay $0x1  }
0x21a: {  	v53 =	vbroadcast v32, $0xC;
	_ =	sdelay $0x1  }
0x21b: {  	v54 =	vor.u32 v16, v53  }
0x21c: {  	[tilespmem:v52+s11+$0x0] =	vst.idx.add.f32.msk $0xffff, v33  }
0x21d: {  	_ =	swait.ge [sflag:s26], $0x2000  }
0x21e: {  	[sflag:s26] =	ssyncset.done $0x0  }
0x21f: {  	[sflag:s26] =	ssyncadd.s32 $0xFFFFE000  }
0x220: {  	v56 =	vor.u32 $0x7C, v0;
	v55 =	vld.idx.msk [tilespmem:v54+s13+$0x0], $0xffff  }
0x221: {  	v57 =	vor.u32 v17, v53;
	_ =	sdelay $0x3  }
0x222: {  	[tilespmem:v56+s11+$0x0] =	vst.idx.add.f32.msk $0xffff, v55  }
0x223: {  	v58 =	vor.u32 $0x87C, v0;
	v33 =	vld.idx.msk [tilespmem:v57+s13+$0x0], $0xffff  }
0x224: {  	v59 =	vor.u32 v18, v53;
	_ =	sdelay $0x3  }
0x225: {  	[tilespmem:v58+s11+$0x0] =	vst.idx.add.f32.msk $0xffff, v33  }
0x226: {  	v60 =	vor.u32 $0x107C, v0;
	v33 =	vld.idx.msk [tilespmem:v59+s13+$0x0], $0xffff  }
0x227: {  	v35 =	vor.u32 v19, v53;
	_ =	sdelay $0x3  }
0x228: {  	[tilespmem:v60+s11+$0x0] =	vst.idx.add.f32.msk $0xffff, v33  }
0x229: {  	v61 =	vor.u32 $0x187C, v0;
	v33 =	vld.idx.msk [tilespmem:v35+s13+$0x0], $0xffff;
	_ =	sdelay $0x1  }
0x22a: {  	v62 =	vbroadcast v32, $0xD;
	_ =	sdelay $0x1  }
0x22b: {  	v63 =	vor.u32 v20, v62  }
0x22c: {  	[tilespmem:v61+s11+$0x0] =	vst.idx.add.f32.msk $0xffff, v33  }
0x22d: {  	_ =	swait.ge [sflag:s28], $0x2000  }
0x22e: {  	[sflag:s28] =	ssyncset.done $0x0  }
0x22f: {  	[sflag:s28] =	ssyncadd.s32 $0xFFFFE000  }
0x230: {  	v41 =	vor.u32 $0x7D, v0;
	v40 =	vld.idx.msk [tilespmem:v63+s13+$0x0], $0xffff  }
0x231: {  	v42 =	vor.u32 v21, v62;
	_ =	sdelay $0x3  }
0x232: {  	[tilespmem:v41+s11+$0x0] =	vst.idx.add.f32.msk $0xffff, v40  }
0x233: {  	v43 =	vor.u32 $0x87D, v0;
	v33 =	vld.idx.msk [tilespmem:v42+s13+$0x0], $0xffff  }
0x234: {  	v44 =	vor.u32 v22, v62;
	_ =	sdelay $0x3  }
0x235: {  	[tilespmem:v43+s11+$0x0] =	vst.idx.add.f32.msk $0xffff, v33  }
0x236: {  	v45 =	vor.u32 $0x107D, v0;
	v33 =	vld.idx.msk [tilespmem:v44+s13+$0x0], $0xffff  }
0x237: {  	v35 =	vor.u32 v23, v62;
	_ =	sdelay $0x3  }
0x238: {  	[tilespmem:v45+s11+$0x0] =	vst.idx.add.f32.msk $0xffff, v33  }
0x239: {  	v46 =	vor.u32 $0x187D, v0;
	v33 =	vld.idx.msk [tilespmem:v35+s13+$0x0], $0xffff;
	_ =	sdelay $0x1  }
0x23a: {  	v47 =	vbroadcast v32, $0xE;
	_ =	sdelay $0x1  }
0x23b: {  	v48 =	vor.u32 v24, v47  }
0x23c: {  	[tilespmem:v46+s11+$0x0] =	vst.idx.add.f32.msk $0xffff, v33  }
0x23d: {  	_ =	swait.ge [sflag:s29], $0x2000  }
0x23e: {  	[sflag:s29] =	ssyncset.done $0x0  }
0x23f: {  	[sflag:s29] =	ssyncadd.s32 $0xFFFFE000  }
0x240: {  	v50 =	vor.u32 $0x7E, v0;
	v49 =	vld.idx.msk [tilespmem:v48+s13+$0x0], $0xffff  }
0x241: {  	v51 =	vor.u32 v25, v47;
	_ =	sdelay $0x3  }
0x242: {  	[tilespmem:v50+s11+$0x0] =	vst.idx.add.f32.msk $0xffff, v49  }
0x243: {  	v52 =	vor.u32 $0x87E, v0;
	v33 =	vld.idx.msk [tilespmem:v51+s13+$0x0], $0xffff  }
0x244: {  	v53 =	vor.u32 v26, v47;
	_ =	sdelay $0x3  }
0x245: {  	[tilespmem:v52+s11+$0x0] =	vst.idx.add.f32.msk $0xffff, v33  }
0x246: {  	v54 =	vor.u32 $0x107E, v0;
	v33 =	vld.idx.msk [tilespmem:v53+s13+$0x0], $0xffff  }
0x247: {  	v35 =	vor.u32 v27, v47;
	_ =	sdelay $0x3  }
0x248: {  	[tilespmem:v54+s11+$0x0] =	vst.idx.add.f32.msk $0xffff, v33  }
0x249: {  	v55 =	vor.u32 $0x187E, v0;
	v33 =	vld.idx.msk [tilespmem:v35+s13+$0x0], $0xffff;
	_ =	sdelay $0x1  }
0x24a: {  	v32 =	vbroadcast v32, $0xF;
	_ =	sdelay $0x1  }
0x24b: {  	v56 =	vor.u32 v28, v32  }
0x24c: {  	[tilespmem:v55+s11+$0x0] =	vst.idx.add.f32.msk $0xffff, v33  }
0x24d: {  	_ =	swait.ge [sflag:s30], $0x2000  }
0x24e: {  	[sflag:s30] =	ssyncset.done $0x0  }
0x24f: {  	[sflag:s30] =	ssyncadd.s32 $0xFFFFE000  }
0x250: {  	v58 =	vor.u32 $0x7F, v0;
	v57 =	vld.idx.msk [tilespmem:v56+s13+$0x0], $0xffff  }
0x251: {  	v59 =	vor.u32 v29, v32;
	_ =	sdelay $0x3  }
0x252: {  	[tilespmem:v58+s11+$0x0] =	vst.idx.add.f32.msk $0xffff, v57  }
0x253: {  	v60 =	vor.u32 $0x87F, v0;
	v33 =	vld.idx.msk [tilespmem:v59+s13+$0x0], $0xffff  }
0x254: {  	v61 =	vor.u32 v30, v32;
	_ =	sdelay $0x3  }
0x255: {  	[tilespmem:v60+s11+$0x0] =	vst.idx.add.f32.msk $0xffff, v33  }
0x256: {  	v62 =	vor.u32 $0x107F, v0;
	v33 =	vld.idx.msk [tilespmem:v61+s13+$0x0], $0xffff  }
0x257: {  	v32 =	vor.u32 v31, v32;
	_ =	sdelay $0x3  }
0x258: {  	[tilespmem:v62+s11+$0x0] =	vst.idx.add.f32.msk $0xffff, v33  }
0x259: {  	v63 =	vor.u32 $0x187F, v0;
	v32 =	vld.idx.msk [tilespmem:v32+s13+$0x0], $0xffff;
	_ =	sdelay $0x2  }
0x25a: {  	s31 =	sadd.s32 $0x1, s31  }
0x25b: {  	p0 =	sne.s32 s31, s7  }
.Ltmp1:
0x25c: {  	s2 =	simm.s32 $0x8000;
	[tilespmem:v63+s11+$0x0] =	vst.idx.add.f32.msk $0xffff, v32;
	(pc) =	sbr.rel @p0 .LBB2_1-.Ltmp1, $4  }
0x25d: {  	[hbm4b:s6+s9] =	stream.strided.scatter [tilespmem:s11], [sflag:$0xA], $0x2000, s2, s9, $0x38;
	[tilespmem:$0x12080] =	vst v63  }
0x25e: {  	_ =	swait.ge [sflag:s8], $0x2000  }
0x25f: {  	[sflag:s8] =	ssyncset.done $0x0  }
0x260: {  	[sflag:s8] =	ssyncadd.s32 $0xFFFFE000  }
0x261: {  	_ =	sfence.sel $0x180000  }
0x262: {  	[bflag:$0x0] =	sbarrier.arrive $0xFFFF  }
0x263: {  	_ =	strace $0x90000047  }
0x264: {  	s0 =	stileid.u32;
	[bflag:$0x2] =	sbarrier.arrive $0xFFFF  }
0x265: {  	p0 =	sne.s32 s0, $0x0;
	s0 =	rddreg [dreg:$0x4]  }
0x266: {  	s0 =	sadd.s32 @!p0 $0x100000, s0  }
0x267: {  	[sflag:s0] =	ssyncadd.tile.s32 @!p0 $0x1;
	_ =	shalt  }
.Lfunc_end2:
_tile_overlayer_lowered:
.L_overlay_start_2:
0x268: {  	(tag) =	ssettag $0x2  }
0x269: {  	s0 =	rddreg [dreg:$0x0];
	s2 =	stileid.u32  }
0x26a: {  	s1 =	rddreg [dreg:$0x1];
	p0 =	sne.s32 s2, $0x0  }
0x26b: {  	s3 =	rddreg [dreg:$0x2];
	[bflag:$0x3] =	sbarrier.arrive $0xFFFF;
	s2 =	simm.s32 @!p0 $0x1C0A  }
0x26c: {  	[timem:s3], [sflag:s2] =	dma.local @!p0 [hbm:s0], s1  }
0x26d: {  	s0 =	simm.s32 @!p0 $0xA  }
0x26e: {  	_ =	swait.ge @!p0 [sflag:s0], s1  }
0x26f: {  	s1 =	ssub.s32 @!p0 $0x0, s1;
	[sflag:s0] =	ssyncset.done @!p0 $0x0  }
0x270: {  	[sflag:s0] =	ssyncadd.s32 @!p0 s1  }
0x271: {  	[bflag:$0x3] =	sbarrier.arrive $0xFFFF  }
0x272: {  	_ =	shalt  }

</sc_bundles>
